<compile_context>
chip_gen: v7x
topology: tpu7x:2x2x1
jax: 0.10.2.dev20260603
libtpu: 0.0.44.dev20260713+nightly
codegen_flags: <defaults>
</compile_context>

<pallas_src>
import functools

import jax
import jax.numpy as jnp
from jax import lax
from jax.experimental import pallas as pl
from jax.experimental.pallas import tpu as pltpu
from jax.experimental.pallas import tpu_sc as plsc

D = 64
EPS = 1e-8
THRESH = 0.2

_NC = 2
_NS = 16
_NW = _NC * _NS


_SUB = 80
_K = 5
_CH = _SUB * _K


@functools.lru_cache(maxsize=None)
def _make_sc_gather(E):
    epw = E // _NW
    nit = epw // _CH
    mesh = plsc.VectorSubcoreMesh(core_axis_name="c", subcore_axis_name="s")

    @functools.partial(
        pl.kernel,
        mesh=mesh,
        compiler_params=pltpu.CompilerParams(use_tc_tiling_on_sc=False),
        out_type=[
            jax.ShapeDtypeStruct((E, 2 * D), jnp.float32),
            jax.ShapeDtypeStruct((E,), jnp.int32),
            jax.ShapeDtypeStruct((E,), jnp.int32),
        ],
        scratch_types=[
            [pltpu.VMEM((_CH,), jnp.int32) for _ in range(2)],
            [pltpu.VMEM((_CH,), jnp.int32) for _ in range(2)],
            [pltpu.VMEM((_CH, D), jnp.float32) for _ in range(2)],
            [pltpu.VMEM((_CH, D), jnp.float32) for _ in range(2)],
            [pltpu.VMEM((_CH,), jnp.int32) for _ in range(2)],
            [pltpu.VMEM((_CH,), jnp.int32) for _ in range(2)],
            [pltpu.SemaphoreType.DMA for _ in range(2)],
            [pltpu.SemaphoreType.DMA for _ in range(2)],
            [pltpu.SemaphoreType.DMA for _ in range(2)],
        ],
    )
    def sc_gather(src_hbm, dst_hbm, feats_hbm, types_hbm, tok_hbm,
                  fsfd_out, ts_out, td_out,
                  srcv, dstv, fsv, fdv, tsv, tdv, isem, gsem, wsem):
        wid = lax.axis_index("s") * _NC + lax.axis_index("c")
        erow0 = wid * epw

        def issue_idx(t, b):
            eb = erow0 + t * _CH
            pltpu.async_copy(src_hbm.at[pl.ds(eb, _CH)], srcv[b], isem[b])
            pltpu.async_copy(dst_hbm.at[pl.ds(eb, _CH)], dstv[b], isem[b])

        def wait_idx(b):
            pltpu.make_async_copy(src_hbm.at[pl.ds(0, _CH)], srcv[b], isem[b]).wait()
            pltpu.make_async_copy(dst_hbm.at[pl.ds(0, _CH)], dstv[b], isem[b]).wait()

        def issue_gathers(b):
            pltpu.async_copy(feats_hbm.at[srcv[b]], fsv[b], gsem[b])
            pltpu.async_copy(feats_hbm.at[dstv[b]], fdv[b], gsem[b])
            pltpu.async_copy(types_hbm.at[srcv[b]], tsv[b], gsem[b])
            pltpu.async_copy(types_hbm.at[dstv[b]], tdv[b], gsem[b])

        def wait_gathers(b):
            pltpu.make_async_copy(feats_hbm.at[srcv[b]], fsv[b], gsem[b]).wait()
            pltpu.make_async_copy(feats_hbm.at[dstv[b]], fdv[b], gsem[b]).wait()
            pltpu.make_async_copy(types_hbm.at[srcv[b]], tsv[b], gsem[b]).wait()
            pltpu.make_async_copy(types_hbm.at[dstv[b]], tdv[b], gsem[b]).wait()

        def issue_wb(t, b):
            eb = erow0 + t * _CH
            pltpu.async_copy(fsv[b], fsfd_out.at[pl.ds(eb, _CH), pl.ds(0, D)], wsem[b])
            pltpu.async_copy(fdv[b], fsfd_out.at[pl.ds(eb, _CH), pl.ds(D, D)], wsem[b])
            pltpu.async_copy(tsv[b], ts_out.at[pl.ds(eb, _CH)], wsem[b])
            pltpu.async_copy(tdv[b], td_out.at[pl.ds(eb, _CH)], wsem[b])

        def wait_wb(b):
            pltpu.make_async_copy(fsv[b], fsfd_out.at[pl.ds(0, _CH), pl.ds(0, D)], wsem[b]).wait()
            pltpu.make_async_copy(fdv[b], fsfd_out.at[pl.ds(0, _CH), pl.ds(D, D)], wsem[b]).wait()
            pltpu.make_async_copy(tsv[b], ts_out.at[pl.ds(0, _CH)], wsem[b]).wait()
            pltpu.make_async_copy(tdv[b], td_out.at[pl.ds(0, _CH)], wsem[b]).wait()

        def chunk_body(t, b):
            nb = 1 - b
            wait_gathers(b)
            issue_wb(t, b)

            @pl.when(t + 2 < nit)
            def _():
                issue_idx(t + 2, b)

            @pl.when(t + 1 < nit)
            def _():
                wait_idx(nb)

                @pl.when(t >= 1)
                def _():
                    wait_wb(nb)

                issue_gathers(nb)

        issue_idx(0, 0)
        wait_idx(0)
        issue_gathers(0)
        if nit > 1:
            issue_idx(1, 1)

        def loop_body(g, carry):
            chunk_body(2 * g, 0)
            chunk_body(2 * g + 1, 1)
            return carry

        if nit % 2:
            lax.fori_loop(0, (nit - 1) // 2, loop_body, 0)
            chunk_body(nit - 1, (nit - 1) % 2)
        else:
            lax.fori_loop(0, nit // 2, loop_body, 0)
        if nit >= 2:
            wait_wb((nit - 2) % 2)
        wait_wb((nit - 1) % 2)

    return sc_gather


def _tc_body(fsfd_ref, ts_ref, td_ref, q_ref, w1_ref, b1_ref,
             w2_ref, b2_ref, ebase_ref, ptv_ref, pti_ref,
             s_ref, sims_ref, tv_ref, ti_ref, bv_s, bi_s):
    i = pl.program_id(0)
    B = fsfd_ref.shape[0]
    TR = B // 128
    TC_ = 128

    fsfdT = fsfd_ref[...].T
    fsT = fsfdT[:D]
    fdT = fsfdT[D:]
    zT = jnp.concatenate([fsfdT, fsT * fdT], axis=0)
    hT = jnp.dot(w1_ref[...], zT, preferred_element_type=jnp.float32)
    hT = jnp.maximum(hT + b1_ref[...], 0.0)
    logit = jnp.dot(w2_ref[...], hT, preferred_element_type=jnp.float32)

    qc = q_ref[...]
    qn = qc / (jnp.sqrt(jnp.sum(qc * qc)) + EPS)
    fdq = jnp.dot(qn, fdT, preferred_element_type=jnp.float32)
    nrm2 = jnp.dot(jnp.ones((1, D), jnp.float32), fdT * fdT,
                   preferred_element_type=jnp.float32)

    logit2 = logit.reshape(TR, TC_)
    fdq2 = fdq.reshape(TR, TC_)
    nrm22 = nrm2.reshape(TR, TC_)

    s = jax.nn.sigmoid(logit2 + b2_ref[...])
    s_ref[0] = s
    sims = fdq2 / (jnp.sqrt(nrm22) + EPS)
    sims_ref[0] = sims

    mask = (s >= THRESH) & (ts_ref[0] == 0) & (td_ref[0] == 1)
    masked = jnp.where(mask, sims, -1e9)
    bmax = jnp.max(masked)
    idx2 = (lax.broadcasted_iota(jnp.int32, masked.shape, 0) * TC_
            + lax.broadcasted_iota(jnp.int32, masked.shape, 1))
    lidx = jnp.min(jnp.where(masked == bmax, idx2, jnp.int32(2**30)))

    @pl.when(i == 0)
    def _():
        bv_s[0] = ptv_ref[0, 0]
        bi_s[0] = pti_ref[0, 0]

    upd = bmax > bv_s[0]
    bv_s[0] = jnp.where(upd, bmax, bv_s[0])
    bi_s[0] = jnp.where(upd, ebase_ref[0, 0] + i * B + lidx, bi_s[0])
    tv_ref[0, 0] = bv_s[0]
    ti_ref[0, 0] = bi_s[0]


def _tc_call(E, B, interpret=False):
    nb = E // B
    RB = B // 128
    nrow = E // 128
    return pl.pallas_call(
        _tc_body,
        grid=(nb,),
        in_specs=[
            pl.BlockSpec((B, 2 * D), lambda i: (i, 0)),
            pl.BlockSpec((1, RB, 128), lambda i: (i, 0, 0)),
            pl.BlockSpec((1, RB, 128), lambda i: (i, 0, 0)),
            pl.BlockSpec((1, D), lambda i: (0, 0)),
            pl.BlockSpec((D, 3 * D), lambda i: (0, 0)),
            pl.BlockSpec((D, 1), lambda i: (0, 0)),
            pl.BlockSpec((1, D), lambda i: (0, 0)),
            pl.BlockSpec((1, 1), lambda i: (0, 0)),
            pl.BlockSpec((1, 1), lambda i: (0, 0), memory_space=pltpu.SMEM),
            pl.BlockSpec((1, 1), lambda i: (0, 0), memory_space=pltpu.SMEM),
            pl.BlockSpec((1, 1), lambda i: (0, 0), memory_space=pltpu.SMEM),
        ],
        out_specs=[
            pl.BlockSpec((1, RB, 128), lambda i: (i, 0, 0)),
            pl.BlockSpec((1, RB, 128), lambda i: (i, 0, 0)),
            pl.BlockSpec((1, 1), lambda i: (0, 0), memory_space=pltpu.SMEM),
            pl.BlockSpec((1, 1), lambda i: (0, 0), memory_space=pltpu.SMEM),
        ],
        out_shape=[
            jax.ShapeDtypeStruct((nb, RB, 128), jnp.float32),
            jax.ShapeDtypeStruct((nb, RB, 128), jnp.float32),
            jax.ShapeDtypeStruct((1, 1), jnp.float32),
            jax.ShapeDtypeStruct((1, 1), jnp.int32),
        ],
        scratch_shapes=[
            pltpu.SMEM((1,), jnp.float32),
            pltpu.SMEM((1,), jnp.int32),
        ],
        interpret=interpret,
    )


def kernel(query, node_feats, edge_index, node_types, W1, b1, W2, b2):
    E = edge_index.shape[1]
    src = edge_index[0].astype(jnp.int32)
    dst = edge_index[1].astype(jnp.int32)
    types32 = node_types.astype(jnp.int32)

    PIECES = [6, 6, 6, 6, 1]
    UNIT = E // sum(PIECES)
    B = 6400

    q2 = query.reshape(1, D)
    b1c = b1.reshape(D, 1)
    b2c = b2.reshape(1, 1)

    tv = jnp.full((1, 1), -3.4e38, jnp.float32)
    ti = jnp.zeros((1, 1), jnp.int32)
    tv_hist = [tv]
    s_parts, sims_parts = [], []
    e0 = 0
    for units in PIECES:
        Ep = units * UNIT
        nbp = Ep // B
        fsfd_g, ts_g, td_g = _make_sc_gather(Ep)(
            src[e0:e0 + Ep], dst[e0:e0 + Ep], node_feats, types32,
            tv_hist[-2] if len(tv_hist) >= 2 else tv_hist[0])
        ebase = jnp.full((1, 1), e0, jnp.int32)
        s3, sims3, tv, ti = _tc_call(Ep, B)(
            fsfd_g,
            ts_g.reshape(nbp, B // 128, 128), td_g.reshape(nbp, B // 128, 128),
            q2, W1, b1c, W2, b2c, ebase, tv, ti)
        s_parts.append(s3.reshape(Ep))
        sims_parts.append(sims3.reshape(Ep))
        tv_hist.append(tv)
        e0 += Ep
    s_all = jnp.concatenate(s_parts)
    sims_all = jnp.concatenate(sims_parts)
    return s_all, sims_all, tv.reshape(1), ti.reshape(1)

# --- scband reference (transcript-rebuilt; emitter-appended) ---
"""Pipeline reference for scband-dynamic-graph-memory-46574625358440 (READ-ONLY COPY).

The authoritative reference and input builder live on the scoring server;
editing this copy changes nothing except your own understanding.
"""

import jax, jax.numpy as jnp
import numpy as np

D = 64
N = 10000
E = 320000
RETENTION_THRESH = 0.2


def setup_inputs(seed: int = 0) -> dict:
    key = jax.random.key(seed)
    k1, k2, k3, k4, k5, k6 = jax.random.split(key, 6)
    query = jax.random.normal(k1, (D,), dtype=jnp.float32)
    node_feats = jax.random.normal(k2, (N, D), dtype=jnp.float32)
    edge_index = jax.random.randint(k3, (2, E), 0, N)
    node_types = jax.random.randint(k4, (N,), 0, 2)
    W1 = jax.random.normal(k5, (D, 3 * D), dtype=jnp.float32) * 0.05
    b1 = jnp.zeros((D,), dtype=jnp.float32)
    W2 = jax.random.normal(k6, (1, D), dtype=jnp.float32) * 0.05
    b2 = jnp.zeros((1,), dtype=jnp.float32)
    return {"query": query, "node_feats": node_feats, "edge_index": edge_index,
            "node_types": node_types, "W1": W1, "b1": b1, "W2": W2, "b2": b2}


def reference(query, node_feats, edge_index, node_types, W1, b1, W2, b2):
    eps = 1e-8
    src = edge_index[0]
    dst = edge_index[1]
    # gather endpoint features (nodes[e.src].feat, nodes[e.dst].feat)
    fs = jnp.take(node_feats, src, axis=0)
    fd = jnp.take(node_feats, dst, axis=0)
    # prune(): scorer MLP over cat([fs, fd, fs*fd]) -> sigmoid score, keep if >= thresh
    z = jnp.concatenate([fs, fd, fs * fd], axis=-1)
    h = jax.nn.relu(z @ W1.T + b1)
    s = jax.nn.sigmoid(h @ W2.T + b2)[:, 0]
    keep = s >= RETENTION_THRESH
    # retrieve(): type filter (from_typ='IMG'->0, to_typ='COLOR'->1)
    tmask = (jnp.take(node_types, src) == 0) & (jnp.take(node_types, dst) == 1)
    mask = keep & tmask
    # cosine similarity of query vs dst features
    qn = query / (jnp.linalg.norm(query) + eps)
    fdn = fd / (jnp.linalg.norm(fd, axis=-1, keepdims=True) + eps)
    sims = fdn @ qn
    masked = jnp.where(mask, sims, -1e9)
    # results.sort(...reverse=True); results[0] -> top-1
    top_val, top_idx = jax.lax.top_k(masked, 1)
    return s, sims, top_val, top_idx

if __name__ == "__main__":
    import jax
    _d = setup_inputs()
    print(jax.jit(kernel)(*tuple(_d.values())))

</pallas_src>

<mosaic_0001>
#map = affine_map<(d0, d1) -> (0)>
#map1 = affine_map<(d0, d1) -> (0, 0)>
module attributes {stable_mosaic.version = 14 : i64} {
  func.func @sc_gather(%arg0: i32, %arg1: i32, %arg2: memref<76800xi32, #tpu.memory_space<hbm>>, %arg3: memref<76800xi32, #tpu.memory_space<hbm>>, %arg4: memref<10000x64xf32, #tpu.memory_space<hbm>>, %arg5: memref<10000xi32, #tpu.memory_space<hbm>>, %arg6: memref<1x1xf32, #tpu.memory_space<hbm>>, %arg7: memref<76800x128xf32, #tpu.memory_space<hbm>>, %arg8: memref<76800xi32, #tpu.memory_space<hbm>>, %arg9: memref<76800xi32, #tpu.memory_space<hbm>>, %arg10: memref<400xi32, #tpu.memory_space<vmem>>, %arg11: memref<400xi32, #tpu.memory_space<vmem>>, %arg12: memref<400xi32, #tpu.memory_space<vmem>>, %arg13: memref<400xi32, #tpu.memory_space<vmem>>, %arg14: memref<400x64xf32, #tpu.memory_space<vmem>>, %arg15: memref<400x64xf32, #tpu.memory_space<vmem>>, %arg16: memref<400x64xf32, #tpu.memory_space<vmem>>, %arg17: memref<400x64xf32, #tpu.memory_space<vmem>>, %arg18: memref<400xi32, #tpu.memory_space<vmem>>, %arg19: memref<400xi32, #tpu.memory_space<vmem>>, %arg20: memref<400xi32, #tpu.memory_space<vmem>>, %arg21: memref<400xi32, #tpu.memory_space<vmem>>, %arg22: memref<!tpu.dma_semaphore, #tpu.memory_space<semaphore_mem>>, %arg23: memref<!tpu.dma_semaphore, #tpu.memory_space<semaphore_mem>>, %arg24: memref<!tpu.dma_semaphore, #tpu.memory_space<semaphore_mem>>, %arg25: memref<!tpu.dma_semaphore, #tpu.memory_space<semaphore_mem>>, %arg26: memref<!tpu.dma_semaphore, #tpu.memory_space<semaphore_mem>>, %arg27: memref<!tpu.dma_semaphore, #tpu.memory_space<semaphore_mem>>) attributes {dimension_semantics = [#tpu.dimension_semantics<core_parallel>, #tpu.dimension_semantics<subcore_parallel>], iteration_bounds = array<i64: 2, 16>, scalar_prefetch = 0 : i64, scratch_operands = 18 : i64, tpu.core_type = #tpu.core_type<sc_vector_subcore>, window_params = [{transform_indices = #map}, {transform_indices = #map}, {transform_indices = #map1}, {transform_indices = #map}, {transform_indices = #map1}, {transform_indices = #map1}, {transform_indices = #map}, {transform_indices = #map}]} {
    %mul3A = arith.constant 2 : i32
    %mul3A_0 = arith.muli %arg1, %mul3A : i32
    %add3A = arith.addi %mul3A_0, %arg0 : i32
    %mul3A_1 = arith.constant 2400 : i32
    %mul3A_2 = arith.muli %add3A, %mul3A_1 : i32
    %add3A_3 = arith.constant 0 : i32
    %add3A_4 = arith.addi %mul3A_2, %add3A_3 : i32
    %dma_start3A = tpu.memref_slice %arg2[%add3A_4] : memref<76800xi32, #tpu.memory_space<hbm>> -> memref<400xi32, #tpu.memory_space<hbm>>
    %dma_start3A_5 = tpu.memref_slice %arg2[%add3A_4] : memref<76800xi32, #tpu.memory_space<hbm>> -> memref<400xi32, #tpu.memory_space<hbm>>
    tpu.enqueue_dma source(%dma_start3A_5 : memref<400xi32, #tpu.memory_space<hbm>>) target(%arg10 : memref<400xi32, #tpu.memory_space<vmem>>) target_semaphore(%arg22 : memref<!tpu.dma_semaphore, #tpu.memory_space<semaphore_mem>>)
    %dma_start3A_6 = tpu.memref_slice %arg3[%add3A_4] : memref<76800xi32, #tpu.memory_space<hbm>> -> memref<400xi32, #tpu.memory_space<hbm>>
    %dma_start3A_7 = tpu.memref_slice %arg3[%add3A_4] : memref<76800xi32, #tpu.memory_space<hbm>> -> memref<400xi32, #tpu.memory_space<hbm>>
    tpu.enqueue_dma source(%dma_start3A_7 : memref<400xi32, #tpu.memory_space<hbm>>) target(%arg12 : memref<400xi32, #tpu.memory_space<vmem>>) target_semaphore(%arg22 : memref<!tpu.dma_semaphore, #tpu.memory_space<semaphore_mem>>)
    %dma_wait3A = arith.constant 0 : i32
    %dma_wait3A_8 = tpu.memref_slice %arg2[%dma_wait3A] : memref<76800xi32, #tpu.memory_space<hbm>> -> memref<400xi32, #tpu.memory_space<hbm>>
    %dma_wait3A_9 = arith.constant 0 : i32
    %dma_wait3A_10 = tpu.memref_slice %arg2[%dma_wait3A_9] : memref<76800xi32, #tpu.memory_space<hbm>> -> memref<400xi32, #tpu.memory_space<hbm>>
    tpu.wait_dma2 semaphore(%arg22 : memref<!tpu.dma_semaphore, #tpu.memory_space<semaphore_mem>>) src(%dma_wait3A_10 : memref<400xi32, #tpu.memory_space<hbm>>) dst(%arg10 : memref<400xi32, #tpu.memory_space<vmem>>)
    %dma_wait3A_11 = arith.constant 0 : i32
    %dma_wait3A_12 = tpu.memref_slice %arg3[%dma_wait3A_11] : memref<76800xi32, #tpu.memory_space<hbm>> -> memref<400xi32, #tpu.memory_space<hbm>>
    %dma_wait3A_13 = arith.constant 0 : i32
    %dma_wait3A_14 = tpu.memref_slice %arg3[%dma_wait3A_13] : memref<76800xi32, #tpu.memory_space<hbm>> -> memref<400xi32, #tpu.memory_space<hbm>>
    tpu.wait_dma2 semaphore(%arg22 : memref<!tpu.dma_semaphore, #tpu.memory_space<semaphore_mem>>) src(%dma_wait3A_14 : memref<400xi32, #tpu.memory_space<hbm>>) dst(%arg12 : memref<400xi32, #tpu.memory_space<vmem>>)
    %dma_start3A_15 = arith.constant 0 : i32
    %dma_start3A_16 = arith.constant 0 : i32
    %dma_start3A_17 = tpu.memref_slice %arg4[%dma_start3A_15, %dma_start3A_16] : memref<10000x64xf32, #tpu.memory_space<hbm>> -> memref<10000x64xf32, #tpu.memory_space<hbm>>
    tpu.enqueue_indirect_dma source(%dma_start3A_17 : memref<10000x64xf32, #tpu.memory_space<hbm>>) target(%arg14 : memref<400x64xf32, #tpu.memory_space<vmem>>) offsets(%arg10 : memref<400xi32, #tpu.memory_space<vmem>>) semaphore(%arg24 : memref<!tpu.dma_semaphore, #tpu.memory_space<semaphore_mem>>)
    %dma_start3A_18 = arith.constant 0 : i32
    %dma_start3A_19 = arith.constant 0 : i32
    %dma_start3A_20 = tpu.memref_slice %arg4[%dma_start3A_18, %dma_start3A_19] : memref<10000x64xf32, #tpu.memory_space<hbm>> -> memref<10000x64xf32, #tpu.memory_space<hbm>>
    tpu.enqueue_indirect_dma source(%dma_start3A_20 : memref<10000x64xf32, #tpu.memory_space<hbm>>) target(%arg16 : memref<400x64xf32, #tpu.memory_space<vmem>>) offsets(%arg12 : memref<400xi32, #tpu.memory_space<vmem>>) semaphore(%arg24 : memref<!tpu.dma_semaphore, #tpu.memory_space<semaphore_mem>>)
    %dma_start3A_21 = arith.constant 0 : i32
    %dma_start3A_22 = tpu.memref_slice %arg5[%dma_start3A_21] : memref<10000xi32, #tpu.memory_space<hbm>> -> memref<10000xi32, #tpu.memory_space<hbm>>
    tpu.enqueue_indirect_dma source(%dma_start3A_22 : memref<10000xi32, #tpu.memory_space<hbm>>) target(%arg18 : memref<400xi32, #tpu.memory_space<vmem>>) offsets(%arg10 : memref<400xi32, #tpu.memory_space<vmem>>) semaphore(%arg24 : memref<!tpu.dma_semaphore, #tpu.memory_space<semaphore_mem>>)
    %dma_start3A_23 = arith.constant 0 : i32
    %dma_start3A_24 = tpu.memref_slice %arg5[%dma_start3A_23] : memref<10000xi32, #tpu.memory_space<hbm>> -> memref<10000xi32, #tpu.memory_space<hbm>>
    tpu.enqueue_indirect_dma source(%dma_start3A_24 : memref<10000xi32, #tpu.memory_space<hbm>>) target(%arg20 : memref<400xi32, #tpu.memory_space<vmem>>) offsets(%arg12 : memref<400xi32, #tpu.memory_space<vmem>>) semaphore(%arg24 : memref<!tpu.dma_semaphore, #tpu.memory_space<semaphore_mem>>)
    %add3A_25 = arith.constant 400 : i32
    %add3A_26 = arith.addi %mul3A_2, %add3A_25 : i32
    %dma_start3A_27 = tpu.memref_slice %arg2[%add3A_26] : memref<76800xi32, #tpu.memory_space<hbm>> -> memref<400xi32, #tpu.memory_space<hbm>>
    %dma_start3A_28 = tpu.memref_slice %arg2[%add3A_26] : memref<76800xi32, #tpu.memory_space<hbm>> -> memref<400xi32, #tpu.memory_space<hbm>>
    tpu.enqueue_dma source(%dma_start3A_28 : memref<400xi32, #tpu.memory_space<hbm>>) target(%arg11 : memref<400xi32, #tpu.memory_space<vmem>>) target_semaphore(%arg23 : memref<!tpu.dma_semaphore, #tpu.memory_space<semaphore_mem>>)
    %dma_start3A_29 = tpu.memref_slice %arg3[%add3A_26] : memref<76800xi32, #tpu.memory_space<hbm>> -> memref<400xi32, #tpu.memory_space<hbm>>
    %dma_start3A_30 = tpu.memref_slice %arg3[%add3A_26] : memref<76800xi32, #tpu.memory_space<hbm>> -> memref<400xi32, #tpu.memory_space<hbm>>
    tpu.enqueue_dma source(%dma_start3A_30 : memref<400xi32, #tpu.memory_space<hbm>>) target(%arg13 : memref<400xi32, #tpu.memory_space<vmem>>) target_semaphore(%arg23 : memref<!tpu.dma_semaphore, #tpu.memory_space<semaphore_mem>>)
    %scan3A = arith.constant 0 : i32
    %scan3A_31 = arith.constant 0 : i32
    %scan3A_32 = arith.constant 3 : i32
    %scan3A_33 = arith.addi %scan3A_31, %scan3A_32 : i32
    %scan3A_34 = arith.constant 1 : i32
    scf.for %scan3A_76 = %scan3A_31 to %scan3A_33 step %scan3A_34  : i32 {
      %mul3A_77 = arith.constant 2 : i32
      %mul3A_78 = arith.muli %mul3A_77, %scan3A_76 : i32
      %dma_wait3A_79 = arith.constant 0 : i32
      %dma_wait3A_80 = arith.constant 0 : i32
      %dma_wait3A_81 = tpu.memref_slice %arg4[%dma_wait3A_79, %dma_wait3A_80] : memref<10000x64xf32, #tpu.memory_space<hbm>> -> memref<10000x64xf32, #tpu.memory_space<hbm>>
      tpu.wait_indirect_dma semaphore(%arg24 : memref<!tpu.dma_semaphore, #tpu.memory_space<semaphore_mem>>) src(%dma_wait3A_81 : memref<10000x64xf32, #tpu.memory_space<hbm>>) dst(%arg14 : memref<400x64xf32, #tpu.memory_space<vmem>>)
      %dma_wait3A_82 = arith.constant 0 : i32
      %dma_wait3A_83 = arith.constant 0 : i32
      %dma_wait3A_84 = tpu.memref_slice %arg4[%dma_wait3A_82, %dma_wait3A_83] : memref<10000x64xf32, #tpu.memory_space<hbm>> -> memref<10000x64xf32, #tpu.memory_space<hbm>>
      tpu.wait_indirect_dma semaphore(%arg24 : memref<!tpu.dma_semaphore, #tpu.memory_space<semaphore_mem>>) src(%dma_wait3A_84 : memref<10000x64xf32, #tpu.memory_space<hbm>>) dst(%arg16 : memref<400x64xf32, #tpu.memory_space<vmem>>)
      %dma_wait3A_85 = arith.constant 0 : i32
      %dma_wait3A_86 = tpu.memref_slice %arg5[%dma_wait3A_85] : memref<10000xi32, #tpu.memory_space<hbm>> -> memref<10000xi32, #tpu.memory_space<hbm>>
      tpu.wait_indirect_dma semaphore(%arg24 : memref<!tpu.dma_semaphore, #tpu.memory_space<semaphore_mem>>) src(%dma_wait3A_86 : memref<10000xi32, #tpu.memory_space<hbm>>) dst(%arg18 : memref<400xi32, #tpu.memory_space<vmem>>)
      %dma_wait3A_87 = arith.constant 0 : i32
      %dma_wait3A_88 = tpu.memref_slice %arg5[%dma_wait3A_87] : memref<10000xi32, #tpu.memory_space<hbm>> -> memref<10000xi32, #tpu.memory_space<hbm>>
      tpu.wait_indirect_dma semaphore(%arg24 : memref<!tpu.dma_semaphore, #tpu.memory_space<semaphore_mem>>) src(%dma_wait3A_88 : memref<10000xi32, #tpu.memory_space<hbm>>) dst(%arg20 : memref<400xi32, #tpu.memory_space<vmem>>)
      %mul3A_89 = arith.constant 400 : i32
      %mul3A_90 = arith.muli %mul3A_78, %mul3A_89 : i32
      %add3A_91 = arith.addi %mul3A_2, %mul3A_90 : i32
      %dma_start3A_92 = arith.constant 0 : i32
      %dma_start3A_93 = tpu.memref_slice %arg7[%add3A_91, %dma_start3A_92] : memref<76800x128xf32, #tpu.memory_space<hbm>> -> memref<400x64xf32, #tpu.memory_space<hbm>>
      %dma_start3A_94 = arith.constant 0 : i32
      %dma_start3A_95 = tpu.memref_slice %arg7[%add3A_91, %dma_start3A_94] : memref<76800x128xf32, #tpu.memory_space<hbm>> -> memref<400x64xf32, #tpu.memory_space<hbm>>
      tpu.enqueue_dma source(%arg14 : memref<400x64xf32, #tpu.memory_space<vmem>>) target(%dma_start3A_95 : memref<400x64xf32, #tpu.memory_space<hbm>>) target_semaphore(%arg26 : memref<!tpu.dma_semaphore, #tpu.memory_space<semaphore_mem>>)
      %dma_start3A_96 = arith.constant 64 : i32
      %dma_start3A_97 = tpu.memref_slice %arg7[%add3A_91, %dma_start3A_96] : memref<76800x128xf32, #tpu.memory_space<hbm>> -> memref<400x64xf32, #tpu.memory_space<hbm>>
      %dma_start3A_98 = arith.constant 64 : i32
      %dma_start3A_99 = tpu.memref_slice %arg7[%add3A_91, %dma_start3A_98] : memref<76800x128xf32, #tpu.memory_space<hbm>> -> memref<400x64xf32, #tpu.memory_space<hbm>>
      tpu.enqueue_dma source(%arg16 : memref<400x64xf32, #tpu.memory_space<vmem>>) target(%dma_start3A_99 : memref<400x64xf32, #tpu.memory_space<hbm>>) target_semaphore(%arg26 : memref<!tpu.dma_semaphore, #tpu.memory_space<semaphore_mem>>)
      %dma_start3A_100 = tpu.memref_slice %arg8[%add3A_91] : memref<76800xi32, #tpu.memory_space<hbm>> -> memref<400xi32, #tpu.memory_space<hbm>>
      %dma_start3A_101 = tpu.memref_slice %arg8[%add3A_91] : memref<76800xi32, #tpu.memory_space<hbm>> -> memref<400xi32, #tpu.memory_space<hbm>>
      tpu.enqueue_dma source(%arg18 : memref<400xi32, #tpu.memory_space<vmem>>) target(%dma_start3A_101 : memref<400xi32, #tpu.memory_space<hbm>>) target_semaphore(%arg26 : memref<!tpu.dma_semaphore, #tpu.memory_space<semaphore_mem>>)
      %dma_start3A_102 = tpu.memref_slice %arg9[%add3A_91] : memref<76800xi32, #tpu.memory_space<hbm>> -> memref<400xi32, #tpu.memory_space<hbm>>
      %dma_start3A_103 = tpu.memref_slice %arg9[%add3A_91] : memref<76800xi32, #tpu.memory_space<hbm>> -> memref<400xi32, #tpu.memory_space<hbm>>
      tpu.enqueue_dma source(%arg20 : memref<400xi32, #tpu.memory_space<vmem>>) target(%dma_start3A_103 : memref<400xi32, #tpu.memory_space<hbm>>) target_semaphore(%arg26 : memref<!tpu.dma_semaphore, #tpu.memory_space<semaphore_mem>>)
      %add3A_104 = arith.constant 2 : i32
      %add3A_105 = arith.addi %mul3A_78, %add3A_104 : i32
      %lt3A = arith.constant 6 : i32
      %lt3A_106 = arith.cmpi slt, %add3A_105, %lt3A : i32
      %convert_element_type3A = arith.extui %lt3A_106 : i1 to i32
      %cond3A = arith.constant 0 : i32
      %cond3A_107 = arith.cmpi ne, %convert_element_type3A, %cond3A : i32
      scf.if %cond3A_107 {
        %add3A_158 = arith.constant 2 : i32
        %add3A_159 = arith.addi %mul3A_78, %add3A_158 : i32
        %mul3A_160 = arith.constant 400 : i32
        %mul3A_161 = arith.muli %add3A_159, %mul3A_160 : i32
        %add3A_162 = arith.addi %mul3A_2, %mul3A_161 : i32
        %dma_start3A_163 = tpu.memref_slice %arg2[%add3A_162] : memref<76800xi32, #tpu.memory_space<hbm>> -> memref<400xi32, #tpu.memory_space<hbm>>
        %dma_start3A_164 = tpu.memref_slice %arg2[%add3A_162] : memref<76800xi32, #tpu.memory_space<hbm>> -> memref<400xi32, #tpu.memory_space<hbm>>
        tpu.enqueue_dma source(%dma_start3A_164 : memref<400xi32, #tpu.memory_space<hbm>>) target(%arg10 : memref<400xi32, #tpu.memory_space<vmem>>) target_semaphore(%arg22 : memref<!tpu.dma_semaphore, #tpu.memory_space<semaphore_mem>>)
        %dma_start3A_165 = tpu.memref_slice %arg3[%add3A_162] : memref<76800xi32, #tpu.memory_space<hbm>> -> memref<400xi32, #tpu.memory_space<hbm>>
        %dma_start3A_166 = tpu.memref_slice %arg3[%add3A_162] : memref<76800xi32, #tpu.memory_space<hbm>> -> memref<400xi32, #tpu.memory_space<hbm>>
        tpu.enqueue_dma source(%dma_start3A_166 : memref<400xi32, #tpu.memory_space<hbm>>) target(%arg12 : memref<400xi32, #tpu.memory_space<vmem>>) target_semaphore(%arg22 : memref<!tpu.dma_semaphore, #tpu.memory_space<semaphore_mem>>)
      } else {
      }
      %add3A_108 = arith.constant 1 : i32
      %add3A_109 = arith.addi %mul3A_78, %add3A_108 : i32
      %lt3A_110 = arith.constant 6 : i32
      %lt3A_111 = arith.cmpi slt, %add3A_109, %lt3A_110 : i32
      %convert_element_type3A_112 = arith.extui %lt3A_111 : i1 to i32
      %cond3A_113 = arith.constant 0 : i32
      %cond3A_114 = arith.cmpi ne, %convert_element_type3A_112, %cond3A_113 : i32
      scf.if %cond3A_114 {
        %dma_wait3A_158 = arith.constant 0 : i32
        %dma_wait3A_159 = tpu.memref_slice %arg2[%dma_wait3A_158] : memref<76800xi32, #tpu.memory_space<hbm>> -> memref<400xi32, #tpu.memory_space<hbm>>
        %dma_wait3A_160 = arith.constant 0 : i32
        %dma_wait3A_161 = tpu.memref_slice %arg2[%dma_wait3A_160] : memref<76800xi32, #tpu.memory_space<hbm>> -> memref<400xi32, #tpu.memory_space<hbm>>
        tpu.wait_dma2 semaphore(%arg23 : memref<!tpu.dma_semaphore, #tpu.memory_space<semaphore_mem>>) src(%dma_wait3A_161 : memref<400xi32, #tpu.memory_space<hbm>>) dst(%arg11 : memref<400xi32, #tpu.memory_space<vmem>>)
        %dma_wait3A_162 = arith.constant 0 : i32
        %dma_wait3A_163 = tpu.memref_slice %arg3[%dma_wait3A_162] : memref<76800xi32, #tpu.memory_space<hbm>> -> memref<400xi32, #tpu.memory_space<hbm>>
        %dma_wait3A_164 = arith.constant 0 : i32
        %dma_wait3A_165 = tpu.memref_slice %arg3[%dma_wait3A_164] : memref<76800xi32, #tpu.memory_space<hbm>> -> memref<400xi32, #tpu.memory_space<hbm>>
        tpu.wait_dma2 semaphore(%arg23 : memref<!tpu.dma_semaphore, #tpu.memory_space<semaphore_mem>>) src(%dma_wait3A_165 : memref<400xi32, #tpu.memory_space<hbm>>) dst(%arg13 : memref<400xi32, #tpu.memory_space<vmem>>)
        %ge3A = arith.constant 1 : i32
        %ge3A_166 = arith.cmpi sge, %mul3A_78, %ge3A : i32
        %convert_element_type3A_167 = arith.extui %ge3A_166 : i1 to i32
        %cond3A_168 = arith.constant 0 : i32
        %cond3A_169 = arith.cmpi ne, %convert_element_type3A_167, %cond3A_168 : i32
        scf.if %cond3A_169 {
          %dma_wait3A_180 = arith.constant 0 : i32
          %dma_wait3A_181 = arith.constant 0 : i32
          %dma_wait3A_182 = tpu.memref_slice %arg7[%dma_wait3A_180, %dma_wait3A_181] : memref<76800x128xf32, #tpu.memory_space<hbm>> -> memref<400x64xf32, #tpu.memory_space<hbm>>
          %dma_wait3A_183 = arith.constant 0 : i32
          %dma_wait3A_184 = arith.constant 0 : i32
          %dma_wait3A_185 = tpu.memref_slice %arg7[%dma_wait3A_183, %dma_wait3A_184] : memref<76800x128xf32, #tpu.memory_space<hbm>> -> memref<400x64xf32, #tpu.memory_space<hbm>>
          tpu.wait_dma2 semaphore(%arg27 : memref<!tpu.dma_semaphore, #tpu.memory_space<semaphore_mem>>) src(%arg15 : memref<400x64xf32, #tpu.memory_space<vmem>>) dst(%dma_wait3A_185 : memref<400x64xf32, #tpu.memory_space<hbm>>)
          %dma_wait3A_186 = arith.constant 0 : i32
          %dma_wait3A_187 = arith.constant 64 : i32
          %dma_wait3A_188 = tpu.memref_slice %arg7[%dma_wait3A_186, %dma_wait3A_187] : memref<76800x128xf32, #tpu.memory_space<hbm>> -> memref<400x64xf32, #tpu.memory_space<hbm>>
          %dma_wait3A_189 = arith.constant 0 : i32
          %dma_wait3A_190 = arith.constant 64 : i32
          %dma_wait3A_191 = tpu.memref_slice %arg7[%dma_wait3A_189, %dma_wait3A_190] : memref<76800x128xf32, #tpu.memory_space<hbm>> -> memref<400x64xf32, #tpu.memory_space<hbm>>
          tpu.wait_dma2 semaphore(%arg27 : memref<!tpu.dma_semaphore, #tpu.memory_space<semaphore_mem>>) src(%arg17 : memref<400x64xf32, #tpu.memory_space<vmem>>) dst(%dma_wait3A_191 : memref<400x64xf32, #tpu.memory_space<hbm>>)
          %dma_wait3A_192 = arith.constant 0 : i32
          %dma_wait3A_193 = tpu.memref_slice %arg8[%dma_wait3A_192] : memref<76800xi32, #tpu.memory_space<hbm>> -> memref<400xi32, #tpu.memory_space<hbm>>
          %dma_wait3A_194 = arith.constant 0 : i32
          %dma_wait3A_195 = tpu.memref_slice %arg8[%dma_wait3A_194] : memref<76800xi32, #tpu.memory_space<hbm>> -> memref<400xi32, #tpu.memory_space<hbm>>
          tpu.wait_dma2 semaphore(%arg27 : memref<!tpu.dma_semaphore, #tpu.memory_space<semaphore_mem>>) src(%arg19 : memref<400xi32, #tpu.memory_space<vmem>>) dst(%dma_wait3A_195 : memref<400xi32, #tpu.memory_space<hbm>>)
          %dma_wait3A_196 = arith.constant 0 : i32
          %dma_wait3A_197 = tpu.memref_slice %arg9[%dma_wait3A_196] : memref<76800xi32, #tpu.memory_space<hbm>> -> memref<400xi32, #tpu.memory_space<hbm>>
          %dma_wait3A_198 = arith.constant 0 : i32
          %dma_wait3A_199 = tpu.memref_slice %arg9[%dma_wait3A_198] : memref<76800xi32, #tpu.memory_space<hbm>> -> memref<400xi32, #tpu.memory_space<hbm>>
          tpu.wait_dma2 semaphore(%arg27 : memref<!tpu.dma_semaphore, #tpu.memory_space<semaphore_mem>>) src(%arg21 : memref<400xi32, #tpu.memory_space<vmem>>) dst(%dma_wait3A_199 : memref<400xi32, #tpu.memory_space<hbm>>)
        } else {
        }
        %dma_start3A_170 = arith.constant 0 : i32
        %dma_start3A_171 = arith.constant 0 : i32
        %dma_start3A_172 = tpu.memref_slice %arg4[%dma_start3A_170, %dma_start3A_171] : memref<10000x64xf32, #tpu.memory_space<hbm>> -> memref<10000x64xf32, #tpu.memory_space<hbm>>
        tpu.enqueue_indirect_dma source(%dma_start3A_172 : memref<10000x64xf32, #tpu.memory_space<hbm>>) target(%arg15 : memref<400x64xf32, #tpu.memory_space<vmem>>) offsets(%arg11 : memref<400xi32, #tpu.memory_space<vmem>>) semaphore(%arg25 : memref<!tpu.dma_semaphore, #tpu.memory_space<semaphore_mem>>)
        %dma_start3A_173 = arith.constant 0 : i32
        %dma_start3A_174 = arith.constant 0 : i32
        %dma_start3A_175 = tpu.memref_slice %arg4[%dma_start3A_173, %dma_start3A_174] : memref<10000x64xf32, #tpu.memory_space<hbm>> -> memref<10000x64xf32, #tpu.memory_space<hbm>>
        tpu.enqueue_indirect_dma source(%dma_start3A_175 : memref<10000x64xf32, #tpu.memory_space<hbm>>) target(%arg17 : memref<400x64xf32, #tpu.memory_space<vmem>>) offsets(%arg13 : memref<400xi32, #tpu.memory_space<vmem>>) semaphore(%arg25 : memref<!tpu.dma_semaphore, #tpu.memory_space<semaphore_mem>>)
        %dma_start3A_176 = arith.constant 0 : i32
        %dma_start3A_177 = tpu.memref_slice %arg5[%dma_start3A_176] : memref<10000xi32, #tpu.memory_space<hbm>> -> memref<10000xi32, #tpu.memory_space<hbm>>
        tpu.enqueue_indirect_dma source(%dma_start3A_177 : memref<10000xi32, #tpu.memory_space<hbm>>) target(%arg19 : memref<400xi32, #tpu.memory_space<vmem>>) offsets(%arg11 : memref<400xi32, #tpu.memory_space<vmem>>) semaphore(%arg25 : memref<!tpu.dma_semaphore, #tpu.memory_space<semaphore_mem>>)
        %dma_start3A_178 = arith.constant 0 : i32
        %dma_start3A_179 = tpu.memref_slice %arg5[%dma_start3A_178] : memref<10000xi32, #tpu.memory_space<hbm>> -> memref<10000xi32, #tpu.memory_space<hbm>>
        tpu.enqueue_indirect_dma source(%dma_start3A_179 : memref<10000xi32, #tpu.memory_space<hbm>>) target(%arg21 : memref<400xi32, #tpu.memory_space<vmem>>) offsets(%arg13 : memref<400xi32, #tpu.memory_space<vmem>>) semaphore(%arg25 : memref<!tpu.dma_semaphore, #tpu.memory_space<semaphore_mem>>)
      } else {
      }
      %mul3A_115 = arith.constant 2 : i32
      %mul3A_116 = arith.muli %mul3A_115, %scan3A_76 : i32
      %add3A_117 = arith.constant 1 : i32
      %add3A_118 = arith.addi %mul3A_116, %add3A_117 : i32
      %dma_wait3A_119 = arith.constant 0 : i32
      %dma_wait3A_120 = arith.constant 0 : i32
      %dma_wait3A_121 = tpu.memref_slice %arg4[%dma_wait3A_119, %dma_wait3A_120] : memref<10000x64xf32, #tpu.memory_space<hbm>> -> memref<10000x64xf32, #tpu.memory_space<hbm>>
      tpu.wait_indirect_dma semaphore(%arg25 : memref<!tpu.dma_semaphore, #tpu.memory_space<semaphore_mem>>) src(%dma_wait3A_121 : memref<10000x64xf32, #tpu.memory_space<hbm>>) dst(%arg15 : memref<400x64xf32, #tpu.memory_space<vmem>>)
      %dma_wait3A_122 = arith.constant 0 : i32
      %dma_wait3A_123 = arith.constant 0 : i32
      %dma_wait3A_124 = tpu.memref_slice %arg4[%dma_wait3A_122, %dma_wait3A_123] : memref<10000x64xf32, #tpu.memory_space<hbm>> -> memref<10000x64xf32, #tpu.memory_space<hbm>>
      tpu.wait_indirect_dma semaphore(%arg25 : memref<!tpu.dma_semaphore, #tpu.memory_space<semaphore_mem>>) src(%dma_wait3A_124 : memref<10000x64xf32, #tpu.memory_space<hbm>>) dst(%arg17 : memref<400x64xf32, #tpu.memory_space<vmem>>)
      %dma_wait3A_125 = arith.constant 0 : i32
      %dma_wait3A_126 = tpu.memref_slice %arg5[%dma_wait3A_125] : memref<10000xi32, #tpu.memory_space<hbm>> -> memref<10000xi32, #tpu.memory_space<hbm>>
      tpu.wait_indirect_dma semaphore(%arg25 : memref<!tpu.dma_semaphore, #tpu.memory_space<semaphore_mem>>) src(%dma_wait3A_126 : memref<10000xi32, #tpu.memory_space<hbm>>) dst(%arg19 : memref<400xi32, #tpu.memory_space<vmem>>)
      %dma_wait3A_127 = arith.constant 0 : i32
      %dma_wait3A_128 = tpu.memref_slice %arg5[%dma_wait3A_127] : memref<10000xi32, #tpu.memory_space<hbm>> -> memref<10000xi32, #tpu.memory_space<hbm>>
      tpu.wait_indirect_dma semaphore(%arg25 : memref<!tpu.dma_semaphore, #tpu.memory_space<semaphore_mem>>) src(%dma_wait3A_128 : memref<10000xi32, #tpu.memory_space<hbm>>) dst(%arg21 : memref<400xi32, #tpu.memory_space<vmem>>)
      %mul3A_129 = arith.constant 400 : i32
      %mul3A_130 = arith.muli %add3A_118, %mul3A_129 : i32
      %add3A_131 = arith.addi %mul3A_2, %mul3A_130 : i32
      %dma_start3A_132 = arith.constant 0 : i32
      %dma_start3A_133 = tpu.memref_slice %arg7[%add3A_131, %dma_start3A_132] : memref<76800x128xf32, #tpu.memory_space<hbm>> -> memref<400x64xf32, #tpu.memory_space<hbm>>
      %dma_start3A_134 = arith.constant 0 : i32
      %dma_start3A_135 = tpu.memref_slice %arg7[%add3A_131, %dma_start3A_134] : memref<76800x128xf32, #tpu.memory_space<hbm>> -> memref<400x64xf32, #tpu.memory_space<hbm>>
      tpu.enqueue_dma source(%arg15 : memref<400x64xf32, #tpu.memory_space<vmem>>) target(%dma_start3A_135 : memref<400x64xf32, #tpu.memory_space<hbm>>) target_semaphore(%arg27 : memref<!tpu.dma_semaphore, #tpu.memory_space<semaphore_mem>>)
      %dma_start3A_136 = arith.constant 64 : i32
      %dma_start3A_137 = tpu.memref_slice %arg7[%add3A_131, %dma_start3A_136] : memref<76800x128xf32, #tpu.memory_space<hbm>> -> memref<400x64xf32, #tpu.memory_space<hbm>>
      %dma_start3A_138 = arith.constant 64 : i32
      %dma_start3A_139 = tpu.memref_slice %arg7[%add3A_131, %dma_start3A_138] : memref<76800x128xf32, #tpu.memory_space<hbm>> -> memref<400x64xf32, #tpu.memory_space<hbm>>
      tpu.enqueue_dma source(%arg17 : memref<400x64xf32, #tpu.memory_space<vmem>>) target(%dma_start3A_139 : memref<400x64xf32, #tpu.memory_space<hbm>>) target_semaphore(%arg27 : memref<!tpu.dma_semaphore, #tpu.memory_space<semaphore_mem>>)
      %dma_start3A_140 = tpu.memref_slice %arg8[%add3A_131] : memref<76800xi32, #tpu.memory_space<hbm>> -> memref<400xi32, #tpu.memory_space<hbm>>
      %dma_start3A_141 = tpu.memref_slice %arg8[%add3A_131] : memref<76800xi32, #tpu.memory_space<hbm>> -> memref<400xi32, #tpu.memory_space<hbm>>
      tpu.enqueue_dma source(%arg19 : memref<400xi32, #tpu.memory_space<vmem>>) target(%dma_start3A_141 : memref<400xi32, #tpu.memory_space<hbm>>) target_semaphore(%arg27 : memref<!tpu.dma_semaphore, #tpu.memory_space<semaphore_mem>>)
      %dma_start3A_142 = tpu.memref_slice %arg9[%add3A_131] : memref<76800xi32, #tpu.memory_space<hbm>> -> memref<400xi32, #tpu.memory_space<hbm>>
      %dma_start3A_143 = tpu.memref_slice %arg9[%add3A_131] : memref<76800xi32, #tpu.memory_space<hbm>> -> memref<400xi32, #tpu.memory_space<hbm>>
      tpu.enqueue_dma source(%arg21 : memref<400xi32, #tpu.memory_space<vmem>>) target(%dma_start3A_143 : memref<400xi32, #tpu.memory_space<hbm>>) target_semaphore(%arg27 : memref<!tpu.dma_semaphore, #tpu.memory_space<semaphore_mem>>)
      %add3A_144 = arith.constant 2 : i32
      %add3A_145 = arith.addi %add3A_118, %add3A_144 : i32
      %lt3A_146 = arith.constant 6 : i32
      %lt3A_147 = arith.cmpi slt, %add3A_145, %lt3A_146 : i32
      %convert_element_type3A_148 = arith.extui %lt3A_147 : i1 to i32
      %cond3A_149 = arith.constant 0 : i32
      %cond3A_150 = arith.cmpi ne, %convert_element_type3A_148, %cond3A_149 : i32
      scf.if %cond3A_150 {
        %add3A_158 = arith.constant 2 : i32
        %add3A_159 = arith.addi %add3A_118, %add3A_158 : i32
        %mul3A_160 = arith.constant 400 : i32
        %mul3A_161 = arith.muli %add3A_159, %mul3A_160 : i32
        %add3A_162 = arith.addi %mul3A_2, %mul3A_161 : i32
        %dma_start3A_163 = tpu.memref_slice %arg2[%add3A_162] : memref<76800xi32, #tpu.memory_space<hbm>> -> memref<400xi32, #tpu.memory_space<hbm>>
        %dma_start3A_164 = tpu.memref_slice %arg2[%add3A_162] : memref<76800xi32, #tpu.memory_space<hbm>> -> memref<400xi32, #tpu.memory_space<hbm>>
        tpu.enqueue_dma source(%dma_start3A_164 : memref<400xi32, #tpu.memory_space<hbm>>) target(%arg11 : memref<400xi32, #tpu.memory_space<vmem>>) target_semaphore(%arg23 : memref<!tpu.dma_semaphore, #tpu.memory_space<semaphore_mem>>)
        %dma_start3A_165 = tpu.memref_slice %arg3[%add3A_162] : memref<76800xi32, #tpu.memory_space<hbm>> -> memref<400xi32, #tpu.memory_space<hbm>>
        %dma_start3A_166 = tpu.memref_slice %arg3[%add3A_162] : memref<76800xi32, #tpu.memory_space<hbm>> -> memref<400xi32, #tpu.memory_space<hbm>>
        tpu.enqueue_dma source(%dma_start3A_166 : memref<400xi32, #tpu.memory_space<hbm>>) target(%arg13 : memref<400xi32, #tpu.memory_space<vmem>>) target_semaphore(%arg23 : memref<!tpu.dma_semaphore, #tpu.memory_space<semaphore_mem>>)
      } else {
      }
      %add3A_151 = arith.constant 1 : i32
      %add3A_152 = arith.addi %add3A_118, %add3A_151 : i32
      %lt3A_153 = arith.constant 6 : i32
      %lt3A_154 = arith.cmpi slt, %add3A_152, %lt3A_153 : i32
      %convert_element_type3A_155 = arith.extui %lt3A_154 : i1 to i32
      %cond3A_156 = arith.constant 0 : i32
      %cond3A_157 = arith.cmpi ne, %convert_element_type3A_155, %cond3A_156 : i32
      scf.if %cond3A_157 {
        %dma_wait3A_158 = arith.constant 0 : i32
        %dma_wait3A_159 = tpu.memref_slice %arg2[%dma_wait3A_158] : memref<76800xi32, #tpu.memory_space<hbm>> -> memref<400xi32, #tpu.memory_space<hbm>>
        %dma_wait3A_160 = arith.constant 0 : i32
        %dma_wait3A_161 = tpu.memref_slice %arg2[%dma_wait3A_160] : memref<76800xi32, #tpu.memory_space<hbm>> -> memref<400xi32, #tpu.memory_space<hbm>>
        tpu.wait_dma2 semaphore(%arg22 : memref<!tpu.dma_semaphore, #tpu.memory_space<semaphore_mem>>) src(%dma_wait3A_161 : memref<400xi32, #tpu.memory_space<hbm>>) dst(%arg10 : memref<400xi32, #tpu.memory_space<vmem>>)
        %dma_wait3A_162 = arith.constant 0 : i32
        %dma_wait3A_163 = tpu.memref_slice %arg3[%dma_wait3A_162] : memref<76800xi32, #tpu.memory_space<hbm>> -> memref<400xi32, #tpu.memory_space<hbm>>
        %dma_wait3A_164 = arith.constant 0 : i32
        %dma_wait3A_165 = tpu.memref_slice %arg3[%dma_wait3A_164] : memref<76800xi32, #tpu.memory_space<hbm>> -> memref<400xi32, #tpu.memory_space<hbm>>
        tpu.wait_dma2 semaphore(%arg22 : memref<!tpu.dma_semaphore, #tpu.memory_space<semaphore_mem>>) src(%dma_wait3A_165 : memref<400xi32, #tpu.memory_space<hbm>>) dst(%arg12 : memref<400xi32, #tpu.memory_space<vmem>>)
        %ge3A = arith.constant 1 : i32
        %ge3A_166 = arith.cmpi sge, %add3A_118, %ge3A : i32
        %convert_element_type3A_167 = arith.extui %ge3A_166 : i1 to i32
        %cond3A_168 = arith.constant 0 : i32
        %cond3A_169 = arith.cmpi ne, %convert_element_type3A_167, %cond3A_168 : i32
        scf.if %cond3A_169 {
          %dma_wait3A_180 = arith.constant 0 : i32
          %dma_wait3A_181 = arith.constant 0 : i32
          %dma_wait3A_182 = tpu.memref_slice %arg7[%dma_wait3A_180, %dma_wait3A_181] : memref<76800x128xf32, #tpu.memory_space<hbm>> -> memref<400x64xf32, #tpu.memory_space<hbm>>
          %dma_wait3A_183 = arith.constant 0 : i32
          %dma_wait3A_184 = arith.constant 0 : i32
          %dma_wait3A_185 = tpu.memref_slice %arg7[%dma_wait3A_183, %dma_wait3A_184] : memref<76800x128xf32, #tpu.memory_space<hbm>> -> memref<400x64xf32, #tpu.memory_space<hbm>>
          tpu.wait_dma2 semaphore(%arg26 : memref<!tpu.dma_semaphore, #tpu.memory_space<semaphore_mem>>) src(%arg14 : memref<400x64xf32, #tpu.memory_space<vmem>>) dst(%dma_wait3A_185 : memref<400x64xf32, #tpu.memory_space<hbm>>)
          %dma_wait3A_186 = arith.constant 0 : i32
          %dma_wait3A_187 = arith.constant 64 : i32
          %dma_wait3A_188 = tpu.memref_slice %arg7[%dma_wait3A_186, %dma_wait3A_187] : memref<76800x128xf32, #tpu.memory_space<hbm>> -> memref<400x64xf32, #tpu.memory_space<hbm>>
          %dma_wait3A_189 = arith.constant 0 : i32
          %dma_wait3A_190 = arith.constant 64 : i32
          %dma_wait3A_191 = tpu.memref_slice %arg7[%dma_wait3A_189, %dma_wait3A_190] : memref<76800x128xf32, #tpu.memory_space<hbm>> -> memref<400x64xf32, #tpu.memory_space<hbm>>
          tpu.wait_dma2 semaphore(%arg26 : memref<!tpu.dma_semaphore, #tpu.memory_space<semaphore_mem>>) src(%arg16 : memref<400x64xf32, #tpu.memory_space<vmem>>) dst(%dma_wait3A_191 : memref<400x64xf32, #tpu.memory_space<hbm>>)
          %dma_wait3A_192 = arith.constant 0 : i32
          %dma_wait3A_193 = tpu.memref_slice %arg8[%dma_wait3A_192] : memref<76800xi32, #tpu.memory_space<hbm>> -> memref<400xi32, #tpu.memory_space<hbm>>
          %dma_wait3A_194 = arith.constant 0 : i32
          %dma_wait3A_195 = tpu.memref_slice %arg8[%dma_wait3A_194] : memref<76800xi32, #tpu.memory_space<hbm>> -> memref<400xi32, #tpu.memory_space<hbm>>
          tpu.wait_dma2 semaphore(%arg26 : memref<!tpu.dma_semaphore, #tpu.memory_space<semaphore_mem>>) src(%arg18 : memref<400xi32, #tpu.memory_space<vmem>>) dst(%dma_wait3A_195 : memref<400xi32, #tpu.memory_space<hbm>>)
          %dma_wait3A_196 = arith.constant 0 : i32
          %dma_wait3A_197 = tpu.memref_slice %arg9[%dma_wait3A_196] : memref<76800xi32, #tpu.memory_space<hbm>> -> memref<400xi32, #tpu.memory_space<hbm>>
          %dma_wait3A_198 = arith.constant 0 : i32
          %dma_wait3A_199 = tpu.memref_slice %arg9[%dma_wait3A_198] : memref<76800xi32, #tpu.memory_space<hbm>> -> memref<400xi32, #tpu.memory_space<hbm>>
          tpu.wait_dma2 semaphore(%arg26 : memref<!tpu.dma_semaphore, #tpu.memory_space<semaphore_mem>>) src(%arg20 : memref<400xi32, #tpu.memory_space<vmem>>) dst(%dma_wait3A_199 : memref<400xi32, #tpu.memory_space<hbm>>)
        } else {
        }
        %dma_start3A_170 = arith.constant 0 : i32
        %dma_start3A_171 = arith.constant 0 : i32
        %dma_start3A_172 = tpu.memref_slice %arg4[%dma_start3A_170, %dma_start3A_171] : memref<10000x64xf32, #tpu.memory_space<hbm>> -> memref<10000x64xf32, #tpu.memory_space<hbm>>
        tpu.enqueue_indirect_dma source(%dma_start3A_172 : memref<10000x64xf32, #tpu.memory_space<hbm>>) target(%arg14 : memref<400x64xf32, #tpu.memory_space<vmem>>) offsets(%arg10 : memref<400xi32, #tpu.memory_space<vmem>>) semaphore(%arg24 : memref<!tpu.dma_semaphore, #tpu.memory_space<semaphore_mem>>)
        %dma_start3A_173 = arith.constant 0 : i32
        %dma_start3A_174 = arith.constant 0 : i32
        %dma_start3A_175 = tpu.memref_slice %arg4[%dma_start3A_173, %dma_start3A_174] : memref<10000x64xf32, #tpu.memory_space<hbm>> -> memref<10000x64xf32, #tpu.memory_space<hbm>>
        tpu.enqueue_indirect_dma source(%dma_start3A_175 : memref<10000x64xf32, #tpu.memory_space<hbm>>) target(%arg16 : memref<400x64xf32, #tpu.memory_space<vmem>>) offsets(%arg12 : memref<400xi32, #tpu.memory_space<vmem>>) semaphore(%arg24 : memref<!tpu.dma_semaphore, #tpu.memory_space<semaphore_mem>>)
        %dma_start3A_176 = arith.constant 0 : i32
        %dma_start3A_177 = tpu.memref_slice %arg5[%dma_start3A_176] : memref<10000xi32, #tpu.memory_space<hbm>> -> memref<10000xi32, #tpu.memory_space<hbm>>
        tpu.enqueue_indirect_dma source(%dma_start3A_177 : memref<10000xi32, #tpu.memory_space<hbm>>) target(%arg18 : memref<400xi32, #tpu.memory_space<vmem>>) offsets(%arg10 : memref<400xi32, #tpu.memory_space<vmem>>) semaphore(%arg24 : memref<!tpu.dma_semaphore, #tpu.memory_space<semaphore_mem>>)
        %dma_start3A_178 = arith.constant 0 : i32
        %dma_start3A_179 = tpu.memref_slice %arg5[%dma_start3A_178] : memref<10000xi32, #tpu.memory_space<hbm>> -> memref<10000xi32, #tpu.memory_space<hbm>>
        tpu.enqueue_indirect_dma source(%dma_start3A_179 : memref<10000xi32, #tpu.memory_space<hbm>>) target(%arg20 : memref<400xi32, #tpu.memory_space<vmem>>) offsets(%arg12 : memref<400xi32, #tpu.memory_space<vmem>>) semaphore(%arg24 : memref<!tpu.dma_semaphore, #tpu.memory_space<semaphore_mem>>)
      } else {
      }
    }
    %scan3A_35 = arith.constant 3 : i32
    %dma_wait3A_36 = arith.constant 0 : i32
    %dma_wait3A_37 = arith.constant 0 : i32
    %dma_wait3A_38 = tpu.memref_slice %arg7[%dma_wait3A_36, %dma_wait3A_37] : memref<76800x128xf32, #tpu.memory_space<hbm>> -> memref<400x64xf32, #tpu.memory_space<hbm>>
    %dma_wait3A_39 = arith.constant 0 : i32
    %dma_wait3A_40 = arith.constant 0 : i32
    %dma_wait3A_41 = tpu.memref_slice %arg7[%dma_wait3A_39, %dma_wait3A_40] : memref<76800x128xf32, #tpu.memory_space<hbm>> -> memref<400x64xf32, #tpu.memory_space<hbm>>
    tpu.wait_dma2 semaphore(%arg26 : memref<!tpu.dma_semaphore, #tpu.memory_space<semaphore_mem>>) src(%arg14 : memref<400x64xf32, #tpu.memory_space<vmem>>) dst(%dma_wait3A_41 : memref<400x64xf32, #tpu.memory_space<hbm>>)
    %dma_wait3A_42 = arith.constant 0 : i32
    %dma_wait3A_43 = arith.constant 64 : i32
    %dma_wait3A_44 = tpu.memref_slice %arg7[%dma_wait3A_42, %dma_wait3A_43] : memref<76800x128xf32, #tpu.memory_space<hbm>> -> memref<400x64xf32, #tpu.memory_space<hbm>>
    %dma_wait3A_45 = arith.constant 0 : i32
    %dma_wait3A_46 = arith.constant 64 : i32
    %dma_wait3A_47 = tpu.memref_slice %arg7[%dma_wait3A_45, %dma_wait3A_46] : memref<76800x128xf32, #tpu.memory_space<hbm>> -> memref<400x64xf32, #tpu.memory_space<hbm>>
    tpu.wait_dma2 semaphore(%arg26 : memref<!tpu.dma_semaphore, #tpu.memory_space<semaphore_mem>>) src(%arg16 : memref<400x64xf32, #tpu.memory_space<vmem>>) dst(%dma_wait3A_47 : memref<400x64xf32, #tpu.memory_space<hbm>>)
    %dma_wait3A_48 = arith.constant 0 : i32
    %dma_wait3A_49 = tpu.memref_slice %arg8[%dma_wait3A_48] : memref<76800xi32, #tpu.memory_space<hbm>> -> memref<400xi32, #tpu.memory_space<hbm>>
    %dma_wait3A_50 = arith.constant 0 : i32
    %dma_wait3A_51 = tpu.memref_slice %arg8[%dma_wait3A_50] : memref<76800xi32, #tpu.memory_space<hbm>> -> memref<400xi32, #tpu.memory_space<hbm>>
    tpu.wait_dma2 semaphore(%arg26 : memref<!tpu.dma_semaphore, #tpu.memory_space<semaphore_mem>>) src(%arg18 : memref<400xi32, #tpu.memory_space<vmem>>) dst(%dma_wait3A_51 : memref<400xi32, #tpu.memory_space<hbm>>)
    %dma_wait3A_52 = arith.constant 0 : i32
    %dma_wait3A_53 = tpu.memref_slice %arg9[%dma_wait3A_52] : memref<76800xi32, #tpu.memory_space<hbm>> -> memref<400xi32, #tpu.memory_space<hbm>>
    %dma_wait3A_54 = arith.constant 0 : i32
    %dma_wait3A_55 = tpu.memref_slice %arg9[%dma_wait3A_54] : memref<76800xi32, #tpu.memory_space<hbm>> -> memref<400xi32, #tpu.memory_space<hbm>>
    tpu.wait_dma2 semaphore(%arg26 : memref<!tpu.dma_semaphore, #tpu.memory_space<semaphore_mem>>) src(%arg20 : memref<400xi32, #tpu.memory_space<vmem>>) dst(%dma_wait3A_55 : memref<400xi32, #tpu.memory_space<hbm>>)
    %dma_wait3A_56 = arith.constant 0 : i32
    %dma_wait3A_57 = arith.constant 0 : i32
    %dma_wait3A_58 = tpu.memref_slice %arg7[%dma_wait3A_56, %dma_wait3A_57] : memref<76800x128xf32, #tpu.memory_space<hbm>> -> memref<400x64xf32, #tpu.memory_space<hbm>>
    %dma_wait3A_59 = arith.constant 0 : i32
    %dma_wait3A_60 = arith.constant 0 : i32
    %dma_wait3A_61 = tpu.memref_slice %arg7[%dma_wait3A_59, %dma_wait3A_60] : memref<76800x128xf32, #tpu.memory_space<hbm>> -> memref<400x64xf32, #tpu.memory_space<hbm>>
    tpu.wait_dma2 semaphore(%arg27 : memref<!tpu.dma_semaphore, #tpu.memory_space<semaphore_mem>>) src(%arg15 : memref<400x64xf32, #tpu.memory_space<vmem>>) dst(%dma_wait3A_61 : memref<400x64xf32, #tpu.memory_space<hbm>>)
    %dma_wait3A_62 = arith.constant 0 : i32
    %dma_wait3A_63 = arith.constant 64 : i32
    %dma_wait3A_64 = tpu.memref_slice %arg7[%dma_wait3A_62, %dma_wait3A_63] : memref<76800x128xf32, #tpu.memory_space<hbm>> -> memref<400x64xf32, #tpu.memory_space<hbm>>
    %dma_wait3A_65 = arith.constant 0 : i32
    %dma_wait3A_66 = arith.constant 64 : i32
    %dma_wait3A_67 = tpu.memref_slice %arg7[%dma_wait3A_65, %dma_wait3A_66] : memref<76800x128xf32, #tpu.memory_space<hbm>> -> memref<400x64xf32, #tpu.memory_space<hbm>>
    tpu.wait_dma2 semaphore(%arg27 : memref<!tpu.dma_semaphore, #tpu.memory_space<semaphore_mem>>) src(%arg17 : memref<400x64xf32, #tpu.memory_space<vmem>>) dst(%dma_wait3A_67 : memref<400x64xf32, #tpu.memory_space<hbm>>)
    %dma_wait3A_68 = arith.constant 0 : i32
    %dma_wait3A_69 = tpu.memref_slice %arg8[%dma_wait3A_68] : memref<76800xi32, #tpu.memory_space<hbm>> -> memref<400xi32, #tpu.memory_space<hbm>>
    %dma_wait3A_70 = arith.constant 0 : i32
    %dma_wait3A_71 = tpu.memref_slice %arg8[%dma_wait3A_70] : memref<76800xi32, #tpu.memory_space<hbm>> -> memref<400xi32, #tpu.memory_space<hbm>>
    tpu.wait_dma2 semaphore(%arg27 : memref<!tpu.dma_semaphore, #tpu.memory_space<semaphore_mem>>) src(%arg19 : memref<400xi32, #tpu.memory_space<vmem>>) dst(%dma_wait3A_71 : memref<400xi32, #tpu.memory_space<hbm>>)
    %dma_wait3A_72 = arith.constant 0 : i32
    %dma_wait3A_73 = tpu.memref_slice %arg9[%dma_wait3A_72] : memref<76800xi32, #tpu.memory_space<hbm>> -> memref<400xi32, #tpu.memory_space<hbm>>
    %dma_wait3A_74 = arith.constant 0 : i32
    %dma_wait3A_75 = tpu.memref_slice %arg9[%dma_wait3A_74] : memref<76800xi32, #tpu.memory_space<hbm>> -> memref<400xi32, #tpu.memory_space<hbm>>
    tpu.wait_dma2 semaphore(%arg27 : memref<!tpu.dma_semaphore, #tpu.memory_space<semaphore_mem>>) src(%arg21 : memref<400xi32, #tpu.memory_space<vmem>>) dst(%dma_wait3A_75 : memref<400xi32, #tpu.memory_space<hbm>>)
    return
  }
}

#map = affine_map<(d0, d1) -> (0)>
#map1 = affine_map<(d0, d1) -> (0, 0)>
module attributes {stable_mosaic.version = 14 : i64} {
  func.func @sc_gather(%arg0: i32, %arg1: i32, %arg2: memref<76800xi32, #tpu.memory_space<hbm>>, %arg3: memref<76800xi32, #tpu.memory_space<hbm>>, %arg4: memref<10000x64xf32, #tpu.memory_space<hbm>>, %arg5: memref<10000xi32, #tpu.memory_space<hbm>>, %arg6: memref<1x1xf32, #tpu.memory_space<hbm>>, %arg7: memref<76800x128xf32, #tpu.memory_space<hbm>>, %arg8: memref<76800xi32, #tpu.memory_space<hbm>>, %arg9: memref<76800xi32, #tpu.memory_space<hbm>>, %arg10: memref<400xi32, #tpu.memory_space<vmem>>, %arg11: memref<400xi32, #tpu.memory_space<vmem>>, %arg12: memref<400xi32, #tpu.memory_space<vmem>>, %arg13: memref<400xi32, #tpu.memory_space<vmem>>, %arg14: memref<400x64xf32, #tpu.memory_space<vmem>>, %arg15: memref<400x64xf32, #tpu.memory_space<vmem>>, %arg16: memref<400x64xf32, #tpu.memory_space<vmem>>, %arg17: memref<400x64xf32, #tpu.memory_space<vmem>>, %arg18: memref<400xi32, #tpu.memory_space<vmem>>, %arg19: memref<400xi32, #tpu.memory_space<vmem>>, %arg20: memref<400xi32, #tpu.memory_space<vmem>>, %arg21: memref<400xi32, #tpu.memory_space<vmem>>, %arg22: memref<!tpu.dma_semaphore, #tpu.memory_space<semaphore_mem>>, %arg23: memref<!tpu.dma_semaphore, #tpu.memory_space<semaphore_mem>>, %arg24: memref<!tpu.dma_semaphore, #tpu.memory_space<semaphore_mem>>, %arg25: memref<!tpu.dma_semaphore, #tpu.memory_space<semaphore_mem>>, %arg26: memref<!tpu.dma_semaphore, #tpu.memory_space<semaphore_mem>>, %arg27: memref<!tpu.dma_semaphore, #tpu.memory_space<semaphore_mem>>) attributes {dimension_semantics = [#tpu.dimension_semantics<core_parallel>, #tpu.dimension_semantics<subcore_parallel>], iteration_bounds = array<i64: 2, 16>, scalar_prefetch = 0 : i64, scratch_operands = 18 : i64, tpu.core_type = #tpu.core_type<sc_vector_subcore>, window_params = [{transform_indices = #map}, {transform_indices = #map}, {transform_indices = #map1}, {transform_indices = #map}, {transform_indices = #map1}, {transform_indices = #map1}, {transform_indices = #map}, {transform_indices = #map}]} {
    %mul3A = arith.constant 2 : i32
    %mul3A_0 = arith.muli %arg1, %mul3A : i32
    %add3A = arith.addi %mul3A_0, %arg0 : i32
    %mul3A_1 = arith.constant 2400 : i32
    %mul3A_2 = arith.muli %add3A, %mul3A_1 : i32
    %add3A_3 = arith.constant 0 : i32
    %add3A_4 = arith.addi %mul3A_2, %add3A_3 : i32
    %dma_start3A = tpu.memref_slice %arg2[%add3A_4] : memref<76800xi32, #tpu.memory_space<hbm>> -> memref<400xi32, #tpu.memory_space<hbm>>
    %dma_start3A_5 = tpu.memref_slice %arg2[%add3A_4] : memref<76800xi32, #tpu.memory_space<hbm>> -> memref<400xi32, #tpu.memory_space<hbm>>
    tpu.enqueue_dma source(%dma_start3A_5 : memref<400xi32, #tpu.memory_space<hbm>>) target(%arg10 : memref<400xi32, #tpu.memory_space<vmem>>) target_semaphore(%arg22 : memref<!tpu.dma_semaphore, #tpu.memory_space<semaphore_mem>>)
    %dma_start3A_6 = tpu.memref_slice %arg3[%add3A_4] : memref<76800xi32, #tpu.memory_space<hbm>> -> memref<400xi32, #tpu.memory_space<hbm>>
    %dma_start3A_7 = tpu.memref_slice %arg3[%add3A_4] : memref<76800xi32, #tpu.memory_space<hbm>> -> memref<400xi32, #tpu.memory_space<hbm>>
    tpu.enqueue_dma source(%dma_start3A_7 : memref<400xi32, #tpu.memory_space<hbm>>) target(%arg12 : memref<400xi32, #tpu.memory_space<vmem>>) target_semaphore(%arg22 : memref<!tpu.dma_semaphore, #tpu.memory_space<semaphore_mem>>)
    %dma_wait3A = arith.constant 0 : i32
    %dma_wait3A_8 = tpu.memref_slice %arg2[%dma_wait3A] : memref<76800xi32, #tpu.memory_space<hbm>> -> memref<400xi32, #tpu.memory_space<hbm>>
    %dma_wait3A_9 = arith.constant 0 : i32
    %dma_wait3A_10 = tpu.memref_slice %arg2[%dma_wait3A_9] : memref<76800xi32, #tpu.memory_space<hbm>> -> memref<400xi32, #tpu.memory_space<hbm>>
    tpu.wait_dma2 semaphore(%arg22 : memref<!tpu.dma_semaphore, #tpu.memory_space<semaphore_mem>>) src(%dma_wait3A_10 : memref<400xi32, #tpu.memory_space<hbm>>) dst(%arg10 : memref<400xi32, #tpu.memory_space<vmem>>)
    %dma_wait3A_11 = arith.constant 0 : i32
    %dma_wait3A_12 = tpu.memref_slice %arg3[%dma_wait3A_11] : memref<76800xi32, #tpu.memory_space<hbm>> -> memref<400xi32, #tpu.memory_space<hbm>>
    %dma_wait3A_13 = arith.constant 0 : i32
    %dma_wait3A_14 = tpu.memref_slice %arg3[%dma_wait3A_13] : memref<76800xi32, #tpu.memory_space<hbm>> -> memref<400xi32, #tpu.memory_space<hbm>>
    tpu.wait_dma2 semaphore(%arg22 : memref<!tpu.dma_semaphore, #tpu.memory_space<semaphore_mem>>) src(%dma_wait3A_14 : memref<400xi32, #tpu.memory_space<hbm>>) dst(%arg12 : memref<400xi32, #tpu.memory_space<vmem>>)
    %dma_start3A_15 = arith.constant 0 : i32
    %dma_start3A_16 = arith.constant 0 : i32
    %dma_start3A_17 = tpu.memref_slice %arg4[%dma_start3A_15, %dma_start3A_16] : memref<10000x64xf32, #tpu.memory_space<hbm>> -> memref<10000x64xf32, #tpu.memory_space<hbm>>
    tpu.enqueue_indirect_dma source(%dma_start3A_17 : memref<10000x64xf32, #tpu.memory_space<hbm>>) target(%arg14 : memref<400x64xf32, #tpu.memory_space<vmem>>) offsets(%arg10 : memref<400xi32, #tpu.memory_space<vmem>>) semaphore(%arg24 : memref<!tpu.dma_semaphore, #tpu.memory_space<semaphore_mem>>)
    %dma_start3A_18 = arith.constant 0 : i32
    %dma_start3A_19 = arith.constant 0 : i32
    %dma_start3A_20 = tpu.memref_slice %arg4[%dma_start3A_18, %dma_start3A_19] : memref<10000x64xf32, #tpu.memory_space<hbm>> -> memref<10000x64xf32, #tpu.memory_space<hbm>>
    tpu.enqueue_indirect_dma source(%dma_start3A_20 : memref<10000x64xf32, #tpu.memory_space<hbm>>) target(%arg16 : memref<400x64xf32, #tpu.memory_space<vmem>>) offsets(%arg12 : memref<400xi32, #tpu.memory_space<vmem>>) semaphore(%arg24 : memref<!tpu.dma_semaphore, #tpu.memory_space<semaphore_mem>>)
    %dma_start3A_21 = arith.constant 0 : i32
    %dma_start3A_22 = tpu.memref_slice %arg5[%dma_start3A_21] : memref<10000xi32, #tpu.memory_space<hbm>> -> memref<10000xi32, #tpu.memory_space<hbm>>
    tpu.enqueue_indirect_dma source(%dma_start3A_22 : memref<10000xi32, #tpu.memory_space<hbm>>) target(%arg18 : memref<400xi32, #tpu.memory_space<vmem>>) offsets(%arg10 : memref<400xi32, #tpu.memory_space<vmem>>) semaphore(%arg24 : memref<!tpu.dma_semaphore, #tpu.memory_space<semaphore_mem>>)
    %dma_start3A_23 = arith.constant 0 : i32
    %dma_start3A_24 = tpu.memref_slice %arg5[%dma_start3A_23] : memref<10000xi32, #tpu.memory_space<hbm>> -> memref<10000xi32, #tpu.memory_space<hbm>>
    tpu.enqueue_indirect_dma source(%dma_start3A_24 : memref<10000xi32, #tpu.memory_space<hbm>>) target(%arg20 : memref<400xi32, #tpu.memory_space<vmem>>) offsets(%arg12 : memref<400xi32, #tpu.memory_space<vmem>>) semaphore(%arg24 : memref<!tpu.dma_semaphore, #tpu.memory_space<semaphore_mem>>)
    %add3A_25 = arith.constant 400 : i32
    %add3A_26 = arith.addi %mul3A_2, %add3A_25 : i32
    %dma_start3A_27 = tpu.memref_slice %arg2[%add3A_26] : memref<76800xi32, #tpu.memory_space<hbm>> -> memref<400xi32, #tpu.memory_space<hbm>>
    %dma_start3A_28 = tpu.memref_slice %arg2[%add3A_26] : memref<76800xi32, #tpu.memory_space<hbm>> -> memref<400xi32, #tpu.memory_space<hbm>>
    tpu.enqueue_dma source(%dma_start3A_28 : memref<400xi32, #tpu.memory_space<hbm>>) target(%arg11 : memref<400xi32, #tpu.memory_space<vmem>>) target_semaphore(%arg23 : memref<!tpu.dma_semaphore, #tpu.memory_space<semaphore_mem>>)
    %dma_start3A_29 = tpu.memref_slice %arg3[%add3A_26] : memref<76800xi32, #tpu.memory_space<hbm>> -> memref<400xi32, #tpu.memory_space<hbm>>
    %dma_start3A_30 = tpu.memref_slice %arg3[%add3A_26] : memref<76800xi32, #tpu.memory_space<hbm>> -> memref<400xi32, #tpu.memory_space<hbm>>
    tpu.enqueue_dma source(%dma_start3A_30 : memref<400xi32, #tpu.memory_space<hbm>>) target(%arg13 : memref<400xi32, #tpu.memory_space<vmem>>) target_semaphore(%arg23 : memref<!tpu.dma_semaphore, #tpu.memory_space<semaphore_mem>>)
    %scan3A = arith.constant 0 : i32
    %scan3A_31 = arith.constant 0 : i32
    %scan3A_32 = arith.constant 3 : i32
    %scan3A_33 = arith.addi %scan3A_31, %scan3A_32 : i32
    %scan3A_34 = arith.constant 1 : i32
    scf.for %scan3A_76 = %scan3A_31 to %scan3A_33 step %scan3A_34  : i32 {
      %mul3A_77 = arith.constant 2 : i32
      %mul3A_78 = arith.muli %mul3A_77, %scan3A_76 : i32
      %dma_wait3A_79 = arith.constant 0 : i32
      %dma_wait3A_80 = arith.constant 0 : i32
      %dma_wait3A_81 = tpu.memref_slice %arg4[%dma_wait3A_79, %dma_wait3A_80] : memref<10000x64xf32, #tpu.memory_space<hbm>> -> memref<10000x64xf32, #tpu.memory_space<hbm>>
      tpu.wait_indirect_dma semaphore(%arg24 : memref<!tpu.dma_semaphore, #tpu.memory_space<semaphore_mem>>) src(%dma_wait3A_81 : memref<10000x64xf32, #tpu.memory_space<hbm>>) dst(%arg14 : memref<400x64xf32, #tpu.memory_space<vmem>>)
      %dma_wait3A_82 = arith.constant 0 : i32
      %dma_wait3A_83 = arith.constant 0 : i32
      %dma_wait3A_84 = tpu.memref_slice %arg4[%dma_wait3A_82, %dma_wait3A_83] : memref<10000x64xf32, #tpu.memory_space<hbm>> -> memref<10000x64xf32, #tpu.memory_space<hbm>>
      tpu.wait_indirect_dma semaphore(%arg24 : memref<!tpu.dma_semaphore, #tpu.memory_space<semaphore_mem>>) src(%dma_wait3A_84 : memref<10000x64xf32, #tpu.memory_space<hbm>>) dst(%arg16 : memref<400x64xf32, #tpu.memory_space<vmem>>)
      %dma_wait3A_85 = arith.constant 0 : i32
      %dma_wait3A_86 = tpu.memref_slice %arg5[%dma_wait3A_85] : memref<10000xi32, #tpu.memory_space<hbm>> -> memref<10000xi32, #tpu.memory_space<hbm>>
      tpu.wait_indirect_dma semaphore(%arg24 : memref<!tpu.dma_semaphore, #tpu.memory_space<semaphore_mem>>) src(%dma_wait3A_86 : memref<10000xi32, #tpu.memory_space<hbm>>) dst(%arg18 : memref<400xi32, #tpu.memory_space<vmem>>)
      %dma_wait3A_87 = arith.constant 0 : i32
      %dma_wait3A_88 = tpu.memref_slice %arg5[%dma_wait3A_87] : memref<10000xi32, #tpu.memory_space<hbm>> -> memref<10000xi32, #tpu.memory_space<hbm>>
      tpu.wait_indirect_dma semaphore(%arg24 : memref<!tpu.dma_semaphore, #tpu.memory_space<semaphore_mem>>) src(%dma_wait3A_88 : memref<10000xi32, #tpu.memory_space<hbm>>) dst(%arg20 : memref<400xi32, #tpu.memory_space<vmem>>)
      %mul3A_89 = arith.constant 400 : i32
      %mul3A_90 = arith.muli %mul3A_78, %mul3A_89 : i32
      %add3A_91 = arith.addi %mul3A_2, %mul3A_90 : i32
      %dma_start3A_92 = arith.constant 0 : i32
      %dma_start3A_93 = tpu.memref_slice %arg7[%add3A_91, %dma_start3A_92] : memref<76800x128xf32, #tpu.memory_space<hbm>> -> memref<400x64xf32, #tpu.memory_space<hbm>>
      %dma_start3A_94 = arith.constant 0 : i32
      %dma_start3A_95 = tpu.memref_slice %arg7[%add3A_91, %dma_start3A_94] : memref<76800x128xf32, #tpu.memory_space<hbm>> -> memref<400x64xf32, #tpu.memory_space<hbm>>
      tpu.enqueue_dma source(%arg14 : memref<400x64xf32, #tpu.memory_space<vmem>>) target(%dma_start3A_95 : memref<400x64xf32, #tpu.memory_space<hbm>>) target_semaphore(%arg26 : memref<!tpu.dma_semaphore, #tpu.memory_space<semaphore_mem>>)
      %dma_start3A_96 = arith.constant 64 : i32
      %dma_start3A_97 = tpu.memref_slice %arg7[%add3A_91, %dma_start3A_96] : memref<76800x128xf32, #tpu.memory_space<hbm>> -> memref<400x64xf32, #tpu.memory_space<hbm>>
      %dma_start3A_98 = arith.constant 64 : i32
      %dma_start3A_99 = tpu.memref_slice %arg7[%add3A_91, %dma_start3A_98] : memref<76800x128xf32, #tpu.memory_space<hbm>> -> memref<400x64xf32, #tpu.memory_space<hbm>>
      tpu.enqueue_dma source(%arg16 : memref<400x64xf32, #tpu.memory_space<vmem>>) target(%dma_start3A_99 : memref<400x64xf32, #tpu.memory_space<hbm>>) target_semaphore(%arg26 : memref<!tpu.dma_semaphore, #tpu.memory_space<semaphore_mem>>)
      %dma_start3A_100 = tpu.memref_slice %arg8[%add3A_91] : memref<76800xi32, #tpu.memory_space<hbm>> -> memref<400xi32, #tpu.memory_space<hbm>>
      %dma_start3A_101 = tpu.memref_slice %arg8[%add3A_91] : memref<76800xi32, #tpu.memory_space<hbm>> -> memref<400xi32, #tpu.memory_space<hbm>>
      tpu.enqueue_dma source(%arg18 : memref<400xi32, #tpu.memory_space<vmem>>) target(%dma_start3A_101 : memref<400xi32, #tpu.memory_space<hbm>>) target_semaphore(%arg26 : memref<!tpu.dma_semaphore, #tpu.memory_space<semaphore_mem>>)
      %dma_start3A_102 = tpu.memref_slice %arg9[%add3A_91] : memref<76800xi32, #tpu.memory_space<hbm>> -> memref<400xi32, #tpu.memory_space<hbm>>
      %dma_start3A_103 = tpu.memref_slice %arg9[%add3A_91] : memref<76800xi32, #tpu.memory_space<hbm>> -> memref<400xi32, #tpu.memory_space<hbm>>
      tpu.enqueue_dma source(%arg20 : memref<400xi32, #tpu.memory_space<vmem>>) target(%dma_start3A_103 : memref<400xi32, #tpu.memory_space<hbm>>) target_semaphore(%arg26 : memref<!tpu.dma_semaphore, #tpu.memory_space<semaphore_mem>>)
      %add3A_104 = arith.constant 2 : i32
      %add3A_105 = arith.addi %mul3A_78, %add3A_104 : i32
      %lt3A = arith.constant 6 : i32
      %lt3A_106 = arith.cmpi slt, %add3A_105, %lt3A : i32
      %convert_element_type3A = arith.extui %lt3A_106 : i1 to i32
      %cond3A = arith.constant 0 : i32
      %cond3A_107 = arith.cmpi ne, %convert_element_type3A, %cond3A : i32
      scf.if %cond3A_107 {
        %add3A_158 = arith.constant 2 : i32
        %add3A_159 = arith.addi %mul3A_78, %add3A_158 : i32
        %mul3A_160 = arith.constant 400 : i32
        %mul3A_161 = arith.muli %add3A_159, %mul3A_160 : i32
        %add3A_162 = arith.addi %mul3A_2, %mul3A_161 : i32
        %dma_start3A_163 = tpu.memref_slice %arg2[%add3A_162] : memref<76800xi32, #tpu.memory_space<hbm>> -> memref<400xi32, #tpu.memory_space<hbm>>
        %dma_start3A_164 = tpu.memref_slice %arg2[%add3A_162] : memref<76800xi32, #tpu.memory_space<hbm>> -> memref<400xi32, #tpu.memory_space<hbm>>
        tpu.enqueue_dma source(%dma_start3A_164 : memref<400xi32, #tpu.memory_space<hbm>>) target(%arg10 : memref<400xi32, #tpu.memory_space<vmem>>) target_semaphore(%arg22 : memref<!tpu.dma_semaphore, #tpu.memory_space<semaphore_mem>>)
        %dma_start3A_165 = tpu.memref_slice %arg3[%add3A_162] : memref<76800xi32, #tpu.memory_space<hbm>> -> memref<400xi32, #tpu.memory_space<hbm>>
        %dma_start3A_166 = tpu.memref_slice %arg3[%add3A_162] : memref<76800xi32, #tpu.memory_space<hbm>> -> memref<400xi32, #tpu.memory_space<hbm>>
        tpu.enqueue_dma source(%dma_start3A_166 : memref<400xi32, #tpu.memory_space<hbm>>) target(%arg12 : memref<400xi32, #tpu.memory_space<vmem>>) target_semaphore(%arg22 : memref<!tpu.dma_semaphore, #tpu.memory_space<semaphore_mem>>)
      } else {
      }
      %add3A_108 = arith.constant 1 : i32
      %add3A_109 = arith.addi %mul3A_78, %add3A_108 : i32
      %lt3A_110 = arith.constant 6 : i32
      %lt3A_111 = arith.cmpi slt, %add3A_109, %lt3A_110 : i32
      %convert_element_type3A_112 = arith.extui %lt3A_111 : i1 to i32
      %cond3A_113 = arith.constant 0 : i32
      %cond3A_114 = arith.cmpi ne, %convert_element_type3A_112, %cond3A_113 : i32
      scf.if %cond3A_114 {
        %dma_wait3A_158 = arith.constant 0 : i32
        %dma_wait3A_159 = tpu.memref_slice %arg2[%dma_wait3A_158] : memref<76800xi32, #tpu.memory_space<hbm>> -> memref<400xi32, #tpu.memory_space<hbm>>
        %dma_wait3A_160 = arith.constant 0 : i32
        %dma_wait3A_161 = tpu.memref_slice %arg2[%dma_wait3A_160] : memref<76800xi32, #tpu.memory_space<hbm>> -> memref<400xi32, #tpu.memory_space<hbm>>
        tpu.wait_dma2 semaphore(%arg23 : memref<!tpu.dma_semaphore, #tpu.memory_space<semaphore_mem>>) src(%dma_wait3A_161 : memref<400xi32, #tpu.memory_space<hbm>>) dst(%arg11 : memref<400xi32, #tpu.memory_space<vmem>>)
        %dma_wait3A_162 = arith.constant 0 : i32
        %dma_wait3A_163 = tpu.memref_slice %arg3[%dma_wait3A_162] : memref<76800xi32, #tpu.memory_space<hbm>> -> memref<400xi32, #tpu.memory_space<hbm>>
        %dma_wait3A_164 = arith.constant 0 : i32
        %dma_wait3A_165 = tpu.memref_slice %arg3[%dma_wait3A_164] : memref<76800xi32, #tpu.memory_space<hbm>> -> memref<400xi32, #tpu.memory_space<hbm>>
        tpu.wait_dma2 semaphore(%arg23 : memref<!tpu.dma_semaphore, #tpu.memory_space<semaphore_mem>>) src(%dma_wait3A_165 : memref<400xi32, #tpu.memory_space<hbm>>) dst(%arg13 : memref<400xi32, #tpu.memory_space<vmem>>)
        %ge3A = arith.constant 1 : i32
        %ge3A_166 = arith.cmpi sge, %mul3A_78, %ge3A : i32
        %convert_element_type3A_167 = arith.extui %ge3A_166 : i1 to i32
        %cond3A_168 = arith.constant 0 : i32
        %cond3A_169 = arith.cmpi ne, %convert_element_type3A_167, %cond3A_168 : i32
        scf.if %cond3A_169 {
          %dma_wait3A_180 = arith.constant 0 : i32
          %dma_wait3A_181 = arith.constant 0 : i32
          %dma_wait3A_182 = tpu.memref_slice %arg7[%dma_wait3A_180, %dma_wait3A_181] : memref<76800x128xf32, #tpu.memory_space<hbm>> -> memref<400x64xf32, #tpu.memory_space<hbm>>
          %dma_wait3A_183 = arith.constant 0 : i32
          %dma_wait3A_184 = arith.constant 0 : i32
          %dma_wait3A_185 = tpu.memref_slice %arg7[%dma_wait3A_183, %dma_wait3A_184] : memref<76800x128xf32, #tpu.memory_space<hbm>> -> memref<400x64xf32, #tpu.memory_space<hbm>>
          tpu.wait_dma2 semaphore(%arg27 : memref<!tpu.dma_semaphore, #tpu.memory_space<semaphore_mem>>) src(%arg15 : memref<400x64xf32, #tpu.memory_space<vmem>>) dst(%dma_wait3A_185 : memref<400x64xf32, #tpu.memory_space<hbm>>)
          %dma_wait3A_186 = arith.constant 0 : i32
          %dma_wait3A_187 = arith.constant 64 : i32
          %dma_wait3A_188 = tpu.memref_slice %arg7[%dma_wait3A_186, %dma_wait3A_187] : memref<76800x128xf32, #tpu.memory_space<hbm>> -> memref<400x64xf32, #tpu.memory_space<hbm>>
          %dma_wait3A_189 = arith.constant 0 : i32
          %dma_wait3A_190 = arith.constant 64 : i32
          %dma_wait3A_191 = tpu.memref_slice %arg7[%dma_wait3A_189, %dma_wait3A_190] : memref<76800x128xf32, #tpu.memory_space<hbm>> -> memref<400x64xf32, #tpu.memory_space<hbm>>
          tpu.wait_dma2 semaphore(%arg27 : memref<!tpu.dma_semaphore, #tpu.memory_space<semaphore_mem>>) src(%arg17 : memref<400x64xf32, #tpu.memory_space<vmem>>) dst(%dma_wait3A_191 : memref<400x64xf32, #tpu.memory_space<hbm>>)
          %dma_wait3A_192 = arith.constant 0 : i32
          %dma_wait3A_193 = tpu.memref_slice %arg8[%dma_wait3A_192] : memref<76800xi32, #tpu.memory_space<hbm>> -> memref<400xi32, #tpu.memory_space<hbm>>
          %dma_wait3A_194 = arith.constant 0 : i32
          %dma_wait3A_195 = tpu.memref_slice %arg8[%dma_wait3A_194] : memref<76800xi32, #tpu.memory_space<hbm>> -> memref<400xi32, #tpu.memory_space<hbm>>
          tpu.wait_dma2 semaphore(%arg27 : memref<!tpu.dma_semaphore, #tpu.memory_space<semaphore_mem>>) src(%arg19 : memref<400xi32, #tpu.memory_space<vmem>>) dst(%dma_wait3A_195 : memref<400xi32, #tpu.memory_space<hbm>>)
          %dma_wait3A_196 = arith.constant 0 : i32
          %dma_wait3A_197 = tpu.memref_slice %arg9[%dma_wait3A_196] : memref<76800xi32, #tpu.memory_space<hbm>> -> memref<400xi32, #tpu.memory_space<hbm>>
          %dma_wait3A_198 = arith.constant 0 : i32
          %dma_wait3A_199 = tpu.memref_slice %arg9[%dma_wait3A_198] : memref<76800xi32, #tpu.memory_space<hbm>> -> memref<400xi32, #tpu.memory_space<hbm>>
          tpu.wait_dma2 semaphore(%arg27 : memref<!tpu.dma_semaphore, #tpu.memory_space<semaphore_mem>>) src(%arg21 : memref<400xi32, #tpu.memory_space<vmem>>) dst(%dma_wait3A_199 : memref<400xi32, #tpu.memory_space<hbm>>)
        } else {
        }
        %dma_start3A_170 = arith.constant 0 : i32
        %dma_start3A_171 = arith.constant 0 : i32
        %dma_start3A_172 = tpu.memref_slice %arg4[%dma_start3A_170, %dma_start3A_171] : memref<10000x64xf32, #tpu.memory_space<hbm>> -> memref<10000x64xf32, #tpu.memory_space<hbm>>
        tpu.enqueue_indirect_dma source(%dma_start3A_172 : memref<10000x64xf32, #tpu.memory_space<hbm>>) target(%arg15 : memref<400x64xf32, #tpu.memory_space<vmem>>) offsets(%arg11 : memref<400xi32, #tpu.memory_space<vmem>>) semaphore(%arg25 : memref<!tpu.dma_semaphore, #tpu.memory_space<semaphore_mem>>)
        %dma_start3A_173 = arith.constant 0 : i32
        %dma_start3A_174 = arith.constant 0 : i32
        %dma_start3A_175 = tpu.memref_slice %arg4[%dma_start3A_173, %dma_start3A_174] : memref<10000x64xf32, #tpu.memory_space<hbm>> -> memref<10000x64xf32, #tpu.memory_space<hbm>>
        tpu.enqueue_indirect_dma source(%dma_start3A_175 : memref<10000x64xf32, #tpu.memory_space<hbm>>) target(%arg17 : memref<400x64xf32, #tpu.memory_space<vmem>>) offsets(%arg13 : memref<400xi32, #tpu.memory_space<vmem>>) semaphore(%arg25 : memref<!tpu.dma_semaphore, #tpu.memory_space<semaphore_mem>>)
        %dma_start3A_176 = arith.constant 0 : i32
        %dma_start3A_177 = tpu.memref_slice %arg5[%dma_start3A_176] : memref<10000xi32, #tpu.memory_space<hbm>> -> memref<10000xi32, #tpu.memory_space<hbm>>
        tpu.enqueue_indirect_dma source(%dma_start3A_177 : memref<10000xi32, #tpu.memory_space<hbm>>) target(%arg19 : memref<400xi32, #tpu.memory_space<vmem>>) offsets(%arg11 : memref<400xi32, #tpu.memory_space<vmem>>) semaphore(%arg25 : memref<!tpu.dma_semaphore, #tpu.memory_space<semaphore_mem>>)
        %dma_start3A_178 = arith.constant 0 : i32
        %dma_start3A_179 = tpu.memref_slice %arg5[%dma_start3A_178] : memref<10000xi32, #tpu.memory_space<hbm>> -> memref<10000xi32, #tpu.memory_space<hbm>>
        tpu.enqueue_indirect_dma source(%dma_start3A_179 : memref<10000xi32, #tpu.memory_space<hbm>>) target(%arg21 : memref<400xi32, #tpu.memory_space<vmem>>) offsets(%arg13 : memref<400xi32, #tpu.memory_space<vmem>>) semaphore(%arg25 : memref<!tpu.dma_semaphore, #tpu.memory_space<semaphore_mem>>)
      } else {
      }
      %mul3A_115 = arith.constant 2 : i32
      %mul3A_116 = arith.muli %mul3A_115, %scan3A_76 : i32
      %add3A_117 = arith.constant 1 : i32
      %add3A_118 = arith.addi %mul3A_116, %add3A_117 : i32
      %dma_wait3A_119 = arith.constant 0 : i32
      %dma_wait3A_120 = arith.constant 0 : i32
      %dma_wait3A_121 = tpu.memref_slice %arg4[%dma_wait3A_119, %dma_wait3A_120] : memref<10000x64xf32, #tpu.memory_space<hbm>> -> memref<10000x64xf32, #tpu.memory_space<hbm>>
      tpu.wait_indirect_dma semaphore(%arg25 : memref<!tpu.dma_semaphore, #tpu.memory_space<semaphore_mem>>) src(%dma_wait3A_121 : memref<10000x64xf32, #tpu.memory_space<hbm>>) dst(%arg15 : memref<400x64xf32, #tpu.memory_space<vmem>>)
      %dma_wait3A_122 = arith.constant 0 : i32
      %dma_wait3A_123 = arith.constant 0 : i32
      %dma_wait3A_124 = tpu.memref_slice %arg4[%dma_wait3A_122, %dma_wait3A_123] : memref<10000x64xf32, #tpu.memory_space<hbm>> -> memref<10000x64xf32, #tpu.memory_space<hbm>>
      tpu.wait_indirect_dma semaphore(%arg25 : memref<!tpu.dma_semaphore, #tpu.memory_space<semaphore_mem>>) src(%dma_wait3A_124 : memref<10000x64xf32, #tpu.memory_space<hbm>>) dst(%arg17 : memref<400x64xf32, #tpu.memory_space<vmem>>)
      %dma_wait3A_125 = arith.constant 0 : i32
      %dma_wait3A_126 = tpu.memref_slice %arg5[%dma_wait3A_125] : memref<10000xi32, #tpu.memory_space<hbm>> -> memref<10000xi32, #tpu.memory_space<hbm>>
      tpu.wait_indirect_dma semaphore(%arg25 : memref<!tpu.dma_semaphore, #tpu.memory_space<semaphore_mem>>) src(%dma_wait3A_126 : memref<10000xi32, #tpu.memory_space<hbm>>) dst(%arg19 : memref<400xi32, #tpu.memory_space<vmem>>)
      %dma_wait3A_127 = arith.constant 0 : i32
      %dma_wait3A_128 = tpu.memref_slice %arg5[%dma_wait3A_127] : memref<10000xi32, #tpu.memory_space<hbm>> -> memref<10000xi32, #tpu.memory_space<hbm>>
      tpu.wait_indirect_dma semaphore(%arg25 : memref<!tpu.dma_semaphore, #tpu.memory_space<semaphore_mem>>) src(%dma_wait3A_128 : memref<10000xi32, #tpu.memory_space<hbm>>) dst(%arg21 : memref<400xi32, #tpu.memory_space<vmem>>)
      %mul3A_129 = arith.constant 400 : i32
      %mul3A_130 = arith.muli %add3A_118, %mul3A_129 : i32
      %add3A_131 = arith.addi %mul3A_2, %mul3A_130 : i32
      %dma_start3A_132 = arith.constant 0 : i32
      %dma_start3A_133 = tpu.memref_slice %arg7[%add3A_131, %dma_start3A_132] : memref<76800x128xf32, #tpu.memory_space<hbm>> -> memref<400x64xf32, #tpu.memory_space<hbm>>
      %dma_start3A_134 = arith.constant 0 : i32
      %dma_start3A_135 = tpu.memref_slice %arg7[%add3A_131, %dma_start3A_134] : memref<76800x128xf32, #tpu.memory_space<hbm>> -> memref<400x64xf32, #tpu.memory_space<hbm>>
      tpu.enqueue_dma source(%arg15 : memref<400x64xf32, #tpu.memory_space<vmem>>) target(%dma_start3A_135 : memref<400x64xf32, #tpu.memory_space<hbm>>) target_semaphore(%arg27 : memref<!tpu.dma_semaphore, #tpu.memory_space<semaphore_mem>>)
      %dma_start3A_136 = arith.constant 64 : i32
      %dma_start3A_137 = tpu.memref_slice %arg7[%add3A_131, %dma_start3A_136] : memref<76800x128xf32, #tpu.memory_space<hbm>> -> memref<400x64xf32, #tpu.memory_space<hbm>>
      %dma_start3A_138 = arith.constant 64 : i32
      %dma_start3A_139 = tpu.memref_slice %arg7[%add3A_131, %dma_start3A_138] : memref<76800x128xf32, #tpu.memory_space<hbm>> -> memref<400x64xf32, #tpu.memory_space<hbm>>
      tpu.enqueue_dma source(%arg17 : memref<400x64xf32, #tpu.memory_space<vmem>>) target(%dma_start3A_139 : memref<400x64xf32, #tpu.memory_space<hbm>>) target_semaphore(%arg27 : memref<!tpu.dma_semaphore, #tpu.memory_space<semaphore_mem>>)
      %dma_start3A_140 = tpu.memref_slice %arg8[%add3A_131] : memref<76800xi32, #tpu.memory_space<hbm>> -> memref<400xi32, #tpu.memory_space<hbm>>
      %dma_start3A_141 = tpu.memref_slice %arg8[%add3A_131] : memref<76800xi32, #tpu.memory_space<hbm>> -> memref<400xi32, #tpu.memory_space<hbm>>
      tpu.enqueue_dma source(%arg19 : memref<400xi32, #tpu.memory_space<vmem>>) target(%dma_start3A_141 : memref<400xi32, #tpu.memory_space<hbm>>) target_semaphore(%arg27 : memref<!tpu.dma_semaphore, #tpu.memory_space<semaphore_mem>>)
      %dma_start3A_142 = tpu.memref_slice %arg9[%add3A_131] : memref<76800xi32, #tpu.memory_space<hbm>> -> memref<400xi32, #tpu.memory_space<hbm>>
      %dma_start3A_143 = tpu.memref_slice %arg9[%add3A_131] : memref<76800xi32, #tpu.memory_space<hbm>> -> memref<400xi32, #tpu.memory_space<hbm>>
      tpu.enqueue_dma source(%arg21 : memref<400xi32, #tpu.memory_space<vmem>>) target(%dma_start3A_143 : memref<400xi32, #tpu.memory_space<hbm>>) target_semaphore(%arg27 : memref<!tpu.dma_semaphore, #tpu.memory_space<semaphore_mem>>)
      %add3A_144 = arith.constant 2 : i32
      %add3A_145 = arith.addi %add3A_118, %add3A_144 : i32
      %lt3A_146 = arith.constant 6 : i32
      %lt3A_147 = arith.cmpi slt, %add3A_145, %lt3A_146 : i32
      %convert_element_type3A_148 = arith.extui %lt3A_147 : i1 to i32
      %cond3A_149 = arith.constant 0 : i32
      %cond3A_150 = arith.cmpi ne, %convert_element_type3A_148, %cond3A_149 : i32
      scf.if %cond3A_150 {
        %add3A_158 = arith.constant 2 : i32
        %add3A_159 = arith.addi %add3A_118, %add3A_158 : i32
        %mul3A_160 = arith.constant 400 : i32
        %mul3A_161 = arith.muli %add3A_159, %mul3A_160 : i32
        %add3A_162 = arith.addi %mul3A_2, %mul3A_161 : i32
        %dma_start3A_163 = tpu.memref_slice %arg2[%add3A_162] : memref<76800xi32, #tpu.memory_space<hbm>> -> memref<400xi32, #tpu.memory_space<hbm>>
        %dma_start3A_164 = tpu.memref_slice %arg2[%add3A_162] : memref<76800xi32, #tpu.memory_space<hbm>> -> memref<400xi32, #tpu.memory_space<hbm>>
        tpu.enqueue_dma source(%dma_start3A_164 : memref<400xi32, #tpu.memory_space<hbm>>) target(%arg11 : memref<400xi32, #tpu.memory_space<vmem>>) target_semaphore(%arg23 : memref<!tpu.dma_semaphore, #tpu.memory_space<semaphore_mem>>)
        %dma_start3A_165 = tpu.memref_slice %arg3[%add3A_162] : memref<76800xi32, #tpu.memory_space<hbm>> -> memref<400xi32, #tpu.memory_space<hbm>>
        %dma_start3A_166 = tpu.memref_slice %arg3[%add3A_162] : memref<76800xi32, #tpu.memory_space<hbm>> -> memref<400xi32, #tpu.memory_space<hbm>>
        tpu.enqueue_dma source(%dma_start3A_166 : memref<400xi32, #tpu.memory_space<hbm>>) target(%arg13 : memref<400xi32, #tpu.memory_space<vmem>>) target_semaphore(%arg23 : memref<!tpu.dma_semaphore, #tpu.memory_space<semaphore_mem>>)
      } else {
      }
      %add3A_151 = arith.constant 1 : i32
      %add3A_152 = arith.addi %add3A_118, %add3A_151 : i32
      %lt3A_153 = arith.constant 6 : i32
      %lt3A_154 = arith.cmpi slt, %add3A_152, %lt3A_153 : i32
      %convert_element_type3A_155 = arith.extui %lt3A_154 : i1 to i32
      %cond3A_156 = arith.constant 0 : i32
      %cond3A_157 = arith.cmpi ne, %convert_element_type3A_155, %cond3A_156 : i32
      scf.if %cond3A_157 {
        %dma_wait3A_158 = arith.constant 0 : i32
        %dma_wait3A_159 = tpu.memref_slice %arg2[%dma_wait3A_158] : memref<76800xi32, #tpu.memory_space<hbm>> -> memref<400xi32, #tpu.memory_space<hbm>>
        %dma_wait3A_160 = arith.constant 0 : i32
        %dma_wait3A_161 = tpu.memref_slice %arg2[%dma_wait3A_160] : memref<76800xi32, #tpu.memory_space<hbm>> -> memref<400xi32, #tpu.memory_space<hbm>>
        tpu.wait_dma2 semaphore(%arg22 : memref<!tpu.dma_semaphore, #tpu.memory_space<semaphore_mem>>) src(%dma_wait3A_161 : memref<400xi32, #tpu.memory_space<hbm>>) dst(%arg10 : memref<400xi32, #tpu.memory_space<vmem>>)
        %dma_wait3A_162 = arith.constant 0 : i32
        %dma_wait3A_163 = tpu.memref_slice %arg3[%dma_wait3A_162] : memref<76800xi32, #tpu.memory_space<hbm>> -> memref<400xi32, #tpu.memory_space<hbm>>
        %dma_wait3A_164 = arith.constant 0 : i32
        %dma_wait3A_165 = tpu.memref_slice %arg3[%dma_wait3A_164] : memref<76800xi32, #tpu.memory_space<hbm>> -> memref<400xi32, #tpu.memory_space<hbm>>
        tpu.wait_dma2 semaphore(%arg22 : memref<!tpu.dma_semaphore, #tpu.memory_space<semaphore_mem>>) src(%dma_wait3A_165 : memref<400xi32, #tpu.memory_space<hbm>>) dst(%arg12 : memref<400xi32, #tpu.memory_space<vmem>>)
        %ge3A = arith.constant 1 : i32
        %ge3A_166 = arith.cmpi sge, %add3A_118, %ge3A : i32
        %convert_element_type3A_167 = arith.extui %ge3A_166 : i1 to i32
        %cond3A_168 = arith.constant 0 : i32
        %cond3A_169 = arith.cmpi ne, %convert_element_type3A_167, %cond3A_168 : i32
        scf.if %cond3A_169 {
          %dma_wait3A_180 = arith.constant 0 : i32
          %dma_wait3A_181 = arith.constant 0 : i32
          %dma_wait3A_182 = tpu.memref_slice %arg7[%dma_wait3A_180, %dma_wait3A_181] : memref<76800x128xf32, #tpu.memory_space<hbm>> -> memref<400x64xf32, #tpu.memory_space<hbm>>
          %dma_wait3A_183 = arith.constant 0 : i32
          %dma_wait3A_184 = arith.constant 0 : i32
          %dma_wait3A_185 = tpu.memref_slice %arg7[%dma_wait3A_183, %dma_wait3A_184] : memref<76800x128xf32, #tpu.memory_space<hbm>> -> memref<400x64xf32, #tpu.memory_space<hbm>>
          tpu.wait_dma2 semaphore(%arg26 : memref<!tpu.dma_semaphore, #tpu.memory_space<semaphore_mem>>) src(%arg14 : memref<400x64xf32, #tpu.memory_space<vmem>>) dst(%dma_wait3A_185 : memref<400x64xf32, #tpu.memory_space<hbm>>)
          %dma_wait3A_186 = arith.constant 0 : i32
          %dma_wait3A_187 = arith.constant 64 : i32
          %dma_wait3A_188 = tpu.memref_slice %arg7[%dma_wait3A_186, %dma_wait3A_187] : memref<76800x128xf32, #tpu.memory_space<hbm>> -> memref<400x64xf32, #tpu.memory_space<hbm>>
          %dma_wait3A_189 = arith.constant 0 : i32
          %dma_wait3A_190 = arith.constant 64 : i32
          %dma_wait3A_191 = tpu.memref_slice %arg7[%dma_wait3A_189, %dma_wait3A_190] : memref<76800x128xf32, #tpu.memory_space<hbm>> -> memref<400x64xf32, #tpu.memory_space<hbm>>
          tpu.wait_dma2 semaphore(%arg26 : memref<!tpu.dma_semaphore, #tpu.memory_space<semaphore_mem>>) src(%arg16 : memref<400x64xf32, #tpu.memory_space<vmem>>) dst(%dma_wait3A_191 : memref<400x64xf32, #tpu.memory_space<hbm>>)
          %dma_wait3A_192 = arith.constant 0 : i32
          %dma_wait3A_193 = tpu.memref_slice %arg8[%dma_wait3A_192] : memref<76800xi32, #tpu.memory_space<hbm>> -> memref<400xi32, #tpu.memory_space<hbm>>
          %dma_wait3A_194 = arith.constant 0 : i32
          %dma_wait3A_195 = tpu.memref_slice %arg8[%dma_wait3A_194] : memref<76800xi32, #tpu.memory_space<hbm>> -> memref<400xi32, #tpu.memory_space<hbm>>
          tpu.wait_dma2 semaphore(%arg26 : memref<!tpu.dma_semaphore, #tpu.memory_space<semaphore_mem>>) src(%arg18 : memref<400xi32, #tpu.memory_space<vmem>>) dst(%dma_wait3A_195 : memref<400xi32, #tpu.memory_space<hbm>>)
          %dma_wait3A_196 = arith.constant 0 : i32
          %dma_wait3A_197 = tpu.memref_slice %arg9[%dma_wait3A_196] : memref<76800xi32, #tpu.memory_space<hbm>> -> memref<400xi32, #tpu.memory_space<hbm>>
          %dma_wait3A_198 = arith.constant 0 : i32
          %dma_wait3A_199 = tpu.memref_slice %arg9[%dma_wait3A_198] : memref<76800xi32, #tpu.memory_space<hbm>> -> memref<400xi32, #tpu.memory_space<hbm>>
          tpu.wait_dma2 semaphore(%arg26 : memref<!tpu.dma_semaphore, #tpu.memory_space<semaphore_mem>>) src(%arg20 : memref<400xi32, #tpu.memory_space<vmem>>) dst(%dma_wait3A_199 : memref<400xi32, #tpu.memory_space<hbm>>)
        } else {
        }
        %dma_start3A_170 = arith.constant 0 : i32
        %dma_start3A_171 = arith.constant 0 : i32
        %dma_start3A_172 = tpu.memref_slice %arg4[%dma_start3A_170, %dma_start3A_171] : memref<10000x64xf32, #tpu.memory_space<hbm>> -> memref<10000x64xf32, #tpu.memory_space<hbm>>
        tpu.enqueue_indirect_dma source(%dma_start3A_172 : memref<10000x64xf32, #tpu.memory_space<hbm>>) target(%arg14 : memref<400x64xf32, #tpu.memory_space<vmem>>) offsets(%arg10 : memref<400xi32, #tpu.memory_space<vmem>>) semaphore(%arg24 : memref<!tpu.dma_semaphore, #tpu.memory_space<semaphore_mem>>)
        %dma_start3A_173 = arith.constant 0 : i32
        %dma_start3A_174 = arith.constant 0 : i32
        %dma_start3A_175 = tpu.memref_slice %arg4[%dma_start3A_173, %dma_start3A_174] : memref<10000x64xf32, #tpu.memory_space<hbm>> -> memref<10000x64xf32, #tpu.memory_space<hbm>>
        tpu.enqueue_indirect_dma source(%dma_start3A_175 : memref<10000x64xf32, #tpu.memory_space<hbm>>) target(%arg16 : memref<400x64xf32, #tpu.memory_space<vmem>>) offsets(%arg12 : memref<400xi32, #tpu.memory_space<vmem>>) semaphore(%arg24 : memref<!tpu.dma_semaphore, #tpu.memory_space<semaphore_mem>>)
        %dma_start3A_176 = arith.constant 0 : i32
        %dma_start3A_177 = tpu.memref_slice %arg5[%dma_start3A_176] : memref<10000xi32, #tpu.memory_space<hbm>> -> memref<10000xi32, #tpu.memory_space<hbm>>
        tpu.enqueue_indirect_dma source(%dma_start3A_177 : memref<10000xi32, #tpu.memory_space<hbm>>) target(%arg18 : memref<400xi32, #tpu.memory_space<vmem>>) offsets(%arg10 : memref<400xi32, #tpu.memory_space<vmem>>) semaphore(%arg24 : memref<!tpu.dma_semaphore, #tpu.memory_space<semaphore_mem>>)
        %dma_start3A_178 = arith.constant 0 : i32
        %dma_start3A_179 = tpu.memref_slice %arg5[%dma_start3A_178] : memref<10000xi32, #tpu.memory_space<hbm>> -> memref<10000xi32, #tpu.memory_space<hbm>>
        tpu.enqueue_indirect_dma source(%dma_start3A_179 : memref<10000xi32, #tpu.memory_space<hbm>>) target(%arg20 : memref<400xi32, #tpu.memory_space<vmem>>) offsets(%arg12 : memref<400xi32, #tpu.memory_space<vmem>>) semaphore(%arg24 : memref<!tpu.dma_semaphore, #tpu.memory_space<semaphore_mem>>)
      } else {
      }
    }
    %scan3A_35 = arith.constant 3 : i32
    %dma_wait3A_36 = arith.constant 0 : i32
    %dma_wait3A_37 = arith.constant 0 : i32
    %dma_wait3A_38 = tpu.memref_slice %arg7[%dma_wait3A_36, %dma_wait3A_37] : memref<76800x128xf32, #tpu.memory_space<hbm>> -> memref<400x64xf32, #tpu.memory_space<hbm>>
    %dma_wait3A_39 = arith.constant 0 : i32
    %dma_wait3A_40 = arith.constant 0 : i32
    %dma_wait3A_41 = tpu.memref_slice %arg7[%dma_wait3A_39, %dma_wait3A_40] : memref<76800x128xf32, #tpu.memory_space<hbm>> -> memref<400x64xf32, #tpu.memory_space<hbm>>
    tpu.wait_dma2 semaphore(%arg26 : memref<!tpu.dma_semaphore, #tpu.memory_space<semaphore_mem>>) src(%arg14 : memref<400x64xf32, #tpu.memory_space<vmem>>) dst(%dma_wait3A_41 : memref<400x64xf32, #tpu.memory_space<hbm>>)
    %dma_wait3A_42 = arith.constant 0 : i32
    %dma_wait3A_43 = arith.constant 64 : i32
    %dma_wait3A_44 = tpu.memref_slice %arg7[%dma_wait3A_42, %dma_wait3A_43] : memref<76800x128xf32, #tpu.memory_space<hbm>> -> memref<400x64xf32, #tpu.memory_space<hbm>>
    %dma_wait3A_45 = arith.constant 0 : i32
    %dma_wait3A_46 = arith.constant 64 : i32
    %dma_wait3A_47 = tpu.memref_slice %arg7[%dma_wait3A_45, %dma_wait3A_46] : memref<76800x128xf32, #tpu.memory_space<hbm>> -> memref<400x64xf32, #tpu.memory_space<hbm>>
    tpu.wait_dma2 semaphore(%arg26 : memref<!tpu.dma_semaphore, #tpu.memory_space<semaphore_mem>>) src(%arg16 : memref<400x64xf32, #tpu.memory_space<vmem>>) dst(%dma_wait3A_47 : memref<400x64xf32, #tpu.memory_space<hbm>>)
    %dma_wait3A_48 = arith.constant 0 : i32
    %dma_wait3A_49 = tpu.memref_slice %arg8[%dma_wait3A_48] : memref<76800xi32, #tpu.memory_space<hbm>> -> memref<400xi32, #tpu.memory_space<hbm>>
    %dma_wait3A_50 = arith.constant 0 : i32
    %dma_wait3A_51 = tpu.memref_slice %arg8[%dma_wait3A_50] : memref<76800xi32, #tpu.memory_space<hbm>> -> memref<400xi32, #tpu.memory_space<hbm>>
    tpu.wait_dma2 semaphore(%arg26 : memref<!tpu.dma_semaphore, #tpu.memory_space<semaphore_mem>>) src(%arg18 : memref<400xi32, #tpu.memory_space<vmem>>) dst(%dma_wait3A_51 : memref<400xi32, #tpu.memory_space<hbm>>)
    %dma_wait3A_52 = arith.constant 0 : i32
    %dma_wait3A_53 = tpu.memref_slice %arg9[%dma_wait3A_52] : memref<76800xi32, #tpu.memory_space<hbm>> -> memref<400xi32, #tpu.memory_space<hbm>>
    %dma_wait3A_54 = arith.constant 0 : i32
    %dma_wait3A_55 = tpu.memref_slice %arg9[%dma_wait3A_54] : memref<76800xi32, #tpu.memory_space<hbm>> -> memref<400xi32, #tpu.memory_space<hbm>>
    tpu.wait_dma2 semaphore(%arg26 : memref<!tpu.dma_semaphore, #tpu.memory_space<semaphore_mem>>) src(%arg20 : memref<400xi32, #tpu.memory_space<vmem>>) dst(%dma_wait3A_55 : memref<400xi32, #tpu.memory_space<hbm>>)
    %dma_wait3A_56 = arith.constant 0 : i32
    %dma_wait3A_57 = arith.constant 0 : i32
    %dma_wait3A_58 = tpu.memref_slice %arg7[%dma_wait3A_56, %dma_wait3A_57] : memref<76800x128xf32, #tpu.memory_space<hbm>> -> memref<400x64xf32, #tpu.memory_space<hbm>>
    %dma_wait3A_59 = arith.constant 0 : i32
    %dma_wait3A_60 = arith.constant 0 : i32
    %dma_wait3A_61 = tpu.memref_slice %arg7[%dma_wait3A_59, %dma_wait3A_60] : memref<76800x128xf32, #tpu.memory_space<hbm>> -> memref<400x64xf32, #tpu.memory_space<hbm>>
    tpu.wait_dma2 semaphore(%arg27 : memref<!tpu.dma_semaphore, #tpu.memory_space<semaphore_mem>>) src(%arg15 : memref<400x64xf32, #tpu.memory_space<vmem>>) dst(%dma_wait3A_61 : memref<400x64xf32, #tpu.memory_space<hbm>>)
    %dma_wait3A_62 = arith.constant 0 : i32
    %dma_wait3A_63 = arith.constant 64 : i32
    %dma_wait3A_64 = tpu.memref_slice %arg7[%dma_wait3A_62, %dma_wait3A_63] : memref<76800x128xf32, #tpu.memory_space<hbm>> -> memref<400x64xf32, #tpu.memory_space<hbm>>
    %dma_wait3A_65 = arith.constant 0 : i32
    %dma_wait3A_66 = arith.constant 64 : i32
    %dma_wait3A_67 = tpu.memref_slice %arg7[%dma_wait3A_65, %dma_wait3A_66] : memref<76800x128xf32, #tpu.memory_space<hbm>> -> memref<400x64xf32, #tpu.memory_space<hbm>>
    tpu.wait_dma2 semaphore(%arg27 : memref<!tpu.dma_semaphore, #tpu.memory_space<semaphore_mem>>) src(%arg17 : memref<400x64xf32, #tpu.memory_space<vmem>>) dst(%dma_wait3A_67 : memref<400x64xf32, #tpu.memory_space<hbm>>)
    %dma_wait3A_68 = arith.constant 0 : i32
    %dma_wait3A_69 = tpu.memref_slice %arg8[%dma_wait3A_68] : memref<76800xi32, #tpu.memory_space<hbm>> -> memref<400xi32, #tpu.memory_space<hbm>>
    %dma_wait3A_70 = arith.constant 0 : i32
    %dma_wait3A_71 = tpu.memref_slice %arg8[%dma_wait3A_70] : memref<76800xi32, #tpu.memory_space<hbm>> -> memref<400xi32, #tpu.memory_space<hbm>>
    tpu.wait_dma2 semaphore(%arg27 : memref<!tpu.dma_semaphore, #tpu.memory_space<semaphore_mem>>) src(%arg19 : memref<400xi32, #tpu.memory_space<vmem>>) dst(%dma_wait3A_71 : memref<400xi32, #tpu.memory_space<hbm>>)
    %dma_wait3A_72 = arith.constant 0 : i32
    %dma_wait3A_73 = tpu.memref_slice %arg9[%dma_wait3A_72] : memref<76800xi32, #tpu.memory_space<hbm>> -> memref<400xi32, #tpu.memory_space<hbm>>
    %dma_wait3A_74 = arith.constant 0 : i32
    %dma_wait3A_75 = tpu.memref_slice %arg9[%dma_wait3A_74] : memref<76800xi32, #tpu.memory_space<hbm>> -> memref<400xi32, #tpu.memory_space<hbm>>
    tpu.wait_dma2 semaphore(%arg27 : memref<!tpu.dma_semaphore, #tpu.memory_space<semaphore_mem>>) src(%arg21 : memref<400xi32, #tpu.memory_space<vmem>>) dst(%dma_wait3A_75 : memref<400xi32, #tpu.memory_space<hbm>>)
    return
  }
}

#map = affine_map<(d0, d1) -> (0)>
#map1 = affine_map<(d0, d1) -> (0, 0)>
module attributes {stable_mosaic.version = 14 : i64} {
  func.func @sc_gather(%arg0: i32, %arg1: i32, %arg2: memref<76800xi32, #tpu.memory_space<hbm>>, %arg3: memref<76800xi32, #tpu.memory_space<hbm>>, %arg4: memref<10000x64xf32, #tpu.memory_space<hbm>>, %arg5: memref<10000xi32, #tpu.memory_space<hbm>>, %arg6: memref<1x1xf32, #tpu.memory_space<hbm>>, %arg7: memref<76800x128xf32, #tpu.memory_space<hbm>>, %arg8: memref<76800xi32, #tpu.memory_space<hbm>>, %arg9: memref<76800xi32, #tpu.memory_space<hbm>>, %arg10: memref<400xi32, #tpu.memory_space<vmem>>, %arg11: memref<400xi32, #tpu.memory_space<vmem>>, %arg12: memref<400xi32, #tpu.memory_space<vmem>>, %arg13: memref<400xi32, #tpu.memory_space<vmem>>, %arg14: memref<400x64xf32, #tpu.memory_space<vmem>>, %arg15: memref<400x64xf32, #tpu.memory_space<vmem>>, %arg16: memref<400x64xf32, #tpu.memory_space<vmem>>, %arg17: memref<400x64xf32, #tpu.memory_space<vmem>>, %arg18: memref<400xi32, #tpu.memory_space<vmem>>, %arg19: memref<400xi32, #tpu.memory_space<vmem>>, %arg20: memref<400xi32, #tpu.memory_space<vmem>>, %arg21: memref<400xi32, #tpu.memory_space<vmem>>, %arg22: memref<!tpu.dma_semaphore, #tpu.memory_space<semaphore_mem>>, %arg23: memref<!tpu.dma_semaphore, #tpu.memory_space<semaphore_mem>>, %arg24: memref<!tpu.dma_semaphore, #tpu.memory_space<semaphore_mem>>, %arg25: memref<!tpu.dma_semaphore, #tpu.memory_space<semaphore_mem>>, %arg26: memref<!tpu.dma_semaphore, #tpu.memory_space<semaphore_mem>>, %arg27: memref<!tpu.dma_semaphore, #tpu.memory_space<semaphore_mem>>) attributes {dimension_semantics = [#tpu.dimension_semantics<core_parallel>, #tpu.dimension_semantics<subcore_parallel>], iteration_bounds = array<i64: 2, 16>, scalar_prefetch = 0 : i64, scratch_operands = 18 : i64, tpu.core_type = #tpu.core_type<sc_vector_subcore>, window_params = [{transform_indices = #map}, {transform_indices = #map}, {transform_indices = #map1}, {transform_indices = #map}, {transform_indices = #map1}, {transform_indices = #map1}, {transform_indices = #map}, {transform_indices = #map}]} {
    %mul3A = arith.constant 2 : i32
    %mul3A_0 = arith.muli %arg1, %mul3A : i32
    %add3A = arith.addi %mul3A_0, %arg0 : i32
    %mul3A_1 = arith.constant 2400 : i32
    %mul3A_2 = arith.muli %add3A, %mul3A_1 : i32
    %add3A_3 = arith.constant 0 : i32
    %add3A_4 = arith.addi %mul3A_2, %add3A_3 : i32
    %dma_start3A = tpu.memref_slice %arg2[%add3A_4] : memref<76800xi32, #tpu.memory_space<hbm>> -> memref<400xi32, #tpu.memory_space<hbm>>
    %dma_start3A_5 = tpu.memref_slice %arg2[%add3A_4] : memref<76800xi32, #tpu.memory_space<hbm>> -> memref<400xi32, #tpu.memory_space<hbm>>
    tpu.enqueue_dma source(%dma_start3A_5 : memref<400xi32, #tpu.memory_space<hbm>>) target(%arg10 : memref<400xi32, #tpu.memory_space<vmem>>) target_semaphore(%arg22 : memref<!tpu.dma_semaphore, #tpu.memory_space<semaphore_mem>>)
    %dma_start3A_6 = tpu.memref_slice %arg3[%add3A_4] : memref<76800xi32, #tpu.memory_space<hbm>> -> memref<400xi32, #tpu.memory_space<hbm>>
    %dma_start3A_7 = tpu.memref_slice %arg3[%add3A_4] : memref<76800xi32, #tpu.memory_space<hbm>> -> memref<400xi32, #tpu.memory_space<hbm>>
    tpu.enqueue_dma source(%dma_start3A_7 : memref<400xi32, #tpu.memory_space<hbm>>) target(%arg12 : memref<400xi32, #tpu.memory_space<vmem>>) target_semaphore(%arg22 : memref<!tpu.dma_semaphore, #tpu.memory_space<semaphore_mem>>)
    %dma_wait3A = arith.constant 0 : i32
    %dma_wait3A_8 = tpu.memref_slice %arg2[%dma_wait3A] : memref<76800xi32, #tpu.memory_space<hbm>> -> memref<400xi32, #tpu.memory_space<hbm>>
    %dma_wait3A_9 = arith.constant 0 : i32
    %dma_wait3A_10 = tpu.memref_slice %arg2[%dma_wait3A_9] : memref<76800xi32, #tpu.memory_space<hbm>> -> memref<400xi32, #tpu.memory_space<hbm>>
    tpu.wait_dma2 semaphore(%arg22 : memref<!tpu.dma_semaphore, #tpu.memory_space<semaphore_mem>>) src(%dma_wait3A_10 : memref<400xi32, #tpu.memory_space<hbm>>) dst(%arg10 : memref<400xi32, #tpu.memory_space<vmem>>)
    %dma_wait3A_11 = arith.constant 0 : i32
    %dma_wait3A_12 = tpu.memref_slice %arg3[%dma_wait3A_11] : memref<76800xi32, #tpu.memory_space<hbm>> -> memref<400xi32, #tpu.memory_space<hbm>>
    %dma_wait3A_13 = arith.constant 0 : i32
    %dma_wait3A_14 = tpu.memref_slice %arg3[%dma_wait3A_13] : memref<76800xi32, #tpu.memory_space<hbm>> -> memref<400xi32, #tpu.memory_space<hbm>>
    tpu.wait_dma2 semaphore(%arg22 : memref<!tpu.dma_semaphore, #tpu.memory_space<semaphore_mem>>) src(%dma_wait3A_14 : memref<400xi32, #tpu.memory_space<hbm>>) dst(%arg12 : memref<400xi32, #tpu.memory_space<vmem>>)
    %dma_start3A_15 = arith.constant 0 : i32
    %dma_start3A_16 = arith.constant 0 : i32
    %dma_start3A_17 = tpu.memref_slice %arg4[%dma_start3A_15, %dma_start3A_16] : memref<10000x64xf32, #tpu.memory_space<hbm>> -> memref<10000x64xf32, #tpu.memory_space<hbm>>
    tpu.enqueue_indirect_dma source(%dma_start3A_17 : memref<10000x64xf32, #tpu.memory_space<hbm>>) target(%arg14 : memref<400x64xf32, #tpu.memory_space<vmem>>) offsets(%arg10 : memref<400xi32, #tpu.memory_space<vmem>>) semaphore(%arg24 : memref<!tpu.dma_semaphore, #tpu.memory_space<semaphore_mem>>)
    %dma_start3A_18 = arith.constant 0 : i32
    %dma_start3A_19 = arith.constant 0 : i32
    %dma_start3A_20 = tpu.memref_slice %arg4[%dma_start3A_18, %dma_start3A_19] : memref<10000x64xf32, #tpu.memory_space<hbm>> -> memref<10000x64xf32, #tpu.memory_space<hbm>>
    tpu.enqueue_indirect_dma source(%dma_start3A_20 : memref<10000x64xf32, #tpu.memory_space<hbm>>) target(%arg16 : memref<400x64xf32, #tpu.memory_space<vmem>>) offsets(%arg12 : memref<400xi32, #tpu.memory_space<vmem>>) semaphore(%arg24 : memref<!tpu.dma_semaphore, #tpu.memory_space<semaphore_mem>>)
    %dma_start3A_21 = arith.constant 0 : i32
    %dma_start3A_22 = tpu.memref_slice %arg5[%dma_start3A_21] : memref<10000xi32, #tpu.memory_space<hbm>> -> memref<10000xi32, #tpu.memory_space<hbm>>
    tpu.enqueue_indirect_dma source(%dma_start3A_22 : memref<10000xi32, #tpu.memory_space<hbm>>) target(%arg18 : memref<400xi32, #tpu.memory_space<vmem>>) offsets(%arg10 : memref<400xi32, #tpu.memory_space<vmem>>) semaphore(%arg24 : memref<!tpu.dma_semaphore, #tpu.memory_space<semaphore_mem>>)
    %dma_start3A_23 = arith.constant 0 : i32
    %dma_start3A_24 = tpu.memref_slice %arg5[%dma_start3A_23] : memref<10000xi32, #tpu.memory_space<hbm>> -> memref<10000xi32, #tpu.memory_space<hbm>>
    tpu.enqueue_indirect_dma source(%dma_start3A_24 : memref<10000xi32, #tpu.memory_space<hbm>>) target(%arg20 : memref<400xi32, #tpu.memory_space<vmem>>) offsets(%arg12 : memref<400xi32, #tpu.memory_space<vmem>>) semaphore(%arg24 : memref<!tpu.dma_semaphore, #tpu.memory_space<semaphore_mem>>)
    %add3A_25 = arith.constant 400 : i32
    %add3A_26 = arith.addi %mul3A_2, %add3A_25 : i32
    %dma_start3A_27 = tpu.memref_slice %arg2[%add3A_26] : memref<76800xi32, #tpu.memory_space<hbm>> -> memref<400xi32, #tpu.memory_space<hbm>>
    %dma_start3A_28 = tpu.memref_slice %arg2[%add3A_26] : memref<76800xi32, #tpu.memory_space<hbm>> -> memref<400xi32, #tpu.memory_space<hbm>>
    tpu.enqueue_dma source(%dma_start3A_28 : memref<400xi32, #tpu.memory_space<hbm>>) target(%arg11 : memref<400xi32, #tpu.memory_space<vmem>>) target_semaphore(%arg23 : memref<!tpu.dma_semaphore, #tpu.memory_space<semaphore_mem>>)
    %dma_start3A_29 = tpu.memref_slice %arg3[%add3A_26] : memref<76800xi32, #tpu.memory_space<hbm>> -> memref<400xi32, #tpu.memory_space<hbm>>
    %dma_start3A_30 = tpu.memref_slice %arg3[%add3A_26] : memref<76800xi32, #tpu.memory_space<hbm>> -> memref<400xi32, #tpu.memory_space<hbm>>
    tpu.enqueue_dma source(%dma_start3A_30 : memref<400xi32, #tpu.memory_space<hbm>>) target(%arg13 : memref<400xi32, #tpu.memory_space<vmem>>) target_semaphore(%arg23 : memref<!tpu.dma_semaphore, #tpu.memory_space<semaphore_mem>>)
    %scan3A = arith.constant 0 : i32
    %scan3A_31 = arith.constant 0 : i32
    %scan3A_32 = arith.constant 3 : i32
    %scan3A_33 = arith.addi %scan3A_31, %scan3A_32 : i32
    %scan3A_34 = arith.constant 1 : i32
    scf.for %scan3A_76 = %scan3A_31 to %scan3A_33 step %scan3A_34  : i32 {
      %mul3A_77 = arith.constant 2 : i32
      %mul3A_78 = arith.muli %mul3A_77, %scan3A_76 : i32
      %dma_wait3A_79 = arith.constant 0 : i32
      %dma_wait3A_80 = arith.constant 0 : i32
      %dma_wait3A_81 = tpu.memref_slice %arg4[%dma_wait3A_79, %dma_wait3A_80] : memref<10000x64xf32, #tpu.memory_space<hbm>> -> memref<10000x64xf32, #tpu.memory_space<hbm>>
      tpu.wait_indirect_dma semaphore(%arg24 : memref<!tpu.dma_semaphore, #tpu.memory_space<semaphore_mem>>) src(%dma_wait3A_81 : memref<10000x64xf32, #tpu.memory_space<hbm>>) dst(%arg14 : memref<400x64xf32, #tpu.memory_space<vmem>>)
      %dma_wait3A_82 = arith.constant 0 : i32
      %dma_wait3A_83 = arith.constant 0 : i32
      %dma_wait3A_84 = tpu.memref_slice %arg4[%dma_wait3A_82, %dma_wait3A_83] : memref<10000x64xf32, #tpu.memory_space<hbm>> -> memref<10000x64xf32, #tpu.memory_space<hbm>>
      tpu.wait_indirect_dma semaphore(%arg24 : memref<!tpu.dma_semaphore, #tpu.memory_space<semaphore_mem>>) src(%dma_wait3A_84 : memref<10000x64xf32, #tpu.memory_space<hbm>>) dst(%arg16 : memref<400x64xf32, #tpu.memory_space<vmem>>)
      %dma_wait3A_85 = arith.constant 0 : i32
      %dma_wait3A_86 = tpu.memref_slice %arg5[%dma_wait3A_85] : memref<10000xi32, #tpu.memory_space<hbm>> -> memref<10000xi32, #tpu.memory_space<hbm>>
      tpu.wait_indirect_dma semaphore(%arg24 : memref<!tpu.dma_semaphore, #tpu.memory_space<semaphore_mem>>) src(%dma_wait3A_86 : memref<10000xi32, #tpu.memory_space<hbm>>) dst(%arg18 : memref<400xi32, #tpu.memory_space<vmem>>)
      %dma_wait3A_87 = arith.constant 0 : i32
      %dma_wait3A_88 = tpu.memref_slice %arg5[%dma_wait3A_87] : memref<10000xi32, #tpu.memory_space<hbm>> -> memref<10000xi32, #tpu.memory_space<hbm>>
      tpu.wait_indirect_dma semaphore(%arg24 : memref<!tpu.dma_semaphore, #tpu.memory_space<semaphore_mem>>) src(%dma_wait3A_88 : memref<10000xi32, #tpu.memory_space<hbm>>) dst(%arg20 : memref<400xi32, #tpu.memory_space<vmem>>)
      %mul3A_89 = arith.constant 400 : i32
      %mul3A_90 = arith.muli %mul3A_78, %mul3A_89 : i32
      %add3A_91 = arith.addi %mul3A_2, %mul3A_90 : i32
      %dma_start3A_92 = arith.constant 0 : i32
      %dma_start3A_93 = tpu.memref_slice %arg7[%add3A_91, %dma_start3A_92] : memref<76800x128xf32, #tpu.memory_space<hbm>> -> memref<400x64xf32, #tpu.memory_space<hbm>>
      %dma_start3A_94 = arith.constant 0 : i32
      %dma_start3A_95 = tpu.memref_slice %arg7[%add3A_91, %dma_start3A_94] : memref<76800x128xf32, #tpu.memory_space<hbm>> -> memref<400x64xf32, #tpu.memory_space<hbm>>
      tpu.enqueue_dma source(%arg14 : memref<400x64xf32, #tpu.memory_space<vmem>>) target(%dma_start3A_95 : memref<400x64xf32, #tpu.memory_space<hbm>>) target_semaphore(%arg26 : memref<!tpu.dma_semaphore, #tpu.memory_space<semaphore_mem>>)
      %dma_start3A_96 = arith.constant 64 : i32
      %dma_start3A_97 = tpu.memref_slice %arg7[%add3A_91, %dma_start3A_96] : memref<76800x128xf32, #tpu.memory_space<hbm>> -> memref<400x64xf32, #tpu.memory_space<hbm>>
      %dma_start3A_98 = arith.constant 64 : i32
      %dma_start3A_99 = tpu.memref_slice %arg7[%add3A_91, %dma_start3A_98] : memref<76800x128xf32, #tpu.memory_space<hbm>> -> memref<400x64xf32, #tpu.memory_space<hbm>>
      tpu.enqueue_dma source(%arg16 : memref<400x64xf32, #tpu.memory_space<vmem>>) target(%dma_start3A_99 : memref<400x64xf32, #tpu.memory_space<hbm>>) target_semaphore(%arg26 : memref<!tpu.dma_semaphore, #tpu.memory_space<semaphore_mem>>)
      %dma_start3A_100 = tpu.memref_slice %arg8[%add3A_91] : memref<76800xi32, #tpu.memory_space<hbm>> -> memref<400xi32, #tpu.memory_space<hbm>>
      %dma_start3A_101 = tpu.memref_slice %arg8[%add3A_91] : memref<76800xi32, #tpu.memory_space<hbm>> -> memref<400xi32, #tpu.memory_space<hbm>>
      tpu.enqueue_dma source(%arg18 : memref<400xi32, #tpu.memory_space<vmem>>) target(%dma_start3A_101 : memref<400xi32, #tpu.memory_space<hbm>>) target_semaphore(%arg26 : memref<!tpu.dma_semaphore, #tpu.memory_space<semaphore_mem>>)
      %dma_start3A_102 = tpu.memref_slice %arg9[%add3A_91] : memref<76800xi32, #tpu.memory_space<hbm>> -> memref<400xi32, #tpu.memory_space<hbm>>
      %dma_start3A_103 = tpu.memref_slice %arg9[%add3A_91] : memref<76800xi32, #tpu.memory_space<hbm>> -> memref<400xi32, #tpu.memory_space<hbm>>
      tpu.enqueue_dma source(%arg20 : memref<400xi32, #tpu.memory_space<vmem>>) target(%dma_start3A_103 : memref<400xi32, #tpu.memory_space<hbm>>) target_semaphore(%arg26 : memref<!tpu.dma_semaphore, #tpu.memory_space<semaphore_mem>>)
      %add3A_104 = arith.constant 2 : i32
      %add3A_105 = arith.addi %mul3A_78, %add3A_104 : i32
      %lt3A = arith.constant 6 : i32
      %lt3A_106 = arith.cmpi slt, %add3A_105, %lt3A : i32
      %convert_element_type3A = arith.extui %lt3A_106 : i1 to i32
      %cond3A = arith.constant 0 : i32
      %cond3A_107 = arith.cmpi ne, %convert_element_type3A, %cond3A : i32
      scf.if %cond3A_107 {
        %add3A_158 = arith.constant 2 : i32
        %add3A_159 = arith.addi %mul3A_78, %add3A_158 : i32
        %mul3A_160 = arith.constant 400 : i32
        %mul3A_161 = arith.muli %add3A_159, %mul3A_160 : i32
        %add3A_162 = arith.addi %mul3A_2, %mul3A_161 : i32
        %dma_start3A_163 = tpu.memref_slice %arg2[%add3A_162] : memref<76800xi32, #tpu.memory_space<hbm>> -> memref<400xi32, #tpu.memory_space<hbm>>
        %dma_start3A_164 = tpu.memref_slice %arg2[%add3A_162] : memref<76800xi32, #tpu.memory_space<hbm>> -> memref<400xi32, #tpu.memory_space<hbm>>
        tpu.enqueue_dma source(%dma_start3A_164 : memref<400xi32, #tpu.memory_space<hbm>>) target(%arg10 : memref<400xi32, #tpu.memory_space<vmem>>) target_semaphore(%arg22 : memref<!tpu.dma_semaphore, #tpu.memory_space<semaphore_mem>>)
        %dma_start3A_165 = tpu.memref_slice %arg3[%add3A_162] : memref<76800xi32, #tpu.memory_space<hbm>> -> memref<400xi32, #tpu.memory_space<hbm>>
        %dma_start3A_166 = tpu.memref_slice %arg3[%add3A_162] : memref<76800xi32, #tpu.memory_space<hbm>> -> memref<400xi32, #tpu.memory_space<hbm>>
        tpu.enqueue_dma source(%dma_start3A_166 : memref<400xi32, #tpu.memory_space<hbm>>) target(%arg12 : memref<400xi32, #tpu.memory_space<vmem>>) target_semaphore(%arg22 : memref<!tpu.dma_semaphore, #tpu.memory_space<semaphore_mem>>)
      } else {
      }
      %add3A_108 = arith.constant 1 : i32
      %add3A_109 = arith.addi %mul3A_78, %add3A_108 : i32
      %lt3A_110 = arith.constant 6 : i32
      %lt3A_111 = arith.cmpi slt, %add3A_109, %lt3A_110 : i32
      %convert_element_type3A_112 = arith.extui %lt3A_111 : i1 to i32
      %cond3A_113 = arith.constant 0 : i32
      %cond3A_114 = arith.cmpi ne, %convert_element_type3A_112, %cond3A_113 : i32
      scf.if %cond3A_114 {
        %dma_wait3A_158 = arith.constant 0 : i32
        %dma_wait3A_159 = tpu.memref_slice %arg2[%dma_wait3A_158] : memref<76800xi32, #tpu.memory_space<hbm>> -> memref<400xi32, #tpu.memory_space<hbm>>
        %dma_wait3A_160 = arith.constant 0 : i32
        %dma_wait3A_161 = tpu.memref_slice %arg2[%dma_wait3A_160] : memref<76800xi32, #tpu.memory_space<hbm>> -> memref<400xi32, #tpu.memory_space<hbm>>
        tpu.wait_dma2 semaphore(%arg23 : memref<!tpu.dma_semaphore, #tpu.memory_space<semaphore_mem>>) src(%dma_wait3A_161 : memref<400xi32, #tpu.memory_space<hbm>>) dst(%arg11 : memref<400xi32, #tpu.memory_space<vmem>>)
        %dma_wait3A_162 = arith.constant 0 : i32
        %dma_wait3A_163 = tpu.memref_slice %arg3[%dma_wait3A_162] : memref<76800xi32, #tpu.memory_space<hbm>> -> memref<400xi32, #tpu.memory_space<hbm>>
        %dma_wait3A_164 = arith.constant 0 : i32
        %dma_wait3A_165 = tpu.memref_slice %arg3[%dma_wait3A_164] : memref<76800xi32, #tpu.memory_space<hbm>> -> memref<400xi32, #tpu.memory_space<hbm>>
        tpu.wait_dma2 semaphore(%arg23 : memref<!tpu.dma_semaphore, #tpu.memory_space<semaphore_mem>>) src(%dma_wait3A_165 : memref<400xi32, #tpu.memory_space<hbm>>) dst(%arg13 : memref<400xi32, #tpu.memory_space<vmem>>)
        %ge3A = arith.constant 1 : i32
        %ge3A_166 = arith.cmpi sge, %mul3A_78, %ge3A : i32
        %convert_element_type3A_167 = arith.extui %ge3A_166 : i1 to i32
        %cond3A_168 = arith.constant 0 : i32
        %cond3A_169 = arith.cmpi ne, %convert_element_type3A_167, %cond3A_168 : i32
        scf.if %cond3A_169 {
          %dma_wait3A_180 = arith.constant 0 : i32
          %dma_wait3A_181 = arith.constant 0 : i32
          %dma_wait3A_182 = tpu.memref_slice %arg7[%dma_wait3A_180, %dma_wait3A_181] : memref<76800x128xf32, #tpu.memory_space<hbm>> -> memref<400x64xf32, #tpu.memory_space<hbm>>
          %dma_wait3A_183 = arith.constant 0 : i32
          %dma_wait3A_184 = arith.constant 0 : i32
          %dma_wait3A_185 = tpu.memref_slice %arg7[%dma_wait3A_183, %dma_wait3A_184] : memref<76800x128xf32, #tpu.memory_space<hbm>> -> memref<400x64xf32, #tpu.memory_space<hbm>>
          tpu.wait_dma2 semaphore(%arg27 : memref<!tpu.dma_semaphore, #tpu.memory_space<semaphore_mem>>) src(%arg15 : memref<400x64xf32, #tpu.memory_space<vmem>>) dst(%dma_wait3A_185 : memref<400x64xf32, #tpu.memory_space<hbm>>)
          %dma_wait3A_186 = arith.constant 0 : i32
          %dma_wait3A_187 = arith.constant 64 : i32
          %dma_wait3A_188 = tpu.memref_slice %arg7[%dma_wait3A_186, %dma_wait3A_187] : memref<76800x128xf32, #tpu.memory_space<hbm>> -> memref<400x64xf32, #tpu.memory_space<hbm>>
          %dma_wait3A_189 = arith.constant 0 : i32
          %dma_wait3A_190 = arith.constant 64 : i32
          %dma_wait3A_191 = tpu.memref_slice %arg7[%dma_wait3A_189, %dma_wait3A_190] : memref<76800x128xf32, #tpu.memory_space<hbm>> -> memref<400x64xf32, #tpu.memory_space<hbm>>
          tpu.wait_dma2 semaphore(%arg27 : memref<!tpu.dma_semaphore, #tpu.memory_space<semaphore_mem>>) src(%arg17 : memref<400x64xf32, #tpu.memory_space<vmem>>) dst(%dma_wait3A_191 : memref<400x64xf32, #tpu.memory_space<hbm>>)
          %dma_wait3A_192 = arith.constant 0 : i32
          %dma_wait3A_193 = tpu.memref_slice %arg8[%dma_wait3A_192] : memref<76800xi32, #tpu.memory_space<hbm>> -> memref<400xi32, #tpu.memory_space<hbm>>
          %dma_wait3A_194 = arith.constant 0 : i32
          %dma_wait3A_195 = tpu.memref_slice %arg8[%dma_wait3A_194] : memref<76800xi32, #tpu.memory_space<hbm>> -> memref<400xi32, #tpu.memory_space<hbm>>
          tpu.wait_dma2 semaphore(%arg27 : memref<!tpu.dma_semaphore, #tpu.memory_space<semaphore_mem>>) src(%arg19 : memref<400xi32, #tpu.memory_space<vmem>>) dst(%dma_wait3A_195 : memref<400xi32, #tpu.memory_space<hbm>>)
          %dma_wait3A_196 = arith.constant 0 : i32
          %dma_wait3A_197 = tpu.memref_slice %arg9[%dma_wait3A_196] : memref<76800xi32, #tpu.memory_space<hbm>> -> memref<400xi32, #tpu.memory_space<hbm>>
          %dma_wait3A_198 = arith.constant 0 : i32
          %dma_wait3A_199 = tpu.memref_slice %arg9[%dma_wait3A_198] : memref<76800xi32, #tpu.memory_space<hbm>> -> memref<400xi32, #tpu.memory_space<hbm>>
          tpu.wait_dma2 semaphore(%arg27 : memref<!tpu.dma_semaphore, #tpu.memory_space<semaphore_mem>>) src(%arg21 : memref<400xi32, #tpu.memory_space<vmem>>) dst(%dma_wait3A_199 : memref<400xi32, #tpu.memory_space<hbm>>)
        } else {
        }
        %dma_start3A_170 = arith.constant 0 : i32
        %dma_start3A_171 = arith.constant 0 : i32
        %dma_start3A_172 = tpu.memref_slice %arg4[%dma_start3A_170, %dma_start3A_171] : memref<10000x64xf32, #tpu.memory_space<hbm>> -> memref<10000x64xf32, #tpu.memory_space<hbm>>
        tpu.enqueue_indirect_dma source(%dma_start3A_172 : memref<10000x64xf32, #tpu.memory_space<hbm>>) target(%arg15 : memref<400x64xf32, #tpu.memory_space<vmem>>) offsets(%arg11 : memref<400xi32, #tpu.memory_space<vmem>>) semaphore(%arg25 : memref<!tpu.dma_semaphore, #tpu.memory_space<semaphore_mem>>)
        %dma_start3A_173 = arith.constant 0 : i32
        %dma_start3A_174 = arith.constant 0 : i32
        %dma_start3A_175 = tpu.memref_slice %arg4[%dma_start3A_173, %dma_start3A_174] : memref<10000x64xf32, #tpu.memory_space<hbm>> -> memref<10000x64xf32, #tpu.memory_space<hbm>>
        tpu.enqueue_indirect_dma source(%dma_start3A_175 : memref<10000x64xf32, #tpu.memory_space<hbm>>) target(%arg17 : memref<400x64xf32, #tpu.memory_space<vmem>>) offsets(%arg13 : memref<400xi32, #tpu.memory_space<vmem>>) semaphore(%arg25 : memref<!tpu.dma_semaphore, #tpu.memory_space<semaphore_mem>>)
        %dma_start3A_176 = arith.constant 0 : i32
        %dma_start3A_177 = tpu.memref_slice %arg5[%dma_start3A_176] : memref<10000xi32, #tpu.memory_space<hbm>> -> memref<10000xi32, #tpu.memory_space<hbm>>
        tpu.enqueue_indirect_dma source(%dma_start3A_177 : memref<10000xi32, #tpu.memory_space<hbm>>) target(%arg19 : memref<400xi32, #tpu.memory_space<vmem>>) offsets(%arg11 : memref<400xi32, #tpu.memory_space<vmem>>) semaphore(%arg25 : memref<!tpu.dma_semaphore, #tpu.memory_space<semaphore_mem>>)
        %dma_start3A_178 = arith.constant 0 : i32
        %dma_start3A_179 = tpu.memref_slice %arg5[%dma_start3A_178] : memref<10000xi32, #tpu.memory_space<hbm>> -> memref<10000xi32, #tpu.memory_space<hbm>>
        tpu.enqueue_indirect_dma source(%dma_start3A_179 : memref<10000xi32, #tpu.memory_space<hbm>>) target(%arg21 : memref<400xi32, #tpu.memory_space<vmem>>) offsets(%arg13 : memref<400xi32, #tpu.memory_space<vmem>>) semaphore(%arg25 : memref<!tpu.dma_semaphore, #tpu.memory_space<semaphore_mem>>)
      } else {
      }
      %mul3A_115 = arith.constant 2 : i32
      %mul3A_116 = arith.muli %mul3A_115, %scan3A_76 : i32
      %add3A_117 = arith.constant 1 : i32
      %add3A_118 = arith.addi %mul3A_116, %add3A_117 : i32
      %dma_wait3A_119 = arith.constant 0 : i32
      %dma_wait3A_120 = arith.constant 0 : i32
      %dma_wait3A_121 = tpu.memref_slice %arg4[%dma_wait3A_119, %dma_wait3A_120] : memref<10000x64xf32, #tpu.memory_space<hbm>> -> memref<10000x64xf32, #tpu.memory_space<hbm>>
      tpu.wait_indirect_dma semaphore(%arg25 : memref<!tpu.dma_semaphore, #tpu.memory_space<semaphore_mem>>) src(%dma_wait3A_121 : memref<10000x64xf32, #tpu.memory_space<hbm>>) dst(%arg15 : memref<400x64xf32, #tpu.memory_space<vmem>>)
      %dma_wait3A_122 = arith.constant 0 : i32
      %dma_wait3A_123 = arith.constant 0 : i32
      %dma_wait3A_124 = tpu.memref_slice %arg4[%dma_wait3A_122, %dma_wait3A_123] : memref<10000x64xf32, #tpu.memory_space<hbm>> -> memref<10000x64xf32, #tpu.memory_space<hbm>>
      tpu.wait_indirect_dma semaphore(%arg25 : memref<!tpu.dma_semaphore, #tpu.memory_space<semaphore_mem>>) src(%dma_wait3A_124 : memref<10000x64xf32, #tpu.memory_space<hbm>>) dst(%arg17 : memref<400x64xf32, #tpu.memory_space<vmem>>)
      %dma_wait3A_125 = arith.constant 0 : i32
      %dma_wait3A_126 = tpu.memref_slice %arg5[%dma_wait3A_125] : memref<10000xi32, #tpu.memory_space<hbm>> -> memref<10000xi32, #tpu.memory_space<hbm>>
      tpu.wait_indirect_dma semaphore(%arg25 : memref<!tpu.dma_semaphore, #tpu.memory_space<semaphore_mem>>) src(%dma_wait3A_126 : memref<10000xi32, #tpu.memory_space<hbm>>) dst(%arg19 : memref<400xi32, #tpu.memory_space<vmem>>)
      %dma_wait3A_127 = arith.constant 0 : i32
      %dma_wait3A_128 = tpu.memref_slice %arg5[%dma_wait3A_127] : memref<10000xi32, #tpu.memory_space<hbm>> -> memref<10000xi32, #tpu.memory_space<hbm>>
      tpu.wait_indirect_dma semaphore(%arg25 : memref<!tpu.dma_semaphore, #tpu.memory_space<semaphore_mem>>) src(%dma_wait3A_128 : memref<10000xi32, #tpu.memory_space<hbm>>) dst(%arg21 : memref<400xi32, #tpu.memory_space<vmem>>)
      %mul3A_129 = arith.constant 400 : i32
      %mul3A_130 = arith.muli %add3A_118, %mul3A_129 : i32
      %add3A_131 = arith.addi %mul3A_2, %mul3A_130 : i32
      %dma_start3A_132 = arith.constant 0 : i32
      %dma_start3A_133 = tpu.memref_slice %arg7[%add3A_131, %dma_start3A_132] : memref<76800x128xf32, #tpu.memory_space<hbm>> -> memref<400x64xf32, #tpu.memory_space<hbm>>
      %dma_start3A_134 = arith.constant 0 : i32
      %dma_start3A_135 = tpu.memref_slice %arg7[%add3A_131, %dma_start3A_134] : memref<76800x128xf32, #tpu.memory_space<hbm>> -> memref<400x64xf32, #tpu.memory_space<hbm>>
      tpu.enqueue_dma source(%arg15 : memref<400x64xf32, #tpu.memory_space<vmem>>) target(%dma_start3A_135 : memref<400x64xf32, #tpu.memory_space<hbm>>) target_semaphore(%arg27 : memref<!tpu.dma_semaphore, #tpu.memory_space<semaphore_mem>>)
      %dma_start3A_136 = arith.constant 64 : i32
      %dma_start3A_137 = tpu.memref_slice %arg7[%add3A_131, %dma_start3A_136] : memref<76800x128xf32, #tpu.memory_space<hbm>> -> memref<400x64xf32, #tpu.memory_space<hbm>>
      %dma_start3A_138 = arith.constant 64 : i32
      %dma_start3A_139 = tpu.memref_slice %arg7[%add3A_131, %dma_start3A_138] : memref<76800x128xf32, #tpu.memory_space<hbm>> -> memref<400x64xf32, #tpu.memory_space<hbm>>
      tpu.enqueue_dma source(%arg17 : memref<400x64xf32, #tpu.memory_space<vmem>>) target(%dma_start3A_139 : memref<400x64xf32, #tpu.memory_space<hbm>>) target_semaphore(%arg27 : memref<!tpu.dma_semaphore, #tpu.memory_space<semaphore_mem>>)
      %dma_start3A_140 = tpu.memref_slice %arg8[%add3A_131] : memref<76800xi32, #tpu.memory_space<hbm>> -> memref<400xi32, #tpu.memory_space<hbm>>
      %dma_start3A_141 = tpu.memref_slice %arg8[%add3A_131] : memref<76800xi32, #tpu.memory_space<hbm>> -> memref<400xi32, #tpu.memory_space<hbm>>
      tpu.enqueue_dma source(%arg19 : memref<400xi32, #tpu.memory_space<vmem>>) target(%dma_start3A_141 : memref<400xi32, #tpu.memory_space<hbm>>) target_semaphore(%arg27 : memref<!tpu.dma_semaphore, #tpu.memory_space<semaphore_mem>>)
      %dma_start3A_142 = tpu.memref_slice %arg9[%add3A_131] : memref<76800xi32, #tpu.memory_space<hbm>> -> memref<400xi32, #tpu.memory_space<hbm>>
      %dma_start3A_143 = tpu.memref_slice %arg9[%add3A_131] : memref<76800xi32, #tpu.memory_space<hbm>> -> memref<400xi32, #tpu.memory_space<hbm>>
      tpu.enqueue_dma source(%arg21 : memref<400xi32, #tpu.memory_space<vmem>>) target(%dma_start3A_143 : memref<400xi32, #tpu.memory_space<hbm>>) target_semaphore(%arg27 : memref<!tpu.dma_semaphore, #tpu.memory_space<semaphore_mem>>)
      %add3A_144 = arith.constant 2 : i32
      %add3A_145 = arith.addi %add3A_118, %add3A_144 : i32
      %lt3A_146 = arith.constant 6 : i32
      %lt3A_147 = arith.cmpi slt, %add3A_145, %lt3A_146 : i32
      %convert_element_type3A_148 = arith.extui %lt3A_147 : i1 to i32
      %cond3A_149 = arith.constant 0 : i32
      %cond3A_150 = arith.cmpi ne, %convert_element_type3A_148, %cond3A_149 : i32
      scf.if %cond3A_150 {
        %add3A_158 = arith.constant 2 : i32
        %add3A_159 = arith.addi %add3A_118, %add3A_158 : i32
        %mul3A_160 = arith.constant 400 : i32
        %mul3A_161 = arith.muli %add3A_159, %mul3A_160 : i32
        %add3A_162 = arith.addi %mul3A_2, %mul3A_161 : i32
        %dma_start3A_163 = tpu.memref_slice %arg2[%add3A_162] : memref<76800xi32, #tpu.memory_space<hbm>> -> memref<400xi32, #tpu.memory_space<hbm>>
        %dma_start3A_164 = tpu.memref_slice %arg2[%add3A_162] : memref<76800xi32, #tpu.memory_space<hbm>> -> memref<400xi32, #tpu.memory_space<hbm>>
        tpu.enqueue_dma source(%dma_start3A_164 : memref<400xi32, #tpu.memory_space<hbm>>) target(%arg11 : memref<400xi32, #tpu.memory_space<vmem>>) target_semaphore(%arg23 : memref<!tpu.dma_semaphore, #tpu.memory_space<semaphore_mem>>)
        %dma_start3A_165 = tpu.memref_slice %arg3[%add3A_162] : memref<76800xi32, #tpu.memory_space<hbm>> -> memref<400xi32, #tpu.memory_space<hbm>>
        %dma_start3A_166 = tpu.memref_slice %arg3[%add3A_162] : memref<76800xi32, #tpu.memory_space<hbm>> -> memref<400xi32, #tpu.memory_space<hbm>>
        tpu.enqueue_dma source(%dma_start3A_166 : memref<400xi32, #tpu.memory_space<hbm>>) target(%arg13 : memref<400xi32, #tpu.memory_space<vmem>>) target_semaphore(%arg23 : memref<!tpu.dma_semaphore, #tpu.memory_space<semaphore_mem>>)
      } else {
      }
      %add3A_151 = arith.constant 1 : i32
      %add3A_152 = arith.addi %add3A_118, %add3A_151 : i32
      %lt3A_153 = arith.constant 6 : i32
      %lt3A_154 = arith.cmpi slt, %add3A_152, %lt3A_153 : i32
      %convert_element_type3A_155 = arith.extui %lt3A_154 : i1 to i32
      %cond3A_156 = arith.constant 0 : i32
      %cond3A_157 = arith.cmpi ne, %convert_element_type3A_155, %cond3A_156 : i32
      scf.if %cond3A_157 {
        %dma_wait3A_158 = arith.constant 0 : i32
        %dma_wait3A_159 = tpu.memref_slice %arg2[%dma_wait3A_158] : memref<76800xi32, #tpu.memory_space<hbm>> -> memref<400xi32, #tpu.memory_space<hbm>>
        %dma_wait3A_160 = arith.constant 0 : i32
        %dma_wait3A_161 = tpu.memref_slice %arg2[%dma_wait3A_160] : memref<76800xi32, #tpu.memory_space<hbm>> -> memref<400xi32, #tpu.memory_space<hbm>>
        tpu.wait_dma2 semaphore(%arg22 : memref<!tpu.dma_semaphore, #tpu.memory_space<semaphore_mem>>) src(%dma_wait3A_161 : memref<400xi32, #tpu.memory_space<hbm>>) dst(%arg10 : memref<400xi32, #tpu.memory_space<vmem>>)
        %dma_wait3A_162 = arith.constant 0 : i32
        %dma_wait3A_163 = tpu.memref_slice %arg3[%dma_wait3A_162] : memref<76800xi32, #tpu.memory_space<hbm>> -> memref<400xi32, #tpu.memory_space<hbm>>
        %dma_wait3A_164 = arith.constant 0 : i32
        %dma_wait3A_165 = tpu.memref_slice %arg3[%dma_wait3A_164] : memref<76800xi32, #tpu.memory_space<hbm>> -> memref<400xi32, #tpu.memory_space<hbm>>
        tpu.wait_dma2 semaphore(%arg22 : memref<!tpu.dma_semaphore, #tpu.memory_space<semaphore_mem>>) src(%dma_wait3A_165 : memref<400xi32, #tpu.memory_space<hbm>>) dst(%arg12 : memref<400xi32, #tpu.memory_space<vmem>>)
        %ge3A = arith.constant 1 : i32
        %ge3A_166 = arith.cmpi sge, %add3A_118, %ge3A : i32
        %convert_element_type3A_167 = arith.extui %ge3A_166 : i1 to i32
        %cond3A_168 = arith.constant 0 : i32
        %cond3A_169 = arith.cmpi ne, %convert_element_type3A_167, %cond3A_168 : i32
        scf.if %cond3A_169 {
          %dma_wait3A_180 = arith.constant 0 : i32
          %dma_wait3A_181 = arith.constant 0 : i32
          %dma_wait3A_182 = tpu.memref_slice %arg7[%dma_wait3A_180, %dma_wait3A_181] : memref<76800x128xf32, #tpu.memory_space<hbm>> -> memref<400x64xf32, #tpu.memory_space<hbm>>
          %dma_wait3A_183 = arith.constant 0 : i32
          %dma_wait3A_184 = arith.constant 0 : i32
          %dma_wait3A_185 = tpu.memref_slice %arg7[%dma_wait3A_183, %dma_wait3A_184] : memref<76800x128xf32, #tpu.memory_space<hbm>> -> memref<400x64xf32, #tpu.memory_space<hbm>>
          tpu.wait_dma2 semaphore(%arg26 : memref<!tpu.dma_semaphore, #tpu.memory_space<semaphore_mem>>) src(%arg14 : memref<400x64xf32, #tpu.memory_space<vmem>>) dst(%dma_wait3A_185 : memref<400x64xf32, #tpu.memory_space<hbm>>)
          %dma_wait3A_186 = arith.constant 0 : i32
          %dma_wait3A_187 = arith.constant 64 : i32
          %dma_wait3A_188 = tpu.memref_slice %arg7[%dma_wait3A_186, %dma_wait3A_187] : memref<76800x128xf32, #tpu.memory_space<hbm>> -> memref<400x64xf32, #tpu.memory_space<hbm>>
          %dma_wait3A_189 = arith.constant 0 : i32
          %dma_wait3A_190 = arith.constant 64 : i32
          %dma_wait3A_191 = tpu.memref_slice %arg7[%dma_wait3A_189, %dma_wait3A_190] : memref<76800x128xf32, #tpu.memory_space<hbm>> -> memref<400x64xf32, #tpu.memory_space<hbm>>
          tpu.wait_dma2 semaphore(%arg26 : memref<!tpu.dma_semaphore, #tpu.memory_space<semaphore_mem>>) src(%arg16 : memref<400x64xf32, #tpu.memory_space<vmem>>) dst(%dma_wait3A_191 : memref<400x64xf32, #tpu.memory_space<hbm>>)
          %dma_wait3A_192 = arith.constant 0 : i32
          %dma_wait3A_193 = tpu.memref_slice %arg8[%dma_wait3A_192] : memref<76800xi32, #tpu.memory_space<hbm>> -> memref<400xi32, #tpu.memory_space<hbm>>
          %dma_wait3A_194 = arith.constant 0 : i32
          %dma_wait3A_195 = tpu.memref_slice %arg8[%dma_wait3A_194] : memref<76800xi32, #tpu.memory_space<hbm>> -> memref<400xi32, #tpu.memory_space<hbm>>
          tpu.wait_dma2 semaphore(%arg26 : memref<!tpu.dma_semaphore, #tpu.memory_space<semaphore_mem>>) src(%arg18 : memref<400xi32, #tpu.memory_space<vmem>>) dst(%dma_wait3A_195 : memref<400xi32, #tpu.memory_space<hbm>>)
          %dma_wait3A_196 = arith.constant 0 : i32
          %dma_wait3A_197 = tpu.memref_slice %arg9[%dma_wait3A_196] : memref<76800xi32, #tpu.memory_space<hbm>> -> memref<400xi32, #tpu.memory_space<hbm>>
          %dma_wait3A_198 = arith.constant 0 : i32
          %dma_wait3A_199 = tpu.memref_slice %arg9[%dma_wait3A_198] : memref<76800xi32, #tpu.memory_space<hbm>> -> memref<400xi32, #tpu.memory_space<hbm>>
          tpu.wait_dma2 semaphore(%arg26 : memref<!tpu.dma_semaphore, #tpu.memory_space<semaphore_mem>>) src(%arg20 : memref<400xi32, #tpu.memory_space<vmem>>) dst(%dma_wait3A_199 : memref<400xi32, #tpu.memory_space<hbm>>)
        } else {
        }
        %dma_start3A_170 = arith.constant 0 : i32
        %dma_start3A_171 = arith.constant 0 : i32
        %dma_start3A_172 = tpu.memref_slice %arg4[%dma_start3A_170, %dma_start3A_171] : memref<10000x64xf32, #tpu.memory_space<hbm>> -> memref<10000x64xf32, #tpu.memory_space<hbm>>
        tpu.enqueue_indirect_dma source(%dma_start3A_172 : memref<10000x64xf32, #tpu.memory_space<hbm>>) target(%arg14 : memref<400x64xf32, #tpu.memory_space<vmem>>) offsets(%arg10 : memref<400xi32, #tpu.memory_space<vmem>>) semaphore(%arg24 : memref<!tpu.dma_semaphore, #tpu.memory_space<semaphore_mem>>)
        %dma_start3A_173 = arith.constant 0 : i32
        %dma_start3A_174 = arith.constant 0 : i32
        %dma_start3A_175 = tpu.memref_slice %arg4[%dma_start3A_173, %dma_start3A_174] : memref<10000x64xf32, #tpu.memory_space<hbm>> -> memref<10000x64xf32, #tpu.memory_space<hbm>>
        tpu.enqueue_indirect_dma source(%dma_start3A_175 : memref<10000x64xf32, #tpu.memory_space<hbm>>) target(%arg16 : memref<400x64xf32, #tpu.memory_space<vmem>>) offsets(%arg12 : memref<400xi32, #tpu.memory_space<vmem>>) semaphore(%arg24 : memref<!tpu.dma_semaphore, #tpu.memory_space<semaphore_mem>>)
        %dma_start3A_176 = arith.constant 0 : i32
        %dma_start3A_177 = tpu.memref_slice %arg5[%dma_start3A_176] : memref<10000xi32, #tpu.memory_space<hbm>> -> memref<10000xi32, #tpu.memory_space<hbm>>
        tpu.enqueue_indirect_dma source(%dma_start3A_177 : memref<10000xi32, #tpu.memory_space<hbm>>) target(%arg18 : memref<400xi32, #tpu.memory_space<vmem>>) offsets(%arg10 : memref<400xi32, #tpu.memory_space<vmem>>) semaphore(%arg24 : memref<!tpu.dma_semaphore, #tpu.memory_space<semaphore_mem>>)
        %dma_start3A_178 = arith.constant 0 : i32
        %dma_start3A_179 = tpu.memref_slice %arg5[%dma_start3A_178] : memref<10000xi32, #tpu.memory_space<hbm>> -> memref<10000xi32, #tpu.memory_space<hbm>>
        tpu.enqueue_indirect_dma source(%dma_start3A_179 : memref<10000xi32, #tpu.memory_space<hbm>>) target(%arg20 : memref<400xi32, #tpu.memory_space<vmem>>) offsets(%arg12 : memref<400xi32, #tpu.memory_space<vmem>>) semaphore(%arg24 : memref<!tpu.dma_semaphore, #tpu.memory_space<semaphore_mem>>)
      } else {
      }
    }
    %scan3A_35 = arith.constant 3 : i32
    %dma_wait3A_36 = arith.constant 0 : i32
    %dma_wait3A_37 = arith.constant 0 : i32
    %dma_wait3A_38 = tpu.memref_slice %arg7[%dma_wait3A_36, %dma_wait3A_37] : memref<76800x128xf32, #tpu.memory_space<hbm>> -> memref<400x64xf32, #tpu.memory_space<hbm>>
    %dma_wait3A_39 = arith.constant 0 : i32
    %dma_wait3A_40 = arith.constant 0 : i32
    %dma_wait3A_41 = tpu.memref_slice %arg7[%dma_wait3A_39, %dma_wait3A_40] : memref<76800x128xf32, #tpu.memory_space<hbm>> -> memref<400x64xf32, #tpu.memory_space<hbm>>
    tpu.wait_dma2 semaphore(%arg26 : memref<!tpu.dma_semaphore, #tpu.memory_space<semaphore_mem>>) src(%arg14 : memref<400x64xf32, #tpu.memory_space<vmem>>) dst(%dma_wait3A_41 : memref<400x64xf32, #tpu.memory_space<hbm>>)
    %dma_wait3A_42 = arith.constant 0 : i32
    %dma_wait3A_43 = arith.constant 64 : i32
    %dma_wait3A_44 = tpu.memref_slice %arg7[%dma_wait3A_42, %dma_wait3A_43] : memref<76800x128xf32, #tpu.memory_space<hbm>> -> memref<400x64xf32, #tpu.memory_space<hbm>>
    %dma_wait3A_45 = arith.constant 0 : i32
    %dma_wait3A_46 = arith.constant 64 : i32
    %dma_wait3A_47 = tpu.memref_slice %arg7[%dma_wait3A_45, %dma_wait3A_46] : memref<76800x128xf32, #tpu.memory_space<hbm>> -> memref<400x64xf32, #tpu.memory_space<hbm>>
    tpu.wait_dma2 semaphore(%arg26 : memref<!tpu.dma_semaphore, #tpu.memory_space<semaphore_mem>>) src(%arg16 : memref<400x64xf32, #tpu.memory_space<vmem>>) dst(%dma_wait3A_47 : memref<400x64xf32, #tpu.memory_space<hbm>>)
    %dma_wait3A_48 = arith.constant 0 : i32
    %dma_wait3A_49 = tpu.memref_slice %arg8[%dma_wait3A_48] : memref<76800xi32, #tpu.memory_space<hbm>> -> memref<400xi32, #tpu.memory_space<hbm>>
    %dma_wait3A_50 = arith.constant 0 : i32
    %dma_wait3A_51 = tpu.memref_slice %arg8[%dma_wait3A_50] : memref<76800xi32, #tpu.memory_space<hbm>> -> memref<400xi32, #tpu.memory_space<hbm>>
    tpu.wait_dma2 semaphore(%arg26 : memref<!tpu.dma_semaphore, #tpu.memory_space<semaphore_mem>>) src(%arg18 : memref<400xi32, #tpu.memory_space<vmem>>) dst(%dma_wait3A_51 : memref<400xi32, #tpu.memory_space<hbm>>)
    %dma_wait3A_52 = arith.constant 0 : i32
    %dma_wait3A_53 = tpu.memref_slice %arg9[%dma_wait3A_52] : memref<76800xi32, #tpu.memory_space<hbm>> -> memref<400xi32, #tpu.memory_space<hbm>>
    %dma_wait3A_54 = arith.constant 0 : i32
    %dma_wait3A_55 = tpu.memref_slice %arg9[%dma_wait3A_54] : memref<76800xi32, #tpu.memory_space<hbm>> -> memref<400xi32, #tpu.memory_space<hbm>>
    tpu.wait_dma2 semaphore(%arg26 : memref<!tpu.dma_semaphore, #tpu.memory_space<semaphore_mem>>) src(%arg20 : memref<400xi32, #tpu.memory_space<vmem>>) dst(%dma_wait3A_55 : memref<400xi32, #tpu.memory_space<hbm>>)
    %dma_wait3A_56 = arith.constant 0 : i32
    %dma_wait3A_57 = arith.constant 0 : i32
    %dma_wait3A_58 = tpu.memref_slice %arg7[%dma_wait3A_56, %dma_wait3A_57] : memref<76800x128xf32, #tpu.memory_space<hbm>> -> memref<400x64xf32, #tpu.memory_space<hbm>>
    %dma_wait3A_59 = arith.constant 0 : i32
    %dma_wait3A_60 = arith.constant 0 : i32
    %dma_wait3A_61 = tpu.memref_slice %arg7[%dma_wait3A_59, %dma_wait3A_60] : memref<76800x128xf32, #tpu.memory_space<hbm>> -> memref<400x64xf32, #tpu.memory_space<hbm>>
    tpu.wait_dma2 semaphore(%arg27 : memref<!tpu.dma_semaphore, #tpu.memory_space<semaphore_mem>>) src(%arg15 : memref<400x64xf32, #tpu.memory_space<vmem>>) dst(%dma_wait3A_61 : memref<400x64xf32, #tpu.memory_space<hbm>>)
    %dma_wait3A_62 = arith.constant 0 : i32
    %dma_wait3A_63 = arith.constant 64 : i32
    %dma_wait3A_64 = tpu.memref_slice %arg7[%dma_wait3A_62, %dma_wait3A_63] : memref<76800x128xf32, #tpu.memory_space<hbm>> -> memref<400x64xf32, #tpu.memory_space<hbm>>
    %dma_wait3A_65 = arith.constant 0 : i32
    %dma_wait3A_66 = arith.constant 64 : i32
    %dma_wait3A_67 = tpu.memref_slice %arg7[%dma_wait3A_65, %dma_wait3A_66] : memref<76800x128xf32, #tpu.memory_space<hbm>> -> memref<400x64xf32, #tpu.memory_space<hbm>>
    tpu.wait_dma2 semaphore(%arg27 : memref<!tpu.dma_semaphore, #tpu.memory_space<semaphore_mem>>) src(%arg17 : memref<400x64xf32, #tpu.memory_space<vmem>>) dst(%dma_wait3A_67 : memref<400x64xf32, #tpu.memory_space<hbm>>)
    %dma_wait3A_68 = arith.constant 0 : i32
    %dma_wait3A_69 = tpu.memref_slice %arg8[%dma_wait3A_68] : memref<76800xi32, #tpu.memory_space<hbm>> -> memref<400xi32, #tpu.memory_space<hbm>>
    %dma_wait3A_70 = arith.constant 0 : i32
    %dma_wait3A_71 = tpu.memref_slice %arg8[%dma_wait3A_70] : memref<76800xi32, #tpu.memory_space<hbm>> -> memref<400xi32, #tpu.memory_space<hbm>>
    tpu.wait_dma2 semaphore(%arg27 : memref<!tpu.dma_semaphore, #tpu.memory_space<semaphore_mem>>) src(%arg19 : memref<400xi32, #tpu.memory_space<vmem>>) dst(%dma_wait3A_71 : memref<400xi32, #tpu.memory_space<hbm>>)
    %dma_wait3A_72 = arith.constant 0 : i32
    %dma_wait3A_73 = tpu.memref_slice %arg9[%dma_wait3A_72] : memref<76800xi32, #tpu.memory_space<hbm>> -> memref<400xi32, #tpu.memory_space<hbm>>
    %dma_wait3A_74 = arith.constant 0 : i32
    %dma_wait3A_75 = tpu.memref_slice %arg9[%dma_wait3A_74] : memref<76800xi32, #tpu.memory_space<hbm>> -> memref<400xi32, #tpu.memory_space<hbm>>
    tpu.wait_dma2 semaphore(%arg27 : memref<!tpu.dma_semaphore, #tpu.memory_space<semaphore_mem>>) src(%arg21 : memref<400xi32, #tpu.memory_space<vmem>>) dst(%dma_wait3A_75 : memref<400xi32, #tpu.memory_space<hbm>>)
    return
  }
}

#map = affine_map<(d0, d1) -> (0)>
#map1 = affine_map<(d0, d1) -> (0, 0)>
module attributes {stable_mosaic.version = 14 : i64} {
  func.func @sc_gather(%arg0: i32, %arg1: i32, %arg2: memref<76800xi32, #tpu.memory_space<hbm>>, %arg3: memref<76800xi32, #tpu.memory_space<hbm>>, %arg4: memref<10000x64xf32, #tpu.memory_space<hbm>>, %arg5: memref<10000xi32, #tpu.memory_space<hbm>>, %arg6: memref<1x1xf32, #tpu.memory_space<hbm>>, %arg7: memref<76800x128xf32, #tpu.memory_space<hbm>>, %arg8: memref<76800xi32, #tpu.memory_space<hbm>>, %arg9: memref<76800xi32, #tpu.memory_space<hbm>>, %arg10: memref<400xi32, #tpu.memory_space<vmem>>, %arg11: memref<400xi32, #tpu.memory_space<vmem>>, %arg12: memref<400xi32, #tpu.memory_space<vmem>>, %arg13: memref<400xi32, #tpu.memory_space<vmem>>, %arg14: memref<400x64xf32, #tpu.memory_space<vmem>>, %arg15: memref<400x64xf32, #tpu.memory_space<vmem>>, %arg16: memref<400x64xf32, #tpu.memory_space<vmem>>, %arg17: memref<400x64xf32, #tpu.memory_space<vmem>>, %arg18: memref<400xi32, #tpu.memory_space<vmem>>, %arg19: memref<400xi32, #tpu.memory_space<vmem>>, %arg20: memref<400xi32, #tpu.memory_space<vmem>>, %arg21: memref<400xi32, #tpu.memory_space<vmem>>, %arg22: memref<!tpu.dma_semaphore, #tpu.memory_space<semaphore_mem>>, %arg23: memref<!tpu.dma_semaphore, #tpu.memory_space<semaphore_mem>>, %arg24: memref<!tpu.dma_semaphore, #tpu.memory_space<semaphore_mem>>, %arg25: memref<!tpu.dma_semaphore, #tpu.memory_space<semaphore_mem>>, %arg26: memref<!tpu.dma_semaphore, #tpu.memory_space<semaphore_mem>>, %arg27: memref<!tpu.dma_semaphore, #tpu.memory_space<semaphore_mem>>) attributes {dimension_semantics = [#tpu.dimension_semantics<core_parallel>, #tpu.dimension_semantics<subcore_parallel>], iteration_bounds = array<i64: 2, 16>, scalar_prefetch = 0 : i64, scratch_operands = 18 : i64, tpu.core_type = #tpu.core_type<sc_vector_subcore>, window_params = [{transform_indices = #map}, {transform_indices = #map}, {transform_indices = #map1}, {transform_indices = #map}, {transform_indices = #map1}, {transform_indices = #map1}, {transform_indices = #map}, {transform_indices = #map}]} {
    %mul3A = arith.constant 2 : i32
    %mul3A_0 = arith.muli %arg1, %mul3A : i32
    %add3A = arith.addi %mul3A_0, %arg0 : i32
    %mul3A_1 = arith.constant 2400 : i32
    %mul3A_2 = arith.muli %add3A, %mul3A_1 : i32
    %add3A_3 = arith.constant 0 : i32
    %add3A_4 = arith.addi %mul3A_2, %add3A_3 : i32
    %dma_start3A = tpu.memref_slice %arg2[%add3A_4] : memref<76800xi32, #tpu.memory_space<hbm>> -> memref<400xi32, #tpu.memory_space<hbm>>
    %dma_start3A_5 = tpu.memref_slice %arg2[%add3A_4] : memref<76800xi32, #tpu.memory_space<hbm>> -> memref<400xi32, #tpu.memory_space<hbm>>
    tpu.enqueue_dma source(%dma_start3A_5 : memref<400xi32, #tpu.memory_space<hbm>>) target(%arg10 : memref<400xi32, #tpu.memory_space<vmem>>) target_semaphore(%arg22 : memref<!tpu.dma_semaphore, #tpu.memory_space<semaphore_mem>>)
    %dma_start3A_6 = tpu.memref_slice %arg3[%add3A_4] : memref<76800xi32, #tpu.memory_space<hbm>> -> memref<400xi32, #tpu.memory_space<hbm>>
    %dma_start3A_7 = tpu.memref_slice %arg3[%add3A_4] : memref<76800xi32, #tpu.memory_space<hbm>> -> memref<400xi32, #tpu.memory_space<hbm>>
    tpu.enqueue_dma source(%dma_start3A_7 : memref<400xi32, #tpu.memory_space<hbm>>) target(%arg12 : memref<400xi32, #tpu.memory_space<vmem>>) target_semaphore(%arg22 : memref<!tpu.dma_semaphore, #tpu.memory_space<semaphore_mem>>)
    %dma_wait3A = arith.constant 0 : i32
    %dma_wait3A_8 = tpu.memref_slice %arg2[%dma_wait3A] : memref<76800xi32, #tpu.memory_space<hbm>> -> memref<400xi32, #tpu.memory_space<hbm>>
    %dma_wait3A_9 = arith.constant 0 : i32
    %dma_wait3A_10 = tpu.memref_slice %arg2[%dma_wait3A_9] : memref<76800xi32, #tpu.memory_space<hbm>> -> memref<400xi32, #tpu.memory_space<hbm>>
    tpu.wait_dma2 semaphore(%arg22 : memref<!tpu.dma_semaphore, #tpu.memory_space<semaphore_mem>>) src(%dma_wait3A_10 : memref<400xi32, #tpu.memory_space<hbm>>) dst(%arg10 : memref<400xi32, #tpu.memory_space<vmem>>)
    %dma_wait3A_11 = arith.constant 0 : i32
    %dma_wait3A_12 = tpu.memref_slice %arg3[%dma_wait3A_11] : memref<76800xi32, #tpu.memory_space<hbm>> -> memref<400xi32, #tpu.memory_space<hbm>>
    %dma_wait3A_13 = arith.constant 0 : i32
    %dma_wait3A_14 = tpu.memref_slice %arg3[%dma_wait3A_13] : memref<76800xi32, #tpu.memory_space<hbm>> -> memref<400xi32, #tpu.memory_space<hbm>>
    tpu.wait_dma2 semaphore(%arg22 : memref<!tpu.dma_semaphore, #tpu.memory_space<semaphore_mem>>) src(%dma_wait3A_14 : memref<400xi32, #tpu.memory_space<hbm>>) dst(%arg12 : memref<400xi32, #tpu.memory_space<vmem>>)
    %dma_start3A_15 = arith.constant 0 : i32
    %dma_start3A_16 = arith.constant 0 : i32
    %dma_start3A_17 = tpu.memref_slice %arg4[%dma_start3A_15, %dma_start3A_16] : memref<10000x64xf32, #tpu.memory_space<hbm>> -> memref<10000x64xf32, #tpu.memory_space<hbm>>
    tpu.enqueue_indirect_dma source(%dma_start3A_17 : memref<10000x64xf32, #tpu.memory_space<hbm>>) target(%arg14 : memref<400x64xf32, #tpu.memory_space<vmem>>) offsets(%arg10 : memref<400xi32, #tpu.memory_space<vmem>>) semaphore(%arg24 : memref<!tpu.dma_semaphore, #tpu.memory_space<semaphore_mem>>)
    %dma_start3A_18 = arith.constant 0 : i32
    %dma_start3A_19 = arith.constant 0 : i32
    %dma_start3A_20 = tpu.memref_slice %arg4[%dma_start3A_18, %dma_start3A_19] : memref<10000x64xf32, #tpu.memory_space<hbm>> -> memref<10000x64xf32, #tpu.memory_space<hbm>>
    tpu.enqueue_indirect_dma source(%dma_start3A_20 : memref<10000x64xf32, #tpu.memory_space<hbm>>) target(%arg16 : memref<400x64xf32, #tpu.memory_space<vmem>>) offsets(%arg12 : memref<400xi32, #tpu.memory_space<vmem>>) semaphore(%arg24 : memref<!tpu.dma_semaphore, #tpu.memory_space<semaphore_mem>>)
    %dma_start3A_21 = arith.constant 0 : i32
    %dma_start3A_22 = tpu.memref_slice %arg5[%dma_start3A_21] : memref<10000xi32, #tpu.memory_space<hbm>> -> memref<10000xi32, #tpu.memory_space<hbm>>
    tpu.enqueue_indirect_dma source(%dma_start3A_22 : memref<10000xi32, #tpu.memory_space<hbm>>) target(%arg18 : memref<400xi32, #tpu.memory_space<vmem>>) offsets(%arg10 : memref<400xi32, #tpu.memory_space<vmem>>) semaphore(%arg24 : memref<!tpu.dma_semaphore, #tpu.memory_space<semaphore_mem>>)
    %dma_start3A_23 = arith.constant 0 : i32
    %dma_start3A_24 = tpu.memref_slice %arg5[%dma_start3A_23] : memref<10000xi32, #tpu.memory_space<hbm>> -> memref<10000xi32, #tpu.memory_space<hbm>>
    tpu.enqueue_indirect_dma source(%dma_start3A_24 : memref<10000xi32, #tpu.memory_space<hbm>>) target(%arg20 : memref<400xi32, #tpu.memory_space<vmem>>) offsets(%arg12 : memref<400xi32, #tpu.memory_space<vmem>>) semaphore(%arg24 : memref<!tpu.dma_semaphore, #tpu.memory_space<semaphore_mem>>)
    %add3A_25 = arith.constant 400 : i32
    %add3A_26 = arith.addi %mul3A_2, %add3A_25 : i32
    %dma_start3A_27 = tpu.memref_slice %arg2[%add3A_26] : memref<76800xi32, #tpu.memory_space<hbm>> -> memref<400xi32, #tpu.memory_space<hbm>>
    %dma_start3A_28 = tpu.memref_slice %arg2[%add3A_26] : memref<76800xi32, #tpu.memory_space<hbm>> -> memref<400xi32, #tpu.memory_space<hbm>>
    tpu.enqueue_dma source(%dma_start3A_28 : memref<400xi32, #tpu.memory_space<hbm>>) target(%arg11 : memref<400xi32, #tpu.memory_space<vmem>>) target_semaphore(%arg23 : memref<!tpu.dma_semaphore, #tpu.memory_space<semaphore_mem>>)
    %dma_start3A_29 = tpu.memref_slice %arg3[%add3A_26] : memref<76800xi32, #tpu.memory_space<hbm>> -> memref<400xi32, #tpu.memory_space<hbm>>
    %dma_start3A_30 = tpu.memref_slice %arg3[%add3A_26] : memref<76800xi32, #tpu.memory_space<hbm>> -> memref<400xi32, #tpu.memory_space<hbm>>
    tpu.enqueue_dma source(%dma_start3A_30 : memref<400xi32, #tpu.memory_space<hbm>>) target(%arg13 : memref<400xi32, #tpu.memory_space<vmem>>) target_semaphore(%arg23 : memref<!tpu.dma_semaphore, #tpu.memory_space<semaphore_mem>>)
    %scan3A = arith.constant 0 : i32
    %scan3A_31 = arith.constant 0 : i32
    %scan3A_32 = arith.constant 3 : i32
    %scan3A_33 = arith.addi %scan3A_31, %scan3A_32 : i32
    %scan3A_34 = arith.constant 1 : i32
    scf.for %scan3A_76 = %scan3A_31 to %scan3A_33 step %scan3A_34  : i32 {
      %mul3A_77 = arith.constant 2 : i32
      %mul3A_78 = arith.muli %mul3A_77, %scan3A_76 : i32
      %dma_wait3A_79 = arith.constant 0 : i32
      %dma_wait3A_80 = arith.constant 0 : i32
      %dma_wait3A_81 = tpu.memref_slice %arg4[%dma_wait3A_79, %dma_wait3A_80] : memref<10000x64xf32, #tpu.memory_space<hbm>> -> memref<10000x64xf32, #tpu.memory_space<hbm>>
      tpu.wait_indirect_dma semaphore(%arg24 : memref<!tpu.dma_semaphore, #tpu.memory_space<semaphore_mem>>) src(%dma_wait3A_81 : memref<10000x64xf32, #tpu.memory_space<hbm>>) dst(%arg14 : memref<400x64xf32, #tpu.memory_space<vmem>>)
      %dma_wait3A_82 = arith.constant 0 : i32
      %dma_wait3A_83 = arith.constant 0 : i32
      %dma_wait3A_84 = tpu.memref_slice %arg4[%dma_wait3A_82, %dma_wait3A_83] : memref<10000x64xf32, #tpu.memory_space<hbm>> -> memref<10000x64xf32, #tpu.memory_space<hbm>>
      tpu.wait_indirect_dma semaphore(%arg24 : memref<!tpu.dma_semaphore, #tpu.memory_space<semaphore_mem>>) src(%dma_wait3A_84 : memref<10000x64xf32, #tpu.memory_space<hbm>>) dst(%arg16 : memref<400x64xf32, #tpu.memory_space<vmem>>)
      %dma_wait3A_85 = arith.constant 0 : i32
      %dma_wait3A_86 = tpu.memref_slice %arg5[%dma_wait3A_85] : memref<10000xi32, #tpu.memory_space<hbm>> -> memref<10000xi32, #tpu.memory_space<hbm>>
      tpu.wait_indirect_dma semaphore(%arg24 : memref<!tpu.dma_semaphore, #tpu.memory_space<semaphore_mem>>) src(%dma_wait3A_86 : memref<10000xi32, #tpu.memory_space<hbm>>) dst(%arg18 : memref<400xi32, #tpu.memory_space<vmem>>)
      %dma_wait3A_87 = arith.constant 0 : i32
      %dma_wait3A_88 = tpu.memref_slice %arg5[%dma_wait3A_87] : memref<10000xi32, #tpu.memory_space<hbm>> -> memref<10000xi32, #tpu.memory_space<hbm>>
      tpu.wait_indirect_dma semaphore(%arg24 : memref<!tpu.dma_semaphore, #tpu.memory_space<semaphore_mem>>) src(%dma_wait3A_88 : memref<10000xi32, #tpu.memory_space<hbm>>) dst(%arg20 : memref<400xi32, #tpu.memory_space<vmem>>)
      %mul3A_89 = arith.constant 400 : i32
      %mul3A_90 = arith.muli %mul3A_78, %mul3A_89 : i32
      %add3A_91 = arith.addi %mul3A_2, %mul3A_90 : i32
      %dma_start3A_92 = arith.constant 0 : i32
      %dma_start3A_93 = tpu.memref_slice %arg7[%add3A_91, %dma_start3A_92] : memref<76800x128xf32, #tpu.memory_space<hbm>> -> memref<400x64xf32, #tpu.memory_space<hbm>>
      %dma_start3A_94 = arith.constant 0 : i32
      %dma_start3A_95 = tpu.memref_slice %arg7[%add3A_91, %dma_start3A_94] : memref<76800x128xf32, #tpu.memory_space<hbm>> -> memref<400x64xf32, #tpu.memory_space<hbm>>
      tpu.enqueue_dma source(%arg14 : memref<400x64xf32, #tpu.memory_space<vmem>>) target(%dma_start3A_95 : memref<400x64xf32, #tpu.memory_space<hbm>>) target_semaphore(%arg26 : memref<!tpu.dma_semaphore, #tpu.memory_space<semaphore_mem>>)
      %dma_start3A_96 = arith.constant 64 : i32
      %dma_start3A_97 = tpu.memref_slice %arg7[%add3A_91, %dma_start3A_96] : memref<76800x128xf32, #tpu.memory_space<hbm>> -> memref<400x64xf32, #tpu.memory_space<hbm>>
      %dma_start3A_98 = arith.constant 64 : i32
      %dma_start3A_99 = tpu.memref_slice %arg7[%add3A_91, %dma_start3A_98] : memref<76800x128xf32, #tpu.memory_space<hbm>> -> memref<400x64xf32, #tpu.memory_space<hbm>>
      tpu.enqueue_dma source(%arg16 : memref<400x64xf32, #tpu.memory_space<vmem>>) target(%dma_start3A_99 : memref<400x64xf32, #tpu.memory_space<hbm>>) target_semaphore(%arg26 : memref<!tpu.dma_semaphore, #tpu.memory_space<semaphore_mem>>)
      %dma_start3A_100 = tpu.memref_slice %arg8[%add3A_91] : memref<76800xi32, #tpu.memory_space<hbm>> -> memref<400xi32, #tpu.memory_space<hbm>>
      %dma_start3A_101 = tpu.memref_slice %arg8[%add3A_91] : memref<76800xi32, #tpu.memory_space<hbm>> -> memref<400xi32, #tpu.memory_space<hbm>>
      tpu.enqueue_dma source(%arg18 : memref<400xi32, #tpu.memory_space<vmem>>) target(%dma_start3A_101 : memref<400xi32, #tpu.memory_space<hbm>>) target_semaphore(%arg26 : memref<!tpu.dma_semaphore, #tpu.memory_space<semaphore_mem>>)
      %dma_start3A_102 = tpu.memref_slice %arg9[%add3A_91] : memref<76800xi32, #tpu.memory_space<hbm>> -> memref<400xi32, #tpu.memory_space<hbm>>
      %dma_start3A_103 = tpu.memref_slice %arg9[%add3A_91] : memref<76800xi32, #tpu.memory_space<hbm>> -> memref<400xi32, #tpu.memory_space<hbm>>
      tpu.enqueue_dma source(%arg20 : memref<400xi32, #tpu.memory_space<vmem>>) target(%dma_start3A_103 : memref<400xi32, #tpu.memory_space<hbm>>) target_semaphore(%arg26 : memref<!tpu.dma_semaphore, #tpu.memory_space<semaphore_mem>>)
      %add3A_104 = arith.constant 2 : i32
      %add3A_105 = arith.addi %mul3A_78, %add3A_104 : i32
      %lt3A = arith.constant 6 : i32
      %lt3A_106 = arith.cmpi slt, %add3A_105, %lt3A : i32
      %convert_element_type3A = arith.extui %lt3A_106 : i1 to i32
      %cond3A = arith.constant 0 : i32
      %cond3A_107 = arith.cmpi ne, %convert_element_type3A, %cond3A : i32
      scf.if %cond3A_107 {
        %add3A_158 = arith.constant 2 : i32
        %add3A_159 = arith.addi %mul3A_78, %add3A_158 : i32
        %mul3A_160 = arith.constant 400 : i32
        %mul3A_161 = arith.muli %add3A_159, %mul3A_160 : i32
        %add3A_162 = arith.addi %mul3A_2, %mul3A_161 : i32
        %dma_start3A_163 = tpu.memref_slice %arg2[%add3A_162] : memref<76800xi32, #tpu.memory_space<hbm>> -> memref<400xi32, #tpu.memory_space<hbm>>
        %dma_start3A_164 = tpu.memref_slice %arg2[%add3A_162] : memref<76800xi32, #tpu.memory_space<hbm>> -> memref<400xi32, #tpu.memory_space<hbm>>
        tpu.enqueue_dma source(%dma_start3A_164 : memref<400xi32, #tpu.memory_space<hbm>>) target(%arg10 : memref<400xi32, #tpu.memory_space<vmem>>) target_semaphore(%arg22 : memref<!tpu.dma_semaphore, #tpu.memory_space<semaphore_mem>>)
        %dma_start3A_165 = tpu.memref_slice %arg3[%add3A_162] : memref<76800xi32, #tpu.memory_space<hbm>> -> memref<400xi32, #tpu.memory_space<hbm>>
        %dma_start3A_166 = tpu.memref_slice %arg3[%add3A_162] : memref<76800xi32, #tpu.memory_space<hbm>> -> memref<400xi32, #tpu.memory_space<hbm>>
        tpu.enqueue_dma source(%dma_start3A_166 : memref<400xi32, #tpu.memory_space<hbm>>) target(%arg12 : memref<400xi32, #tpu.memory_space<vmem>>) target_semaphore(%arg22 : memref<!tpu.dma_semaphore, #tpu.memory_space<semaphore_mem>>)
      } else {
      }
      %add3A_108 = arith.constant 1 : i32
      %add3A_109 = arith.addi %mul3A_78, %add3A_108 : i32
      %lt3A_110 = arith.constant 6 : i32
      %lt3A_111 = arith.cmpi slt, %add3A_109, %lt3A_110 : i32
      %convert_element_type3A_112 = arith.extui %lt3A_111 : i1 to i32
      %cond3A_113 = arith.constant 0 : i32
      %cond3A_114 = arith.cmpi ne, %convert_element_type3A_112, %cond3A_113 : i32
      scf.if %cond3A_114 {
        %dma_wait3A_158 = arith.constant 0 : i32
        %dma_wait3A_159 = tpu.memref_slice %arg2[%dma_wait3A_158] : memref<76800xi32, #tpu.memory_space<hbm>> -> memref<400xi32, #tpu.memory_space<hbm>>
        %dma_wait3A_160 = arith.constant 0 : i32
        %dma_wait3A_161 = tpu.memref_slice %arg2[%dma_wait3A_160] : memref<76800xi32, #tpu.memory_space<hbm>> -> memref<400xi32, #tpu.memory_space<hbm>>
        tpu.wait_dma2 semaphore(%arg23 : memref<!tpu.dma_semaphore, #tpu.memory_space<semaphore_mem>>) src(%dma_wait3A_161 : memref<400xi32, #tpu.memory_space<hbm>>) dst(%arg11 : memref<400xi32, #tpu.memory_space<vmem>>)
        %dma_wait3A_162 = arith.constant 0 : i32
        %dma_wait3A_163 = tpu.memref_slice %arg3[%dma_wait3A_162] : memref<76800xi32, #tpu.memory_space<hbm>> -> memref<400xi32, #tpu.memory_space<hbm>>
        %dma_wait3A_164 = arith.constant 0 : i32
        %dma_wait3A_165 = tpu.memref_slice %arg3[%dma_wait3A_164] : memref<76800xi32, #tpu.memory_space<hbm>> -> memref<400xi32, #tpu.memory_space<hbm>>
        tpu.wait_dma2 semaphore(%arg23 : memref<!tpu.dma_semaphore, #tpu.memory_space<semaphore_mem>>) src(%dma_wait3A_165 : memref<400xi32, #tpu.memory_space<hbm>>) dst(%arg13 : memref<400xi32, #tpu.memory_space<vmem>>)
        %ge3A = arith.constant 1 : i32
        %ge3A_166 = arith.cmpi sge, %mul3A_78, %ge3A : i32
        %convert_element_type3A_167 = arith.extui %ge3A_166 : i1 to i32
        %cond3A_168 = arith.constant 0 : i32
        %cond3A_169 = arith.cmpi ne, %convert_element_type3A_167, %cond3A_168 : i32
        scf.if %cond3A_169 {
          %dma_wait3A_180 = arith.constant 0 : i32
          %dma_wait3A_181 = arith.constant 0 : i32
          %dma_wait3A_182 = tpu.memref_slice %arg7[%dma_wait3A_180, %dma_wait3A_181] : memref<76800x128xf32, #tpu.memory_space<hbm>> -> memref<400x64xf32, #tpu.memory_space<hbm>>
          %dma_wait3A_183 = arith.constant 0 : i32
          %dma_wait3A_184 = arith.constant 0 : i32
          %dma_wait3A_185 = tpu.memref_slice %arg7[%dma_wait3A_183, %dma_wait3A_184] : memref<76800x128xf32, #tpu.memory_space<hbm>> -> memref<400x64xf32, #tpu.memory_space<hbm>>
          tpu.wait_dma2 semaphore(%arg27 : memref<!tpu.dma_semaphore, #tpu.memory_space<semaphore_mem>>) src(%arg15 : memref<400x64xf32, #tpu.memory_space<vmem>>) dst(%dma_wait3A_185 : memref<400x64xf32, #tpu.memory_space<hbm>>)
          %dma_wait3A_186 = arith.constant 0 : i32
          %dma_wait3A_187 = arith.constant 64 : i32
          %dma_wait3A_188 = tpu.memref_slice %arg7[%dma_wait3A_186, %dma_wait3A_187] : memref<76800x128xf32, #tpu.memory_space<hbm>> -> memref<400x64xf32, #tpu.memory_space<hbm>>
          %dma_wait3A_189 = arith.constant 0 : i32
          %dma_wait3A_190 = arith.constant 64 : i32
          %dma_wait3A_191 = tpu.memref_slice %arg7[%dma_wait3A_189, %dma_wait3A_190] : memref<76800x128xf32, #tpu.memory_space<hbm>> -> memref<400x64xf32, #tpu.memory_space<hbm>>
          tpu.wait_dma2 semaphore(%arg27 : memref<!tpu.dma_semaphore, #tpu.memory_space<semaphore_mem>>) src(%arg17 : memref<400x64xf32, #tpu.memory_space<vmem>>) dst(%dma_wait3A_191 : memref<400x64xf32, #tpu.memory_space<hbm>>)
          %dma_wait3A_192 = arith.constant 0 : i32
          %dma_wait3A_193 = tpu.memref_slice %arg8[%dma_wait3A_192] : memref<76800xi32, #tpu.memory_space<hbm>> -> memref<400xi32, #tpu.memory_space<hbm>>
          %dma_wait3A_194 = arith.constant 0 : i32
          %dma_wait3A_195 = tpu.memref_slice %arg8[%dma_wait3A_194] : memref<76800xi32, #tpu.memory_space<hbm>> -> memref<400xi32, #tpu.memory_space<hbm>>
          tpu.wait_dma2 semaphore(%arg27 : memref<!tpu.dma_semaphore, #tpu.memory_space<semaphore_mem>>) src(%arg19 : memref<400xi32, #tpu.memory_space<vmem>>) dst(%dma_wait3A_195 : memref<400xi32, #tpu.memory_space<hbm>>)
          %dma_wait3A_196 = arith.constant 0 : i32
          %dma_wait3A_197 = tpu.memref_slice %arg9[%dma_wait3A_196] : memref<76800xi32, #tpu.memory_space<hbm>> -> memref<400xi32, #tpu.memory_space<hbm>>
          %dma_wait3A_198 = arith.constant 0 : i32
          %dma_wait3A_199 = tpu.memref_slice %arg9[%dma_wait3A_198] : memref<76800xi32, #tpu.memory_space<hbm>> -> memref<400xi32, #tpu.memory_space<hbm>>
          tpu.wait_dma2 semaphore(%arg27 : memref<!tpu.dma_semaphore, #tpu.memory_space<semaphore_mem>>) src(%arg21 : memref<400xi32, #tpu.memory_space<vmem>>) dst(%dma_wait3A_199 : memref<400xi32, #tpu.memory_space<hbm>>)
        } else {
        }
        %dma_start3A_170 = arith.constant 0 : i32
        %dma_start3A_171 = arith.constant 0 : i32
        %dma_start3A_172 = tpu.memref_slice %arg4[%dma_start3A_170, %dma_start3A_171] : memref<10000x64xf32, #tpu.memory_space<hbm>> -> memref<10000x64xf32, #tpu.memory_space<hbm>>
        tpu.enqueue_indirect_dma source(%dma_start3A_172 : memref<10000x64xf32, #tpu.memory_space<hbm>>) target(%arg15 : memref<400x64xf32, #tpu.memory_space<vmem>>) offsets(%arg11 : memref<400xi32, #tpu.memory_space<vmem>>) semaphore(%arg25 : memref<!tpu.dma_semaphore, #tpu.memory_space<semaphore_mem>>)
        %dma_start3A_173 = arith.constant 0 : i32
        %dma_start3A_174 = arith.constant 0 : i32
        %dma_start3A_175 = tpu.memref_slice %arg4[%dma_start3A_173, %dma_start3A_174] : memref<10000x64xf32, #tpu.memory_space<hbm>> -> memref<10000x64xf32, #tpu.memory_space<hbm>>
        tpu.enqueue_indirect_dma source(%dma_start3A_175 : memref<10000x64xf32, #tpu.memory_space<hbm>>) target(%arg17 : memref<400x64xf32, #tpu.memory_space<vmem>>) offsets(%arg13 : memref<400xi32, #tpu.memory_space<vmem>>) semaphore(%arg25 : memref<!tpu.dma_semaphore, #tpu.memory_space<semaphore_mem>>)
        %dma_start3A_176 = arith.constant 0 : i32
        %dma_start3A_177 = tpu.memref_slice %arg5[%dma_start3A_176] : memref<10000xi32, #tpu.memory_space<hbm>> -> memref<10000xi32, #tpu.memory_space<hbm>>
        tpu.enqueue_indirect_dma source(%dma_start3A_177 : memref<10000xi32, #tpu.memory_space<hbm>>) target(%arg19 : memref<400xi32, #tpu.memory_space<vmem>>) offsets(%arg11 : memref<400xi32, #tpu.memory_space<vmem>>) semaphore(%arg25 : memref<!tpu.dma_semaphore, #tpu.memory_space<semaphore_mem>>)
        %dma_start3A_178 = arith.constant 0 : i32
        %dma_start3A_179 = tpu.memref_slice %arg5[%dma_start3A_178] : memref<10000xi32, #tpu.memory_space<hbm>> -> memref<10000xi32, #tpu.memory_space<hbm>>
        tpu.enqueue_indirect_dma source(%dma_start3A_179 : memref<10000xi32, #tpu.memory_space<hbm>>) target(%arg21 : memref<400xi32, #tpu.memory_space<vmem>>) offsets(%arg13 : memref<400xi32, #tpu.memory_space<vmem>>) semaphore(%arg25 : memref<!tpu.dma_semaphore, #tpu.memory_space<semaphore_mem>>)
      } else {
      }
      %mul3A_115 = arith.constant 2 : i32
      %mul3A_116 = arith.muli %mul3A_115, %scan3A_76 : i32
      %add3A_117 = arith.constant 1 : i32
      %add3A_118 = arith.addi %mul3A_116, %add3A_117 : i32
      %dma_wait3A_119 = arith.constant 0 : i32
      %dma_wait3A_120 = arith.constant 0 : i32
      %dma_wait3A_121 = tpu.memref_slice %arg4[%dma_wait3A_119, %dma_wait3A_120] : memref<10000x64xf32, #tpu.memory_space<hbm>> -> memref<10000x64xf32, #tpu.memory_space<hbm>>
      tpu.wait_indirect_dma semaphore(%arg25 : memref<!tpu.dma_semaphore, #tpu.memory_space<semaphore_mem>>) src(%dma_wait3A_121 : memref<10000x64xf32, #tpu.memory_space<hbm>>) dst(%arg15 : memref<400x64xf32, #tpu.memory_space<vmem>>)
      %dma_wait3A_122 = arith.constant 0 : i32
      %dma_wait3A_123 = arith.constant 0 : i32
      %dma_wait3A_124 = tpu.memref_slice %arg4[%dma_wait3A_122, %dma_wait3A_123] : memref<10000x64xf32, #tpu.memory_space<hbm>> -> memref<10000x64xf32, #tpu.memory_space<hbm>>
      tpu.wait_indirect_dma semaphore(%arg25 : memref<!tpu.dma_semaphore, #tpu.memory_space<semaphore_mem>>) src(%dma_wait3A_124 : memref<10000x64xf32, #tpu.memory_space<hbm>>) dst(%arg17 : memref<400x64xf32, #tpu.memory_space<vmem>>)
      %dma_wait3A_125 = arith.constant 0 : i32
      %dma_wait3A_126 = tpu.memref_slice %arg5[%dma_wait3A_125] : memref<10000xi32, #tpu.memory_space<hbm>> -> memref<10000xi32, #tpu.memory_space<hbm>>
      tpu.wait_indirect_dma semaphore(%arg25 : memref<!tpu.dma_semaphore, #tpu.memory_space<semaphore_mem>>) src(%dma_wait3A_126 : memref<10000xi32, #tpu.memory_space<hbm>>) dst(%arg19 : memref<400xi32, #tpu.memory_space<vmem>>)
      %dma_wait3A_127 = arith.constant 0 : i32
      %dma_wait3A_128 = tpu.memref_slice %arg5[%dma_wait3A_127] : memref<10000xi32, #tpu.memory_space<hbm>> -> memref<10000xi32, #tpu.memory_space<hbm>>
      tpu.wait_indirect_dma semaphore(%arg25 : memref<!tpu.dma_semaphore, #tpu.memory_space<semaphore_mem>>) src(%dma_wait3A_128 : memref<10000xi32, #tpu.memory_space<hbm>>) dst(%arg21 : memref<400xi32, #tpu.memory_space<vmem>>)
      %mul3A_129 = arith.constant 400 : i32
      %mul3A_130 = arith.muli %add3A_118, %mul3A_129 : i32
      %add3A_131 = arith.addi %mul3A_2, %mul3A_130 : i32
      %dma_start3A_132 = arith.constant 0 : i32
      %dma_start3A_133 = tpu.memref_slice %arg7[%add3A_131, %dma_start3A_132] : memref<76800x128xf32, #tpu.memory_space<hbm>> -> memref<400x64xf32, #tpu.memory_space<hbm>>
      %dma_start3A_134 = arith.constant 0 : i32
      %dma_start3A_135 = tpu.memref_slice %arg7[%add3A_131, %dma_start3A_134] : memref<76800x128xf32, #tpu.memory_space<hbm>> -> memref<400x64xf32, #tpu.memory_space<hbm>>
      tpu.enqueue_dma source(%arg15 : memref<400x64xf32, #tpu.memory_space<vmem>>) target(%dma_start3A_135 : memref<400x64xf32, #tpu.memory_space<hbm>>) target_semaphore(%arg27 : memref<!tpu.dma_semaphore, #tpu.memory_space<semaphore_mem>>)
      %dma_start3A_136 = arith.constant 64 : i32
      %dma_start3A_137 = tpu.memref_slice %arg7[%add3A_131, %dma_start3A_136] : memref<76800x128xf32, #tpu.memory_space<hbm>> -> memref<400x64xf32, #tpu.memory_space<hbm>>
      %dma_start3A_138 = arith.constant 64 : i32
      %dma_start3A_139 = tpu.memref_slice %arg7[%add3A_131, %dma_start3A_138] : memref<76800x128xf32, #tpu.memory_space<hbm>> -> memref<400x64xf32, #tpu.memory_space<hbm>>
      tpu.enqueue_dma source(%arg17 : memref<400x64xf32, #tpu.memory_space<vmem>>) target(%dma_start3A_139 : memref<400x64xf32, #tpu.memory_space<hbm>>) target_semaphore(%arg27 : memref<!tpu.dma_semaphore, #tpu.memory_space<semaphore_mem>>)
      %dma_start3A_140 = tpu.memref_slice %arg8[%add3A_131] : memref<76800xi32, #tpu.memory_space<hbm>> -> memref<400xi32, #tpu.memory_space<hbm>>
      %dma_start3A_141 = tpu.memref_slice %arg8[%add3A_131] : memref<76800xi32, #tpu.memory_space<hbm>> -> memref<400xi32, #tpu.memory_space<hbm>>
      tpu.enqueue_dma source(%arg19 : memref<400xi32, #tpu.memory_space<vmem>>) target(%dma_start3A_141 : memref<400xi32, #tpu.memory_space<hbm>>) target_semaphore(%arg27 : memref<!tpu.dma_semaphore, #tpu.memory_space<semaphore_mem>>)
      %dma_start3A_142 = tpu.memref_slice %arg9[%add3A_131] : memref<76800xi32, #tpu.memory_space<hbm>> -> memref<400xi32, #tpu.memory_space<hbm>>
      %dma_start3A_143 = tpu.memref_slice %arg9[%add3A_131] : memref<76800xi32, #tpu.memory_space<hbm>> -> memref<400xi32, #tpu.memory_space<hbm>>
      tpu.enqueue_dma source(%arg21 : memref<400xi32, #tpu.memory_space<vmem>>) target(%dma_start3A_143 : memref<400xi32, #tpu.memory_space<hbm>>) target_semaphore(%arg27 : memref<!tpu.dma_semaphore, #tpu.memory_space<semaphore_mem>>)
      %add3A_144 = arith.constant 2 : i32
      %add3A_145 = arith.addi %add3A_118, %add3A_144 : i32
      %lt3A_146 = arith.constant 6 : i32
      %lt3A_147 = arith.cmpi slt, %add3A_145, %lt3A_146 : i32
      %convert_element_type3A_148 = arith.extui %lt3A_147 : i1 to i32
      %cond3A_149 = arith.constant 0 : i32
      %cond3A_150 = arith.cmpi ne, %convert_element_type3A_148, %cond3A_149 : i32
      scf.if %cond3A_150 {
        %add3A_158 = arith.constant 2 : i32
        %add3A_159 = arith.addi %add3A_118, %add3A_158 : i32
        %mul3A_160 = arith.constant 400 : i32
        %mul3A_161 = arith.muli %add3A_159, %mul3A_160 : i32
        %add3A_162 = arith.addi %mul3A_2, %mul3A_161 : i32
        %dma_start3A_163 = tpu.memref_slice %arg2[%add3A_162] : memref<76800xi32, #tpu.memory_space<hbm>> -> memref<400xi32, #tpu.memory_space<hbm>>
        %dma_start3A_164 = tpu.memref_slice %arg2[%add3A_162] : memref<76800xi32, #tpu.memory_space<hbm>> -> memref<400xi32, #tpu.memory_space<hbm>>
        tpu.enqueue_dma source(%dma_start3A_164 : memref<400xi32, #tpu.memory_space<hbm>>) target(%arg11 : memref<400xi32, #tpu.memory_space<vmem>>) target_semaphore(%arg23 : memref<!tpu.dma_semaphore, #tpu.memory_space<semaphore_mem>>)
        %dma_start3A_165 = tpu.memref_slice %arg3[%add3A_162] : memref<76800xi32, #tpu.memory_space<hbm>> -> memref<400xi32, #tpu.memory_space<hbm>>
        %dma_start3A_166 = tpu.memref_slice %arg3[%add3A_162] : memref<76800xi32, #tpu.memory_space<hbm>> -> memref<400xi32, #tpu.memory_space<hbm>>
        tpu.enqueue_dma source(%dma_start3A_166 : memref<400xi32, #tpu.memory_space<hbm>>) target(%arg13 : memref<400xi32, #tpu.memory_space<vmem>>) target_semaphore(%arg23 : memref<!tpu.dma_semaphore, #tpu.memory_space<semaphore_mem>>)
      } else {
      }
      %add3A_151 = arith.constant 1 : i32
      %add3A_152 = arith.addi %add3A_118, %add3A_151 : i32
      %lt3A_153 = arith.constant 6 : i32
      %lt3A_154 = arith.cmpi slt, %add3A_152, %lt3A_153 : i32
      %convert_element_type3A_155 = arith.extui %lt3A_154 : i1 to i32
      %cond3A_156 = arith.constant 0 : i32
      %cond3A_157 = arith.cmpi ne, %convert_element_type3A_155, %cond3A_156 : i32
      scf.if %cond3A_157 {
        %dma_wait3A_158 = arith.constant 0 : i32
        %dma_wait3A_159 = tpu.memref_slice %arg2[%dma_wait3A_158] : memref<76800xi32, #tpu.memory_space<hbm>> -> memref<400xi32, #tpu.memory_space<hbm>>
        %dma_wait3A_160 = arith.constant 0 : i32
        %dma_wait3A_161 = tpu.memref_slice %arg2[%dma_wait3A_160] : memref<76800xi32, #tpu.memory_space<hbm>> -> memref<400xi32, #tpu.memory_space<hbm>>
        tpu.wait_dma2 semaphore(%arg22 : memref<!tpu.dma_semaphore, #tpu.memory_space<semaphore_mem>>) src(%dma_wait3A_161 : memref<400xi32, #tpu.memory_space<hbm>>) dst(%arg10 : memref<400xi32, #tpu.memory_space<vmem>>)
        %dma_wait3A_162 = arith.constant 0 : i32
        %dma_wait3A_163 = tpu.memref_slice %arg3[%dma_wait3A_162] : memref<76800xi32, #tpu.memory_space<hbm>> -> memref<400xi32, #tpu.memory_space<hbm>>
        %dma_wait3A_164 = arith.constant 0 : i32
        %dma_wait3A_165 = tpu.memref_slice %arg3[%dma_wait3A_164] : memref<76800xi32, #tpu.memory_space<hbm>> -> memref<400xi32, #tpu.memory_space<hbm>>
        tpu.wait_dma2 semaphore(%arg22 : memref<!tpu.dma_semaphore, #tpu.memory_space<semaphore_mem>>) src(%dma_wait3A_165 : memref<400xi32, #tpu.memory_space<hbm>>) dst(%arg12 : memref<400xi32, #tpu.memory_space<vmem>>)
        %ge3A = arith.constant 1 : i32
        %ge3A_166 = arith.cmpi sge, %add3A_118, %ge3A : i32
        %convert_element_type3A_167 = arith.extui %ge3A_166 : i1 to i32
        %cond3A_168 = arith.constant 0 : i32
        %cond3A_169 = arith.cmpi ne, %convert_element_type3A_167, %cond3A_168 : i32
        scf.if %cond3A_169 {
          %dma_wait3A_180 = arith.constant 0 : i32
          %dma_wait3A_181 = arith.constant 0 : i32
          %dma_wait3A_182 = tpu.memref_slice %arg7[%dma_wait3A_180, %dma_wait3A_181] : memref<76800x128xf32, #tpu.memory_space<hbm>> -> memref<400x64xf32, #tpu.memory_space<hbm>>
          %dma_wait3A_183 = arith.constant 0 : i32
          %dma_wait3A_184 = arith.constant 0 : i32
          %dma_wait3A_185 = tpu.memref_slice %arg7[%dma_wait3A_183, %dma_wait3A_184] : memref<76800x128xf32, #tpu.memory_space<hbm>> -> memref<400x64xf32, #tpu.memory_space<hbm>>
          tpu.wait_dma2 semaphore(%arg26 : memref<!tpu.dma_semaphore, #tpu.memory_space<semaphore_mem>>) src(%arg14 : memref<400x64xf32, #tpu.memory_space<vmem>>) dst(%dma_wait3A_185 : memref<400x64xf32, #tpu.memory_space<hbm>>)
          %dma_wait3A_186 = arith.constant 0 : i32
          %dma_wait3A_187 = arith.constant 64 : i32
          %dma_wait3A_188 = tpu.memref_slice %arg7[%dma_wait3A_186, %dma_wait3A_187] : memref<76800x128xf32, #tpu.memory_space<hbm>> -> memref<400x64xf32, #tpu.memory_space<hbm>>
          %dma_wait3A_189 = arith.constant 0 : i32
          %dma_wait3A_190 = arith.constant 64 : i32
          %dma_wait3A_191 = tpu.memref_slice %arg7[%dma_wait3A_189, %dma_wait3A_190] : memref<76800x128xf32, #tpu.memory_space<hbm>> -> memref<400x64xf32, #tpu.memory_space<hbm>>
          tpu.wait_dma2 semaphore(%arg26 : memref<!tpu.dma_semaphore, #tpu.memory_space<semaphore_mem>>) src(%arg16 : memref<400x64xf32, #tpu.memory_space<vmem>>) dst(%dma_wait3A_191 : memref<400x64xf32, #tpu.memory_space<hbm>>)
          %dma_wait3A_192 = arith.constant 0 : i32
          %dma_wait3A_193 = tpu.memref_slice %arg8[%dma_wait3A_192] : memref<76800xi32, #tpu.memory_space<hbm>> -> memref<400xi32, #tpu.memory_space<hbm>>
          %dma_wait3A_194 = arith.constant 0 : i32
          %dma_wait3A_195 = tpu.memref_slice %arg8[%dma_wait3A_194] : memref<76800xi32, #tpu.memory_space<hbm>> -> memref<400xi32, #tpu.memory_space<hbm>>
          tpu.wait_dma2 semaphore(%arg26 : memref<!tpu.dma_semaphore, #tpu.memory_space<semaphore_mem>>) src(%arg18 : memref<400xi32, #tpu.memory_space<vmem>>) dst(%dma_wait3A_195 : memref<400xi32, #tpu.memory_space<hbm>>)
          %dma_wait3A_196 = arith.constant 0 : i32
          %dma_wait3A_197 = tpu.memref_slice %arg9[%dma_wait3A_196] : memref<76800xi32, #tpu.memory_space<hbm>> -> memref<400xi32, #tpu.memory_space<hbm>>
          %dma_wait3A_198 = arith.constant 0 : i32
          %dma_wait3A_199 = tpu.memref_slice %arg9[%dma_wait3A_198] : memref<76800xi32, #tpu.memory_space<hbm>> -> memref<400xi32, #tpu.memory_space<hbm>>
          tpu.wait_dma2 semaphore(%arg26 : memref<!tpu.dma_semaphore, #tpu.memory_space<semaphore_mem>>) src(%arg20 : memref<400xi32, #tpu.memory_space<vmem>>) dst(%dma_wait3A_199 : memref<400xi32, #tpu.memory_space<hbm>>)
        } else {
        }
        %dma_start3A_170 = arith.constant 0 : i32
        %dma_start3A_171 = arith.constant 0 : i32
        %dma_start3A_172 = tpu.memref_slice %arg4[%dma_start3A_170, %dma_start3A_171] : memref<10000x64xf32, #tpu.memory_space<hbm>> -> memref<10000x64xf32, #tpu.memory_space<hbm>>
        tpu.enqueue_indirect_dma source(%dma_start3A_172 : memref<10000x64xf32, #tpu.memory_space<hbm>>) target(%arg14 : memref<400x64xf32, #tpu.memory_space<vmem>>) offsets(%arg10 : memref<400xi32, #tpu.memory_space<vmem>>) semaphore(%arg24 : memref<!tpu.dma_semaphore, #tpu.memory_space<semaphore_mem>>)
        %dma_start3A_173 = arith.constant 0 : i32
        %dma_start3A_174 = arith.constant 0 : i32
        %dma_start3A_175 = tpu.memref_slice %arg4[%dma_start3A_173, %dma_start3A_174] : memref<10000x64xf32, #tpu.memory_space<hbm>> -> memref<10000x64xf32, #tpu.memory_space<hbm>>
        tpu.enqueue_indirect_dma source(%dma_start3A_175 : memref<10000x64xf32, #tpu.memory_space<hbm>>) target(%arg16 : memref<400x64xf32, #tpu.memory_space<vmem>>) offsets(%arg12 : memref<400xi32, #tpu.memory_space<vmem>>) semaphore(%arg24 : memref<!tpu.dma_semaphore, #tpu.memory_space<semaphore_mem>>)
        %dma_start3A_176 = arith.constant 0 : i32
        %dma_start3A_177 = tpu.memref_slice %arg5[%dma_start3A_176] : memref<10000xi32, #tpu.memory_space<hbm>> -> memref<10000xi32, #tpu.memory_space<hbm>>
        tpu.enqueue_indirect_dma source(%dma_start3A_177 : memref<10000xi32, #tpu.memory_space<hbm>>) target(%arg18 : memref<400xi32, #tpu.memory_space<vmem>>) offsets(%arg10 : memref<400xi32, #tpu.memory_space<vmem>>) semaphore(%arg24 : memref<!tpu.dma_semaphore, #tpu.memory_space<semaphore_mem>>)
        %dma_start3A_178 = arith.constant 0 : i32
        %dma_start3A_179 = tpu.memref_slice %arg5[%dma_start3A_178] : memref<10000xi32, #tpu.memory_space<hbm>> -> memref<10000xi32, #tpu.memory_space<hbm>>
        tpu.enqueue_indirect_dma source(%dma_start3A_179 : memref<10000xi32, #tpu.memory_space<hbm>>) target(%arg20 : memref<400xi32, #tpu.memory_space<vmem>>) offsets(%arg12 : memref<400xi32, #tpu.memory_space<vmem>>) semaphore(%arg24 : memref<!tpu.dma_semaphore, #tpu.memory_space<semaphore_mem>>)
      } else {
      }
    }
    %scan3A_35 = arith.constant 3 : i32
    %dma_wait3A_36 = arith.constant 0 : i32
    %dma_wait3A_37 = arith.constant 0 : i32
    %dma_wait3A_38 = tpu.memref_slice %arg7[%dma_wait3A_36, %dma_wait3A_37] : memref<76800x128xf32, #tpu.memory_space<hbm>> -> memref<400x64xf32, #tpu.memory_space<hbm>>
    %dma_wait3A_39 = arith.constant 0 : i32
    %dma_wait3A_40 = arith.constant 0 : i32
    %dma_wait3A_41 = tpu.memref_slice %arg7[%dma_wait3A_39, %dma_wait3A_40] : memref<76800x128xf32, #tpu.memory_space<hbm>> -> memref<400x64xf32, #tpu.memory_space<hbm>>
    tpu.wait_dma2 semaphore(%arg26 : memref<!tpu.dma_semaphore, #tpu.memory_space<semaphore_mem>>) src(%arg14 : memref<400x64xf32, #tpu.memory_space<vmem>>) dst(%dma_wait3A_41 : memref<400x64xf32, #tpu.memory_space<hbm>>)
    %dma_wait3A_42 = arith.constant 0 : i32
    %dma_wait3A_43 = arith.constant 64 : i32
    %dma_wait3A_44 = tpu.memref_slice %arg7[%dma_wait3A_42, %dma_wait3A_43] : memref<76800x128xf32, #tpu.memory_space<hbm>> -> memref<400x64xf32, #tpu.memory_space<hbm>>
    %dma_wait3A_45 = arith.constant 0 : i32
    %dma_wait3A_46 = arith.constant 64 : i32
    %dma_wait3A_47 = tpu.memref_slice %arg7[%dma_wait3A_45, %dma_wait3A_46] : memref<76800x128xf32, #tpu.memory_space<hbm>> -> memref<400x64xf32, #tpu.memory_space<hbm>>
    tpu.wait_dma2 semaphore(%arg26 : memref<!tpu.dma_semaphore, #tpu.memory_space<semaphore_mem>>) src(%arg16 : memref<400x64xf32, #tpu.memory_space<vmem>>) dst(%dma_wait3A_47 : memref<400x64xf32, #tpu.memory_space<hbm>>)
    %dma_wait3A_48 = arith.constant 0 : i32
    %dma_wait3A_49 = tpu.memref_slice %arg8[%dma_wait3A_48] : memref<76800xi32, #tpu.memory_space<hbm>> -> memref<400xi32, #tpu.memory_space<hbm>>
    %dma_wait3A_50 = arith.constant 0 : i32
    %dma_wait3A_51 = tpu.memref_slice %arg8[%dma_wait3A_50] : memref<76800xi32, #tpu.memory_space<hbm>> -> memref<400xi32, #tpu.memory_space<hbm>>
    tpu.wait_dma2 semaphore(%arg26 : memref<!tpu.dma_semaphore, #tpu.memory_space<semaphore_mem>>) src(%arg18 : memref<400xi32, #tpu.memory_space<vmem>>) dst(%dma_wait3A_51 : memref<400xi32, #tpu.memory_space<hbm>>)
    %dma_wait3A_52 = arith.constant 0 : i32
    %dma_wait3A_53 = tpu.memref_slice %arg9[%dma_wait3A_52] : memref<76800xi32, #tpu.memory_space<hbm>> -> memref<400xi32, #tpu.memory_space<hbm>>
    %dma_wait3A_54 = arith.constant 0 : i32
    %dma_wait3A_55 = tpu.memref_slice %arg9[%dma_wait3A_54] : memref<76800xi32, #tpu.memory_space<hbm>> -> memref<400xi32, #tpu.memory_space<hbm>>
    tpu.wait_dma2 semaphore(%arg26 : memref<!tpu.dma_semaphore, #tpu.memory_space<semaphore_mem>>) src(%arg20 : memref<400xi32, #tpu.memory_space<vmem>>) dst(%dma_wait3A_55 : memref<400xi32, #tpu.memory_space<hbm>>)
    %dma_wait3A_56 = arith.constant 0 : i32
    %dma_wait3A_57 = arith.constant 0 : i32
    %dma_wait3A_58 = tpu.memref_slice %arg7[%dma_wait3A_56, %dma_wait3A_57] : memref<76800x128xf32, #tpu.memory_space<hbm>> -> memref<400x64xf32, #tpu.memory_space<hbm>>
    %dma_wait3A_59 = arith.constant 0 : i32
    %dma_wait3A_60 = arith.constant 0 : i32
    %dma_wait3A_61 = tpu.memref_slice %arg7[%dma_wait3A_59, %dma_wait3A_60] : memref<76800x128xf32, #tpu.memory_space<hbm>> -> memref<400x64xf32, #tpu.memory_space<hbm>>
    tpu.wait_dma2 semaphore(%arg27 : memref<!tpu.dma_semaphore, #tpu.memory_space<semaphore_mem>>) src(%arg15 : memref<400x64xf32, #tpu.memory_space<vmem>>) dst(%dma_wait3A_61 : memref<400x64xf32, #tpu.memory_space<hbm>>)
    %dma_wait3A_62 = arith.constant 0 : i32
    %dma_wait3A_63 = arith.constant 64 : i32
    %dma_wait3A_64 = tpu.memref_slice %arg7[%dma_wait3A_62, %dma_wait3A_63] : memref<76800x128xf32, #tpu.memory_space<hbm>> -> memref<400x64xf32, #tpu.memory_space<hbm>>
    %dma_wait3A_65 = arith.constant 0 : i32
    %dma_wait3A_66 = arith.constant 64 : i32
    %dma_wait3A_67 = tpu.memref_slice %arg7[%dma_wait3A_65, %dma_wait3A_66] : memref<76800x128xf32, #tpu.memory_space<hbm>> -> memref<400x64xf32, #tpu.memory_space<hbm>>
    tpu.wait_dma2 semaphore(%arg27 : memref<!tpu.dma_semaphore, #tpu.memory_space<semaphore_mem>>) src(%arg17 : memref<400x64xf32, #tpu.memory_space<vmem>>) dst(%dma_wait3A_67 : memref<400x64xf32, #tpu.memory_space<hbm>>)
    %dma_wait3A_68 = arith.constant 0 : i32
    %dma_wait3A_69 = tpu.memref_slice %arg8[%dma_wait3A_68] : memref<76800xi32, #tpu.memory_space<hbm>> -> memref<400xi32, #tpu.memory_space<hbm>>
    %dma_wait3A_70 = arith.constant 0 : i32
    %dma_wait3A_71 = tpu.memref_slice %arg8[%dma_wait3A_70] : memref<76800xi32, #tpu.memory_space<hbm>> -> memref<400xi32, #tpu.memory_space<hbm>>
    tpu.wait_dma2 semaphore(%arg27 : memref<!tpu.dma_semaphore, #tpu.memory_space<semaphore_mem>>) src(%arg19 : memref<400xi32, #tpu.memory_space<vmem>>) dst(%dma_wait3A_71 : memref<400xi32, #tpu.memory_space<hbm>>)
    %dma_wait3A_72 = arith.constant 0 : i32
    %dma_wait3A_73 = tpu.memref_slice %arg9[%dma_wait3A_72] : memref<76800xi32, #tpu.memory_space<hbm>> -> memref<400xi32, #tpu.memory_space<hbm>>
    %dma_wait3A_74 = arith.constant 0 : i32
    %dma_wait3A_75 = tpu.memref_slice %arg9[%dma_wait3A_74] : memref<76800xi32, #tpu.memory_space<hbm>> -> memref<400xi32, #tpu.memory_space<hbm>>
    tpu.wait_dma2 semaphore(%arg27 : memref<!tpu.dma_semaphore, #tpu.memory_space<semaphore_mem>>) src(%arg21 : memref<400xi32, #tpu.memory_space<vmem>>) dst(%dma_wait3A_75 : memref<400xi32, #tpu.memory_space<hbm>>)
    return
  }
}

#map = affine_map<(d0, d1) -> (0)>
#map1 = affine_map<(d0, d1) -> (0, 0)>
module attributes {stable_mosaic.version = 14 : i64} {
  func.func @sc_gather(%arg0: i32, %arg1: i32, %arg2: memref<12800xi32, #tpu.memory_space<hbm>>, %arg3: memref<12800xi32, #tpu.memory_space<hbm>>, %arg4: memref<10000x64xf32, #tpu.memory_space<hbm>>, %arg5: memref<10000xi32, #tpu.memory_space<hbm>>, %arg6: memref<1x1xf32, #tpu.memory_space<hbm>>, %arg7: memref<12800x128xf32, #tpu.memory_space<hbm>>, %arg8: memref<12800xi32, #tpu.memory_space<hbm>>, %arg9: memref<12800xi32, #tpu.memory_space<hbm>>, %arg10: memref<400xi32, #tpu.memory_space<vmem>>, %arg11: memref<400xi32, #tpu.memory_space<vmem>>, %arg12: memref<400xi32, #tpu.memory_space<vmem>>, %arg13: memref<400xi32, #tpu.memory_space<vmem>>, %arg14: memref<400x64xf32, #tpu.memory_space<vmem>>, %arg15: memref<400x64xf32, #tpu.memory_space<vmem>>, %arg16: memref<400x64xf32, #tpu.memory_space<vmem>>, %arg17: memref<400x64xf32, #tpu.memory_space<vmem>>, %arg18: memref<400xi32, #tpu.memory_space<vmem>>, %arg19: memref<400xi32, #tpu.memory_space<vmem>>, %arg20: memref<400xi32, #tpu.memory_space<vmem>>, %arg21: memref<400xi32, #tpu.memory_space<vmem>>, %arg22: memref<!tpu.dma_semaphore, #tpu.memory_space<semaphore_mem>>, %arg23: memref<!tpu.dma_semaphore, #tpu.memory_space<semaphore_mem>>, %arg24: memref<!tpu.dma_semaphore, #tpu.memory_space<semaphore_mem>>, %arg25: memref<!tpu.dma_semaphore, #tpu.memory_space<semaphore_mem>>, %arg26: memref<!tpu.dma_semaphore, #tpu.memory_space<semaphore_mem>>, %arg27: memref<!tpu.dma_semaphore, #tpu.memory_space<semaphore_mem>>) attributes {dimension_semantics = [#tpu.dimension_semantics<core_parallel>, #tpu.dimension_semantics<subcore_parallel>], iteration_bounds = array<i64: 2, 16>, scalar_prefetch = 0 : i64, scratch_operands = 18 : i64, tpu.core_type = #tpu.core_type<sc_vector_subcore>, window_params = [{transform_indices = #map}, {transform_indices = #map}, {transform_indices = #map1}, {transform_indices = #map}, {transform_indices = #map1}, {transform_indices = #map1}, {transform_indices = #map}, {transform_indices = #map}]} {
    %mul3A = arith.constant 2 : i32
    %mul3A_0 = arith.muli %arg1, %mul3A : i32
    %add3A = arith.addi %mul3A_0, %arg0 : i32
    %mul3A_1 = arith.constant 400 : i32
    %mul3A_2 = arith.muli %add3A, %mul3A_1 : i32
    %add3A_3 = arith.constant 0 : i32
    %add3A_4 = arith.addi %mul3A_2, %add3A_3 : i32
    %dma_start3A = tpu.memref_slice %arg2[%add3A_4] : memref<12800xi32, #tpu.memory_space<hbm>> -> memref<400xi32, #tpu.memory_space<hbm>>
    %dma_start3A_5 = tpu.memref_slice %arg2[%add3A_4] : memref<12800xi32, #tpu.memory_space<hbm>> -> memref<400xi32, #tpu.memory_space<hbm>>
    tpu.enqueue_dma source(%dma_start3A_5 : memref<400xi32, #tpu.memory_space<hbm>>) target(%arg10 : memref<400xi32, #tpu.memory_space<vmem>>) target_semaphore(%arg22 : memref<!tpu.dma_semaphore, #tpu.memory_space<semaphore_mem>>)
    %dma_start3A_6 = tpu.memref_slice %arg3[%add3A_4] : memref<12800xi32, #tpu.memory_space<hbm>> -> memref<400xi32, #tpu.memory_space<hbm>>
    %dma_start3A_7 = tpu.memref_slice %arg3[%add3A_4] : memref<12800xi32, #tpu.memory_space<hbm>> -> memref<400xi32, #tpu.memory_space<hbm>>
    tpu.enqueue_dma source(%dma_start3A_7 : memref<400xi32, #tpu.memory_space<hbm>>) target(%arg12 : memref<400xi32, #tpu.memory_space<vmem>>) target_semaphore(%arg22 : memref<!tpu.dma_semaphore, #tpu.memory_space<semaphore_mem>>)
    %dma_wait3A = arith.constant 0 : i32
    %dma_wait3A_8 = tpu.memref_slice %arg2[%dma_wait3A] : memref<12800xi32, #tpu.memory_space<hbm>> -> memref<400xi32, #tpu.memory_space<hbm>>
    %dma_wait3A_9 = arith.constant 0 : i32
    %dma_wait3A_10 = tpu.memref_slice %arg2[%dma_wait3A_9] : memref<12800xi32, #tpu.memory_space<hbm>> -> memref<400xi32, #tpu.memory_space<hbm>>
    tpu.wait_dma2 semaphore(%arg22 : memref<!tpu.dma_semaphore, #tpu.memory_space<semaphore_mem>>) src(%dma_wait3A_10 : memref<400xi32, #tpu.memory_space<hbm>>) dst(%arg10 : memref<400xi32, #tpu.memory_space<vmem>>)
    %dma_wait3A_11 = arith.constant 0 : i32
    %dma_wait3A_12 = tpu.memref_slice %arg3[%dma_wait3A_11] : memref<12800xi32, #tpu.memory_space<hbm>> -> memref<400xi32, #tpu.memory_space<hbm>>
    %dma_wait3A_13 = arith.constant 0 : i32
    %dma_wait3A_14 = tpu.memref_slice %arg3[%dma_wait3A_13] : memref<12800xi32, #tpu.memory_space<hbm>> -> memref<400xi32, #tpu.memory_space<hbm>>
    tpu.wait_dma2 semaphore(%arg22 : memref<!tpu.dma_semaphore, #tpu.memory_space<semaphore_mem>>) src(%dma_wait3A_14 : memref<400xi32, #tpu.memory_space<hbm>>) dst(%arg12 : memref<400xi32, #tpu.memory_space<vmem>>)
    %dma_start3A_15 = arith.constant 0 : i32
    %dma_start3A_16 = arith.constant 0 : i32
    %dma_start3A_17 = tpu.memref_slice %arg4[%dma_start3A_15, %dma_start3A_16] : memref<10000x64xf32, #tpu.memory_space<hbm>> -> memref<10000x64xf32, #tpu.memory_space<hbm>>
    tpu.enqueue_indirect_dma source(%dma_start3A_17 : memref<10000x64xf32, #tpu.memory_space<hbm>>) target(%arg14 : memref<400x64xf32, #tpu.memory_space<vmem>>) offsets(%arg10 : memref<400xi32, #tpu.memory_space<vmem>>) semaphore(%arg24 : memref<!tpu.dma_semaphore, #tpu.memory_space<semaphore_mem>>)
    %dma_start3A_18 = arith.constant 0 : i32
    %dma_start3A_19 = arith.constant 0 : i32
    %dma_start3A_20 = tpu.memref_slice %arg4[%dma_start3A_18, %dma_start3A_19] : memref<10000x64xf32, #tpu.memory_space<hbm>> -> memref<10000x64xf32, #tpu.memory_space<hbm>>
    tpu.enqueue_indirect_dma source(%dma_start3A_20 : memref<10000x64xf32, #tpu.memory_space<hbm>>) target(%arg16 : memref<400x64xf32, #tpu.memory_space<vmem>>) offsets(%arg12 : memref<400xi32, #tpu.memory_space<vmem>>) semaphore(%arg24 : memref<!tpu.dma_semaphore, #tpu.memory_space<semaphore_mem>>)
    %dma_start3A_21 = arith.constant 0 : i32
    %dma_start3A_22 = tpu.memref_slice %arg5[%dma_start3A_21] : memref<10000xi32, #tpu.memory_space<hbm>> -> memref<10000xi32, #tpu.memory_space<hbm>>
    tpu.enqueue_indirect_dma source(%dma_start3A_22 : memref<10000xi32, #tpu.memory_space<hbm>>) target(%arg18 : memref<400xi32, #tpu.memory_space<vmem>>) offsets(%arg10 : memref<400xi32, #tpu.memory_space<vmem>>) semaphore(%arg24 : memref<!tpu.dma_semaphore, #tpu.memory_space<semaphore_mem>>)
    %dma_start3A_23 = arith.constant 0 : i32
    %dma_start3A_24 = tpu.memref_slice %arg5[%dma_start3A_23] : memref<10000xi32, #tpu.memory_space<hbm>> -> memref<10000xi32, #tpu.memory_space<hbm>>
    tpu.enqueue_indirect_dma source(%dma_start3A_24 : memref<10000xi32, #tpu.memory_space<hbm>>) target(%arg20 : memref<400xi32, #tpu.memory_space<vmem>>) offsets(%arg12 : memref<400xi32, #tpu.memory_space<vmem>>) semaphore(%arg24 : memref<!tpu.dma_semaphore, #tpu.memory_space<semaphore_mem>>)
    %scan3A = arith.constant 0 : i32
    %scan3A_25 = arith.constant 0 : i32
    %scan3A_26 = arith.constant 0 : i32
    %scan3A_27 = arith.addi %scan3A_25, %scan3A_26 : i32
    %scan3A_28 = arith.constant 0 : i32
    %dma_wait3A_29 = arith.constant 0 : i32
    %dma_wait3A_30 = arith.constant 0 : i32
    %dma_wait3A_31 = tpu.memref_slice %arg4[%dma_wait3A_29, %dma_wait3A_30] : memref<10000x64xf32, #tpu.memory_space<hbm>> -> memref<10000x64xf32, #tpu.memory_space<hbm>>
    tpu.wait_indirect_dma semaphore(%arg24 : memref<!tpu.dma_semaphore, #tpu.memory_space<semaphore_mem>>) src(%dma_wait3A_31 : memref<10000x64xf32, #tpu.memory_space<hbm>>) dst(%arg14 : memref<400x64xf32, #tpu.memory_space<vmem>>)
    %dma_wait3A_32 = arith.constant 0 : i32
    %dma_wait3A_33 = arith.constant 0 : i32
    %dma_wait3A_34 = tpu.memref_slice %arg4[%dma_wait3A_32, %dma_wait3A_33] : memref<10000x64xf32, #tpu.memory_space<hbm>> -> memref<10000x64xf32, #tpu.memory_space<hbm>>
    tpu.wait_indirect_dma semaphore(%arg24 : memref<!tpu.dma_semaphore, #tpu.memory_space<semaphore_mem>>) src(%dma_wait3A_34 : memref<10000x64xf32, #tpu.memory_space<hbm>>) dst(%arg16 : memref<400x64xf32, #tpu.memory_space<vmem>>)
    %dma_wait3A_35 = arith.constant 0 : i32
    %dma_wait3A_36 = tpu.memref_slice %arg5[%dma_wait3A_35] : memref<10000xi32, #tpu.memory_space<hbm>> -> memref<10000xi32, #tpu.memory_space<hbm>>
    tpu.wait_indirect_dma semaphore(%arg24 : memref<!tpu.dma_semaphore, #tpu.memory_space<semaphore_mem>>) src(%dma_wait3A_36 : memref<10000xi32, #tpu.memory_space<hbm>>) dst(%arg18 : memref<400xi32, #tpu.memory_space<vmem>>)
    %dma_wait3A_37 = arith.constant 0 : i32
    %dma_wait3A_38 = tpu.memref_slice %arg5[%dma_wait3A_37] : memref<10000xi32, #tpu.memory_space<hbm>> -> memref<10000xi32, #tpu.memory_space<hbm>>
    tpu.wait_indirect_dma semaphore(%arg24 : memref<!tpu.dma_semaphore, #tpu.memory_space<semaphore_mem>>) src(%dma_wait3A_38 : memref<10000xi32, #tpu.memory_space<hbm>>) dst(%arg20 : memref<400xi32, #tpu.memory_space<vmem>>)
    %add3A_39 = arith.constant 0 : i32
    %add3A_40 = arith.addi %mul3A_2, %add3A_39 : i32
    %dma_start3A_41 = arith.constant 0 : i32
    %dma_start3A_42 = tpu.memref_slice %arg7[%add3A_40, %dma_start3A_41] : memref<12800x128xf32, #tpu.memory_space<hbm>> -> memref<400x64xf32, #tpu.memory_space<hbm>>
    %dma_start3A_43 = arith.constant 0 : i32
    %dma_start3A_44 = tpu.memref_slice %arg7[%add3A_40, %dma_start3A_43] : memref<12800x128xf32, #tpu.memory_space<hbm>> -> memref<400x64xf32, #tpu.memory_space<hbm>>
    tpu.enqueue_dma source(%arg14 : memref<400x64xf32, #tpu.memory_space<vmem>>) target(%dma_start3A_44 : memref<400x64xf32, #tpu.memory_space<hbm>>) target_semaphore(%arg26 : memref<!tpu.dma_semaphore, #tpu.memory_space<semaphore_mem>>)
    %dma_start3A_45 = arith.constant 64 : i32
    %dma_start3A_46 = tpu.memref_slice %arg7[%add3A_40, %dma_start3A_45] : memref<12800x128xf32, #tpu.memory_space<hbm>> -> memref<400x64xf32, #tpu.memory_space<hbm>>
    %dma_start3A_47 = arith.constant 64 : i32
    %dma_start3A_48 = tpu.memref_slice %arg7[%add3A_40, %dma_start3A_47] : memref<12800x128xf32, #tpu.memory_space<hbm>> -> memref<400x64xf32, #tpu.memory_space<hbm>>
    tpu.enqueue_dma source(%arg16 : memref<400x64xf32, #tpu.memory_space<vmem>>) target(%dma_start3A_48 : memref<400x64xf32, #tpu.memory_space<hbm>>) target_semaphore(%arg26 : memref<!tpu.dma_semaphore, #tpu.memory_space<semaphore_mem>>)
    %dma_start3A_49 = tpu.memref_slice %arg8[%add3A_40] : memref<12800xi32, #tpu.memory_space<hbm>> -> memref<400xi32, #tpu.memory_space<hbm>>
    %dma_start3A_50 = tpu.memref_slice %arg8[%add3A_40] : memref<12800xi32, #tpu.memory_space<hbm>> -> memref<400xi32, #tpu.memory_space<hbm>>
    tpu.enqueue_dma source(%arg18 : memref<400xi32, #tpu.memory_space<vmem>>) target(%dma_start3A_50 : memref<400xi32, #tpu.memory_space<hbm>>) target_semaphore(%arg26 : memref<!tpu.dma_semaphore, #tpu.memory_space<semaphore_mem>>)
    %dma_start3A_51 = tpu.memref_slice %arg9[%add3A_40] : memref<12800xi32, #tpu.memory_space<hbm>> -> memref<400xi32, #tpu.memory_space<hbm>>
    %dma_start3A_52 = tpu.memref_slice %arg9[%add3A_40] : memref<12800xi32, #tpu.memory_space<hbm>> -> memref<400xi32, #tpu.memory_space<hbm>>
    tpu.enqueue_dma source(%arg20 : memref<400xi32, #tpu.memory_space<vmem>>) target(%dma_start3A_52 : memref<400xi32, #tpu.memory_space<hbm>>) target_semaphore(%arg26 : memref<!tpu.dma_semaphore, #tpu.memory_space<semaphore_mem>>)
    %dma_wait3A_53 = arith.constant 0 : i32
    %dma_wait3A_54 = arith.constant 0 : i32
    %dma_wait3A_55 = tpu.memref_slice %arg7[%dma_wait3A_53, %dma_wait3A_54] : memref<12800x128xf32, #tpu.memory_space<hbm>> -> memref<400x64xf32, #tpu.memory_space<hbm>>
    %dma_wait3A_56 = arith.constant 0 : i32
    %dma_wait3A_57 = arith.constant 0 : i32
    %dma_wait3A_58 = tpu.memref_slice %arg7[%dma_wait3A_56, %dma_wait3A_57] : memref<12800x128xf32, #tpu.memory_space<hbm>> -> memref<400x64xf32, #tpu.memory_space<hbm>>
    tpu.wait_dma2 semaphore(%arg26 : memref<!tpu.dma_semaphore, #tpu.memory_space<semaphore_mem>>) src(%arg14 : memref<400x64xf32, #tpu.memory_space<vmem>>) dst(%dma_wait3A_58 : memref<400x64xf32, #tpu.memory_space<hbm>>)
    %dma_wait3A_59 = arith.constant 0 : i32
    %dma_wait3A_60 = arith.constant 64 : i32
    %dma_wait3A_61 = tpu.memref_slice %arg7[%dma_wait3A_59, %dma_wait3A_60] : memref<12800x128xf32, #tpu.memory_space<hbm>> -> memref<400x64xf32, #tpu.memory_space<hbm>>
    %dma_wait3A_62 = arith.constant 0 : i32
    %dma_wait3A_63 = arith.constant 64 : i32
    %dma_wait3A_64 = tpu.memref_slice %arg7[%dma_wait3A_62, %dma_wait3A_63] : memref<12800x128xf32, #tpu.memory_space<hbm>> -> memref<400x64xf32, #tpu.memory_space<hbm>>
    tpu.wait_dma2 semaphore(%arg26 : memref<!tpu.dma_semaphore, #tpu.memory_space<semaphore_mem>>) src(%arg16 : memref<400x64xf32, #tpu.memory_space<vmem>>) dst(%dma_wait3A_64 : memref<400x64xf32, #tpu.memory_space<hbm>>)
    %dma_wait3A_65 = arith.constant 0 : i32
    %dma_wait3A_66 = tpu.memref_slice %arg8[%dma_wait3A_65] : memref<12800xi32, #tpu.memory_space<hbm>> -> memref<400xi32, #tpu.memory_space<hbm>>
    %dma_wait3A_67 = arith.constant 0 : i32
    %dma_wait3A_68 = tpu.memref_slice %arg8[%dma_wait3A_67] : memref<12800xi32, #tpu.memory_space<hbm>> -> memref<400xi32, #tpu.memory_space<hbm>>
    tpu.wait_dma2 semaphore(%arg26 : memref<!tpu.dma_semaphore, #tpu.memory_space<semaphore_mem>>) src(%arg18 : memref<400xi32, #tpu.memory_space<vmem>>) dst(%dma_wait3A_68 : memref<400xi32, #tpu.memory_space<hbm>>)
    %dma_wait3A_69 = arith.constant 0 : i32
    %dma_wait3A_70 = tpu.memref_slice %arg9[%dma_wait3A_69] : memref<12800xi32, #tpu.memory_space<hbm>> -> memref<400xi32, #tpu.memory_space<hbm>>
    %dma_wait3A_71 = arith.constant 0 : i32
    %dma_wait3A_72 = tpu.memref_slice %arg9[%dma_wait3A_71] : memref<12800xi32, #tpu.memory_space<hbm>> -> memref<400xi32, #tpu.memory_space<hbm>>
    tpu.wait_dma2 semaphore(%arg26 : memref<!tpu.dma_semaphore, #tpu.memory_space<semaphore_mem>>) src(%arg20 : memref<400xi32, #tpu.memory_space<vmem>>) dst(%dma_wait3A_72 : memref<400xi32, #tpu.memory_space<hbm>>)
    return
  }
}

module attributes {stable_mosaic.version = 14 : i64} {
  func.func @_tc_body(%arg0: i32, %arg1: memref<6400x128xf32, #tpu.memory_space<vmem>>, %arg2: memref<1x50x128xi32, #tpu.memory_space<vmem>>, %arg3: memref<1x50x128xi32, #tpu.memory_space<vmem>>, %arg4: memref<1x64xf32, #tpu.memory_space<vmem>>, %arg5: memref<64x192xf32, #tpu.memory_space<vmem>>, %arg6: memref<64x1xf32, #tpu.memory_space<vmem>>, %arg7: memref<1x64xf32, #tpu.memory_space<vmem>>, %arg8: memref<1x1xf32, #tpu.memory_space<vmem>>, %arg9: memref<1x1xi32, #tpu.memory_space<smem>>, %arg10: memref<1x1xf32, #tpu.memory_space<smem>>, %arg11: memref<1x1xi32, #tpu.memory_space<smem>>, %arg12: memref<1x50x128xf32, #tpu.memory_space<vmem>>, %arg13: memref<1x50x128xf32, #tpu.memory_space<vmem>>, %arg14: memref<1x1xf32, #tpu.memory_space<smem>>, %arg15: memref<1x1xi32, #tpu.memory_space<smem>>, %arg16: memref<1xf32, #tpu.memory_space<smem>>, %arg17: memref<1xi32, #tpu.memory_space<smem>>) attributes {dimension_semantics = [#tpu.dimension_semantics<arbitrary>], iteration_bounds = array<i64: 12>, scalar_prefetch = 0 : i64, scratch_operands = 2 : i64, tpu.core_type = #tpu.core_type<tc>, window_params = [{transform_indices = @transform_0, window_bounds = array<i64: 6400, 128>}, {transform_indices = @transform_1, window_bounds = array<i64: 1, 50, 128>}, {transform_indices = @transform_2, window_bounds = array<i64: 1, 50, 128>}, {pipeline_mode = #tpu.pipeline_mode<synchronous>, transform_indices = @transform_3, window_bounds = array<i64: 1, 64>}, {pipeline_mode = #tpu.pipeline_mode<synchronous>, transform_indices = @transform_4, window_bounds = array<i64: 64, 192>}, {pipeline_mode = #tpu.pipeline_mode<synchronous>, transform_indices = @transform_5, window_bounds = array<i64: 64, 1>}, {pipeline_mode = #tpu.pipeline_mode<synchronous>, transform_indices = @transform_6, window_bounds = array<i64: 1, 64>}, {pipeline_mode = #tpu.pipeline_mode<synchronous>, transform_indices = @transform_7, window_bounds = array<i64: 1, 1>}, {transform_indices = @transform_8, window_bounds = array<i64: 1, 1>}, {transform_indices = @transform_9, window_bounds = array<i64: 1, 1>}, {transform_indices = @transform_10, window_bounds = array<i64: 1, 1>}, {transform_indices = @transform_11, window_bounds = array<i64: 1, 50, 128>}, {transform_indices = @transform_12, window_bounds = array<i64: 1, 50, 128>}, {transform_indices = @transform_13, window_bounds = array<i64: 1, 1>}, {transform_indices = @transform_14, window_bounds = array<i64: 1, 1>}]} {
    %get3A = arith.constant 0 : index
    %get3A_0 = arith.constant 0 : index
    %get3A_1 = vector.load %arg1[%get3A, %get3A_0] : memref<6400x128xf32, #tpu.memory_space<vmem>>, vector<6400x128xf32>
    %transpose3A = tpu.transpose %get3A_1, [1, 0] : vector<6400x128xf32> -> vector<128x6400xf32>
    %slice3A = vector.extract_strided_slice %transpose3A {offsets = [0, 0], sizes = [64, 6400], strides = [1, 1]} : vector<128x6400xf32> to vector<64x6400xf32>
    %slice3A_2 = vector.extract_strided_slice %transpose3A {offsets = [64, 0], sizes = [64, 6400], strides = [1, 1]} : vector<128x6400xf32> to vector<64x6400xf32>
    %mul3A = arith.mulf %slice3A, %slice3A_2 : vector<64x6400xf32>
    %concatenate3A = tpu.concatenate %transpose3A, %mul3A in 0 : vector<128x6400xf32>, vector<64x6400xf32> -> vector<192x6400xf32>
    %get3A_3 = arith.constant 0 : index
    %get3A_4 = arith.constant 0 : index
    %get3A_5 = vector.load %arg5[%get3A_3, %get3A_4] : memref<64x192xf32, #tpu.memory_space<vmem>>, vector<64x192xf32>
    %dot_general3A = arith.constant dense<0.000000e+00> : vector<64x6400xf32>
    %dot_general3A_6 = tpu.matmul %get3A_5, %concatenate3A, %dot_general3A {dimension_numbers = #tpu.dot_dimension_numbers<[1], [0], [0], [1], [0, 0, 1, 1], [], []>, transpose_lhs_hint = false} : vector<64x192xf32>, vector<192x6400xf32>, vector<64x6400xf32> -> vector<64x6400xf32>
    %get3A_7 = arith.constant 0 : index
    %get3A_8 = arith.constant 0 : index
    %get3A_9 = vector.load %arg6[%get3A_7, %get3A_8] : memref<64x1xf32, #tpu.memory_space<vmem>>, vector<64x1xf32>
    %add3A = vector.broadcast %get3A_9 : vector<64x1xf32> to vector<64x6400xf32>
    %add3A_10 = arith.addf %dot_general3A_6, %add3A : vector<64x6400xf32>
    %max3A = arith.constant 0.000000e+00 : f32
    %max3A_11 = vector.broadcast %max3A : f32 to vector<64x6400xf32>
    %max3A_12 = arith.maximumf %add3A_10, %max3A_11 : vector<64x6400xf32>
    %get3A_13 = arith.constant 0 : index
    %get3A_14 = arith.constant 0 : index
    %get3A_15 = vector.load %arg7[%get3A_13, %get3A_14] : memref<1x64xf32, #tpu.memory_space<vmem>>, vector<1x64xf32>
    %dot_general3A_16 = arith.constant dense<0.000000e+00> : vector<1x6400xf32>
    %dot_general3A_17 = tpu.matmul %get3A_15, %max3A_12, %dot_general3A_16 {dimension_numbers = #tpu.dot_dimension_numbers<[1], [0], [0], [1], [0, 0, 1, 1], [], []>, transpose_lhs_hint = false} : vector<1x64xf32>, vector<64x6400xf32>, vector<1x6400xf32> -> vector<1x6400xf32>
    %get3A_18 = arith.constant 0 : index
    %get3A_19 = arith.constant 0 : index
    %get3A_20 = vector.load %arg4[%get3A_18, %get3A_19] : memref<1x64xf32, #tpu.memory_space<vmem>>, vector<1x64xf32>
    %mul3A_21 = arith.mulf %get3A_20, %get3A_20 : vector<1x64xf32>
    %reduce_sum3A = vector.shape_cast %mul3A_21 : vector<1x64xf32> to vector<1x1x64xf32>
    %reduce_sum3A_22 = arith.constant dense<0.000000e+00> : vector<1xf32>
    %reduce_sum3A_23 = vector.multi_reduction <add>, %reduce_sum3A, %reduce_sum3A_22 [1, 2] : vector<1x1x64xf32> to vector<1xf32>
    %reduce_sum3A_24 = vector.shape_cast %reduce_sum3A_23 : vector<1xf32> to vector<1x1x1xf32>
    %reduce_sum3A_25 = vector.extract %reduce_sum3A_24[0, 0, 0] : f32 from vector<1x1x1xf32>
    %sqrt3A = math.sqrt %reduce_sum3A_25 : f32
    %add3A_26 = arith.constant 9.99999993E-9 : f32
    %add3A_27 = arith.addf %sqrt3A, %add3A_26 : f32
    %div3A = vector.broadcast %add3A_27 : f32 to vector<1x64xf32>
    %div3A_28 = arith.divf %get3A_20, %div3A : vector<1x64xf32>
    %dot_general3A_29 = arith.constant dense<0.000000e+00> : vector<1x6400xf32>
    %dot_general3A_30 = tpu.matmul %div3A_28, %slice3A_2, %dot_general3A_29 {dimension_numbers = #tpu.dot_dimension_numbers<[1], [0], [0], [1], [0, 0, 1, 1], [], []>, transpose_lhs_hint = false} : vector<1x64xf32>, vector<64x6400xf32>, vector<1x6400xf32> -> vector<1x6400xf32>
    %broadcast_in_dim3A = arith.constant 1.000000e+00 : f32
    %broadcast_in_dim3A_31 = vector.broadcast %broadcast_in_dim3A : f32 to vector<1x64xf32>
    %mul3A_32 = arith.mulf %slice3A_2, %slice3A_2 : vector<64x6400xf32>
    %dot_general3A_33 = arith.constant dense<0.000000e+00> : vector<1x6400xf32>
    %dot_general3A_34 = tpu.matmul %broadcast_in_dim3A_31, %mul3A_32, %dot_general3A_33 {dimension_numbers = #tpu.dot_dimension_numbers<[1], [0], [0], [1], [0, 0, 1, 1], [], []>, transpose_lhs_hint = false} : vector<1x64xf32>, vector<64x6400xf32>, vector<1x6400xf32> -> vector<1x6400xf32>
    %reshape3A = vector.shape_cast %dot_general3A_17 : vector<1x6400xf32> to vector<50x128xf32>
    %reshape3A_35 = vector.shape_cast %dot_general3A_30 : vector<1x6400xf32> to vector<50x128xf32>
    %reshape3A_36 = vector.shape_cast %dot_general3A_34 : vector<1x6400xf32> to vector<50x128xf32>
    %get3A_37 = arith.constant 0 : index
    %get3A_38 = arith.constant 0 : index
    %get3A_39 = vector.load %arg8[%get3A_37, %get3A_38] : memref<1x1xf32, #tpu.memory_space<vmem>>, vector<1x1xf32>
    %add3A_40 = vector.broadcast %get3A_39 : vector<1x1xf32> to vector<50x128xf32>
    %add3A_41 = arith.addf %reshape3A, %add3A_40 : vector<50x128xf32>
    %logistic3A = arith.negf %add3A_41 : vector<50x128xf32>
    %logistic3A_42 = math.exp %logistic3A : vector<50x128xf32>
    %logistic3A_43 = arith.constant 1.000000e+00 : f32
    %logistic3A_44 = vector.broadcast %logistic3A_43 : f32 to vector<50x128xf32>
    %logistic3A_45 = arith.addf %logistic3A_44, %logistic3A_42 : vector<50x128xf32>
    %logistic3A_46 = arith.divf %logistic3A_44, %logistic3A_45 : vector<50x128xf32>
    %swap3A = arith.constant 0 : index
    %swap3A_47 = arith.constant 0 : index
    %swap3A_48 = arith.constant 0 : index
    %swap3A_49 = vector.load %arg12[%swap3A, %swap3A_47, %swap3A_48] : memref<1x50x128xf32, #tpu.memory_space<vmem>>, vector<1x50x128xf32>
    %swap3A_50 = vector.shape_cast %swap3A_49 : vector<1x50x128xf32> to vector<50x128xf32>
    %swap3A_51 = vector.shape_cast %logistic3A_46 : vector<50x128xf32> to vector<1x50x128xf32>
    tpu.vector_store %arg12[%swap3A, %swap3A_47, %swap3A_48], %swap3A_51 {strides = array<i32>} : memref<1x50x128xf32, #tpu.memory_space<vmem>>, vector<1x50x128xf32>,
    %sqrt3A_52 = math.sqrt %reshape3A_36 : vector<50x128xf32>
    %add3A_53 = arith.constant 9.99999993E-9 : f32
    %add3A_54 = vector.broadcast %add3A_53 : f32 to vector<50x128xf32>
    %add3A_55 = arith.addf %sqrt3A_52, %add3A_54 : vector<50x128xf32>
    %div3A_56 = arith.divf %reshape3A_35, %add3A_55 : vector<50x128xf32>
    %swap3A_57 = arith.constant 0 : index
    %swap3A_58 = arith.constant 0 : index
    %swap3A_59 = arith.constant 0 : index
    %swap3A_60 = vector.load %arg13[%swap3A_57, %swap3A_58, %swap3A_59] : memref<1x50x128xf32, #tpu.memory_space<vmem>>, vector<1x50x128xf32>
    %swap3A_61 = vector.shape_cast %swap3A_60 : vector<1x50x128xf32> to vector<50x128xf32>
    %swap3A_62 = vector.shape_cast %div3A_56 : vector<50x128xf32> to vector<1x50x128xf32>
    tpu.vector_store %arg13[%swap3A_57, %swap3A_58, %swap3A_59], %swap3A_62 {strides = array<i32>} : memref<1x50x128xf32, #tpu.memory_space<vmem>>, vector<1x50x128xf32>,
    %ge3A = arith.constant 2.000000e-01 : f32
    %ge3A_63 = vector.broadcast %ge3A : f32 to vector<50x128xf32>
    %ge3A_64 = arith.cmpf oge, %logistic3A_46, %ge3A_63 : vector<50x128xf32>
    %get3A_65 = arith.constant 0 : index
    %get3A_66 = arith.constant 0 : index
    %get3A_67 = arith.constant 0 : index
    %get3A_68 = vector.load %arg2[%get3A_65, %get3A_66, %get3A_67] : memref<1x50x128xi32, #tpu.memory_space<vmem>>, vector<1x50x128xi32>
    %get3A_69 = vector.shape_cast %get3A_68 : vector<1x50x128xi32> to vector<50x128xi32>
    %eq3A = arith.constant 0 : i32
    %eq3A_70 = vector.broadcast %eq3A : i32 to vector<50x128xi32>
    %eq3A_71 = arith.cmpi eq, %get3A_69, %eq3A_70 : vector<50x128xi32>
    %and3A = arith.andi %ge3A_64, %eq3A_71 : vector<50x128xi1>
    %get3A_72 = arith.constant 0 : index
    %get3A_73 = arith.constant 0 : index
    %get3A_74 = arith.constant 0 : index
    %get3A_75 = vector.load %arg3[%get3A_72, %get3A_73, %get3A_74] : memref<1x50x128xi32, #tpu.memory_space<vmem>>, vector<1x50x128xi32>
    %get3A_76 = vector.shape_cast %get3A_75 : vector<1x50x128xi32> to vector<50x128xi32>
    %eq3A_77 = arith.constant 1 : i32
    %eq3A_78 = vector.broadcast %eq3A_77 : i32 to vector<50x128xi32>
    %eq3A_79 = arith.cmpi eq, %get3A_76, %eq3A_78 : vector<50x128xi32>
    %and3A_80 = arith.andi %and3A, %eq3A_79 : vector<50x128xi1>
    %jit3A = arith.constant -1.000000e+09 : f32
    %broadcast_in_dim3A_81 = vector.broadcast %jit3A : f32 to vector<50x128xf32>
    %select_n3A = arith.select %and3A_80, %div3A_56, %broadcast_in_dim3A_81 : vector<50x128xi1>, vector<50x128xf32>
    %reduce_max3A = vector.shape_cast %select_n3A : vector<50x128xf32> to vector<1x50x128xf32>
    %reduce_max3A_82 = arith.constant dense<0xFF800000> : vector<1xf32>
    %reduce_max3A_83 = vector.multi_reduction <maximumf>, %reduce_max3A, %reduce_max3A_82 [1, 2] : vector<1x50x128xf32> to vector<1xf32>
    %reduce_max3A_84 = vector.shape_cast %reduce_max3A_83 : vector<1xf32> to vector<1x1x1xf32>
    %reduce_max3A_85 = vector.extract %reduce_max3A_84[0, 0, 0] : f32 from vector<1x1x1xf32>
    %iota3A = tpu.iota {dimensions = array<i32: 0>} : vector<50x128xi32>
    %mul3A_86 = arith.constant 128 : i32
    %mul3A_87 = vector.broadcast %mul3A_86 : i32 to vector<50x128xi32>
    %mul3A_88 = arith.muli %iota3A, %mul3A_87 : vector<50x128xi32>
    %iota3A_89 = tpu.iota {dimensions = array<i32: 1>} : vector<50x128xi32>
    %add3A_90 = arith.addi %mul3A_88, %iota3A_89 : vector<50x128xi32>
    %eq3A_91 = vector.broadcast %reduce_max3A_85 : f32 to vector<50x128xf32>
    %eq3A_92 = arith.cmpf oeq, %select_n3A, %eq3A_91 : vector<50x128xf32>
    %jit3A_93 = arith.constant 1073741824 : i32
    %broadcast_in_dim3A_94 = vector.broadcast %jit3A_93 : i32 to vector<50x128xi32>
    %select_n3A_95 = arith.select %eq3A_92, %add3A_90, %broadcast_in_dim3A_94 : vector<50x128xi1>, vector<50x128xi32>
    %reduce_min3A = vector.shape_cast %select_n3A_95 : vector<50x128xi32> to vector<1x50x128xi32>
    %reduce_min3A_96 = arith.constant dense<2147483647> : vector<1xi32>
    %reduce_min3A_97 = vector.multi_reduction <minsi>, %reduce_min3A, %reduce_min3A_96 [1, 2] : vector<1x50x128xi32> to vector<1xi32>
    %reduce_min3A_98 = vector.shape_cast %reduce_min3A_97 : vector<1xi32> to vector<1x1x1xi32>
    %reduce_min3A_99 = vector.extract %reduce_min3A_98[0, 0, 0] : i32 from vector<1x1x1xi32>
    %eq3A_100 = arith.constant 0 : i32
    %eq3A_101 = arith.cmpi eq, %arg0, %eq3A_100 : i32
    %convert_element_type3A = arith.extui %eq3A_101 : i1 to i32
    %cond3A = arith.constant 0 : i32
    %cond3A_102 = arith.cmpi ne, %convert_element_type3A, %cond3A : i32
    scf.if %cond3A_102 {
      %get3A_132 = arith.constant 0 : index
      %get3A_133 = arith.constant 0 : index
      %get3A_134 = memref.load %arg10[%get3A_132, %get3A_133] : memref<1x1xf32, #tpu.memory_space<smem>>
      %swap3A_135 = arith.constant 0 : index
      %swap3A_136 = memref.load %arg16[%swap3A_135] : memref<1xf32, #tpu.memory_space<smem>>
      memref.store %get3A_134, %arg16[%swap3A_135] : memref<1xf32, #tpu.memory_space<smem>>
      %get3A_137 = arith.constant 0 : index
      %get3A_138 = arith.constant 0 : index
      %get3A_139 = memref.load %arg11[%get3A_137, %get3A_138] : memref<1x1xi32, #tpu.memory_space<smem>>
      %swap3A_140 = arith.constant 0 : index
      %swap3A_141 = memref.load %arg17[%swap3A_140] : memref<1xi32, #tpu.memory_space<smem>>
      memref.store %get3A_139, %arg17[%swap3A_140] : memref<1xi32, #tpu.memory_space<smem>>
    } else {
    }
    %get3A_103 = arith.constant 0 : index
    %get3A_104 = memref.load %arg16[%get3A_103] : memref<1xf32, #tpu.memory_space<smem>>
    %gt3A = arith.cmpf ogt, %reduce_max3A_85, %get3A_104 : f32
    %get3A_105 = arith.constant 0 : index
    %get3A_106 = memref.load %arg16[%get3A_105] : memref<1xf32, #tpu.memory_space<smem>>
    %select_n3A_107 = arith.select %gt3A, %reduce_max3A_85, %get3A_106 : f32
    %swap3A_108 = arith.constant 0 : index
    %swap3A_109 = memref.load %arg16[%swap3A_108] : memref<1xf32, #tpu.memory_space<smem>>
    memref.store %select_n3A_107, %arg16[%swap3A_108] : memref<1xf32, #tpu.memory_space<smem>>
    %get3A_110 = arith.constant 0 : index
    %get3A_111 = arith.constant 0 : index
    %get3A_112 = memref.load %arg9[%get3A_110, %get3A_111] : memref<1x1xi32, #tpu.memory_space<smem>>
    %mul3A_113 = arith.constant 6400 : i32
    %mul3A_114 = arith.muli %arg0, %mul3A_113 : i32
    %add3A_115 = arith.addi %get3A_112, %mul3A_114 : i32
    %add3A_116 = arith.addi %add3A_115, %reduce_min3A_99 : i32
    %get3A_117 = arith.constant 0 : index
    %get3A_118 = memref.load %arg17[%get3A_117] : memref<1xi32, #tpu.memory_space<smem>>
    %select_n3A_119 = arith.select %gt3A, %add3A_116, %get3A_118 : i32
    %swap3A_120 = arith.constant 0 : index
    %swap3A_121 = memref.load %arg17[%swap3A_120] : memref<1xi32, #tpu.memory_space<smem>>
    memref.store %select_n3A_119, %arg17[%swap3A_120] : memref<1xi32, #tpu.memory_space<smem>>
    %get3A_122 = arith.constant 0 : index
    %get3A_123 = memref.load %arg16[%get3A_122] : memref<1xf32, #tpu.memory_space<smem>>
    %swap3A_124 = arith.constant 0 : index
    %swap3A_125 = arith.constant 0 : index
    %swap3A_126 = memref.load %arg14[%swap3A_124, %swap3A_125] : memref<1x1xf32, #tpu.memory_space<smem>>
    memref.store %get3A_123, %arg14[%swap3A_124, %swap3A_125] : memref<1x1xf32, #tpu.memory_space<smem>>
    %get3A_127 = arith.constant 0 : index
    %get3A_128 = memref.load %arg17[%get3A_127] : memref<1xi32, #tpu.memory_space<smem>>
    %swap3A_129 = arith.constant 0 : index
    %swap3A_130 = arith.constant 0 : index
    %swap3A_131 = memref.load %arg15[%swap3A_129, %swap3A_130] : memref<1x1xi32, #tpu.memory_space<smem>>
    memref.store %get3A_128, %arg15[%swap3A_129, %swap3A_130] : memref<1x1xi32, #tpu.memory_space<smem>>
    return
  }
  func.func @transform_0(%arg0: i32) -> (i32, i32) {
    %c0_i32 = arith.constant 0 : i32
    %c0_i32_0 = arith.constant 0 : i32
    return %arg0, %c0_i32 : i32, i32
  }
  func.func @transform_1(%arg0: i32) -> (i32, i32, i32) {
    %c0_i32 = arith.constant 0 : i32
    %c0_i32_0 = arith.constant 0 : i32
    %c0_i32_1 = arith.constant 0 : i32
    return %arg0, %c0_i32, %c0_i32_0 : i32, i32, i32
  }
  func.func @transform_2(%arg0: i32) -> (i32, i32, i32) {
    %c0_i32 = arith.constant 0 : i32
    %c0_i32_0 = arith.constant 0 : i32
    %c0_i32_1 = arith.constant 0 : i32
    return %arg0, %c0_i32, %c0_i32_0 : i32, i32, i32
  }
  func.func @transform_3(%arg0: i32) -> (i32, i32) {
    %c0_i32 = arith.constant 0 : i32
    %c0_i32_0 = arith.constant 0 : i32
    %c0_i32_1 = arith.constant 0 : i32
    return %c0_i32, %c0_i32_0 : i32, i32
  }
  func.func @transform_4(%arg0: i32) -> (i32, i32) {
    %c0_i32 = arith.constant 0 : i32
    %c0_i32_0 = arith.constant 0 : i32
    %c0_i32_1 = arith.constant 0 : i32
    return %c0_i32, %c0_i32_0 : i32, i32
  }
  func.func @transform_5(%arg0: i32) -> (i32, i32) {
    %c0_i32 = arith.constant 0 : i32
    %c0_i32_0 = arith.constant 0 : i32
    %c0_i32_1 = arith.constant 0 : i32
    return %c0_i32, %c0_i32_0 : i32, i32
  }
  func.func @transform_6(%arg0: i32) -> (i32, i32) {
    %c0_i32 = arith.constant 0 : i32
    %c0_i32_0 = arith.constant 0 : i32
    %c0_i32_1 = arith.constant 0 : i32
    return %c0_i32, %c0_i32_0 : i32, i32
  }
  func.func @transform_7(%arg0: i32) -> (i32, i32) {
    %c0_i32 = arith.constant 0 : i32
    %c0_i32_0 = arith.constant 0 : i32
    %c0_i32_1 = arith.constant 0 : i32
    return %c0_i32, %c0_i32_0 : i32, i32
  }
  func.func @transform_8(%arg0: i32) -> (i32, i32) {
    %c0_i32 = arith.constant 0 : i32
    %c0_i32_0 = arith.constant 0 : i32
    %c0_i32_1 = arith.constant 0 : i32
    return %c0_i32, %c0_i32_0 : i32, i32
  }
  func.func @transform_9(%arg0: i32) -> (i32, i32) {
    %c0_i32 = arith.constant 0 : i32
    %c0_i32_0 = arith.constant 0 : i32
    %c0_i32_1 = arith.constant 0 : i32
    return %c0_i32, %c0_i32_0 : i32, i32
  }
  func.func @transform_10(%arg0: i32) -> (i32, i32) {
    %c0_i32 = arith.constant 0 : i32
    %c0_i32_0 = arith.constant 0 : i32
    %c0_i32_1 = arith.constant 0 : i32
    return %c0_i32, %c0_i32_0 : i32, i32
  }
  func.func @transform_11(%arg0: i32) -> (i32, i32, i32) {
    %c0_i32 = arith.constant 0 : i32
    %c0_i32_0 = arith.constant 0 : i32
    %c0_i32_1 = arith.constant 0 : i32
    return %arg0, %c0_i32, %c0_i32_0 : i32, i32, i32
  }
  func.func @transform_12(%arg0: i32) -> (i32, i32, i32) {
    %c0_i32 = arith.constant 0 : i32
    %c0_i32_0 = arith.constant 0 : i32
    %c0_i32_1 = arith.constant 0 : i32
    return %arg0, %c0_i32, %c0_i32_0 : i32, i32, i32
  }
  func.func @transform_13(%arg0: i32) -> (i32, i32) {
    %c0_i32 = arith.constant 0 : i32
    %c0_i32_0 = arith.constant 0 : i32
    %c0_i32_1 = arith.constant 0 : i32
    return %c0_i32, %c0_i32_0 : i32, i32
  }
  func.func @transform_14(%arg0: i32) -> (i32, i32) {
    %c0_i32 = arith.constant 0 : i32
    %c0_i32_0 = arith.constant 0 : i32
    %c0_i32_1 = arith.constant 0 : i32
    return %c0_i32, %c0_i32_0 : i32, i32
  }
}

module attributes {stable_mosaic.version = 14 : i64} {
  func.func @_tc_body(%arg0: i32, %arg1: memref<6400x128xf32, #tpu.memory_space<vmem>>, %arg2: memref<1x50x128xi32, #tpu.memory_space<vmem>>, %arg3: memref<1x50x128xi32, #tpu.memory_space<vmem>>, %arg4: memref<1x64xf32, #tpu.memory_space<vmem>>, %arg5: memref<64x192xf32, #tpu.memory_space<vmem>>, %arg6: memref<64x1xf32, #tpu.memory_space<vmem>>, %arg7: memref<1x64xf32, #tpu.memory_space<vmem>>, %arg8: memref<1x1xf32, #tpu.memory_space<vmem>>, %arg9: memref<1x1xi32, #tpu.memory_space<smem>>, %arg10: memref<1x1xf32, #tpu.memory_space<smem>>, %arg11: memref<1x1xi32, #tpu.memory_space<smem>>, %arg12: memref<1x50x128xf32, #tpu.memory_space<vmem>>, %arg13: memref<1x50x128xf32, #tpu.memory_space<vmem>>, %arg14: memref<1x1xf32, #tpu.memory_space<smem>>, %arg15: memref<1x1xi32, #tpu.memory_space<smem>>, %arg16: memref<1xf32, #tpu.memory_space<smem>>, %arg17: memref<1xi32, #tpu.memory_space<smem>>) attributes {dimension_semantics = [#tpu.dimension_semantics<arbitrary>], iteration_bounds = array<i64: 2>, scalar_prefetch = 0 : i64, scratch_operands = 2 : i64, tpu.core_type = #tpu.core_type<tc>, window_params = [{transform_indices = @transform_0, window_bounds = array<i64: 6400, 128>}, {transform_indices = @transform_1, window_bounds = array<i64: 1, 50, 128>}, {transform_indices = @transform_2, window_bounds = array<i64: 1, 50, 128>}, {pipeline_mode = #tpu.pipeline_mode<synchronous>, transform_indices = @transform_3, window_bounds = array<i64: 1, 64>}, {pipeline_mode = #tpu.pipeline_mode<synchronous>, transform_indices = @transform_4, window_bounds = array<i64: 64, 192>}, {pipeline_mode = #tpu.pipeline_mode<synchronous>, transform_indices = @transform_5, window_bounds = array<i64: 64, 1>}, {pipeline_mode = #tpu.pipeline_mode<synchronous>, transform_indices = @transform_6, window_bounds = array<i64: 1, 64>}, {pipeline_mode = #tpu.pipeline_mode<synchronous>, transform_indices = @transform_7, window_bounds = array<i64: 1, 1>}, {transform_indices = @transform_8, window_bounds = array<i64: 1, 1>}, {transform_indices = @transform_9, window_bounds = array<i64: 1, 1>}, {transform_indices = @transform_10, window_bounds = array<i64: 1, 1>}, {transform_indices = @transform_11, window_bounds = array<i64: 1, 50, 128>}, {transform_indices = @transform_12, window_bounds = array<i64: 1, 50, 128>}, {transform_indices = @transform_13, window_bounds = array<i64: 1, 1>}, {transform_indices = @transform_14, window_bounds = array<i64: 1, 1>}]} {
    %get3A = arith.constant 0 : index
    %get3A_0 = arith.constant 0 : index
    %get3A_1 = vector.load %arg1[%get3A, %get3A_0] : memref<6400x128xf32, #tpu.memory_space<vmem>>, vector<6400x128xf32>
    %transpose3A = tpu.transpose %get3A_1, [1, 0] : vector<6400x128xf32> -> vector<128x6400xf32>
    %slice3A = vector.extract_strided_slice %transpose3A {offsets = [0, 0], sizes = [64, 6400], strides = [1, 1]} : vector<128x6400xf32> to vector<64x6400xf32>
    %slice3A_2 = vector.extract_strided_slice %transpose3A {offsets = [64, 0], sizes = [64, 6400], strides = [1, 1]} : vector<128x6400xf32> to vector<64x6400xf32>
    %mul3A = arith.mulf %slice3A, %slice3A_2 : vector<64x6400xf32>
    %concatenate3A = tpu.concatenate %transpose3A, %mul3A in 0 : vector<128x6400xf32>, vector<64x6400xf32> -> vector<192x6400xf32>
    %get3A_3 = arith.constant 0 : index
    %get3A_4 = arith.constant 0 : index
    %get3A_5 = vector.load %arg5[%get3A_3, %get3A_4] : memref<64x192xf32, #tpu.memory_space<vmem>>, vector<64x192xf32>
    %dot_general3A = arith.constant dense<0.000000e+00> : vector<64x6400xf32>
    %dot_general3A_6 = tpu.matmul %get3A_5, %concatenate3A, %dot_general3A {dimension_numbers = #tpu.dot_dimension_numbers<[1], [0], [0], [1], [0, 0, 1, 1], [], []>, transpose_lhs_hint = false} : vector<64x192xf32>, vector<192x6400xf32>, vector<64x6400xf32> -> vector<64x6400xf32>
    %get3A_7 = arith.constant 0 : index
    %get3A_8 = arith.constant 0 : index
    %get3A_9 = vector.load %arg6[%get3A_7, %get3A_8] : memref<64x1xf32, #tpu.memory_space<vmem>>, vector<64x1xf32>
    %add3A = vector.broadcast %get3A_9 : vector<64x1xf32> to vector<64x6400xf32>
    %add3A_10 = arith.addf %dot_general3A_6, %add3A : vector<64x6400xf32>
    %max3A = arith.constant 0.000000e+00 : f32
    %max3A_11 = vector.broadcast %max3A : f32 to vector<64x6400xf32>
    %max3A_12 = arith.maximumf %add3A_10, %max3A_11 : vector<64x6400xf32>
    %get3A_13 = arith.constant 0 : index
    %get3A_14 = arith.constant 0 : index
    %get3A_15 = vector.load %arg7[%get3A_13, %get3A_14] : memref<1x64xf32, #tpu.memory_space<vmem>>, vector<1x64xf32>
    %dot_general3A_16 = arith.constant dense<0.000000e+00> : vector<1x6400xf32>
    %dot_general3A_17 = tpu.matmul %get3A_15, %max3A_12, %dot_general3A_16 {dimension_numbers = #tpu.dot_dimension_numbers<[1], [0], [0], [1], [0, 0, 1, 1], [], []>, transpose_lhs_hint = false} : vector<1x64xf32>, vector<64x6400xf32>, vector<1x6400xf32> -> vector<1x6400xf32>
    %get3A_18 = arith.constant 0 : index
    %get3A_19 = arith.constant 0 : index
    %get3A_20 = vector.load %arg4[%get3A_18, %get3A_19] : memref<1x64xf32, #tpu.memory_space<vmem>>, vector<1x64xf32>
    %mul3A_21 = arith.mulf %get3A_20, %get3A_20 : vector<1x64xf32>
    %reduce_sum3A = vector.shape_cast %mul3A_21 : vector<1x64xf32> to vector<1x1x64xf32>
    %reduce_sum3A_22 = arith.constant dense<0.000000e+00> : vector<1xf32>
    %reduce_sum3A_23 = vector.multi_reduction <add>, %reduce_sum3A, %reduce_sum3A_22 [1, 2] : vector<1x1x64xf32> to vector<1xf32>
    %reduce_sum3A_24 = vector.shape_cast %reduce_sum3A_23 : vector<1xf32> to vector<1x1x1xf32>
    %reduce_sum3A_25 = vector.extract %reduce_sum3A_24[0, 0, 0] : f32 from vector<1x1x1xf32>
    %sqrt3A = math.sqrt %reduce_sum3A_25 : f32
    %add3A_26 = arith.constant 9.99999993E-9 : f32
    %add3A_27 = arith.addf %sqrt3A, %add3A_26 : f32
    %div3A = vector.broadcast %add3A_27 : f32 to vector<1x64xf32>
    %div3A_28 = arith.divf %get3A_20, %div3A : vector<1x64xf32>
    %dot_general3A_29 = arith.constant dense<0.000000e+00> : vector<1x6400xf32>
    %dot_general3A_30 = tpu.matmul %div3A_28, %slice3A_2, %dot_general3A_29 {dimension_numbers = #tpu.dot_dimension_numbers<[1], [0], [0], [1], [0, 0, 1, 1], [], []>, transpose_lhs_hint = false} : vector<1x64xf32>, vector<64x6400xf32>, vector<1x6400xf32> -> vector<1x6400xf32>
    %broadcast_in_dim3A = arith.constant 1.000000e+00 : f32
    %broadcast_in_dim3A_31 = vector.broadcast %broadcast_in_dim3A : f32 to vector<1x64xf32>
    %mul3A_32 = arith.mulf %slice3A_2, %slice3A_2 : vector<64x6400xf32>
    %dot_general3A_33 = arith.constant dense<0.000000e+00> : vector<1x6400xf32>
    %dot_general3A_34 = tpu.matmul %broadcast_in_dim3A_31, %mul3A_32, %dot_general3A_33 {dimension_numbers = #tpu.dot_dimension_numbers<[1], [0], [0], [1], [0, 0, 1, 1], [], []>, transpose_lhs_hint = false} : vector<1x64xf32>, vector<64x6400xf32>, vector<1x6400xf32> -> vector<1x6400xf32>
    %reshape3A = vector.shape_cast %dot_general3A_17 : vector<1x6400xf32> to vector<50x128xf32>
    %reshape3A_35 = vector.shape_cast %dot_general3A_30 : vector<1x6400xf32> to vector<50x128xf32>
    %reshape3A_36 = vector.shape_cast %dot_general3A_34 : vector<1x6400xf32> to vector<50x128xf32>
    %get3A_37 = arith.constant 0 : index
    %get3A_38 = arith.constant 0 : index
    %get3A_39 = vector.load %arg8[%get3A_37, %get3A_38] : memref<1x1xf32, #tpu.memory_space<vmem>>, vector<1x1xf32>
    %add3A_40 = vector.broadcast %get3A_39 : vector<1x1xf32> to vector<50x128xf32>
    %add3A_41 = arith.addf %reshape3A, %add3A_40 : vector<50x128xf32>
    %logistic3A = arith.negf %add3A_41 : vector<50x128xf32>
    %logistic3A_42 = math.exp %logistic3A : vector<50x128xf32>
    %logistic3A_43 = arith.constant 1.000000e+00 : f32
    %logistic3A_44 = vector.broadcast %logistic3A_43 : f32 to vector<50x128xf32>
    %logistic3A_45 = arith.addf %logistic3A_44, %logistic3A_42 : vector<50x128xf32>
    %logistic3A_46 = arith.divf %logistic3A_44, %logistic3A_45 : vector<50x128xf32>
    %swap3A = arith.constant 0 : index
    %swap3A_47 = arith.constant 0 : index
    %swap3A_48 = arith.constant 0 : index
    %swap3A_49 = vector.load %arg12[%swap3A, %swap3A_47, %swap3A_48] : memref<1x50x128xf32, #tpu.memory_space<vmem>>, vector<1x50x128xf32>
    %swap3A_50 = vector.shape_cast %swap3A_49 : vector<1x50x128xf32> to vector<50x128xf32>
    %swap3A_51 = vector.shape_cast %logistic3A_46 : vector<50x128xf32> to vector<1x50x128xf32>
    tpu.vector_store %arg12[%swap3A, %swap3A_47, %swap3A_48], %swap3A_51 {strides = array<i32>} : memref<1x50x128xf32, #tpu.memory_space<vmem>>, vector<1x50x128xf32>,
    %sqrt3A_52 = math.sqrt %reshape3A_36 : vector<50x128xf32>
    %add3A_53 = arith.constant 9.99999993E-9 : f32
    %add3A_54 = vector.broadcast %add3A_53 : f32 to vector<50x128xf32>
    %add3A_55 = arith.addf %sqrt3A_52, %add3A_54 : vector<50x128xf32>
    %div3A_56 = arith.divf %reshape3A_35, %add3A_55 : vector<50x128xf32>
    %swap3A_57 = arith.constant 0 : index
    %swap3A_58 = arith.constant 0 : index
    %swap3A_59 = arith.constant 0 : index
    %swap3A_60 = vector.load %arg13[%swap3A_57, %swap3A_58, %swap3A_59] : memref<1x50x128xf32, #tpu.memory_space<vmem>>, vector<1x50x128xf32>
    %swap3A_61 = vector.shape_cast %swap3A_60 : vector<1x50x128xf32> to vector<50x128xf32>
    %swap3A_62 = vector.shape_cast %div3A_56 : vector<50x128xf32> to vector<1x50x128xf32>
    tpu.vector_store %arg13[%swap3A_57, %swap3A_58, %swap3A_59], %swap3A_62 {strides = array<i32>} : memref<1x50x128xf32, #tpu.memory_space<vmem>>, vector<1x50x128xf32>,
    %ge3A = arith.constant 2.000000e-01 : f32
    %ge3A_63 = vector.broadcast %ge3A : f32 to vector<50x128xf32>
    %ge3A_64 = arith.cmpf oge, %logistic3A_46, %ge3A_63 : vector<50x128xf32>
    %get3A_65 = arith.constant 0 : index
    %get3A_66 = arith.constant 0 : index
    %get3A_67 = arith.constant 0 : index
    %get3A_68 = vector.load %arg2[%get3A_65, %get3A_66, %get3A_67] : memref<1x50x128xi32, #tpu.memory_space<vmem>>, vector<1x50x128xi32>
    %get3A_69 = vector.shape_cast %get3A_68 : vector<1x50x128xi32> to vector<50x128xi32>
    %eq3A = arith.constant 0 : i32
    %eq3A_70 = vector.broadcast %eq3A : i32 to vector<50x128xi32>
    %eq3A_71 = arith.cmpi eq, %get3A_69, %eq3A_70 : vector<50x128xi32>
    %and3A = arith.andi %ge3A_64, %eq3A_71 : vector<50x128xi1>
    %get3A_72 = arith.constant 0 : index
    %get3A_73 = arith.constant 0 : index
    %get3A_74 = arith.constant 0 : index
    %get3A_75 = vector.load %arg3[%get3A_72, %get3A_73, %get3A_74] : memref<1x50x128xi32, #tpu.memory_space<vmem>>, vector<1x50x128xi32>
    %get3A_76 = vector.shape_cast %get3A_75 : vector<1x50x128xi32> to vector<50x128xi32>
    %eq3A_77 = arith.constant 1 : i32
    %eq3A_78 = vector.broadcast %eq3A_77 : i32 to vector<50x128xi32>
    %eq3A_79 = arith.cmpi eq, %get3A_76, %eq3A_78 : vector<50x128xi32>
    %and3A_80 = arith.andi %and3A, %eq3A_79 : vector<50x128xi1>
    %jit3A = arith.constant -1.000000e+09 : f32
    %broadcast_in_dim3A_81 = vector.broadcast %jit3A : f32 to vector<50x128xf32>
    %select_n3A = arith.select %and3A_80, %div3A_56, %broadcast_in_dim3A_81 : vector<50x128xi1>, vector<50x128xf32>
    %reduce_max3A = vector.shape_cast %select_n3A : vector<50x128xf32> to vector<1x50x128xf32>
    %reduce_max3A_82 = arith.constant dense<0xFF800000> : vector<1xf32>
    %reduce_max3A_83 = vector.multi_reduction <maximumf>, %reduce_max3A, %reduce_max3A_82 [1, 2] : vector<1x50x128xf32> to vector<1xf32>
    %reduce_max3A_84 = vector.shape_cast %reduce_max3A_83 : vector<1xf32> to vector<1x1x1xf32>
    %reduce_max3A_85 = vector.extract %reduce_max3A_84[0, 0, 0] : f32 from vector<1x1x1xf32>
    %iota3A = tpu.iota {dimensions = array<i32: 0>} : vector<50x128xi32>
    %mul3A_86 = arith.constant 128 : i32
    %mul3A_87 = vector.broadcast %mul3A_86 : i32 to vector<50x128xi32>
    %mul3A_88 = arith.muli %iota3A, %mul3A_87 : vector<50x128xi32>
    %iota3A_89 = tpu.iota {dimensions = array<i32: 1>} : vector<50x128xi32>
    %add3A_90 = arith.addi %mul3A_88, %iota3A_89 : vector<50x128xi32>
    %eq3A_91 = vector.broadcast %reduce_max3A_85 : f32 to vector<50x128xf32>
    %eq3A_92 = arith.cmpf oeq, %select_n3A, %eq3A_91 : vector<50x128xf32>
    %jit3A_93 = arith.constant 1073741824 : i32
    %broadcast_in_dim3A_94 = vector.broadcast %jit3A_93 : i32 to vector<50x128xi32>
    %select_n3A_95 = arith.select %eq3A_92, %add3A_90, %broadcast_in_dim3A_94 : vector<50x128xi1>, vector<50x128xi32>
    %reduce_min3A = vector.shape_cast %select_n3A_95 : vector<50x128xi32> to vector<1x50x128xi32>
    %reduce_min3A_96 = arith.constant dense<2147483647> : vector<1xi32>
    %reduce_min3A_97 = vector.multi_reduction <minsi>, %reduce_min3A, %reduce_min3A_96 [1, 2] : vector<1x50x128xi32> to vector<1xi32>
    %reduce_min3A_98 = vector.shape_cast %reduce_min3A_97 : vector<1xi32> to vector<1x1x1xi32>
    %reduce_min3A_99 = vector.extract %reduce_min3A_98[0, 0, 0] : i32 from vector<1x1x1xi32>
    %eq3A_100 = arith.constant 0 : i32
    %eq3A_101 = arith.cmpi eq, %arg0, %eq3A_100 : i32
    %convert_element_type3A = arith.extui %eq3A_101 : i1 to i32
    %cond3A = arith.constant 0 : i32
    %cond3A_102 = arith.cmpi ne, %convert_element_type3A, %cond3A : i32
    scf.if %cond3A_102 {
      %get3A_132 = arith.constant 0 : index
      %get3A_133 = arith.constant 0 : index
      %get3A_134 = memref.load %arg10[%get3A_132, %get3A_133] : memref<1x1xf32, #tpu.memory_space<smem>>
      %swap3A_135 = arith.constant 0 : index
      %swap3A_136 = memref.load %arg16[%swap3A_135] : memref<1xf32, #tpu.memory_space<smem>>
      memref.store %get3A_134, %arg16[%swap3A_135] : memref<1xf32, #tpu.memory_space<smem>>
      %get3A_137 = arith.constant 0 : index
      %get3A_138 = arith.constant 0 : index
      %get3A_139 = memref.load %arg11[%get3A_137, %get3A_138] : memref<1x1xi32, #tpu.memory_space<smem>>
      %swap3A_140 = arith.constant 0 : index
      %swap3A_141 = memref.load %arg17[%swap3A_140] : memref<1xi32, #tpu.memory_space<smem>>
      memref.store %get3A_139, %arg17[%swap3A_140] : memref<1xi32, #tpu.memory_space<smem>>
    } else {
    }
    %get3A_103 = arith.constant 0 : index
    %get3A_104 = memref.load %arg16[%get3A_103] : memref<1xf32, #tpu.memory_space<smem>>
    %gt3A = arith.cmpf ogt, %reduce_max3A_85, %get3A_104 : f32
    %get3A_105 = arith.constant 0 : index
    %get3A_106 = memref.load %arg16[%get3A_105] : memref<1xf32, #tpu.memory_space<smem>>
    %select_n3A_107 = arith.select %gt3A, %reduce_max3A_85, %get3A_106 : f32
    %swap3A_108 = arith.constant 0 : index
    %swap3A_109 = memref.load %arg16[%swap3A_108] : memref<1xf32, #tpu.memory_space<smem>>
    memref.store %select_n3A_107, %arg16[%swap3A_108] : memref<1xf32, #tpu.memory_space<smem>>
    %get3A_110 = arith.constant 0 : index
    %get3A_111 = arith.constant 0 : index
    %get3A_112 = memref.load %arg9[%get3A_110, %get3A_111] : memref<1x1xi32, #tpu.memory_space<smem>>
    %mul3A_113 = arith.constant 6400 : i32
    %mul3A_114 = arith.muli %arg0, %mul3A_113 : i32
    %add3A_115 = arith.addi %get3A_112, %mul3A_114 : i32
    %add3A_116 = arith.addi %add3A_115, %reduce_min3A_99 : i32
    %get3A_117 = arith.constant 0 : index
    %get3A_118 = memref.load %arg17[%get3A_117] : memref<1xi32, #tpu.memory_space<smem>>
    %select_n3A_119 = arith.select %gt3A, %add3A_116, %get3A_118 : i32
    %swap3A_120 = arith.constant 0 : index
    %swap3A_121 = memref.load %arg17[%swap3A_120] : memref<1xi32, #tpu.memory_space<smem>>
    memref.store %select_n3A_119, %arg17[%swap3A_120] : memref<1xi32, #tpu.memory_space<smem>>
    %get3A_122 = arith.constant 0 : index
    %get3A_123 = memref.load %arg16[%get3A_122] : memref<1xf32, #tpu.memory_space<smem>>
    %swap3A_124 = arith.constant 0 : index
    %swap3A_125 = arith.constant 0 : index
    %swap3A_126 = memref.load %arg14[%swap3A_124, %swap3A_125] : memref<1x1xf32, #tpu.memory_space<smem>>
    memref.store %get3A_123, %arg14[%swap3A_124, %swap3A_125] : memref<1x1xf32, #tpu.memory_space<smem>>
    %get3A_127 = arith.constant 0 : index
    %get3A_128 = memref.load %arg17[%get3A_127] : memref<1xi32, #tpu.memory_space<smem>>
    %swap3A_129 = arith.constant 0 : index
    %swap3A_130 = arith.constant 0 : index
    %swap3A_131 = memref.load %arg15[%swap3A_129, %swap3A_130] : memref<1x1xi32, #tpu.memory_space<smem>>
    memref.store %get3A_128, %arg15[%swap3A_129, %swap3A_130] : memref<1x1xi32, #tpu.memory_space<smem>>
    return
  }
  func.func @transform_0(%arg0: i32) -> (i32, i32) {
    %c0_i32 = arith.constant 0 : i32
    %c0_i32_0 = arith.constant 0 : i32
    return %arg0, %c0_i32 : i32, i32
  }
  func.func @transform_1(%arg0: i32) -> (i32, i32, i32) {
    %c0_i32 = arith.constant 0 : i32
    %c0_i32_0 = arith.constant 0 : i32
    %c0_i32_1 = arith.constant 0 : i32
    return %arg0, %c0_i32, %c0_i32_0 : i32, i32, i32
  }
  func.func @transform_2(%arg0: i32) -> (i32, i32, i32) {
    %c0_i32 = arith.constant 0 : i32
    %c0_i32_0 = arith.constant 0 : i32
    %c0_i32_1 = arith.constant 0 : i32
    return %arg0, %c0_i32, %c0_i32_0 : i32, i32, i32
  }
  func.func @transform_3(%arg0: i32) -> (i32, i32) {
    %c0_i32 = arith.constant 0 : i32
    %c0_i32_0 = arith.constant 0 : i32
    %c0_i32_1 = arith.constant 0 : i32
    return %c0_i32, %c0_i32_0 : i32, i32
  }
  func.func @transform_4(%arg0: i32) -> (i32, i32) {
    %c0_i32 = arith.constant 0 : i32
    %c0_i32_0 = arith.constant 0 : i32
    %c0_i32_1 = arith.constant 0 : i32
    return %c0_i32, %c0_i32_0 : i32, i32
  }
  func.func @transform_5(%arg0: i32) -> (i32, i32) {
    %c0_i32 = arith.constant 0 : i32
    %c0_i32_0 = arith.constant 0 : i32
    %c0_i32_1 = arith.constant 0 : i32
    return %c0_i32, %c0_i32_0 : i32, i32
  }
  func.func @transform_6(%arg0: i32) -> (i32, i32) {
    %c0_i32 = arith.constant 0 : i32
    %c0_i32_0 = arith.constant 0 : i32
    %c0_i32_1 = arith.constant 0 : i32
    return %c0_i32, %c0_i32_0 : i32, i32
  }
  func.func @transform_7(%arg0: i32) -> (i32, i32) {
    %c0_i32 = arith.constant 0 : i32
    %c0_i32_0 = arith.constant 0 : i32
    %c0_i32_1 = arith.constant 0 : i32
    return %c0_i32, %c0_i32_0 : i32, i32
  }
  func.func @transform_8(%arg0: i32) -> (i32, i32) {
    %c0_i32 = arith.constant 0 : i32
    %c0_i32_0 = arith.constant 0 : i32
    %c0_i32_1 = arith.constant 0 : i32
    return %c0_i32, %c0_i32_0 : i32, i32
  }
  func.func @transform_9(%arg0: i32) -> (i32, i32) {
    %c0_i32 = arith.constant 0 : i32
    %c0_i32_0 = arith.constant 0 : i32
    %c0_i32_1 = arith.constant 0 : i32
    return %c0_i32, %c0_i32_0 : i32, i32
  }
  func.func @transform_10(%arg0: i32) -> (i32, i32) {
    %c0_i32 = arith.constant 0 : i32
    %c0_i32_0 = arith.constant 0 : i32
    %c0_i32_1 = arith.constant 0 : i32
    return %c0_i32, %c0_i32_0 : i32, i32
  }
  func.func @transform_11(%arg0: i32) -> (i32, i32, i32) {
    %c0_i32 = arith.constant 0 : i32
    %c0_i32_0 = arith.constant 0 : i32
    %c0_i32_1 = arith.constant 0 : i32
    return %arg0, %c0_i32, %c0_i32_0 : i32, i32, i32
  }
  func.func @transform_12(%arg0: i32) -> (i32, i32, i32) {
    %c0_i32 = arith.constant 0 : i32
    %c0_i32_0 = arith.constant 0 : i32
    %c0_i32_1 = arith.constant 0 : i32
    return %arg0, %c0_i32, %c0_i32_0 : i32, i32, i32
  }
  func.func @transform_13(%arg0: i32) -> (i32, i32) {
    %c0_i32 = arith.constant 0 : i32
    %c0_i32_0 = arith.constant 0 : i32
    %c0_i32_1 = arith.constant 0 : i32
    return %c0_i32, %c0_i32_0 : i32, i32
  }
  func.func @transform_14(%arg0: i32) -> (i32, i32) {
    %c0_i32 = arith.constant 0 : i32
    %c0_i32_0 = arith.constant 0 : i32
    %c0_i32_1 = arith.constant 0 : i32
    return %c0_i32, %c0_i32_0 : i32, i32
  }
}

</mosaic_0001>

<sc_bundles>
// kernel: kernel.12.cloned.1.call-start
scs
__scs_entry_jumppad:
0x0: {  	(pc) =	sbr.rel $0x88, $3  }
0x1: {  	(tag) =	ssettag $0x0;
	lr =	simm.s32 $0x1  }
0x2: {  	[smem:$0x3F99] =	sst lr;
	_ =	strace $0xD0000000  }
0x3: {  	_ = 	snop  }
0x4: {  	_ = 	snop  }
0x5: {  	_ = 	snop  }
0x6: {  	_ = 	snop  }
0x7: {  	_ = 	snop  }
__scs_overlays_trampoline_lowered:
0x8: {  	[smem:$0x3FA8] =	sst s0  }
0x9: {  	[smem:$0x3FA9] =	sst s1  }
0xa: {  	[smem:$0x3FAA] =	sst s2  }
0xb: {  	[smem:$0x3FAB] =	sst s3  }
0xc: {  	[smem:$0x3FAC] =	sst s4  }
0xd: {  	[smem:$0x3FAD] =	sst s5  }
0xe: {  	[smem:$0x3FAE] =	sst s6  }
0xf: {  	[smem:$0x3FAF] =	sst s7  }
0x10: {  	[smem:$0x3FB0] =	sst s8  }
0x11: {  	[smem:$0x3FB1] =	sst s9;
	s0 =	simm.s32 @!p0 $0x0  }
0x12: {  	s1 =	sld [smem:$0x3F97];
	s0 =	simm.s32 @p0 $0x1  }
0x13: {  	[smem:$0x3FB2] =	sst s0;
	s0 =	simm.s32 @!p1 $0x0  }
0x14: {  	s2 =	sld [smem:$0x3F96];
	s0 =	simm.s32 @p1 $0x1  }
0x15: {  	[smem:$0x3FB3] =	sst s0;
	s0 =	simm.s32 @!p2 $0x0  }
0x16: {  	s3 =	sld [smem:$0x3FDB];
	s0 =	simm.s32 @p2 $0x1  }
0x17: {  	s4 =	simm.s32 $0x1BF5;
	[smem:$0x3FB5] =	sst s0  }
0x18: {  	s0 =	sld [smem:$0x3F98];
	_ =	swait.ge [sflag:s4], $0x0  }
0x19: {  	s7 =	sld [smem:$0x3F99]  }
0x1a: {  	s8 =	sadd.s32 $0xFFFFE003, lr  }
0x1b: {  	s9 =	sadd.s32 $0xFFFFFEF7, lr;
	s5 =	simm.s32 $0xFFFFFFFF;
	p2 =	slt.u32 s8, $0xFFFFF086  }
0x1c: {  	p1 =	slt.u32 s9, $0xF7A;
	s5 =	simm.s32 @!p2 $0x0  }
0x1d: {  	s5 =	simm.s32 @p1 $0x1;
	p0 =	seq.s32 s7, s2  }
0x1e: {  	s7 =	smul.u32 @!p0 $0xF7A, s2;
	p2 =	seq.s32 @!p0 s5, $0x0  }
0x1f: {  	s9 =	smul.u32 $0xF7A, s1;
	s8 =	simm.s32 @!p0 $0x1BF5;
	p2 =	por !p2, p0  }
0x20: {  	[sflag:s8] =	ssyncset.s32 @!p0 $0xFFFFF086;
	s6 =	sadd.s32 @!p0 s3, s7;
	s7 =	simm.s32 @!p0 $0x108  }
0x21: {  	s3 =	sadd.s32 s3, s9;
	s6 =	sadd.s32 @!p0 $0x88, s6;
	s7 =	simm.s32 @p2 $0x1082  }
0x22: {  	[simem:s7], [sflag:s8] =	dma.local @!p0 [hbm:s6], $0xF7A  }
0x23: {  	s9 =	sor.u32 $0xD0000000, s2;
	s6 =	simm.s32 $0x108;
	_ =	swait.ge @!p0 [sflag:s8], $0x0  }
0x24: {  	s3 =	sadd.s32 $0x88, s3;
	s6 =	simm.s32 @!p1 $0x1082;
	[sflag:s4] =	ssyncset.s32 $0xFFFFF086  }
0x25: {  	[simem:s6], [sflag:s4] =	dma.local [hbm:s3], $0xF7A  }
0x26: {  	[smem:$0x3F99] =	sst s1;
	(tag) =	ssettag s2;
	_ =	strace s9  }
0x27: {  	s1 =	sld [smem:$0x3FA9]  }
0x28: {  	s2 =	sld [smem:$0x3FAA]  }
0x29: {  	s4 =	sld [smem:$0x3FAC]  }
0x2a: {  	p0 =	seq.s32 s5, $0x0;
	s5 =	sld [smem:$0x3FAD]  }
0x2b: {  	s6 =	sld [smem:$0x3FAE]  }
0x2c: {  	s7 =	sld [smem:$0x3FAF]  }
0x2d: {  	s3 =	simm.s32 $0x108;
	s8 =	sld [smem:$0x3FB0]  }
0x2e: {  	s3 =	simm.s32 @!p0 $0x1082;
	s9 =	sld [smem:$0x3FB1]  }
0x2f: {  	lr =	sadd.s32 s0, s3;
	s0 =	sld [smem:$0x3FA8]  }
0x30: {  	s3 =	sld [smem:$0x3FAB]  }
0x31: {  	[smem:$0x3FB4] =	sst s10  }
0x32: {  	s10 =	sld [smem:$0x3FB2];
	_ =	sdelay $0x3  }
0x33: {  	p0 =	seq.s32 s10, $0x1;
	s10 =	sld [smem:$0x3FB4];
	_ =	sdelay $0x3  }
0x34: {  	[smem:$0x3FB4] =	sst s10  }
0x35: {  	s10 =	sld [smem:$0x3FB3];
	_ =	sdelay $0x3  }
0x36: {  	p1 =	seq.s32 s10, $0x1;
	s10 =	sld [smem:$0x3FB4];
	_ =	sdelay $0x3  }
0x37: {  	[smem:$0x3FB4] =	sst s10  }
0x38: {  	s10 =	sld [smem:$0x3FB5]  }
0x39: {  	_ = 	snop;
	(pc) =	sbr.ind lr, $3  }
0x3a: {  	_ = 	snop  }
0x3b: {  	_ = 	snop  }
0x3c: {  	p2 =	seq.s32 s10, $0x1;
	s10 =	sld [smem:$0x3FB4]  }
0x3d: {  	_ =	shalt  }
0x3e: {  	_ =	shalt  }
0x3f: {  	_ =	shalt  }
0x40: {  	_ =	shalt  }
0x41: {  	_ =	shalt  }
0x42: {  	_ =	shalt  }
0x43: {  	_ =	shalt  }
0x44: {  	_ =	shalt  }
0x45: {  	_ =	shalt  }
0x46: {  	_ =	shalt  }
0x47: {  	_ =	shalt  }
0x48: {  	_ =	shalt  }
0x49: {  	_ =	shalt  }
0x4a: {  	_ =	shalt  }
0x4b: {  	_ =	shalt  }
0x4c: {  	_ =	shalt  }
0x4d: {  	_ =	shalt  }
0x4e: {  	_ =	shalt  }
0x4f: {  	_ =	shalt  }
0x50: {  	_ =	shalt  }
0x51: {  	_ =	shalt  }
0x52: {  	_ =	shalt  }
0x53: {  	_ =	shalt  }
0x54: {  	_ =	shalt  }
0x55: {  	_ =	shalt  }
0x56: {  	_ =	shalt  }
0x57: {  	_ =	shalt  }
0x58: {  	_ =	shalt  }
0x59: {  	_ =	shalt  }
0x5a: {  	_ =	shalt  }
0x5b: {  	_ =	shalt  }
0x5c: {  	_ =	shalt  }
0x5d: {  	_ =	shalt  }
0x5e: {  	_ =	shalt  }
0x5f: {  	_ =	shalt  }
0x60: {  	_ =	shalt  }
0x61: {  	_ =	shalt  }
0x62: {  	_ =	shalt  }
0x63: {  	_ =	shalt  }
0x64: {  	_ =	shalt  }
0x65: {  	_ =	shalt  }
0x66: {  	_ =	shalt  }
0x67: {  	_ =	shalt  }
0x68: {  	_ =	shalt  }
0x69: {  	_ =	shalt  }
0x6a: {  	_ =	shalt  }
0x6b: {  	_ =	shalt  }
0x6c: {  	_ =	shalt  }
0x6d: {  	_ =	shalt  }
0x6e: {  	_ =	shalt  }
0x6f: {  	_ =	shalt  }
0x70: {  	_ =	shalt  }
0x71: {  	_ =	shalt  }
0x72: {  	_ =	shalt  }
0x73: {  	_ =	shalt  }
0x74: {  	_ =	shalt  }
0x75: {  	_ =	shalt  }
0x76: {  	_ =	shalt  }
0x77: {  	_ =	shalt  }
0x78: {  	_ =	shalt  }
0x79: {  	_ =	shalt  }
0x7a: {  	_ =	shalt  }
0x7b: {  	_ =	shalt  }
0x7c: {  	_ =	shalt  }
0x7d: {  	_ =	shalt  }
0x7e: {  	_ =	shalt  }
0x7f: {  	_ =	shalt  }
0x80: {  	_ =	shalt  }
0x81: {  	_ =	shalt  }
0x82: {  	_ =	shalt  }
0x83: {  	_ =	shalt  }
0x84: {  	_ =	shalt  }
0x85: {  	_ =	shalt  }
0x86: {  	_ =	shalt  }
0x87: {  	_ =	shalt  }
.Lfunc_end0:
.L_simem_size_0:
called_computation_lowered:
.L_overlay_start_0:
0x88: {  	s2 =	sld [smem:$0x3FD9]  }
0x89: {  	s3 =	sld [smem:$0x3FFE];
	_ =	sdelay $0x1  }
0x8a: {  	s1 =	srdreg.scid  }
0x8b: {  	s0 =	sand.u32 $0x1, s1  }
0x8c: {  	s14 =	sshll.u32 s0, $0xA;
	s2 =	sadd.s32 s3, s2  }
0x8d: {  	s2 =	sadd.s32 s2, s14  }
0x8e: {  	[smem:$0x3FC0] =	sst s2  }
0x8f: {  	_ = 	snop  }
0x90: {  	s2 =	sld [smem:$0x3FD0];
	_ =	sdelay $0x2  }
0x91: {  	s4 =	simm.s32 $0xB;
	s5 =	simm.s32 $0x10;
	s15 =	sld [smem:$0x3FC6]  }
0x92: {  	[smem:s5], [sflag:s4] =	dma.local [hbm:s2], $0x1  }
0x93: {  	_ =	swait.eq [sflag:s4], $0x1  }
0x94: {  	[sflag:s4] =	ssyncset.done $0x0  }
0x95: {  	s16 =	sld [smem:$0x10];
	[sflag:s4] =	ssyncadd.s32 $0xFFFFFFFF  }
0x96: {  	s17 =	sld [smem:$0x11];
	(tm) =	ssettm $0x1  }
0x97: {  	s18 =	sld [smem:$0x3FFB];
	_ =	sdelay $0x3  }
0x98: {  	_ =	strace s18  }
0x99: {  	s5 =	sld [smem:$0x3FFC];
	_ =	sdelay $0x3  }
0x9a: {  	_ =	strace s5  }
0x9b: {  	s5 =	sld [smem:$0x3FFD];
	_ =	sdelay $0x3  }
0x9c: {  	_ =	strace s5  }
0x9d: {  	_ =	strace $0x8FFFFFFF  }
0x9e: {  	s19 =	sld [smem:$0x3FDB];
	_ =	sdelay $0x1  }
0x9f: {  	s6 =	simm.s32 $_scs_section_size  }
0xa0: {  	s7 =	simm.s32 $_size__tile_overlayer_lowered;
	s8 =	simm.s32 $_tile_overlayer_lowered  }
0xa1: {  	s22 =	simm.s32 $0x1BFF;
	s21 =	sshll.u32 s8, $0x1;
	s5 =	sadd.s32 s6, s19  }
0xa2: {  	s9 =	simm.s32 $0x0;
	s20 =	sshll.u32 s7, $0x1;
	s7 =	sadd.s32 s21, s5  }
0xa3: {  	[timem:s9], [sflag:s22] =	dma.local [hbm:s7], s20  }
0xa4: {  	_ =	swait.ge [sflag:s22], s20  }
0xa5: {  	s6 =	ssub.s32 $0x0, s20;
	[sflag:s22] =	ssyncset.done $0x0  }
0xa6: {  	[sflag:s22] =	ssyncadd.s32 s6;
	_ =	sdelay $0x1  }
0xa7: {  	s23 =	simm.s32 $0x1B8B  }
0xa8: {  	_ =	swait.ge [sflag:s23], $0x1  }
0xa9: {  	[sflag:s23] =	ssyncset.done $0x0  }
0xaa: {  	s25 =	simm.s32 $0x1B8E;
	s24 =	sld [smem:$0x3FFE];
	[sflag:s23] =	ssyncadd.s32 $0xFFFFFFFF  }
0xab: {  	s26 =	simm.s32 $execute0_lowered;
	[smem:$0x3FD2] =	sst s25  }
0xac: {  	s7 =	sshll.u32 s26, $0x1;
	_ =	strace $0x80000046;
	[dreg:$0x1] =	wrdreg $0xFFFFFFFF  }
0xad: {  	s28 =	simm.s32 $_size_execute0_lowered;
	s5 =	sadd.s32 s5, s7;
	[dreg:$0x0] =	wrdreg $0x0  }
0xae: {  	s7 =	sshll.u32 s28, $0x1;
	[dreg:$0x2] =	wrdreg s5  }
0xaf: {  	[dreg:$0x3] =	wrdreg s7  }
0xb0: {  	[dreg:$0x4] =	wrdreg $0xC0  }
0xb1: {  	_ =	task [dreg:s9], $0x5FFFF  }
0xb2: {  	[dreg:$0x1] =	wrdreg $0xFFFFFFFF  }
0xb3: {  	[dreg:$0x0] =	wrdreg $0x60  }
0xb4: {  	[dreg:$0x2] =	wrdreg s16  }
0xb5: {  	[dreg:$0x3] =	wrdreg s17  }
0xb6: {  	[dreg:$0x4] =	wrdreg s24  }
0xb7: {  	[dreg:$0x5] =	wrdreg s15  }
0xb8: {  	[dreg:$0x6] =	wrdreg $0xA  }
0xb9: {  	_ =	task.clear_ibuf [dreg:s9], $0x7FFFF;
	_ =	strace $0x90000046  }
0xba: {  	s29 =	simm.s32 $0xA;
	_ =	strace $0x80000048  }
0xbb: {  	_ =	swait.ge [sflag:s29], $0x1  }
0xbc: {  	[sflag:s29] =	ssyncadd.s32 $0xFFFFFFFF  }
0xbd: {  	_ =	strace $0x90000048  }
0xbe: {  	_ =	sfence  }
0xbf: {  	s30 =	sld [smem:$0x0];
	_ =	sdelay $0x2  }
0xc0: {  	s31 =	sshll.u32 s1, $0xD;
	s1 =	sshrl.u32 s1, $0x2  }
0xc1: {  	s3 =	sand.u32 $0x4000, s31;
	s1 =	sadd.s32 s1, s30  }
0xc2: {  	s0 =	sor.u32 s3, s0;
	s1 =	sshll.u32 s1, $0x11  }
0xc3: {  	s0 =	sor.u32 s1, s0  }
0xc4: {  	s0 =	sadd.s32 $0x8F2B, s0  }
0xc5: {  	[sflag:s0] =	ssyncadd.remote.s32 $0x1  }
0xc6: {  	_ =	sfence.sel $0xFFFF  }
0xc7: {  	[dreg:$0x0] =	wrdreg $0xFFFFFFFF;
	(pc) =	sbr.abs _section_cstart, $3  }
0xc8: {  	[dreg:$0x1] =	wrdreg $0xFFFFFFFF  }
0xc9: {  	_ =	task.clear_ibuf [dreg:s9], $0x2FFFF;
	_ =	strace $0x9FFFFFFF  }
0xca: {  	(tm) =	ssettm $0x7FFFFFFF  }
0xcb: {  	_ =	shalt  }
tec
execute0_lowered:
.L_overlay_start_1:
0x0: {  	(tag) =	ssettag $0x1  }
0x1: {  	s2 =	rddreg [dreg:$0x0]  }
0x2: {  	s12 =	rddreg [dreg:$0x1]  }
0x3: {  	s0 =	rddreg [dreg:$0x2]  }
0x4: {  	s4 =	rddreg [dreg:$0x3];
	s5 =	simm.s32 $0x0;
	s11 =	stileid.u32  }
0x5: {  	s3 =	srdreg.scid;
	s28 =	simm.s32 $0x4B0;
	s29 =	simm.s32 $0x3  }
0x6: {  	s30 =	simm.s32 $0x40;
	s31 =	simm.s32 $0x80;
	[smem:$0x7FF] =	sst s5  }
0x7: {  	s1 =	smul.u32 $0x12C00, s11;
	s3 =	sand.u32 $0x1, s3;
	s7 =	sshll.u32 s11, $0x1  }
0x8: {  	s6 =	sadd.s32 $0x3E00, s0;
	s8 =	sadd.s32 $0x17800, s0;
	s11 =	smul.u32 $0x12C0, s11  }
0x9: {  	_ =	strace $0x80000047;
	s7 =	sor.u32 s3, s7;
	s19 =	smul.u32 $0x960, s3  }
0xa: {  	s9 =	ssub.s32 $0x2, s3;
	s3 =	smul.u32 $0x9600, s3;
	s1 =	sadd.s32 s1, s0  }
0xb: {  	s7 =	smul.u32 $0x960, s7;
	s0 =	sadd.s32 $0x19E00, s0;
	s10 =	sshrl.u32 s9, $0x1  }
0xc: {  	s9 =	ssub.s32 s9, s10;
	s22 =	sadd.s32 s19, s11;
	s1 =	sadd.s32 s3, s1  }
0xd: {  	s3 =	simm.s32 $0x6A40;
	s11 =	simm.s32 $0x5;
	s7 =	sshrl.u32 s7, $0x3  }
0xe: {  	s9 =	smax.u32 s9, $0x1;
	s23 =	sadd.s32 $0x4B0, s22;
	s10 =	sadd.s32 $0x190, s22  }
0xf: {  	s25 =	sshrl.u32 s22, $0x3;
	s1 =	sadd.s32 $0x1DD08, s1;
	s26 =	sadd.s32 $0x320, s22  }
0x10: {  	s22 =	simm.s32 $0x190;
	s13 =	sadd.s32 s2, s7;
	[dreg:$0x9] =	wrdreg s9  }
0x11: {  	s20 =	sadd.s32 s12, s7;
	s7 =	sadd.s32 $0x32, s7;
	[dreg:$0xc] =	wrdreg s1  }
0x12: {  	s9 =	sshrl.u32 s23, $0x3;
	s10 =	sshrl.u32 s10, $0x3;
	[dreg:$0xd] =	wrdreg s26  }
0x13: {  	s18 =	sadd.s32 s25, s0;
	s19 =	sadd.s32 s25, s8;
	s23 =	simm.s32 $0x640  }
0x14: {  	s25 =	simm.s32 $0x19640;
	s26 =	simm.s32 $0x19960;
	[dreg:$0x5] =	wrdreg s13  }
0x15: {  	[dreg:$0x6] =	wrdreg s20;
	s21 =	sadd.s32 s2, s7;
	s7 =	sadd.s32 s12, s7  }
0x16: {  	s24 =	sadd.s32 s9, s12;
	s2 =	sadd.s32 s9, s2;
	s14 =	sadd.s32 s10, s0  }
.Ltmp0:
0x17: {  	s15 =	sadd.s32 s10, s8;
	[dreg:$0x7] =	wrdreg s21;
	(pc) =	sbr.rel .LBB2_1-.Ltmp0, $4  }
0x18: {  	s20 =	simm.s32 $0x320;
	s0 =	simm.s32 $0x2;
	[dreg:$0x8] =	wrdreg s7  }
0x19: {  	s8 =	simm.s32 $0x197D0;
	s9 =	simm.s32 $0x19AF0;
	[dreg:$0xa] =	wrdreg s24  }
0x1a: {  	s10 =	simm.s32 $0x4;
	s12 =	simm.s32 $0x0;
	[dreg:$0xb] =	wrdreg s2  }
0x1b: {  	s21 =	simm.s32 $0x1;
	s24 =	simm.s32 $0xCE40;
	s7 =	simm.s32 $0x13240  }
.LBB2_4:
0x1c: {  	_ =	swait.ge [sflag:s11], $0x6400  }
0x1d: {  	[sflag:s11] =	ssyncset.done $0x0  }
0x1e: {  	[sflag:s11] =	ssyncadd.s32 $0xFFFF9C00  }
0x1f: {  	_ =	swait.ge [sflag:s11], $0x6400  }
0x20: {  	[sflag:s11] =	ssyncset.done $0x0  }
0x21: {  	[sflag:s11] =	ssyncadd.s32 $0xFFFF9C00  }
0x22: {  	_ =	swait.ge [sflag:s11], $0x190  }
0x23: {  	[sflag:s11] =	ssyncset.done $0x0  }
0x24: {  	[sflag:s11] =	ssyncadd.s32 $0xFFFFFE70  }
0x25: {  	_ =	swait.ge [sflag:s11], $0x190  }
0x26: {  	[sflag:s11] =	ssyncset.done $0x0  }
0x27: {  	s2 =	simm.s32 $0x6;
	[sflag:s11] =	ssyncadd.s32 $0xFFFFFE70  }
0x28: {  	_ =	swait.ge [sflag:s2], $0x6400  }
0x29: {  	[sflag:s2] =	ssyncset.done $0x0  }
0x2a: {  	[sflag:s2] =	ssyncadd.s32 $0xFFFF9C00  }
0x2b: {  	_ =	swait.ge [sflag:s2], $0x6400  }
0x2c: {  	[sflag:s2] =	ssyncset.done $0x0  }
0x2d: {  	[sflag:s2] =	ssyncadd.s32 $0xFFFF9C00  }
0x2e: {  	_ =	swait.ge [sflag:s2], $0x190  }
0x2f: {  	[sflag:s2] =	ssyncset.done $0x0  }
0x30: {  	[sflag:s2] =	ssyncadd.s32 $0xFFFFFE70  }
0x31: {  	_ =	swait.ge [sflag:s2], $0x190  }
0x32: {  	s12 =	rddreg [dreg:$0xe]  }
0x33: {  	s1 =	rddreg [dreg:$0x9];
	s12 =	sadd.s32 $0x1, s12  }
0x34: {  	p0 =	sne.s32 s12, s1  }
.Ltmp1:
0x35: {  	_ = 	snop;
	(pc) =	sbr.rel @!p0 .LBB2_5-.Ltmp1, $3  }
0x36: {  	_ =	sdelay $0x1  }
0x37: {  	[sflag:s2] =	ssyncset.done $0x0  }
0x38: {  	[sflag:s2] =	ssyncadd.s32 $0xFFFFFE70  }
.LBB2_1:
0x39: {  	[dreg:$0xe] =	wrdreg s12  }
0x3a: {  	s1 =	rddreg [dreg:$0x5]  }
0x3b: {  	[tilespmem:s5], [sflag:$0x1] =	stream.linear.gather [hbm4b:s1+s5], $0x190, $0x38;
	[tilespmem:$0x19C80] =	vst v63  }
0x3c: {  	s13 =	rddreg [dreg:$0x6]  }
0x3d: {  	[tilespmem:s20], [sflag:$0x1] =	stream.linear.gather [hbm4b:s13+s5], $0x190, $0x38;
	[tilespmem:$0x19C80] =	vst v63  }
0x3e: {  	_ =	swait.ge [sflag:s21], $0x190  }
0x3f: {  	[sflag:s21] =	ssyncset.done $0x0  }
0x40: {  	[sflag:s21] =	ssyncadd.s32 $0xFFFFFE70  }
0x41: {  	_ =	swait.ge [sflag:s21], $0x190  }
0x42: {  	[sflag:s21] =	ssyncset.done $0x0  }
0x43: {  	[sflag:s21] =	ssyncadd.s32 $0xFFFFFE70  }
0x44: {  	[tilespmem:s23], [sflag:$0x3] =	stream.indirect.gather [hbm4b:s6+s22], $0x40, s5, s22, $0xb8;
	[tilespmem:$0x19C80] =	vst v63  }
0x45: {  	_ = 	snop  }
0x46: {  	[tilespmem:s24], [sflag:$0x3] =	stream.indirect.gather [hbm4b:s6+s22], $0x40, s20, s22, $0xb8;
	[tilespmem:$0x19C80] =	vst v63  }
0x47: {  	_ = 	snop  }
0x48: {  	[tilespmem:s25], [sflag:$0x3] =	stream.indirect.gather [hbm4b:s4+s22], $0x1, s5, s22, $0xb8;
	[tilespmem:$0x19C80] =	vst v63  }
0x49: {  	s16 =	rddreg [dreg:$0x7]  }
0x4a: {  	[tilespmem:s26], [sflag:$0x3] =	stream.indirect.gather [hbm4b:s4+s22], $0x1, s20, s22, $0xb8;
	[tilespmem:$0x19C80] =	vst v63  }
0x4b: {  	s17 =	rddreg [dreg:$0x8]  }
0x4c: {  	[tilespmem:s22], [sflag:$0x2] =	stream.linear.gather [hbm4b:s16+s5], $0x190, $0x38;
	[tilespmem:$0x19C80] =	vst v63  }
0x4d: {  	s16 =	rddreg [dreg:$0xd]  }
0x4e: {  	[tilespmem:s28], [sflag:$0x2] =	stream.linear.gather [hbm4b:s17+s5], $0x190, $0x38;
	[tilespmem:$0x19C80] =	vst v63  }
0x4f: {  	s1 =	simm.s32 $0x0;
	s17 =	rddreg [dreg:$0xc]  }
.LBB2_2:
0x50: {  	_ =	swait.ge [sflag:s29], $0x6400  }
0x51: {  	[sflag:s29] =	ssyncset.done $0x0  }
0x52: {  	[sflag:s29] =	ssyncadd.s32 $0xFFFF9C00  }
0x53: {  	_ =	swait.ge [sflag:s29], $0x6400  }
0x54: {  	[sflag:s29] =	ssyncset.done $0x0  }
0x55: {  	[sflag:s29] =	ssyncadd.s32 $0xFFFF9C00  }
0x56: {  	_ =	swait.ge [sflag:s29], $0x190  }
0x57: {  	[sflag:s29] =	ssyncset.done $0x0  }
0x58: {  	[sflag:s29] =	ssyncadd.s32 $0xFFFFFE70  }
0x59: {  	_ =	swait.ge [sflag:s29], $0x190  }
0x5a: {  	[sflag:s29] =	ssyncset.done $0x0  }
0x5b: {  	s2 =	sadd.s32 $0xFFFFE6F8, s17;
	[sflag:s29] =	ssyncadd.s32 $0xFFFFFE70  }
0x5c: {  	[hbm4b:s2+s30] =	stream.strided.scatter [tilespmem:s23], [sflag:$0x5], $0x6400, s31, s30, $0x38;
	[tilespmem:$0x19C80] =	vst v63  }
0x5d: {  	s12 =	sadd.s32 $0xFFFFE700, s17  }
0x5e: {  	[hbm4b:s12+s30] =	stream.strided.scatter [tilespmem:s24], [sflag:$0x5], $0x6400, s31, s30, $0x38;
	[tilespmem:$0x19C80] =	vst v63  }
0x5f: {  	s13 =	sadd.s32 s1, s19  }
0x60: {  	[hbm4b:s13+s5] =	stream.linear.scatter [tilespmem:s25], [sflag:$0x5], $0x190, $0x38;
	[tilespmem:$0x19C80] =	vst v63  }
0x61: {  	p0 =	seq.s32 s1, $0xC8;
	s12 =	sadd.s32 s1, s18  }
0x62: {  	[hbm4b:s12+s5] =	stream.linear.scatter [tilespmem:s26], [sflag:$0x5], $0x190, $0x38;
	[tilespmem:$0x19C80] =	vst v63  }
0x63: {  	s2 =	sshrl.u32 @!p0 s16, $0x3;
	s12 =	rddreg [dreg:$0x0]  }
0x64: {  	s13 =	simm.s32 @!p0 $0x0;
	s12 =	sadd.s32 @!p0 s12, s2  }
0x65: {  	[tilespmem:s13], [sflag:$0x1] =	stream.linear.gather @!p0 [hbm4b:s12+s13], $0x190, $0x38;
	[tilespmem:$0x19C80] =	vst v63  }
0x66: {  	s12 =	rddreg [dreg:$0x1]  }
0x67: {  	s2 =	sadd.s32 @!p0 s12, s2;
	s12 =	simm.s32 @!p0 $0x320  }
0x68: {  	[tilespmem:s12], [sflag:$0x1] =	stream.linear.gather @!p0 [hbm4b:s2+s13], $0x190, $0x38;
	[tilespmem:$0x19C80] =	vst v63  }
0x69: {  	_ =	swait.ge [sflag:s0], $0x190  }
0x6a: {  	[sflag:s0] =	ssyncset.done $0x0  }
0x6b: {  	[sflag:s0] =	ssyncadd.s32 $0xFFFFFE70  }
0x6c: {  	_ =	swait.ge [sflag:s0], $0x190  }
0x6d: {  	p1 =	seq.s32 s1, $0x0;
	[sflag:s0] =	ssyncset.done $0x0  }
0x6e: {  	s2 =	simm.s32 @!p1 $0x6;
	[sflag:s0] =	ssyncadd.s32 $0xFFFFFE70  }
0x6f: {  	_ =	swait.ge @!p1 [sflag:s2], $0x6400  }
0x70: {  	[sflag:s2] =	ssyncset.done @!p1 $0x0  }
0x71: {  	[sflag:s2] =	ssyncadd.s32 @!p1 $0xFFFF9C00  }
0x72: {  	_ =	swait.ge @!p1 [sflag:s2], $0x6400  }
0x73: {  	[sflag:s2] =	ssyncset.done @!p1 $0x0  }
0x74: {  	[sflag:s2] =	ssyncadd.s32 @!p1 $0xFFFF9C00  }
0x75: {  	_ =	swait.ge @!p1 [sflag:s2], $0x190  }
0x76: {  	[sflag:s2] =	ssyncset.done @!p1 $0x0  }
0x77: {  	[sflag:s2] =	ssyncadd.s32 @!p1 $0xFFFFFE70  }
0x78: {  	_ =	swait.ge @!p1 [sflag:s2], $0x190  }
0x79: {  	[sflag:s2] =	ssyncset.done @!p1 $0x0  }
0x7a: {  	[sflag:s2] =	ssyncadd.s32 @!p1 $0xFFFFFE70  }
0x7b: {  	[tilespmem:s3], [sflag:$0x4] =	stream.indirect.gather [hbm4b:s6+s22], $0x40, s22, s22, $0xb8;
	[tilespmem:$0x19C80] =	vst v63  }
0x7c: {  	_ = 	snop  }
0x7d: {  	[tilespmem:s7], [sflag:$0x4] =	stream.indirect.gather [hbm4b:s6+s22], $0x40, s28, s22, $0xb8;
	[tilespmem:$0x19C80] =	vst v63  }
0x7e: {  	_ = 	snop  }
0x7f: {  	[tilespmem:s8], [sflag:$0x4] =	stream.indirect.gather [hbm4b:s4+s22], $0x1, s22, s22, $0xb8;
	[tilespmem:$0x19C80] =	vst v63  }
0x80: {  	_ = 	snop  }
0x81: {  	[tilespmem:s9], [sflag:$0x4] =	stream.indirect.gather [hbm4b:s4+s22], $0x1, s28, s22, $0xb8;
	[tilespmem:$0x19C80] =	vst v63  }
0x82: {  	_ =	swait.ge [sflag:s10], $0x6400  }
0x83: {  	[sflag:s10] =	ssyncset.done $0x0  }
0x84: {  	[sflag:s10] =	ssyncadd.s32 $0xFFFF9C00  }
0x85: {  	_ =	swait.ge [sflag:s10], $0x6400  }
0x86: {  	[sflag:s10] =	ssyncset.done $0x0  }
0x87: {  	[sflag:s10] =	ssyncadd.s32 $0xFFFF9C00  }
0x88: {  	_ =	swait.ge [sflag:s10], $0x190  }
0x89: {  	[sflag:s10] =	ssyncset.done $0x0  }
0x8a: {  	[sflag:s10] =	ssyncadd.s32 $0xFFFFFE70  }
0x8b: {  	_ =	swait.ge [sflag:s10], $0x190  }
0x8c: {  	[sflag:s10] =	ssyncset.done $0x0  }
0x8d: {  	s13 =	sadd.s32 $0xFFFFFFF8, s17;
	[sflag:s10] =	ssyncadd.s32 $0xFFFFFE70  }
0x8e: {  	[hbm4b:s13+s30] =	stream.strided.scatter [tilespmem:s3], [sflag:$0x6], $0x6400, s31, s30, $0x38;
	[tilespmem:$0x19C80] =	vst v63  }
0x8f: {  	_ = 	snop  }
0x90: {  	[hbm4b:s17+s30] =	stream.strided.scatter [tilespmem:s7], [sflag:$0x6], $0x6400, s31, s30, $0x38;
	[tilespmem:$0x19C80] =	vst v63  }
.Ltmp2:
0x91: {  	_ = 	snop;
	(pc) =	sbr.rel @p0 .LBB2_4-.Ltmp2, $4  }
0x92: {  	s12 =	sadd.s32 s1, s15  }
0x93: {  	[hbm4b:s12+s5] =	stream.linear.scatter [tilespmem:s8], [sflag:$0x6], $0x190, $0x38;
	[tilespmem:$0x19C80] =	vst v63  }
0x94: {  	s13 =	sadd.s32 s1, s14  }
0x95: {  	[hbm4b:s13+s5] =	stream.linear.scatter [tilespmem:s9], [sflag:$0x6], $0x190, $0x38;
	[tilespmem:$0x19C80] =	vst v63  }
0x96: {  	s2 =	rddreg [dreg:$0xb]  }
0x97: {  	s13 =	rddreg [dreg:$0xa];
	s2 =	sadd.s32 s1, s2  }
0x98: {  	[tilespmem:s22], [sflag:$0x2] =	stream.linear.gather [hbm4b:s2+s5], $0x190, $0x38;
	[tilespmem:$0x19C80] =	vst v63  }
0x99: {  	s2 =	sadd.s32 s1, s13  }
0x9a: {  	[tilespmem:s28], [sflag:$0x2] =	stream.linear.gather [hbm4b:s2+s5], $0x190, $0x38;
	[tilespmem:$0x19C80] =	vst v63  }
0x9b: {  	_ =	swait.ge [sflag:s21], $0x190  }
0x9c: {  	[sflag:s21] =	ssyncset.done $0x0  }
0x9d: {  	[sflag:s21] =	ssyncadd.s32 $0xFFFFFE70  }
0x9e: {  	_ =	swait.ge [sflag:s21], $0x190  }
0x9f: {  	[sflag:s21] =	ssyncset.done $0x0  }
0xa0: {  	[sflag:s21] =	ssyncadd.s32 $0xFFFFFE70  }
0xa1: {  	_ =	swait.ge [sflag:s11], $0x6400  }
0xa2: {  	[sflag:s11] =	ssyncset.done $0x0  }
0xa3: {  	[sflag:s11] =	ssyncadd.s32 $0xFFFF9C00  }
0xa4: {  	_ =	swait.ge [sflag:s11], $0x6400  }
0xa5: {  	[sflag:s11] =	ssyncset.done $0x0  }
0xa6: {  	[sflag:s11] =	ssyncadd.s32 $0xFFFF9C00  }
0xa7: {  	_ =	swait.ge [sflag:s11], $0x190  }
0xa8: {  	[sflag:s11] =	ssyncset.done $0x0  }
0xa9: {  	[sflag:s11] =	ssyncadd.s32 $0xFFFFFE70  }
0xaa: {  	_ =	swait.ge [sflag:s11], $0x190  }
0xab: {  	[sflag:s11] =	ssyncset.done $0x0  }
0xac: {  	[sflag:s11] =	ssyncadd.s32 $0xFFFFFE70  }
0xad: {  	[tilespmem:s23], [sflag:$0x3] =	stream.indirect.gather [hbm4b:s6+s22], $0x40, s5, s22, $0xb8;
	[tilespmem:$0x19C80] =	vst v63  }
0xae: {  	_ = 	snop  }
0xaf: {  	[tilespmem:s24], [sflag:$0x3] =	stream.indirect.gather [hbm4b:s6+s22], $0x40, s20, s22, $0xb8;
	[tilespmem:$0x19C80] =	vst v63  }
.Ltmp3:
0xb0: {  	_ = 	snop;
	(pc) =	sbr.rel .LBB2_2-.Ltmp3, $4  }
0xb1: {  	_ = 	snop  }
0xb2: {  	[tilespmem:s25], [sflag:$0x3] =	stream.indirect.gather [hbm4b:s4+s22], $0x1, s5, s22, $0xb8;
	[tilespmem:$0x19C80] =	vst v63  }
0xb3: {  	s17 =	sadd.s32 $0x3200, s17;
	s16 =	sadd.s32 $0x320, s16;
	s1 =	sadd.s32 $0x64, s1  }
0xb4: {  	[tilespmem:s26], [sflag:$0x3] =	stream.indirect.gather [hbm4b:s4+s22], $0x1, s20, s22, $0xb8;
	[tilespmem:$0x19C80] =	vst v63  }
.LBB2_5:
0xb5: {  	_ =	sfence.sel $0x180000  }
0xb6: {  	[bflag:$0x0] =	sbarrier.arrive $0xFFFF  }
0xb7: {  	_ =	strace $0x90000047  }
0xb8: {  	s0 =	stileid.u32;
	[bflag:$0x2] =	sbarrier.arrive $0xFFFF  }
0xb9: {  	p0 =	sne.s32 s0, $0x0;
	s0 =	rddreg [dreg:$0x4]  }
0xba: {  	s0 =	sadd.s32 @!p0 $0x100000, s0  }
0xbb: {  	[sflag:s0] =	ssyncadd.tile.s32 @!p0 $0x1;
	_ =	shalt  }
.Lfunc_end2:
_tile_overlayer_lowered:
.L_overlay_start_2:
0xbc: {  	(tag) =	ssettag $0x2  }
0xbd: {  	s0 =	rddreg [dreg:$0x0];
	s2 =	stileid.u32  }
0xbe: {  	s1 =	rddreg [dreg:$0x1];
	p0 =	sne.s32 s2, $0x0  }
0xbf: {  	s3 =	rddreg [dreg:$0x2];
	[bflag:$0x3] =	sbarrier.arrive $0xFFFF;
	s2 =	simm.s32 @!p0 $0x1C07  }
0xc0: {  	[timem:s3], [sflag:s2] =	dma.local @!p0 [hbm:s0], s1  }
0xc1: {  	s0 =	simm.s32 @!p0 $0x7  }
0xc2: {  	_ =	swait.ge @!p0 [sflag:s0], s1  }
0xc3: {  	s1 =	ssub.s32 @!p0 $0x0, s1;
	[sflag:s0] =	ssyncset.done @!p0 $0x0  }
0xc4: {  	[sflag:s0] =	ssyncadd.s32 @!p0 s1  }
0xc5: {  	[bflag:$0x3] =	sbarrier.arrive $0xFFFF  }
0xc6: {  	_ =	shalt  }

// kernel: kernel.15.cloned.1.call-start
scs
__scs_entry_jumppad:
0x0: {  	(pc) =	sbr.rel $0x88, $3  }
0x1: {  	(tag) =	ssettag $0x0;
	lr =	simm.s32 $0x1  }
0x2: {  	[smem:$0x3F99] =	sst lr;
	_ =	strace $0xD0000000  }
0x3: {  	_ = 	snop  }
0x4: {  	_ = 	snop  }
0x5: {  	_ = 	snop  }
0x6: {  	_ = 	snop  }
0x7: {  	_ = 	snop  }
__scs_overlays_trampoline_lowered:
0x8: {  	[smem:$0x3FA8] =	sst s0  }
0x9: {  	[smem:$0x3FA9] =	sst s1  }
0xa: {  	[smem:$0x3FAA] =	sst s2  }
0xb: {  	[smem:$0x3FAB] =	sst s3  }
0xc: {  	[smem:$0x3FAC] =	sst s4  }
0xd: {  	[smem:$0x3FAD] =	sst s5  }
0xe: {  	[smem:$0x3FAE] =	sst s6  }
0xf: {  	[smem:$0x3FAF] =	sst s7  }
0x10: {  	[smem:$0x3FB0] =	sst s8  }
0x11: {  	[smem:$0x3FB1] =	sst s9;
	s0 =	simm.s32 @!p0 $0x0  }
0x12: {  	s1 =	sld [smem:$0x3F97];
	s0 =	simm.s32 @p0 $0x1  }
0x13: {  	[smem:$0x3FB2] =	sst s0;
	s0 =	simm.s32 @!p1 $0x0  }
0x14: {  	s2 =	sld [smem:$0x3F96];
	s0 =	simm.s32 @p1 $0x1  }
0x15: {  	[smem:$0x3FB3] =	sst s0;
	s0 =	simm.s32 @!p2 $0x0  }
0x16: {  	s3 =	sld [smem:$0x3FDB];
	s0 =	simm.s32 @p2 $0x1  }
0x17: {  	s4 =	simm.s32 $0x1BF5;
	[smem:$0x3FB5] =	sst s0  }
0x18: {  	s0 =	sld [smem:$0x3F98];
	_ =	swait.ge [sflag:s4], $0x0  }
0x19: {  	s7 =	sld [smem:$0x3F99]  }
0x1a: {  	s8 =	sadd.s32 $0xFFFFE003, lr  }
0x1b: {  	s9 =	sadd.s32 $0xFFFFFEF7, lr;
	s5 =	simm.s32 $0xFFFFFFFF;
	p2 =	slt.u32 s8, $0xFFFFF086  }
0x1c: {  	p1 =	slt.u32 s9, $0xF7A;
	s5 =	simm.s32 @!p2 $0x0  }
0x1d: {  	s5 =	simm.s32 @p1 $0x1;
	p0 =	seq.s32 s7, s2  }
0x1e: {  	s7 =	smul.u32 @!p0 $0xF7A, s2;
	p2 =	seq.s32 @!p0 s5, $0x0  }
0x1f: {  	s9 =	smul.u32 $0xF7A, s1;
	s8 =	simm.s32 @!p0 $0x1BF5;
	p2 =	por !p2, p0  }
0x20: {  	[sflag:s8] =	ssyncset.s32 @!p0 $0xFFFFF086;
	s6 =	sadd.s32 @!p0 s3, s7;
	s7 =	simm.s32 @!p0 $0x108  }
0x21: {  	s3 =	sadd.s32 s3, s9;
	s6 =	sadd.s32 @!p0 $0x88, s6;
	s7 =	simm.s32 @p2 $0x1082  }
0x22: {  	[simem:s7], [sflag:s8] =	dma.local @!p0 [hbm:s6], $0xF7A  }
0x23: {  	s9 =	sor.u32 $0xD0000000, s2;
	s6 =	simm.s32 $0x108;
	_ =	swait.ge @!p0 [sflag:s8], $0x0  }
0x24: {  	s3 =	sadd.s32 $0x88, s3;
	s6 =	simm.s32 @!p1 $0x1082;
	[sflag:s4] =	ssyncset.s32 $0xFFFFF086  }
0x25: {  	[simem:s6], [sflag:s4] =	dma.local [hbm:s3], $0xF7A  }
0x26: {  	[smem:$0x3F99] =	sst s1;
	(tag) =	ssettag s2;
	_ =	strace s9  }
0x27: {  	s1 =	sld [smem:$0x3FA9]  }
0x28: {  	s2 =	sld [smem:$0x3FAA]  }
0x29: {  	s4 =	sld [smem:$0x3FAC]  }
0x2a: {  	p0 =	seq.s32 s5, $0x0;
	s5 =	sld [smem:$0x3FAD]  }
0x2b: {  	s6 =	sld [smem:$0x3FAE]  }
0x2c: {  	s7 =	sld [smem:$0x3FAF]  }
0x2d: {  	s3 =	simm.s32 $0x108;
	s8 =	sld [smem:$0x3FB0]  }
0x2e: {  	s3 =	simm.s32 @!p0 $0x1082;
	s9 =	sld [smem:$0x3FB1]  }
0x2f: {  	lr =	sadd.s32 s0, s3;
	s0 =	sld [smem:$0x3FA8]  }
0x30: {  	s3 =	sld [smem:$0x3FAB]  }
0x31: {  	[smem:$0x3FB4] =	sst s10  }
0x32: {  	s10 =	sld [smem:$0x3FB2];
	_ =	sdelay $0x3  }
0x33: {  	p0 =	seq.s32 s10, $0x1;
	s10 =	sld [smem:$0x3FB4];
	_ =	sdelay $0x3  }
0x34: {  	[smem:$0x3FB4] =	sst s10  }
0x35: {  	s10 =	sld [smem:$0x3FB3];
	_ =	sdelay $0x3  }
0x36: {  	p1 =	seq.s32 s10, $0x1;
	s10 =	sld [smem:$0x3FB4];
	_ =	sdelay $0x3  }
0x37: {  	[smem:$0x3FB4] =	sst s10  }
0x38: {  	s10 =	sld [smem:$0x3FB5]  }
0x39: {  	_ = 	snop;
	(pc) =	sbr.ind lr, $3  }
0x3a: {  	_ = 	snop  }
0x3b: {  	_ = 	snop  }
0x3c: {  	p2 =	seq.s32 s10, $0x1;
	s10 =	sld [smem:$0x3FB4]  }
0x3d: {  	_ =	shalt  }
0x3e: {  	_ =	shalt  }
0x3f: {  	_ =	shalt  }
0x40: {  	_ =	shalt  }
0x41: {  	_ =	shalt  }
0x42: {  	_ =	shalt  }
0x43: {  	_ =	shalt  }
0x44: {  	_ =	shalt  }
0x45: {  	_ =	shalt  }
0x46: {  	_ =	shalt  }
0x47: {  	_ =	shalt  }
0x48: {  	_ =	shalt  }
0x49: {  	_ =	shalt  }
0x4a: {  	_ =	shalt  }
0x4b: {  	_ =	shalt  }
0x4c: {  	_ =	shalt  }
0x4d: {  	_ =	shalt  }
0x4e: {  	_ =	shalt  }
0x4f: {  	_ =	shalt  }
0x50: {  	_ =	shalt  }
0x51: {  	_ =	shalt  }
0x52: {  	_ =	shalt  }
0x53: {  	_ =	shalt  }
0x54: {  	_ =	shalt  }
0x55: {  	_ =	shalt  }
0x56: {  	_ =	shalt  }
0x57: {  	_ =	shalt  }
0x58: {  	_ =	shalt  }
0x59: {  	_ =	shalt  }
0x5a: {  	_ =	shalt  }
0x5b: {  	_ =	shalt  }
0x5c: {  	_ =	shalt  }
0x5d: {  	_ =	shalt  }
0x5e: {  	_ =	shalt  }
0x5f: {  	_ =	shalt  }
0x60: {  	_ =	shalt  }
0x61: {  	_ =	shalt  }
0x62: {  	_ =	shalt  }
0x63: {  	_ =	shalt  }
0x64: {  	_ =	shalt  }
0x65: {  	_ =	shalt  }
0x66: {  	_ =	shalt  }
0x67: {  	_ =	shalt  }
0x68: {  	_ =	shalt  }
0x69: {  	_ =	shalt  }
0x6a: {  	_ =	shalt  }
0x6b: {  	_ =	shalt  }
0x6c: {  	_ =	shalt  }
0x6d: {  	_ =	shalt  }
0x6e: {  	_ =	shalt  }
0x6f: {  	_ =	shalt  }
0x70: {  	_ =	shalt  }
0x71: {  	_ =	shalt  }
0x72: {  	_ =	shalt  }
0x73: {  	_ =	shalt  }
0x74: {  	_ =	shalt  }
0x75: {  	_ =	shalt  }
0x76: {  	_ =	shalt  }
0x77: {  	_ =	shalt  }
0x78: {  	_ =	shalt  }
0x79: {  	_ =	shalt  }
0x7a: {  	_ =	shalt  }
0x7b: {  	_ =	shalt  }
0x7c: {  	_ =	shalt  }
0x7d: {  	_ =	shalt  }
0x7e: {  	_ =	shalt  }
0x7f: {  	_ =	shalt  }
0x80: {  	_ =	shalt  }
0x81: {  	_ =	shalt  }
0x82: {  	_ =	shalt  }
0x83: {  	_ =	shalt  }
0x84: {  	_ =	shalt  }
0x85: {  	_ =	shalt  }
0x86: {  	_ =	shalt  }
0x87: {  	_ =	shalt  }
.Lfunc_end0:
.L_simem_size_0:
called_computation.1_lowered:
.L_overlay_start_0:
0x88: {  	s2 =	sld [smem:$0x3FD9]  }
0x89: {  	s3 =	sld [smem:$0x3FFE];
	_ =	sdelay $0x1  }
0x8a: {  	s1 =	srdreg.scid  }
0x8b: {  	s0 =	sand.u32 $0x1, s1  }
0x8c: {  	s17 =	sshll.u32 s0, $0xA;
	s2 =	sadd.s32 s3, s2  }
0x8d: {  	s2 =	sadd.s32 s2, s17  }
0x8e: {  	[smem:$0x3FC0] =	sst s2  }
0x8f: {  	_ = 	snop  }
0x90: {  	s18 =	sld [smem:$0x3FC6];
	(tm) =	ssettm $0x1  }
0x91: {  	s19 =	sld [smem:$0x3FFB];
	_ =	sdelay $0x3  }
0x92: {  	_ =	strace s19  }
0x93: {  	s2 =	sld [smem:$0x3FFC];
	_ =	sdelay $0x3  }
0x94: {  	_ =	strace s2  }
0x95: {  	s2 =	sld [smem:$0x3FFD];
	_ =	sdelay $0x3  }
0x96: {  	_ =	strace s2  }
0x97: {  	_ =	strace $0x8FFFFFFF  }
0x98: {  	s20 =	sld [smem:$0x3FDB];
	_ =	sdelay $0x1  }
0x99: {  	s4 =	simm.s32 $_scs_section_size  }
0x9a: {  	s5 =	simm.s32 $_size__tile_overlayer_lowered;
	s6 =	simm.s32 $_tile_overlayer_lowered  }
0x9b: {  	s7 =	simm.s32 $0x1BFF;
	s21 =	sshll.u32 s6, $0x1;
	s4 =	sadd.s32 s4, s20  }
0x9c: {  	s22 =	simm.s32 $0x0;
	s5 =	sshll.u32 s5, $0x1;
	s6 =	sadd.s32 s21, s4  }
0x9d: {  	[timem:s22], [sflag:s7] =	dma.local [hbm:s6], s5  }
0x9e: {  	_ =	swait.ge [sflag:s7], s5  }
0x9f: {  	s5 =	ssub.s32 $0x0, s5;
	[sflag:s7] =	ssyncset.done $0x0  }
0xa0: {  	[sflag:s7] =	ssyncadd.s32 s5;
	_ =	sdelay $0x1  }
0xa1: {  	s23 =	simm.s32 $0x1B8B  }
0xa2: {  	_ =	swait.ge [sflag:s23], $0x1  }
0xa3: {  	[sflag:s23] =	ssyncset.done $0x0  }
0xa4: {  	[sflag:s23] =	ssyncadd.s32 $0xFFFFFFFF  }
0xa5: {  	s5 =	sld [smem:$0x0]  }
0xa6: {  	s6 =	sand.u32 $0xFFFFFFFE, s1  }
0xa7: {  	p0 =	sne.s32 s1, s6  }
0xa8: {  	s6 =	sshll.u32 @p0 s6, $0xE  }
0xa9: {  	s6 =	sadd.s32 @p0 $0x11B8D, s6;
	s7 =	sshll.u32 @p0 s5, $0x11  }
0xaa: {  	s6 =	sor.u32 @p0 s7, s6  }
0xab: {  	[sflag:s6] =	ssyncadd.remote.s32 @p0 $0x1;
	_ =	sdelay $0x1  }
0xac: {  	s6 =	simm.s32 @p0 $0x1B8D  }
0xad: {  	_ =	swait.eq @p0 [sflag:s6], $0x1  }
0xae: {  	[sflag:s6] =	ssyncadd.s32 @p0 $0xFFFFFFFF  }
0xaf: {  	s7 =	sshll.u32 @!p0 s1, $0xE  }
0xb0: {  	s7 =	sor.u32 @!p0 $0x4000, s7;
	s6 =	simm.s32 @!p0 $0x1B8D  }
0xb1: {  	s5 =	sshll.u32 @!p0 s5, $0x11;
	s7 =	sadd.s32 @!p0 $0x11B8D, s7;
	_ =	swait.eq @!p0 [sflag:s6], $0x1  }
0xb2: {  	s5 =	sor.u32 @!p0 s5, s7;
	[sflag:s6] =	ssyncadd.s32 @!p0 $0xFFFFFFFF  }
0xb3: {  	s25 =	simm.s32 $0x1B8E;
	s24 =	sld [smem:$0x3FFE];
	[sflag:s5] =	ssyncadd.remote.s32 @!p0 $0x1  }
0xb4: {  	s26 =	simm.s32 $execute0_lowered;
	[smem:$0x3FD2] =	sst s25  }
0xb5: {  	s6 =	sshll.u32 s26, $0x1;
	_ =	strace $0x80000049;
	[dreg:$0x1] =	wrdreg $0xFFFFFFFF  }
0xb6: {  	s28 =	simm.s32 $_size_execute0_lowered;
	s4 =	sadd.s32 s4, s6;
	[dreg:$0x0] =	wrdreg $0x0  }
0xb7: {  	s6 =	sshll.u32 s28, $0x1;
	[dreg:$0x2] =	wrdreg s4  }
0xb8: {  	[dreg:$0x3] =	wrdreg s6  }
0xb9: {  	[dreg:$0x4] =	wrdreg $0xC0  }
0xba: {  	_ =	task [dreg:s22], $0x5FFFF  }
0xbb: {  	[dreg:$0x1] =	wrdreg $0xFFFFFFFF  }
0xbc: {  	[dreg:$0x0] =	wrdreg $0x60  }
0xbd: {  	[dreg:$0x2] =	wrdreg s24  }
0xbe: {  	[dreg:$0x3] =	wrdreg s18  }
0xbf: {  	[dreg:$0x4] =	wrdreg $0x9  }
0xc0: {  	_ =	task.clear_ibuf [dreg:s22], $0x5FFFF;
	_ =	strace $0x90000049  }
0xc1: {  	s29 =	simm.s32 $0x9;
	_ =	strace $0x8000004B  }
0xc2: {  	_ =	swait.ge [sflag:s29], $0x1  }
0xc3: {  	[sflag:s29] =	ssyncadd.s32 $0xFFFFFFFF  }
0xc4: {  	_ =	strace $0x9000004B  }
0xc5: {  	_ =	sfence  }
0xc6: {  	s30 =	sld [smem:$0x0];
	_ =	sdelay $0x2  }
0xc7: {  	s31 =	sshll.u32 s1, $0xD;
	s1 =	sshrl.u32 s1, $0x2  }
0xc8: {  	s4 =	sand.u32 $0x4000, s31;
	s1 =	sadd.s32 s1, s30  }
0xc9: {  	s0 =	sor.u32 s4, s0;
	s1 =	sshll.u32 s1, $0x11  }
0xca: {  	s0 =	sor.u32 s1, s0  }
0xcb: {  	s0 =	sadd.s32 $0x8F2B, s0  }
0xcc: {  	[sflag:s0] =	ssyncadd.remote.s32 $0x1  }
0xcd: {  	_ =	sfence.sel $0xFFFF  }
0xce: {  	[dreg:$0x0] =	wrdreg $0xFFFFFFFF;
	(pc) =	sbr.abs _section_cstart, $3  }
0xcf: {  	[dreg:$0x1] =	wrdreg $0xFFFFFFFF  }
0xd0: {  	_ =	task.clear_ibuf [dreg:s22], $0x2FFFF;
	_ =	strace $0x9FFFFFFF  }
0xd1: {  	(tm) =	ssettm $0x7FFFFFFF  }
tec
execute0_lowered:
.L_overlay_start_1:
0x0: {  	(tag) =	ssettag $0x1  }
0x1: {  	s0 =	rddreg [dreg:$0x0]  }
0x2: {  	s1 =	rddreg [dreg:$0x1];
	s3 =	simm.s32 $0x0  }
0x3: {  	s5 =	stileid.u32;
	s4 =	srdreg.scid;
	s28 =	simm.s32 $0x4B0  }
0x4: {  	s29 =	simm.s32 $0x3;
	s30 =	simm.s32 $0x40;
	s31 =	simm.s32 $0x80  }
0x5: {  	[smem:$0x7FF] =	sst s3;
	s12 =	sadd.s32 $0x14AA00, s0;
	s2 =	smul.u32 $0x12C00, s5  }
0x6: {  	s13 =	sadd.s32 $0x148400, s0;
	s4 =	sand.u32 $0x1, s4;
	s7 =	sshll.u32 s5, $0x1  }
0x7: {  	s6 =	sadd.s32 $0x3E00, s0;
	s8 =	sadd.s32 $0x156800, s0;
	s11 =	smul.u32 $0x12C0, s5  }
0x8: {  	_ =	strace $0x8000004A;
	s7 =	sor.u32 s4, s7;
	s14 =	smul.u32 $0x960, s4  }
0x9: {  	s9 =	ssub.s32 $0x2, s4;
	s4 =	smul.u32 $0x9600, s4;
	[dreg:$0x3] =	wrdreg s13  }
0xa: {  	s2 =	sadd.s32 s2, s0;
	s7 =	smul.u32 $0x960, s7;
	s10 =	sshrl.u32 s9, $0x1  }
0xb: {  	s0 =	sadd.s32 $0x158E00, s0;
	s9 =	ssub.s32 s9, s10;
	s19 =	sadd.s32 s14, s11  }
0xc: {  	s14 =	smov.u32 s12;
	s2 =	sadd.s32 s4, s2;
	s11 =	simm.s32 $0x5  }
0xd: {  	s7 =	sshrl.u32 s7, $0x3;
	s20 =	smax.u32 s9, $0x1;
	s21 =	sadd.s32 $0x4B0, s19  }
0xe: {  	s10 =	sadd.s32 $0x190, s19;
	s25 =	sshrl.u32 s19, $0x3;
	s2 =	sadd.s32 $0x15CD08, s2  }
0xf: {  	s26 =	sadd.s32 $0x320, s19;
	s15 =	sadd.s32 s12, s7;
	[dreg:$0x8] =	wrdreg s20  }
0x10: {  	s16 =	sadd.s32 s13, s7;
	s7 =	sadd.s32 $0x32, s7;
	[dreg:$0xc] =	wrdreg s2  }
0x11: {  	s9 =	sshrl.u32 s21, $0x3;
	s10 =	sshrl.u32 s10, $0x3;
	[dreg:$0xd] =	wrdreg s26  }
0x12: {  	s19 =	sadd.s32 s25, s8;
	s20 =	simm.s32 $0x320;
	s21 =	simm.s32 $0x1  }
0x13: {  	s26 =	simm.s32 $0x19960;
	s2 =	simm.s32 $0x6A40;
	[dreg:$0x4] =	wrdreg s15  }
0x14: {  	[dreg:$0x5] =	wrdreg s16;
	s17 =	sadd.s32 s12, s7;
	s18 =	sadd.s32 s13, s7  }
0x15: {  	s22 =	sadd.s32 s9, s13;
	s23 =	sadd.s32 s9, s12;
	[dreg:$0x6] =	wrdreg s17  }
0x16: {  	s24 =	sadd.s32 s10, s0;
	s15 =	sadd.s32 s10, s8;
	[dreg:$0x7] =	wrdreg s18  }
.Ltmp0:
0x17: {  	s7 =	simm.s32 $0x13240;
	[dreg:$0x9] =	wrdreg s22;
	(pc) =	sbr.rel .LBB2_1-.Ltmp0, $4  }
0x18: {  	s8 =	simm.s32 $0x197D0;
	s9 =	simm.s32 $0x19AF0;
	[dreg:$0xa] =	wrdreg s23  }
0x19: {  	s10 =	simm.s32 $0x4;
	s12 =	simm.s32 $0x0;
	[dreg:$0xb] =	wrdreg s24  }
0x1a: {  	s18 =	sadd.s32 s25, s0;
	s22 =	simm.s32 $0x190;
	s23 =	simm.s32 $0x640  }
0x1b: {  	s24 =	simm.s32 $0xCE40;
	s25 =	simm.s32 $0x19640;
	s0 =	simm.s32 $0x2  }
.LBB2_4:
0x1c: {  	_ =	swait.ge [sflag:s11], $0x6400  }
0x1d: {  	[sflag:s11] =	ssyncset.done $0x0  }
0x1e: {  	[sflag:s11] =	ssyncadd.s32 $0xFFFF9C00  }
0x1f: {  	_ =	swait.ge [sflag:s11], $0x6400  }
0x20: {  	[sflag:s11] =	ssyncset.done $0x0  }
0x21: {  	[sflag:s11] =	ssyncadd.s32 $0xFFFF9C00  }
0x22: {  	_ =	swait.ge [sflag:s11], $0x190  }
0x23: {  	[sflag:s11] =	ssyncset.done $0x0  }
0x24: {  	[sflag:s11] =	ssyncadd.s32 $0xFFFFFE70  }
0x25: {  	_ =	swait.ge [sflag:s11], $0x190  }
0x26: {  	[sflag:s11] =	ssyncset.done $0x0  }
0x27: {  	s5 =	simm.s32 $0x6;
	[sflag:s11] =	ssyncadd.s32 $0xFFFFFE70  }
0x28: {  	_ =	swait.ge [sflag:s5], $0x6400  }
0x29: {  	[sflag:s5] =	ssyncset.done $0x0  }
0x2a: {  	[sflag:s5] =	ssyncadd.s32 $0xFFFF9C00  }
0x2b: {  	_ =	swait.ge [sflag:s5], $0x6400  }
0x2c: {  	[sflag:s5] =	ssyncset.done $0x0  }
0x2d: {  	[sflag:s5] =	ssyncadd.s32 $0xFFFF9C00  }
0x2e: {  	_ =	swait.ge [sflag:s5], $0x190  }
0x2f: {  	[sflag:s5] =	ssyncset.done $0x0  }
0x30: {  	[sflag:s5] =	ssyncadd.s32 $0xFFFFFE70  }
0x31: {  	_ =	swait.ge [sflag:s5], $0x190  }
0x32: {  	s12 =	rddreg [dreg:$0xe]  }
0x33: {  	s4 =	rddreg [dreg:$0x8];
	s12 =	sadd.s32 $0x1, s12  }
0x34: {  	p0 =	sne.s32 s12, s4  }
.Ltmp1:
0x35: {  	_ = 	snop;
	(pc) =	sbr.rel @!p0 .LBB2_5-.Ltmp1, $3  }
0x36: {  	_ =	sdelay $0x1  }
0x37: {  	[sflag:s5] =	ssyncset.done $0x0  }
0x38: {  	[sflag:s5] =	ssyncadd.s32 $0xFFFFFE70  }
.LBB2_1:
0x39: {  	[dreg:$0xe] =	wrdreg s12  }
0x3a: {  	s4 =	rddreg [dreg:$0x4]  }
0x3b: {  	[tilespmem:s3], [sflag:$0x1] =	stream.linear.gather [hbm4b:s4+s3], $0x190, $0x38;
	[tilespmem:$0x19C80] =	vst v63  }
0x3c: {  	s13 =	rddreg [dreg:$0x5]  }
0x3d: {  	[tilespmem:s20], [sflag:$0x1] =	stream.linear.gather [hbm4b:s13+s3], $0x190, $0x38;
	[tilespmem:$0x19C80] =	vst v63  }
0x3e: {  	_ =	swait.ge [sflag:s21], $0x190  }
0x3f: {  	[sflag:s21] =	ssyncset.done $0x0  }
0x40: {  	[sflag:s21] =	ssyncadd.s32 $0xFFFFFE70  }
0x41: {  	_ =	swait.ge [sflag:s21], $0x190  }
0x42: {  	[sflag:s21] =	ssyncset.done $0x0  }
0x43: {  	[sflag:s21] =	ssyncadd.s32 $0xFFFFFE70  }
0x44: {  	[tilespmem:s23], [sflag:$0x3] =	stream.indirect.gather [hbm4b:s6+s22], $0x40, s3, s22, $0xb8;
	[tilespmem:$0x19C80] =	vst v63  }
0x45: {  	_ = 	snop  }
0x46: {  	[tilespmem:s24], [sflag:$0x3] =	stream.indirect.gather [hbm4b:s6+s22], $0x40, s20, s22, $0xb8;
	[tilespmem:$0x19C80] =	vst v63  }
0x47: {  	_ = 	snop  }
0x48: {  	[tilespmem:s25], [sflag:$0x3] =	stream.indirect.gather [hbm4b:s1+s22], $0x1, s3, s22, $0xb8;
	[tilespmem:$0x19C80] =	vst v63  }
0x49: {  	s16 =	rddreg [dreg:$0x6]  }
0x4a: {  	[tilespmem:s26], [sflag:$0x3] =	stream.indirect.gather [hbm4b:s1+s22], $0x1, s20, s22, $0xb8;
	[tilespmem:$0x19C80] =	vst v63  }
0x4b: {  	s17 =	rddreg [dreg:$0x7]  }
0x4c: {  	[tilespmem:s22], [sflag:$0x2] =	stream.linear.gather [hbm4b:s16+s3], $0x190, $0x38;
	[tilespmem:$0x19C80] =	vst v63  }
0x4d: {  	s16 =	rddreg [dreg:$0xd]  }
0x4e: {  	[tilespmem:s28], [sflag:$0x2] =	stream.linear.gather [hbm4b:s17+s3], $0x190, $0x38;
	[tilespmem:$0x19C80] =	vst v63  }
0x4f: {  	s4 =	simm.s32 $0x0;
	s17 =	rddreg [dreg:$0xc]  }
.LBB2_2:
0x50: {  	_ =	swait.ge [sflag:s29], $0x6400  }
0x51: {  	[sflag:s29] =	ssyncset.done $0x0  }
0x52: {  	[sflag:s29] =	ssyncadd.s32 $0xFFFF9C00  }
0x53: {  	_ =	swait.ge [sflag:s29], $0x6400  }
0x54: {  	[sflag:s29] =	ssyncset.done $0x0  }
0x55: {  	[sflag:s29] =	ssyncadd.s32 $0xFFFF9C00  }
0x56: {  	_ =	swait.ge [sflag:s29], $0x190  }
0x57: {  	[sflag:s29] =	ssyncset.done $0x0  }
0x58: {  	[sflag:s29] =	ssyncadd.s32 $0xFFFFFE70  }
0x59: {  	_ =	swait.ge [sflag:s29], $0x190  }
0x5a: {  	[sflag:s29] =	ssyncset.done $0x0  }
0x5b: {  	s5 =	sadd.s32 $0xFFFFE6F8, s17;
	[sflag:s29] =	ssyncadd.s32 $0xFFFFFE70  }
0x5c: {  	[hbm4b:s5+s30] =	stream.strided.scatter [tilespmem:s23], [sflag:$0x5], $0x6400, s31, s30, $0x38;
	[tilespmem:$0x19C80] =	vst v63  }
0x5d: {  	s12 =	sadd.s32 $0xFFFFE700, s17  }
0x5e: {  	[hbm4b:s12+s30] =	stream.strided.scatter [tilespmem:s24], [sflag:$0x5], $0x6400, s31, s30, $0x38;
	[tilespmem:$0x19C80] =	vst v63  }
0x5f: {  	s13 =	sadd.s32 s4, s19;
	p0 =	seq.s32 s4, $0xC8  }
0x60: {  	[hbm4b:s13+s3] =	stream.linear.scatter [tilespmem:s25], [sflag:$0x5], $0x190, $0x38;
	[tilespmem:$0x19C80] =	vst v63  }
0x61: {  	s5 =	sshrl.u32 @!p0 s16, $0x3;
	s12 =	sadd.s32 s4, s18  }
0x62: {  	[hbm4b:s12+s3] =	stream.linear.scatter [tilespmem:s26], [sflag:$0x5], $0x190, $0x38;
	[tilespmem:$0x19C80] =	vst v63  }
0x63: {  	s13 =	simm.s32 @!p0 $0x0;
	s12 =	sadd.s32 @!p0 s14, s5  }
0x64: {  	[tilespmem:s13], [sflag:$0x1] =	stream.linear.gather @!p0 [hbm4b:s12+s13], $0x190, $0x38;
	[tilespmem:$0x19C80] =	vst v63  }
0x65: {  	s12 =	rddreg [dreg:$0x3]  }
0x66: {  	s5 =	sadd.s32 @!p0 s12, s5;
	s12 =	simm.s32 @!p0 $0x320  }
0x67: {  	[tilespmem:s12], [sflag:$0x1] =	stream.linear.gather @!p0 [hbm4b:s5+s13], $0x190, $0x38;
	[tilespmem:$0x19C80] =	vst v63  }
0x68: {  	_ =	swait.ge [sflag:s0], $0x190  }
0x69: {  	[sflag:s0] =	ssyncset.done $0x0  }
0x6a: {  	[sflag:s0] =	ssyncadd.s32 $0xFFFFFE70  }
0x6b: {  	_ =	swait.ge [sflag:s0], $0x190  }
0x6c: {  	p1 =	seq.s32 s4, $0x0;
	[sflag:s0] =	ssyncset.done $0x0  }
0x6d: {  	s5 =	simm.s32 @!p1 $0x6;
	[sflag:s0] =	ssyncadd.s32 $0xFFFFFE70  }
0x6e: {  	_ =	swait.ge @!p1 [sflag:s5], $0x6400  }
0x6f: {  	[sflag:s5] =	ssyncset.done @!p1 $0x0  }
0x70: {  	[sflag:s5] =	ssyncadd.s32 @!p1 $0xFFFF9C00  }
0x71: {  	_ =	swait.ge @!p1 [sflag:s5], $0x6400  }
0x72: {  	[sflag:s5] =	ssyncset.done @!p1 $0x0  }
0x73: {  	[sflag:s5] =	ssyncadd.s32 @!p1 $0xFFFF9C00  }
0x74: {  	_ =	swait.ge @!p1 [sflag:s5], $0x190  }
0x75: {  	[sflag:s5] =	ssyncset.done @!p1 $0x0  }
0x76: {  	[sflag:s5] =	ssyncadd.s32 @!p1 $0xFFFFFE70  }
0x77: {  	_ =	swait.ge @!p1 [sflag:s5], $0x190  }
0x78: {  	[sflag:s5] =	ssyncset.done @!p1 $0x0  }
0x79: {  	[sflag:s5] =	ssyncadd.s32 @!p1 $0xFFFFFE70  }
0x7a: {  	[tilespmem:s2], [sflag:$0x4] =	stream.indirect.gather [hbm4b:s6+s22], $0x40, s22, s22, $0xb8;
	[tilespmem:$0x19C80] =	vst v63  }
0x7b: {  	_ = 	snop  }
0x7c: {  	[tilespmem:s7], [sflag:$0x4] =	stream.indirect.gather [hbm4b:s6+s22], $0x40, s28, s22, $0xb8;
	[tilespmem:$0x19C80] =	vst v63  }
0x7d: {  	_ = 	snop  }
0x7e: {  	[tilespmem:s8], [sflag:$0x4] =	stream.indirect.gather [hbm4b:s1+s22], $0x1, s22, s22, $0xb8;
	[tilespmem:$0x19C80] =	vst v63  }
0x7f: {  	_ = 	snop  }
0x80: {  	[tilespmem:s9], [sflag:$0x4] =	stream.indirect.gather [hbm4b:s1+s22], $0x1, s28, s22, $0xb8;
	[tilespmem:$0x19C80] =	vst v63  }
0x81: {  	_ =	swait.ge [sflag:s10], $0x6400  }
0x82: {  	[sflag:s10] =	ssyncset.done $0x0  }
0x83: {  	[sflag:s10] =	ssyncadd.s32 $0xFFFF9C00  }
0x84: {  	_ =	swait.ge [sflag:s10], $0x6400  }
0x85: {  	[sflag:s10] =	ssyncset.done $0x0  }
0x86: {  	[sflag:s10] =	ssyncadd.s32 $0xFFFF9C00  }
0x87: {  	_ =	swait.ge [sflag:s10], $0x190  }
0x88: {  	[sflag:s10] =	ssyncset.done $0x0  }
0x89: {  	[sflag:s10] =	ssyncadd.s32 $0xFFFFFE70  }
0x8a: {  	_ =	swait.ge [sflag:s10], $0x190  }
0x8b: {  	[sflag:s10] =	ssyncset.done $0x0  }
0x8c: {  	s13 =	sadd.s32 $0xFFFFFFF8, s17;
	[sflag:s10] =	ssyncadd.s32 $0xFFFFFE70  }
0x8d: {  	[hbm4b:s13+s30] =	stream.strided.scatter [tilespmem:s2], [sflag:$0x6], $0x6400, s31, s30, $0x38;
	[tilespmem:$0x19C80] =	vst v63  }
0x8e: {  	_ = 	snop  }
0x8f: {  	[hbm4b:s17+s30] =	stream.strided.scatter [tilespmem:s7], [sflag:$0x6], $0x6400, s31, s30, $0x38;
	[tilespmem:$0x19C80] =	vst v63  }
.Ltmp2:
0x90: {  	_ = 	snop;
	(pc) =	sbr.rel @p0 .LBB2_4-.Ltmp2, $4  }
0x91: {  	s12 =	sadd.s32 s4, s15;
	s13 =	rddreg [dreg:$0xb]  }
0x92: {  	[hbm4b:s12+s3] =	stream.linear.scatter [tilespmem:s8], [sflag:$0x6], $0x190, $0x38;
	[tilespmem:$0x19C80] =	vst v63  }
0x93: {  	s5 =	sadd.s32 s4, s13  }
0x94: {  	[hbm4b:s5+s3] =	stream.linear.scatter [tilespmem:s9], [sflag:$0x6], $0x190, $0x38;
	[tilespmem:$0x19C80] =	vst v63  }
0x95: {  	s5 =	rddreg [dreg:$0xa]  }
0x96: {  	s13 =	rddreg [dreg:$0x9];
	s5 =	sadd.s32 s4, s5  }
0x97: {  	[tilespmem:s22], [sflag:$0x2] =	stream.linear.gather [hbm4b:s5+s3], $0x190, $0x38;
	[tilespmem:$0x19C80] =	vst v63  }
0x98: {  	s5 =	sadd.s32 s4, s13  }
0x99: {  	[tilespmem:s28], [sflag:$0x2] =	stream.linear.gather [hbm4b:s5+s3], $0x190, $0x38;
	[tilespmem:$0x19C80] =	vst v63  }
0x9a: {  	_ =	swait.ge [sflag:s21], $0x190  }
0x9b: {  	[sflag:s21] =	ssyncset.done $0x0  }
0x9c: {  	[sflag:s21] =	ssyncadd.s32 $0xFFFFFE70  }
0x9d: {  	_ =	swait.ge [sflag:s21], $0x190  }
0x9e: {  	[sflag:s21] =	ssyncset.done $0x0  }
0x9f: {  	[sflag:s21] =	ssyncadd.s32 $0xFFFFFE70  }
0xa0: {  	_ =	swait.ge [sflag:s11], $0x6400  }
0xa1: {  	[sflag:s11] =	ssyncset.done $0x0  }
0xa2: {  	[sflag:s11] =	ssyncadd.s32 $0xFFFF9C00  }
0xa3: {  	_ =	swait.ge [sflag:s11], $0x6400  }
0xa4: {  	[sflag:s11] =	ssyncset.done $0x0  }
0xa5: {  	[sflag:s11] =	ssyncadd.s32 $0xFFFF9C00  }
0xa6: {  	_ =	swait.ge [sflag:s11], $0x190  }
0xa7: {  	[sflag:s11] =	ssyncset.done $0x0  }
0xa8: {  	[sflag:s11] =	ssyncadd.s32 $0xFFFFFE70  }
0xa9: {  	_ =	swait.ge [sflag:s11], $0x190  }
0xaa: {  	[sflag:s11] =	ssyncset.done $0x0  }
0xab: {  	[sflag:s11] =	ssyncadd.s32 $0xFFFFFE70  }
0xac: {  	[tilespmem:s23], [sflag:$0x3] =	stream.indirect.gather [hbm4b:s6+s22], $0x40, s3, s22, $0xb8;
	[tilespmem:$0x19C80] =	vst v63  }
0xad: {  	_ = 	snop  }
0xae: {  	[tilespmem:s24], [sflag:$0x3] =	stream.indirect.gather [hbm4b:s6+s22], $0x40, s20, s22, $0xb8;
	[tilespmem:$0x19C80] =	vst v63  }
.Ltmp3:
0xaf: {  	_ = 	snop;
	(pc) =	sbr.rel .LBB2_2-.Ltmp3, $4  }
0xb0: {  	_ = 	snop  }
0xb1: {  	[tilespmem:s25], [sflag:$0x3] =	stream.indirect.gather [hbm4b:s1+s22], $0x1, s3, s22, $0xb8;
	[tilespmem:$0x19C80] =	vst v63  }
0xb2: {  	s17 =	sadd.s32 $0x3200, s17;
	s16 =	sadd.s32 $0x320, s16;
	s4 =	sadd.s32 $0x64, s4  }
0xb3: {  	[tilespmem:s26], [sflag:$0x3] =	stream.indirect.gather [hbm4b:s1+s22], $0x1, s20, s22, $0xb8;
	[tilespmem:$0x19C80] =	vst v63  }
.LBB2_5:
0xb4: {  	_ =	sfence.sel $0x180000  }
0xb5: {  	[bflag:$0x0] =	sbarrier.arrive $0xFFFF  }
0xb6: {  	_ =	strace $0x9000004A  }
0xb7: {  	s0 =	stileid.u32;
	[bflag:$0x2] =	sbarrier.arrive $0xFFFF  }
0xb8: {  	p0 =	sne.s32 s0, $0x0;
	s0 =	rddreg [dreg:$0x2]  }
0xb9: {  	s0 =	sadd.s32 @!p0 $0x100000, s0  }
0xba: {  	[sflag:s0] =	ssyncadd.tile.s32 @!p0 $0x1;
	_ =	shalt  }
.Lfunc_end2:
_tile_overlayer_lowered:
.L_overlay_start_2:
0xbb: {  	(tag) =	ssettag $0x2  }
0xbc: {  	s0 =	rddreg [dreg:$0x0];
	s2 =	stileid.u32  }
0xbd: {  	s1 =	rddreg [dreg:$0x1];
	p0 =	sne.s32 s2, $0x0  }
0xbe: {  	s3 =	rddreg [dreg:$0x2];
	[bflag:$0x3] =	sbarrier.arrive $0xFFFF;
	s2 =	simm.s32 @!p0 $0x1C07  }
0xbf: {  	[timem:s3], [sflag:s2] =	dma.local @!p0 [hbm:s0], s1  }
0xc0: {  	s0 =	simm.s32 @!p0 $0x7  }
0xc1: {  	_ =	swait.ge @!p0 [sflag:s0], s1  }
0xc2: {  	s1 =	ssub.s32 @!p0 $0x0, s1;
	[sflag:s0] =	ssyncset.done @!p0 $0x0  }
0xc3: {  	[sflag:s0] =	ssyncadd.s32 @!p0 s1  }
0xc4: {  	[bflag:$0x3] =	sbarrier.arrive $0xFFFF  }
0xc5: {  	_ =	shalt  }

// kernel: kernel.18.cloned.1.call-start
scs
__scs_entry_jumppad:
0x0: {  	(pc) =	sbr.rel $0x88, $3  }
0x1: {  	(tag) =	ssettag $0x0;
	lr =	simm.s32 $0x1  }
0x2: {  	[smem:$0x3F99] =	sst lr;
	_ =	strace $0xD0000000  }
0x3: {  	_ = 	snop  }
0x4: {  	_ = 	snop  }
0x5: {  	_ = 	snop  }
0x6: {  	_ = 	snop  }
0x7: {  	_ = 	snop  }
__scs_overlays_trampoline_lowered:
0x8: {  	[smem:$0x3FA8] =	sst s0  }
0x9: {  	[smem:$0x3FA9] =	sst s1  }
0xa: {  	[smem:$0x3FAA] =	sst s2  }
0xb: {  	[smem:$0x3FAB] =	sst s3  }
0xc: {  	[smem:$0x3FAC] =	sst s4  }
0xd: {  	[smem:$0x3FAD] =	sst s5  }
0xe: {  	[smem:$0x3FAE] =	sst s6  }
0xf: {  	[smem:$0x3FAF] =	sst s7  }
0x10: {  	[smem:$0x3FB0] =	sst s8  }
0x11: {  	[smem:$0x3FB1] =	sst s9;
	s0 =	simm.s32 @!p0 $0x0  }
0x12: {  	s1 =	sld [smem:$0x3F97];
	s0 =	simm.s32 @p0 $0x1  }
0x13: {  	[smem:$0x3FB2] =	sst s0;
	s0 =	simm.s32 @!p1 $0x0  }
0x14: {  	s2 =	sld [smem:$0x3F96];
	s0 =	simm.s32 @p1 $0x1  }
0x15: {  	[smem:$0x3FB3] =	sst s0;
	s0 =	simm.s32 @!p2 $0x0  }
0x16: {  	s3 =	sld [smem:$0x3FDB];
	s0 =	simm.s32 @p2 $0x1  }
0x17: {  	s4 =	simm.s32 $0x1BF5;
	[smem:$0x3FB5] =	sst s0  }
0x18: {  	s0 =	sld [smem:$0x3F98];
	_ =	swait.ge [sflag:s4], $0x0  }
0x19: {  	s7 =	sld [smem:$0x3F99]  }
0x1a: {  	s8 =	sadd.s32 $0xFFFFE003, lr  }
0x1b: {  	s9 =	sadd.s32 $0xFFFFFEF7, lr;
	s5 =	simm.s32 $0xFFFFFFFF;
	p2 =	slt.u32 s8, $0xFFFFF086  }
0x1c: {  	p1 =	slt.u32 s9, $0xF7A;
	s5 =	simm.s32 @!p2 $0x0  }
0x1d: {  	s5 =	simm.s32 @p1 $0x1;
	p0 =	seq.s32 s7, s2  }
0x1e: {  	s7 =	smul.u32 @!p0 $0xF7A, s2;
	p2 =	seq.s32 @!p0 s5, $0x0  }
0x1f: {  	s9 =	smul.u32 $0xF7A, s1;
	s8 =	simm.s32 @!p0 $0x1BF5;
	p2 =	por !p2, p0  }
0x20: {  	[sflag:s8] =	ssyncset.s32 @!p0 $0xFFFFF086;
	s6 =	sadd.s32 @!p0 s3, s7;
	s7 =	simm.s32 @!p0 $0x108  }
0x21: {  	s3 =	sadd.s32 s3, s9;
	s6 =	sadd.s32 @!p0 $0x88, s6;
	s7 =	simm.s32 @p2 $0x1082  }
0x22: {  	[simem:s7], [sflag:s8] =	dma.local @!p0 [hbm:s6], $0xF7A  }
0x23: {  	s9 =	sor.u32 $0xD0000000, s2;
	s6 =	simm.s32 $0x108;
	_ =	swait.ge @!p0 [sflag:s8], $0x0  }
0x24: {  	s3 =	sadd.s32 $0x88, s3;
	s6 =	simm.s32 @!p1 $0x1082;
	[sflag:s4] =	ssyncset.s32 $0xFFFFF086  }
0x25: {  	[simem:s6], [sflag:s4] =	dma.local [hbm:s3], $0xF7A  }
0x26: {  	[smem:$0x3F99] =	sst s1;
	(tag) =	ssettag s2;
	_ =	strace s9  }
0x27: {  	s1 =	sld [smem:$0x3FA9]  }
0x28: {  	s2 =	sld [smem:$0x3FAA]  }
0x29: {  	s4 =	sld [smem:$0x3FAC]  }
0x2a: {  	p0 =	seq.s32 s5, $0x0;
	s5 =	sld [smem:$0x3FAD]  }
0x2b: {  	s6 =	sld [smem:$0x3FAE]  }
0x2c: {  	s7 =	sld [smem:$0x3FAF]  }
0x2d: {  	s3 =	simm.s32 $0x108;
	s8 =	sld [smem:$0x3FB0]  }
0x2e: {  	s3 =	simm.s32 @!p0 $0x1082;
	s9 =	sld [smem:$0x3FB1]  }
0x2f: {  	lr =	sadd.s32 s0, s3;
	s0 =	sld [smem:$0x3FA8]  }
0x30: {  	s3 =	sld [smem:$0x3FAB]  }
0x31: {  	[smem:$0x3FB4] =	sst s10  }
0x32: {  	s10 =	sld [smem:$0x3FB2];
	_ =	sdelay $0x3  }
0x33: {  	p0 =	seq.s32 s10, $0x1;
	s10 =	sld [smem:$0x3FB4];
	_ =	sdelay $0x3  }
0x34: {  	[smem:$0x3FB4] =	sst s10  }
0x35: {  	s10 =	sld [smem:$0x3FB3];
	_ =	sdelay $0x3  }
0x36: {  	p1 =	seq.s32 s10, $0x1;
	s10 =	sld [smem:$0x3FB4];
	_ =	sdelay $0x3  }
0x37: {  	[smem:$0x3FB4] =	sst s10  }
0x38: {  	s10 =	sld [smem:$0x3FB5]  }
0x39: {  	_ = 	snop;
	(pc) =	sbr.ind lr, $3  }
0x3a: {  	_ = 	snop  }
0x3b: {  	_ = 	snop  }
0x3c: {  	p2 =	seq.s32 s10, $0x1;
	s10 =	sld [smem:$0x3FB4]  }
0x3d: {  	_ =	shalt  }
0x3e: {  	_ =	shalt  }
0x3f: {  	_ =	shalt  }
0x40: {  	_ =	shalt  }
0x41: {  	_ =	shalt  }
0x42: {  	_ =	shalt  }
0x43: {  	_ =	shalt  }
0x44: {  	_ =	shalt  }
0x45: {  	_ =	shalt  }
0x46: {  	_ =	shalt  }
0x47: {  	_ =	shalt  }
0x48: {  	_ =	shalt  }
0x49: {  	_ =	shalt  }
0x4a: {  	_ =	shalt  }
0x4b: {  	_ =	shalt  }
0x4c: {  	_ =	shalt  }
0x4d: {  	_ =	shalt  }
0x4e: {  	_ =	shalt  }
0x4f: {  	_ =	shalt  }
0x50: {  	_ =	shalt  }
0x51: {  	_ =	shalt  }
0x52: {  	_ =	shalt  }
0x53: {  	_ =	shalt  }
0x54: {  	_ =	shalt  }
0x55: {  	_ =	shalt  }
0x56: {  	_ =	shalt  }
0x57: {  	_ =	shalt  }
0x58: {  	_ =	shalt  }
0x59: {  	_ =	shalt  }
0x5a: {  	_ =	shalt  }
0x5b: {  	_ =	shalt  }
0x5c: {  	_ =	shalt  }
0x5d: {  	_ =	shalt  }
0x5e: {  	_ =	shalt  }
0x5f: {  	_ =	shalt  }
0x60: {  	_ =	shalt  }
0x61: {  	_ =	shalt  }
0x62: {  	_ =	shalt  }
0x63: {  	_ =	shalt  }
0x64: {  	_ =	shalt  }
0x65: {  	_ =	shalt  }
0x66: {  	_ =	shalt  }
0x67: {  	_ =	shalt  }
0x68: {  	_ =	shalt  }
0x69: {  	_ =	shalt  }
0x6a: {  	_ =	shalt  }
0x6b: {  	_ =	shalt  }
0x6c: {  	_ =	shalt  }
0x6d: {  	_ =	shalt  }
0x6e: {  	_ =	shalt  }
0x6f: {  	_ =	shalt  }
0x70: {  	_ =	shalt  }
0x71: {  	_ =	shalt  }
0x72: {  	_ =	shalt  }
0x73: {  	_ =	shalt  }
0x74: {  	_ =	shalt  }
0x75: {  	_ =	shalt  }
0x76: {  	_ =	shalt  }
0x77: {  	_ =	shalt  }
0x78: {  	_ =	shalt  }
0x79: {  	_ =	shalt  }
0x7a: {  	_ =	shalt  }
0x7b: {  	_ =	shalt  }
0x7c: {  	_ =	shalt  }
0x7d: {  	_ =	shalt  }
0x7e: {  	_ =	shalt  }
0x7f: {  	_ =	shalt  }
0x80: {  	_ =	shalt  }
0x81: {  	_ =	shalt  }
0x82: {  	_ =	shalt  }
0x83: {  	_ =	shalt  }
0x84: {  	_ =	shalt  }
0x85: {  	_ =	shalt  }
0x86: {  	_ =	shalt  }
0x87: {  	_ =	shalt  }
.Lfunc_end0:
.L_simem_size_0:
called_computation.2_lowered:
.L_overlay_start_0:
0x88: {  	s2 =	sld [smem:$0x3FD9]  }
0x89: {  	s3 =	sld [smem:$0x3FFE];
	_ =	sdelay $0x1  }
0x8a: {  	s1 =	srdreg.scid  }
0x8b: {  	s0 =	sand.u32 $0x1, s1  }
0x8c: {  	s17 =	sshll.u32 s0, $0xA;
	s2 =	sadd.s32 s3, s2  }
0x8d: {  	s2 =	sadd.s32 s2, s17  }
0x8e: {  	[smem:$0x3FC0] =	sst s2  }
0x8f: {  	_ = 	snop  }
0x90: {  	s18 =	sld [smem:$0x3FC6];
	(tm) =	ssettm $0x1  }
0x91: {  	s19 =	sld [smem:$0x3FFB];
	_ =	sdelay $0x3  }
0x92: {  	_ =	strace s19  }
0x93: {  	s2 =	sld [smem:$0x3FFC];
	_ =	sdelay $0x3  }
0x94: {  	_ =	strace s2  }
0x95: {  	s2 =	sld [smem:$0x3FFD];
	_ =	sdelay $0x3  }
0x96: {  	_ =	strace s2  }
0x97: {  	_ =	strace $0x8FFFFFFF  }
0x98: {  	s20 =	sld [smem:$0x3FDB];
	_ =	sdelay $0x1  }
0x99: {  	s4 =	simm.s32 $_scs_section_size  }
0x9a: {  	s5 =	simm.s32 $_size__tile_overlayer_lowered;
	s6 =	simm.s32 $_tile_overlayer_lowered  }
0x9b: {  	s7 =	simm.s32 $0x1BFF;
	s21 =	sshll.u32 s6, $0x1;
	s4 =	sadd.s32 s4, s20  }
0x9c: {  	s22 =	simm.s32 $0x0;
	s5 =	sshll.u32 s5, $0x1;
	s6 =	sadd.s32 s21, s4  }
0x9d: {  	[timem:s22], [sflag:s7] =	dma.local [hbm:s6], s5  }
0x9e: {  	_ =	swait.ge [sflag:s7], s5  }
0x9f: {  	s5 =	ssub.s32 $0x0, s5;
	[sflag:s7] =	ssyncset.done $0x0  }
0xa0: {  	[sflag:s7] =	ssyncadd.s32 s5;
	_ =	sdelay $0x1  }
0xa1: {  	s23 =	simm.s32 $0x1B8B  }
0xa2: {  	_ =	swait.ge [sflag:s23], $0x1  }
0xa3: {  	[sflag:s23] =	ssyncset.done $0x0  }
0xa4: {  	[sflag:s23] =	ssyncadd.s32 $0xFFFFFFFF  }
0xa5: {  	s5 =	sld [smem:$0x0]  }
0xa6: {  	s6 =	sand.u32 $0xFFFFFFFE, s1  }
0xa7: {  	p0 =	sne.s32 s1, s6  }
0xa8: {  	s6 =	sshll.u32 @p0 s6, $0xE  }
0xa9: {  	s6 =	sadd.s32 @p0 $0x11B8D, s6;
	s7 =	sshll.u32 @p0 s5, $0x11  }
0xaa: {  	s6 =	sor.u32 @p0 s7, s6  }
0xab: {  	[sflag:s6] =	ssyncadd.remote.s32 @p0 $0x1;
	_ =	sdelay $0x1  }
0xac: {  	s6 =	simm.s32 @p0 $0x1B8D  }
0xad: {  	_ =	swait.eq @p0 [sflag:s6], $0x1  }
0xae: {  	[sflag:s6] =	ssyncadd.s32 @p0 $0xFFFFFFFF  }
0xaf: {  	s7 =	sshll.u32 @!p0 s1, $0xE  }
0xb0: {  	s7 =	sor.u32 @!p0 $0x4000, s7;
	s6 =	simm.s32 @!p0 $0x1B8D  }
0xb1: {  	s5 =	sshll.u32 @!p0 s5, $0x11;
	s7 =	sadd.s32 @!p0 $0x11B8D, s7;
	_ =	swait.eq @!p0 [sflag:s6], $0x1  }
0xb2: {  	s5 =	sor.u32 @!p0 s5, s7;
	[sflag:s6] =	ssyncadd.s32 @!p0 $0xFFFFFFFF  }
0xb3: {  	s25 =	simm.s32 $0x1B8E;
	s24 =	sld [smem:$0x3FFE];
	[sflag:s5] =	ssyncadd.remote.s32 @!p0 $0x1  }
0xb4: {  	s26 =	simm.s32 $execute0_lowered;
	[smem:$0x3FD2] =	sst s25  }
0xb5: {  	s6 =	sshll.u32 s26, $0x1;
	_ =	strace $0x8000004C;
	[dreg:$0x1] =	wrdreg $0xFFFFFFFF  }
0xb6: {  	s28 =	simm.s32 $_size_execute0_lowered;
	s4 =	sadd.s32 s4, s6;
	[dreg:$0x0] =	wrdreg $0x0  }
0xb7: {  	s6 =	sshll.u32 s28, $0x1;
	[dreg:$0x2] =	wrdreg s4  }
0xb8: {  	[dreg:$0x3] =	wrdreg s6  }
0xb9: {  	[dreg:$0x4] =	wrdreg $0xC0  }
0xba: {  	_ =	task [dreg:s22], $0x5FFFF  }
0xbb: {  	[dreg:$0x1] =	wrdreg $0xFFFFFFFF  }
0xbc: {  	[dreg:$0x0] =	wrdreg $0x60  }
0xbd: {  	[dreg:$0x2] =	wrdreg s24  }
0xbe: {  	[dreg:$0x3] =	wrdreg s18  }
0xbf: {  	[dreg:$0x4] =	wrdreg $0xA  }
0xc0: {  	_ =	task.clear_ibuf [dreg:s22], $0x5FFFF;
	_ =	strace $0x9000004C  }
0xc1: {  	s29 =	simm.s32 $0xA;
	_ =	strace $0x8000004E  }
0xc2: {  	_ =	swait.ge [sflag:s29], $0x1  }
0xc3: {  	[sflag:s29] =	ssyncadd.s32 $0xFFFFFFFF  }
0xc4: {  	_ =	strace $0x9000004E  }
0xc5: {  	_ =	sfence  }
0xc6: {  	s30 =	sld [smem:$0x0];
	_ =	sdelay $0x2  }
0xc7: {  	s31 =	sshll.u32 s1, $0xD;
	s1 =	sshrl.u32 s1, $0x2  }
0xc8: {  	s4 =	sand.u32 $0x4000, s31;
	s1 =	sadd.s32 s1, s30  }
0xc9: {  	s0 =	sor.u32 s4, s0;
	s1 =	sshll.u32 s1, $0x11  }
0xca: {  	s0 =	sor.u32 s1, s0  }
0xcb: {  	s0 =	sadd.s32 $0x8F2B, s0  }
0xcc: {  	[sflag:s0] =	ssyncadd.remote.s32 $0x1  }
0xcd: {  	_ =	sfence.sel $0xFFFF  }
0xce: {  	[dreg:$0x0] =	wrdreg $0xFFFFFFFF;
	(pc) =	sbr.abs _section_cstart, $3  }
0xcf: {  	[dreg:$0x1] =	wrdreg $0xFFFFFFFF  }
0xd0: {  	_ =	task.clear_ibuf [dreg:s22], $0x2FFFF;
	_ =	strace $0x9FFFFFFF  }
0xd1: {  	(tm) =	ssettm $0x7FFFFFFF  }
tec
execute0_lowered:
.L_overlay_start_1:
0x0: {  	(tag) =	ssettag $0x1  }
0x1: {  	s0 =	rddreg [dreg:$0x0]  }
0x2: {  	s1 =	rddreg [dreg:$0x1];
	s3 =	simm.s32 $0x0  }
0x3: {  	s5 =	stileid.u32;
	s4 =	srdreg.scid;
	s28 =	simm.s32 $0x4B0  }
0x4: {  	s29 =	simm.s32 $0x3;
	s30 =	simm.s32 $0x40;
	s31 =	simm.s32 $0x80  }
0x5: {  	[smem:$0x7FF] =	sst s3;
	s12 =	sadd.s32 $0x14F600, s0;
	s2 =	smul.u32 $0x12C00, s5  }
0x6: {  	s13 =	sadd.s32 $0x14D000, s0;
	s4 =	sand.u32 $0x1, s4;
	s7 =	sshll.u32 s5, $0x1  }
0x7: {  	s6 =	sadd.s32 $0x3E00, s0;
	s8 =	sadd.s32 $0x17A00, s0;
	s11 =	smul.u32 $0x12C0, s5  }
0x8: {  	_ =	strace $0x8000004D;
	s7 =	sor.u32 s4, s7;
	s14 =	smul.u32 $0x960, s4  }
0x9: {  	s9 =	ssub.s32 $0x2, s4;
	s4 =	smul.u32 $0x9600, s4;
	[dreg:$0x3] =	wrdreg s13  }
0xa: {  	s2 =	sadd.s32 s2, s0;
	s7 =	smul.u32 $0x960, s7;
	s10 =	sshrl.u32 s9, $0x1  }
0xb: {  	s0 =	sadd.s32 $0x1A000, s0;
	s9 =	ssub.s32 s9, s10;
	s19 =	sadd.s32 s14, s11  }
0xc: {  	s14 =	smov.u32 s12;
	s2 =	sadd.s32 s4, s2;
	s11 =	simm.s32 $0x5  }
0xd: {  	s7 =	sshrl.u32 s7, $0x3;
	s20 =	smax.u32 s9, $0x1;
	s21 =	sadd.s32 $0x4B0, s19  }
0xe: {  	s10 =	sadd.s32 $0x190, s19;
	s25 =	sshrl.u32 s19, $0x3;
	s2 =	sadd.s32 $0x288F08, s2  }
0xf: {  	s26 =	sadd.s32 $0x320, s19;
	s15 =	sadd.s32 s12, s7;
	[dreg:$0x8] =	wrdreg s20  }
0x10: {  	s16 =	sadd.s32 s13, s7;
	s7 =	sadd.s32 $0x32, s7;
	[dreg:$0xc] =	wrdreg s2  }
0x11: {  	s9 =	sshrl.u32 s21, $0x3;
	s10 =	sshrl.u32 s10, $0x3;
	[dreg:$0xd] =	wrdreg s26  }
0x12: {  	s19 =	sadd.s32 s25, s8;
	s20 =	simm.s32 $0x320;
	s21 =	simm.s32 $0x1  }
0x13: {  	s26 =	simm.s32 $0x19960;
	s2 =	simm.s32 $0x6A40;
	[dreg:$0x4] =	wrdreg s15  }
0x14: {  	[dreg:$0x5] =	wrdreg s16;
	s17 =	sadd.s32 s12, s7;
	s18 =	sadd.s32 s13, s7  }
0x15: {  	s22 =	sadd.s32 s9, s13;
	s23 =	sadd.s32 s9, s12;
	[dreg:$0x6] =	wrdreg s17  }
0x16: {  	s24 =	sadd.s32 s10, s0;
	s15 =	sadd.s32 s10, s8;
	[dreg:$0x7] =	wrdreg s18  }
.Ltmp0:
0x17: {  	s7 =	simm.s32 $0x13240;
	[dreg:$0x9] =	wrdreg s22;
	(pc) =	sbr.rel .LBB2_1-.Ltmp0, $4  }
0x18: {  	s8 =	simm.s32 $0x197D0;
	s9 =	simm.s32 $0x19AF0;
	[dreg:$0xa] =	wrdreg s23  }
0x19: {  	s10 =	simm.s32 $0x4;
	s12 =	simm.s32 $0x0;
	[dreg:$0xb] =	wrdreg s24  }
0x1a: {  	s18 =	sadd.s32 s25, s0;
	s22 =	simm.s32 $0x190;
	s23 =	simm.s32 $0x640  }
0x1b: {  	s24 =	simm.s32 $0xCE40;
	s25 =	simm.s32 $0x19640;
	s0 =	simm.s32 $0x2  }
.LBB2_4:
0x1c: {  	_ =	swait.ge [sflag:s11], $0x6400  }
0x1d: {  	[sflag:s11] =	ssyncset.done $0x0  }
0x1e: {  	[sflag:s11] =	ssyncadd.s32 $0xFFFF9C00  }
0x1f: {  	_ =	swait.ge [sflag:s11], $0x6400  }
0x20: {  	[sflag:s11] =	ssyncset.done $0x0  }
0x21: {  	[sflag:s11] =	ssyncadd.s32 $0xFFFF9C00  }
0x22: {  	_ =	swait.ge [sflag:s11], $0x190  }
0x23: {  	[sflag:s11] =	ssyncset.done $0x0  }
0x24: {  	[sflag:s11] =	ssyncadd.s32 $0xFFFFFE70  }
0x25: {  	_ =	swait.ge [sflag:s11], $0x190  }
0x26: {  	[sflag:s11] =	ssyncset.done $0x0  }
0x27: {  	s5 =	simm.s32 $0x6;
	[sflag:s11] =	ssyncadd.s32 $0xFFFFFE70  }
0x28: {  	_ =	swait.ge [sflag:s5], $0x6400  }
0x29: {  	[sflag:s5] =	ssyncset.done $0x0  }
0x2a: {  	[sflag:s5] =	ssyncadd.s32 $0xFFFF9C00  }
0x2b: {  	_ =	swait.ge [sflag:s5], $0x6400  }
0x2c: {  	[sflag:s5] =	ssyncset.done $0x0  }
0x2d: {  	[sflag:s5] =	ssyncadd.s32 $0xFFFF9C00  }
0x2e: {  	_ =	swait.ge [sflag:s5], $0x190  }
0x2f: {  	[sflag:s5] =	ssyncset.done $0x0  }
0x30: {  	[sflag:s5] =	ssyncadd.s32 $0xFFFFFE70  }
0x31: {  	_ =	swait.ge [sflag:s5], $0x190  }
0x32: {  	s12 =	rddreg [dreg:$0xe]  }
0x33: {  	s4 =	rddreg [dreg:$0x8];
	s12 =	sadd.s32 $0x1, s12  }
0x34: {  	p0 =	sne.s32 s12, s4  }
.Ltmp1:
0x35: {  	_ = 	snop;
	(pc) =	sbr.rel @!p0 .LBB2_5-.Ltmp1, $3  }
0x36: {  	_ =	sdelay $0x1  }
0x37: {  	[sflag:s5] =	ssyncset.done $0x0  }
0x38: {  	[sflag:s5] =	ssyncadd.s32 $0xFFFFFE70  }
.LBB2_1:
0x39: {  	[dreg:$0xe] =	wrdreg s12  }
0x3a: {  	s4 =	rddreg [dreg:$0x4]  }
0x3b: {  	[tilespmem:s3], [sflag:$0x1] =	stream.linear.gather [hbm4b:s4+s3], $0x190, $0x38;
	[tilespmem:$0x19C80] =	vst v63  }
0x3c: {  	s13 =	rddreg [dreg:$0x5]  }
0x3d: {  	[tilespmem:s20], [sflag:$0x1] =	stream.linear.gather [hbm4b:s13+s3], $0x190, $0x38;
	[tilespmem:$0x19C80] =	vst v63  }
0x3e: {  	_ =	swait.ge [sflag:s21], $0x190  }
0x3f: {  	[sflag:s21] =	ssyncset.done $0x0  }
0x40: {  	[sflag:s21] =	ssyncadd.s32 $0xFFFFFE70  }
0x41: {  	_ =	swait.ge [sflag:s21], $0x190  }
0x42: {  	[sflag:s21] =	ssyncset.done $0x0  }
0x43: {  	[sflag:s21] =	ssyncadd.s32 $0xFFFFFE70  }
0x44: {  	[tilespmem:s23], [sflag:$0x3] =	stream.indirect.gather [hbm4b:s6+s22], $0x40, s3, s22, $0xb8;
	[tilespmem:$0x19C80] =	vst v63  }
0x45: {  	_ = 	snop  }
0x46: {  	[tilespmem:s24], [sflag:$0x3] =	stream.indirect.gather [hbm4b:s6+s22], $0x40, s20, s22, $0xb8;
	[tilespmem:$0x19C80] =	vst v63  }
0x47: {  	_ = 	snop  }
0x48: {  	[tilespmem:s25], [sflag:$0x3] =	stream.indirect.gather [hbm4b:s1+s22], $0x1, s3, s22, $0xb8;
	[tilespmem:$0x19C80] =	vst v63  }
0x49: {  	s16 =	rddreg [dreg:$0x6]  }
0x4a: {  	[tilespmem:s26], [sflag:$0x3] =	stream.indirect.gather [hbm4b:s1+s22], $0x1, s20, s22, $0xb8;
	[tilespmem:$0x19C80] =	vst v63  }
0x4b: {  	s17 =	rddreg [dreg:$0x7]  }
0x4c: {  	[tilespmem:s22], [sflag:$0x2] =	stream.linear.gather [hbm4b:s16+s3], $0x190, $0x38;
	[tilespmem:$0x19C80] =	vst v63  }
0x4d: {  	s16 =	rddreg [dreg:$0xd]  }
0x4e: {  	[tilespmem:s28], [sflag:$0x2] =	stream.linear.gather [hbm4b:s17+s3], $0x190, $0x38;
	[tilespmem:$0x19C80] =	vst v63  }
0x4f: {  	s4 =	simm.s32 $0x0;
	s17 =	rddreg [dreg:$0xc]  }
.LBB2_2:
0x50: {  	_ =	swait.ge [sflag:s29], $0x6400  }
0x51: {  	[sflag:s29] =	ssyncset.done $0x0  }
0x52: {  	[sflag:s29] =	ssyncadd.s32 $0xFFFF9C00  }
0x53: {  	_ =	swait.ge [sflag:s29], $0x6400  }
0x54: {  	[sflag:s29] =	ssyncset.done $0x0  }
0x55: {  	[sflag:s29] =	ssyncadd.s32 $0xFFFF9C00  }
0x56: {  	_ =	swait.ge [sflag:s29], $0x190  }
0x57: {  	[sflag:s29] =	ssyncset.done $0x0  }
0x58: {  	[sflag:s29] =	ssyncadd.s32 $0xFFFFFE70  }
0x59: {  	_ =	swait.ge [sflag:s29], $0x190  }
0x5a: {  	[sflag:s29] =	ssyncset.done $0x0  }
0x5b: {  	s5 =	sadd.s32 $0xFFFFE6F8, s17;
	[sflag:s29] =	ssyncadd.s32 $0xFFFFFE70  }
0x5c: {  	[hbm4b:s5+s30] =	stream.strided.scatter [tilespmem:s23], [sflag:$0x5], $0x6400, s31, s30, $0x38;
	[tilespmem:$0x19C80] =	vst v63  }
0x5d: {  	s12 =	sadd.s32 $0xFFFFE700, s17  }
0x5e: {  	[hbm4b:s12+s30] =	stream.strided.scatter [tilespmem:s24], [sflag:$0x5], $0x6400, s31, s30, $0x38;
	[tilespmem:$0x19C80] =	vst v63  }
0x5f: {  	s13 =	sadd.s32 s4, s19;
	p0 =	seq.s32 s4, $0xC8  }
0x60: {  	[hbm4b:s13+s3] =	stream.linear.scatter [tilespmem:s25], [sflag:$0x5], $0x190, $0x38;
	[tilespmem:$0x19C80] =	vst v63  }
0x61: {  	s5 =	sshrl.u32 @!p0 s16, $0x3;
	s12 =	sadd.s32 s4, s18  }
0x62: {  	[hbm4b:s12+s3] =	stream.linear.scatter [tilespmem:s26], [sflag:$0x5], $0x190, $0x38;
	[tilespmem:$0x19C80] =	vst v63  }
0x63: {  	s13 =	simm.s32 @!p0 $0x0;
	s12 =	sadd.s32 @!p0 s14, s5  }
0x64: {  	[tilespmem:s13], [sflag:$0x1] =	stream.linear.gather @!p0 [hbm4b:s12+s13], $0x190, $0x38;
	[tilespmem:$0x19C80] =	vst v63  }
0x65: {  	s12 =	rddreg [dreg:$0x3]  }
0x66: {  	s5 =	sadd.s32 @!p0 s12, s5;
	s12 =	simm.s32 @!p0 $0x320  }
0x67: {  	[tilespmem:s12], [sflag:$0x1] =	stream.linear.gather @!p0 [hbm4b:s5+s13], $0x190, $0x38;
	[tilespmem:$0x19C80] =	vst v63  }
0x68: {  	_ =	swait.ge [sflag:s0], $0x190  }
0x69: {  	[sflag:s0] =	ssyncset.done $0x0  }
0x6a: {  	[sflag:s0] =	ssyncadd.s32 $0xFFFFFE70  }
0x6b: {  	_ =	swait.ge [sflag:s0], $0x190  }
0x6c: {  	p1 =	seq.s32 s4, $0x0;
	[sflag:s0] =	ssyncset.done $0x0  }
0x6d: {  	s5 =	simm.s32 @!p1 $0x6;
	[sflag:s0] =	ssyncadd.s32 $0xFFFFFE70  }
0x6e: {  	_ =	swait.ge @!p1 [sflag:s5], $0x6400  }
0x6f: {  	[sflag:s5] =	ssyncset.done @!p1 $0x0  }
0x70: {  	[sflag:s5] =	ssyncadd.s32 @!p1 $0xFFFF9C00  }
0x71: {  	_ =	swait.ge @!p1 [sflag:s5], $0x6400  }
0x72: {  	[sflag:s5] =	ssyncset.done @!p1 $0x0  }
0x73: {  	[sflag:s5] =	ssyncadd.s32 @!p1 $0xFFFF9C00  }
0x74: {  	_ =	swait.ge @!p1 [sflag:s5], $0x190  }
0x75: {  	[sflag:s5] =	ssyncset.done @!p1 $0x0  }
0x76: {  	[sflag:s5] =	ssyncadd.s32 @!p1 $0xFFFFFE70  }
0x77: {  	_ =	swait.ge @!p1 [sflag:s5], $0x190  }
0x78: {  	[sflag:s5] =	ssyncset.done @!p1 $0x0  }
0x79: {  	[sflag:s5] =	ssyncadd.s32 @!p1 $0xFFFFFE70  }
0x7a: {  	[tilespmem:s2], [sflag:$0x4] =	stream.indirect.gather [hbm4b:s6+s22], $0x40, s22, s22, $0xb8;
	[tilespmem:$0x19C80] =	vst v63  }
0x7b: {  	_ = 	snop  }
0x7c: {  	[tilespmem:s7], [sflag:$0x4] =	stream.indirect.gather [hbm4b:s6+s22], $0x40, s28, s22, $0xb8;
	[tilespmem:$0x19C80] =	vst v63  }
0x7d: {  	_ = 	snop  }
0x7e: {  	[tilespmem:s8], [sflag:$0x4] =	stream.indirect.gather [hbm4b:s1+s22], $0x1, s22, s22, $0xb8;
	[tilespmem:$0x19C80] =	vst v63  }
0x7f: {  	_ = 	snop  }
0x80: {  	[tilespmem:s9], [sflag:$0x4] =	stream.indirect.gather [hbm4b:s1+s22], $0x1, s28, s22, $0xb8;
	[tilespmem:$0x19C80] =	vst v63  }
0x81: {  	_ =	swait.ge [sflag:s10], $0x6400  }
0x82: {  	[sflag:s10] =	ssyncset.done $0x0  }
0x83: {  	[sflag:s10] =	ssyncadd.s32 $0xFFFF9C00  }
0x84: {  	_ =	swait.ge [sflag:s10], $0x6400  }
0x85: {  	[sflag:s10] =	ssyncset.done $0x0  }
0x86: {  	[sflag:s10] =	ssyncadd.s32 $0xFFFF9C00  }
0x87: {  	_ =	swait.ge [sflag:s10], $0x190  }
0x88: {  	[sflag:s10] =	ssyncset.done $0x0  }
0x89: {  	[sflag:s10] =	ssyncadd.s32 $0xFFFFFE70  }
0x8a: {  	_ =	swait.ge [sflag:s10], $0x190  }
0x8b: {  	[sflag:s10] =	ssyncset.done $0x0  }
0x8c: {  	s13 =	sadd.s32 $0xFFFFFFF8, s17;
	[sflag:s10] =	ssyncadd.s32 $0xFFFFFE70  }
0x8d: {  	[hbm4b:s13+s30] =	stream.strided.scatter [tilespmem:s2], [sflag:$0x6], $0x6400, s31, s30, $0x38;
	[tilespmem:$0x19C80] =	vst v63  }
0x8e: {  	_ = 	snop  }
0x8f: {  	[hbm4b:s17+s30] =	stream.strided.scatter [tilespmem:s7], [sflag:$0x6], $0x6400, s31, s30, $0x38;
	[tilespmem:$0x19C80] =	vst v63  }
.Ltmp2:
0x90: {  	_ = 	snop;
	(pc) =	sbr.rel @p0 .LBB2_4-.Ltmp2, $4  }
0x91: {  	s12 =	sadd.s32 s4, s15;
	s13 =	rddreg [dreg:$0xb]  }
0x92: {  	[hbm4b:s12+s3] =	stream.linear.scatter [tilespmem:s8], [sflag:$0x6], $0x190, $0x38;
	[tilespmem:$0x19C80] =	vst v63  }
0x93: {  	s5 =	sadd.s32 s4, s13  }
0x94: {  	[hbm4b:s5+s3] =	stream.linear.scatter [tilespmem:s9], [sflag:$0x6], $0x190, $0x38;
	[tilespmem:$0x19C80] =	vst v63  }
0x95: {  	s5 =	rddreg [dreg:$0xa]  }
0x96: {  	s13 =	rddreg [dreg:$0x9];
	s5 =	sadd.s32 s4, s5  }
0x97: {  	[tilespmem:s22], [sflag:$0x2] =	stream.linear.gather [hbm4b:s5+s3], $0x190, $0x38;
	[tilespmem:$0x19C80] =	vst v63  }
0x98: {  	s5 =	sadd.s32 s4, s13  }
0x99: {  	[tilespmem:s28], [sflag:$0x2] =	stream.linear.gather [hbm4b:s5+s3], $0x190, $0x38;
	[tilespmem:$0x19C80] =	vst v63  }
0x9a: {  	_ =	swait.ge [sflag:s21], $0x190  }
0x9b: {  	[sflag:s21] =	ssyncset.done $0x0  }
0x9c: {  	[sflag:s21] =	ssyncadd.s32 $0xFFFFFE70  }
0x9d: {  	_ =	swait.ge [sflag:s21], $0x190  }
0x9e: {  	[sflag:s21] =	ssyncset.done $0x0  }
0x9f: {  	[sflag:s21] =	ssyncadd.s32 $0xFFFFFE70  }
0xa0: {  	_ =	swait.ge [sflag:s11], $0x6400  }
0xa1: {  	[sflag:s11] =	ssyncset.done $0x0  }
0xa2: {  	[sflag:s11] =	ssyncadd.s32 $0xFFFF9C00  }
0xa3: {  	_ =	swait.ge [sflag:s11], $0x6400  }
0xa4: {  	[sflag:s11] =	ssyncset.done $0x0  }
0xa5: {  	[sflag:s11] =	ssyncadd.s32 $0xFFFF9C00  }
0xa6: {  	_ =	swait.ge [sflag:s11], $0x190  }
0xa7: {  	[sflag:s11] =	ssyncset.done $0x0  }
0xa8: {  	[sflag:s11] =	ssyncadd.s32 $0xFFFFFE70  }
0xa9: {  	_ =	swait.ge [sflag:s11], $0x190  }
0xaa: {  	[sflag:s11] =	ssyncset.done $0x0  }
0xab: {  	[sflag:s11] =	ssyncadd.s32 $0xFFFFFE70  }
0xac: {  	[tilespmem:s23], [sflag:$0x3] =	stream.indirect.gather [hbm4b:s6+s22], $0x40, s3, s22, $0xb8;
	[tilespmem:$0x19C80] =	vst v63  }
0xad: {  	_ = 	snop  }
0xae: {  	[tilespmem:s24], [sflag:$0x3] =	stream.indirect.gather [hbm4b:s6+s22], $0x40, s20, s22, $0xb8;
	[tilespmem:$0x19C80] =	vst v63  }
.Ltmp3:
0xaf: {  	_ = 	snop;
	(pc) =	sbr.rel .LBB2_2-.Ltmp3, $4  }
0xb0: {  	_ = 	snop  }
0xb1: {  	[tilespmem:s25], [sflag:$0x3] =	stream.indirect.gather [hbm4b:s1+s22], $0x1, s3, s22, $0xb8;
	[tilespmem:$0x19C80] =	vst v63  }
0xb2: {  	s17 =	sadd.s32 $0x3200, s17;
	s16 =	sadd.s32 $0x320, s16;
	s4 =	sadd.s32 $0x64, s4  }
0xb3: {  	[tilespmem:s26], [sflag:$0x3] =	stream.indirect.gather [hbm4b:s1+s22], $0x1, s20, s22, $0xb8;
	[tilespmem:$0x19C80] =	vst v63  }
.LBB2_5:
0xb4: {  	_ =	sfence.sel $0x180000  }
0xb5: {  	[bflag:$0x0] =	sbarrier.arrive $0xFFFF  }
0xb6: {  	_ =	strace $0x9000004D  }
0xb7: {  	s0 =	stileid.u32;
	[bflag:$0x2] =	sbarrier.arrive $0xFFFF  }
0xb8: {  	p0 =	sne.s32 s0, $0x0;
	s0 =	rddreg [dreg:$0x2]  }
0xb9: {  	s0 =	sadd.s32 @!p0 $0x100000, s0  }
0xba: {  	[sflag:s0] =	ssyncadd.tile.s32 @!p0 $0x1;
	_ =	shalt  }
.Lfunc_end2:
_tile_overlayer_lowered:
.L_overlay_start_2:
0xbb: {  	(tag) =	ssettag $0x2  }
0xbc: {  	s0 =	rddreg [dreg:$0x0];
	s2 =	stileid.u32  }
0xbd: {  	s1 =	rddreg [dreg:$0x1];
	p0 =	sne.s32 s2, $0x0  }
0xbe: {  	s3 =	rddreg [dreg:$0x2];
	[bflag:$0x3] =	sbarrier.arrive $0xFFFF;
	s2 =	simm.s32 @!p0 $0x1C07  }
0xbf: {  	[timem:s3], [sflag:s2] =	dma.local @!p0 [hbm:s0], s1  }
0xc0: {  	s0 =	simm.s32 @!p0 $0x7  }
0xc1: {  	_ =	swait.ge @!p0 [sflag:s0], s1  }
0xc2: {  	s1 =	ssub.s32 @!p0 $0x0, s1;
	[sflag:s0] =	ssyncset.done @!p0 $0x0  }
0xc3: {  	[sflag:s0] =	ssyncadd.s32 @!p0 s1  }
0xc4: {  	[bflag:$0x3] =	sbarrier.arrive $0xFFFF  }
0xc5: {  	_ =	shalt  }

// kernel: kernel.21.cloned.1.call-start
scs
__scs_entry_jumppad:
0x0: {  	(pc) =	sbr.rel $0x88, $3  }
0x1: {  	(tag) =	ssettag $0x0;
	lr =	simm.s32 $0x1  }
0x2: {  	[smem:$0x3F99] =	sst lr;
	_ =	strace $0xD0000000  }
0x3: {  	_ = 	snop  }
0x4: {  	_ = 	snop  }
0x5: {  	_ = 	snop  }
0x6: {  	_ = 	snop  }
0x7: {  	_ = 	snop  }
__scs_overlays_trampoline_lowered:
0x8: {  	[smem:$0x3FA8] =	sst s0  }
0x9: {  	[smem:$0x3FA9] =	sst s1  }
0xa: {  	[smem:$0x3FAA] =	sst s2  }
0xb: {  	[smem:$0x3FAB] =	sst s3  }
0xc: {  	[smem:$0x3FAC] =	sst s4  }
0xd: {  	[smem:$0x3FAD] =	sst s5  }
0xe: {  	[smem:$0x3FAE] =	sst s6  }
0xf: {  	[smem:$0x3FAF] =	sst s7  }
0x10: {  	[smem:$0x3FB0] =	sst s8  }
0x11: {  	[smem:$0x3FB1] =	sst s9;
	s0 =	simm.s32 @!p0 $0x0  }
0x12: {  	s1 =	sld [smem:$0x3F97];
	s0 =	simm.s32 @p0 $0x1  }
0x13: {  	[smem:$0x3FB2] =	sst s0;
	s0 =	simm.s32 @!p1 $0x0  }
0x14: {  	s2 =	sld [smem:$0x3F96];
	s0 =	simm.s32 @p1 $0x1  }
0x15: {  	[smem:$0x3FB3] =	sst s0;
	s0 =	simm.s32 @!p2 $0x0  }
0x16: {  	s3 =	sld [smem:$0x3FDB];
	s0 =	simm.s32 @p2 $0x1  }
0x17: {  	s4 =	simm.s32 $0x1BF5;
	[smem:$0x3FB5] =	sst s0  }
0x18: {  	s0 =	sld [smem:$0x3F98];
	_ =	swait.ge [sflag:s4], $0x0  }
0x19: {  	s7 =	sld [smem:$0x3F99]  }
0x1a: {  	s8 =	sadd.s32 $0xFFFFE003, lr  }
0x1b: {  	s9 =	sadd.s32 $0xFFFFFEF7, lr;
	s5 =	simm.s32 $0xFFFFFFFF;
	p2 =	slt.u32 s8, $0xFFFFF086  }
0x1c: {  	p1 =	slt.u32 s9, $0xF7A;
	s5 =	simm.s32 @!p2 $0x0  }
0x1d: {  	s5 =	simm.s32 @p1 $0x1;
	p0 =	seq.s32 s7, s2  }
0x1e: {  	s7 =	smul.u32 @!p0 $0xF7A, s2;
	p2 =	seq.s32 @!p0 s5, $0x0  }
0x1f: {  	s9 =	smul.u32 $0xF7A, s1;
	s8 =	simm.s32 @!p0 $0x1BF5;
	p2 =	por !p2, p0  }
0x20: {  	[sflag:s8] =	ssyncset.s32 @!p0 $0xFFFFF086;
	s6 =	sadd.s32 @!p0 s3, s7;
	s7 =	simm.s32 @!p0 $0x108  }
0x21: {  	s3 =	sadd.s32 s3, s9;
	s6 =	sadd.s32 @!p0 $0x88, s6;
	s7 =	simm.s32 @p2 $0x1082  }
0x22: {  	[simem:s7], [sflag:s8] =	dma.local @!p0 [hbm:s6], $0xF7A  }
0x23: {  	s9 =	sor.u32 $0xD0000000, s2;
	s6 =	simm.s32 $0x108;
	_ =	swait.ge @!p0 [sflag:s8], $0x0  }
0x24: {  	s3 =	sadd.s32 $0x88, s3;
	s6 =	simm.s32 @!p1 $0x1082;
	[sflag:s4] =	ssyncset.s32 $0xFFFFF086  }
0x25: {  	[simem:s6], [sflag:s4] =	dma.local [hbm:s3], $0xF7A  }
0x26: {  	[smem:$0x3F99] =	sst s1;
	(tag) =	ssettag s2;
	_ =	strace s9  }
0x27: {  	s1 =	sld [smem:$0x3FA9]  }
0x28: {  	s2 =	sld [smem:$0x3FAA]  }
0x29: {  	s4 =	sld [smem:$0x3FAC]  }
0x2a: {  	p0 =	seq.s32 s5, $0x0;
	s5 =	sld [smem:$0x3FAD]  }
0x2b: {  	s6 =	sld [smem:$0x3FAE]  }
0x2c: {  	s7 =	sld [smem:$0x3FAF]  }
0x2d: {  	s3 =	simm.s32 $0x108;
	s8 =	sld [smem:$0x3FB0]  }
0x2e: {  	s3 =	simm.s32 @!p0 $0x1082;
	s9 =	sld [smem:$0x3FB1]  }
0x2f: {  	lr =	sadd.s32 s0, s3;
	s0 =	sld [smem:$0x3FA8]  }
0x30: {  	s3 =	sld [smem:$0x3FAB]  }
0x31: {  	[smem:$0x3FB4] =	sst s10  }
0x32: {  	s10 =	sld [smem:$0x3FB2];
	_ =	sdelay $0x3  }
0x33: {  	p0 =	seq.s32 s10, $0x1;
	s10 =	sld [smem:$0x3FB4];
	_ =	sdelay $0x3  }
0x34: {  	[smem:$0x3FB4] =	sst s10  }
0x35: {  	s10 =	sld [smem:$0x3FB3];
	_ =	sdelay $0x3  }
0x36: {  	p1 =	seq.s32 s10, $0x1;
	s10 =	sld [smem:$0x3FB4];
	_ =	sdelay $0x3  }
0x37: {  	[smem:$0x3FB4] =	sst s10  }
0x38: {  	s10 =	sld [smem:$0x3FB5]  }
0x39: {  	_ = 	snop;
	(pc) =	sbr.ind lr, $3  }
0x3a: {  	_ = 	snop  }
0x3b: {  	_ = 	snop  }
0x3c: {  	p2 =	seq.s32 s10, $0x1;
	s10 =	sld [smem:$0x3FB4]  }
0x3d: {  	_ =	shalt  }
0x3e: {  	_ =	shalt  }
0x3f: {  	_ =	shalt  }
0x40: {  	_ =	shalt  }
0x41: {  	_ =	shalt  }
0x42: {  	_ =	shalt  }
0x43: {  	_ =	shalt  }
0x44: {  	_ =	shalt  }
0x45: {  	_ =	shalt  }
0x46: {  	_ =	shalt  }
0x47: {  	_ =	shalt  }
0x48: {  	_ =	shalt  }
0x49: {  	_ =	shalt  }
0x4a: {  	_ =	shalt  }
0x4b: {  	_ =	shalt  }
0x4c: {  	_ =	shalt  }
0x4d: {  	_ =	shalt  }
0x4e: {  	_ =	shalt  }
0x4f: {  	_ =	shalt  }
0x50: {  	_ =	shalt  }
0x51: {  	_ =	shalt  }
0x52: {  	_ =	shalt  }
0x53: {  	_ =	shalt  }
0x54: {  	_ =	shalt  }
0x55: {  	_ =	shalt  }
0x56: {  	_ =	shalt  }
0x57: {  	_ =	shalt  }
0x58: {  	_ =	shalt  }
0x59: {  	_ =	shalt  }
0x5a: {  	_ =	shalt  }
0x5b: {  	_ =	shalt  }
0x5c: {  	_ =	shalt  }
0x5d: {  	_ =	shalt  }
0x5e: {  	_ =	shalt  }
0x5f: {  	_ =	shalt  }
0x60: {  	_ =	shalt  }
0x61: {  	_ =	shalt  }
0x62: {  	_ =	shalt  }
0x63: {  	_ =	shalt  }
0x64: {  	_ =	shalt  }
0x65: {  	_ =	shalt  }
0x66: {  	_ =	shalt  }
0x67: {  	_ =	shalt  }
0x68: {  	_ =	shalt  }
0x69: {  	_ =	shalt  }
0x6a: {  	_ =	shalt  }
0x6b: {  	_ =	shalt  }
0x6c: {  	_ =	shalt  }
0x6d: {  	_ =	shalt  }
0x6e: {  	_ =	shalt  }
0x6f: {  	_ =	shalt  }
0x70: {  	_ =	shalt  }
0x71: {  	_ =	shalt  }
0x72: {  	_ =	shalt  }
0x73: {  	_ =	shalt  }
0x74: {  	_ =	shalt  }
0x75: {  	_ =	shalt  }
0x76: {  	_ =	shalt  }
0x77: {  	_ =	shalt  }
0x78: {  	_ =	shalt  }
0x79: {  	_ =	shalt  }
0x7a: {  	_ =	shalt  }
0x7b: {  	_ =	shalt  }
0x7c: {  	_ =	shalt  }
0x7d: {  	_ =	shalt  }
0x7e: {  	_ =	shalt  }
0x7f: {  	_ =	shalt  }
0x80: {  	_ =	shalt  }
0x81: {  	_ =	shalt  }
0x82: {  	_ =	shalt  }
0x83: {  	_ =	shalt  }
0x84: {  	_ =	shalt  }
0x85: {  	_ =	shalt  }
0x86: {  	_ =	shalt  }
0x87: {  	_ =	shalt  }
.Lfunc_end0:
.L_simem_size_0:
called_computation.3_lowered:
.L_overlay_start_0:
0x88: {  	s2 =	sld [smem:$0x3FD9]  }
0x89: {  	s3 =	sld [smem:$0x3FFE];
	_ =	sdelay $0x1  }
0x8a: {  	s1 =	srdreg.scid  }
0x8b: {  	s0 =	sand.u32 $0x1, s1  }
0x8c: {  	s15 =	sshll.u32 s0, $0xA;
	s2 =	sadd.s32 s3, s2  }
0x8d: {  	s2 =	sadd.s32 s2, s15  }
0x8e: {  	[smem:$0x3FC0] =	sst s2  }
0x8f: {  	_ = 	snop  }
0x90: {  	s16 =	sld [smem:$0x3FD0];
	_ =	sdelay $0x2  }
0x91: {  	s5 =	simm.s32 $0xB;
	s4 =	simm.s32 $0x10;
	s2 =	sld [smem:$0x3FC6]  }
0x92: {  	[smem:s4], [sflag:s5] =	dma.local [hbm:s16], $0x1  }
0x93: {  	_ =	swait.eq [sflag:s5], $0x1  }
0x94: {  	[sflag:s5] =	ssyncset.done $0x0  }
0x95: {  	s17 =	sld [smem:$0x10];
	[sflag:s5] =	ssyncadd.s32 $0xFFFFFFFF  }
0x96: {  	s18 =	sld [smem:$0x11];
	(tm) =	ssettm $0x1  }
0x97: {  	s19 =	sld [smem:$0x3FFB];
	_ =	sdelay $0x3  }
0x98: {  	_ =	strace s19  }
0x99: {  	s3 =	sld [smem:$0x3FFC];
	_ =	sdelay $0x3  }
0x9a: {  	_ =	strace s3  }
0x9b: {  	s3 =	sld [smem:$0x3FFD];
	_ =	sdelay $0x3  }
0x9c: {  	_ =	strace s3  }
0x9d: {  	_ =	strace $0x8FFFFFFF  }
0x9e: {  	s20 =	sld [smem:$0x3FDB];
	_ =	sdelay $0x1  }
0x9f: {  	s6 =	simm.s32 $_scs_section_size  }
0xa0: {  	s7 =	simm.s32 $_size__tile_overlayer_lowered;
	s8 =	simm.s32 $_tile_overlayer_lowered  }
0xa1: {  	s9 =	simm.s32 $0x1BFF;
	s21 =	sshll.u32 s8, $0x1;
	s6 =	sadd.s32 s6, s20  }
0xa2: {  	s22 =	simm.s32 $0x0;
	s7 =	sshll.u32 s7, $0x1;
	s8 =	sadd.s32 s21, s6  }
0xa3: {  	[timem:s22], [sflag:s9] =	dma.local [hbm:s8], s7  }
0xa4: {  	_ =	swait.ge [sflag:s9], s7  }
0xa5: {  	s7 =	ssub.s32 $0x0, s7;
	[sflag:s9] =	ssyncset.done $0x0  }
0xa6: {  	[sflag:s9] =	ssyncadd.s32 s7;
	_ =	sdelay $0x1  }
0xa7: {  	s23 =	simm.s32 $0x1B8B  }
0xa8: {  	_ =	swait.ge [sflag:s23], $0x1  }
0xa9: {  	[sflag:s23] =	ssyncset.done $0x0  }
0xaa: {  	[sflag:s23] =	ssyncadd.s32 $0xFFFFFFFF  }
0xab: {  	s7 =	sld [smem:$0x0]  }
0xac: {  	s8 =	sand.u32 $0xFFFFFFFE, s1  }
0xad: {  	p0 =	sne.s32 s1, s8  }
0xae: {  	s8 =	sshll.u32 @p0 s8, $0xE  }
0xaf: {  	s8 =	sadd.s32 @p0 $0x11B8D, s8;
	s9 =	sshll.u32 @p0 s7, $0x11  }
0xb0: {  	s8 =	sor.u32 @p0 s9, s8  }
0xb1: {  	[sflag:s8] =	ssyncadd.remote.s32 @p0 $0x1;
	_ =	sdelay $0x1  }
0xb2: {  	s8 =	simm.s32 @p0 $0x1B8D  }
0xb3: {  	_ =	swait.eq @p0 [sflag:s8], $0x1  }
0xb4: {  	[sflag:s8] =	ssyncadd.s32 @p0 $0xFFFFFFFF  }
0xb5: {  	s9 =	sshll.u32 @!p0 s1, $0xE  }
0xb6: {  	s9 =	sor.u32 @!p0 $0x4000, s9;
	s8 =	simm.s32 @!p0 $0x1B8D  }
0xb7: {  	s7 =	sshll.u32 @!p0 s7, $0x11;
	s9 =	sadd.s32 @!p0 $0x11B8D, s9;
	_ =	swait.eq @!p0 [sflag:s8], $0x1  }
0xb8: {  	s7 =	sor.u32 @!p0 s7, s9;
	[sflag:s8] =	ssyncadd.s32 @!p0 $0xFFFFFFFF  }
0xb9: {  	s25 =	simm.s32 $0x1B8E;
	s24 =	sld [smem:$0x3FFE];
	[sflag:s7] =	ssyncadd.remote.s32 @!p0 $0x1  }
0xba: {  	s26 =	simm.s32 $execute0_lowered;
	[smem:$0x3FD2] =	sst s25  }
0xbb: {  	s8 =	sshll.u32 s26, $0x1;
	_ =	strace $0x8000004F;
	[dreg:$0x1] =	wrdreg $0xFFFFFFFF  }
0xbc: {  	s28 =	simm.s32 $_size_execute0_lowered;
	s6 =	sadd.s32 s6, s8;
	[dreg:$0x0] =	wrdreg $0x0  }
0xbd: {  	s8 =	sshll.u32 s28, $0x1;
	[dreg:$0x2] =	wrdreg s6  }
0xbe: {  	[dreg:$0x3] =	wrdreg s8  }
0xbf: {  	[dreg:$0x4] =	wrdreg $0xC0  }
0xc0: {  	_ =	task [dreg:s22], $0x5FFFF  }
0xc1: {  	[dreg:$0x1] =	wrdreg $0xFFFFFFFF  }
0xc2: {  	[dreg:$0x0] =	wrdreg $0x60  }
0xc3: {  	[dreg:$0x2] =	wrdreg s24  }
0xc4: {  	[dreg:$0x3] =	wrdreg s2  }
0xc5: {  	[dreg:$0x4] =	wrdreg s18  }
0xc6: {  	[dreg:$0x5] =	wrdreg s17  }
0xc7: {  	[dreg:$0x6] =	wrdreg $0x9  }
0xc8: {  	_ =	task.clear_ibuf [dreg:s22], $0x7FFFF;
	_ =	strace $0x9000004F  }
0xc9: {  	s29 =	simm.s32 $0x9;
	_ =	strace $0x80000051  }
0xca: {  	_ =	swait.ge [sflag:s29], $0x1  }
0xcb: {  	[sflag:s29] =	ssyncadd.s32 $0xFFFFFFFF  }
0xcc: {  	_ =	strace $0x90000051  }
0xcd: {  	_ =	sfence  }
0xce: {  	s30 =	sld [smem:$0x0];
	_ =	sdelay $0x2  }
0xcf: {  	s31 =	sshll.u32 s1, $0xD;
	s1 =	sshrl.u32 s1, $0x2  }
0xd0: {  	s4 =	sand.u32 $0x4000, s31;
	s1 =	sadd.s32 s1, s30  }
0xd1: {  	s0 =	sor.u32 s4, s0;
	s1 =	sshll.u32 s1, $0x11  }
0xd2: {  	s0 =	sor.u32 s1, s0  }
0xd3: {  	s0 =	sadd.s32 $0x8F2B, s0  }
0xd4: {  	[sflag:s0] =	ssyncadd.remote.s32 $0x1  }
0xd5: {  	_ =	sfence.sel $0xFFFF  }
0xd6: {  	[dreg:$0x0] =	wrdreg $0xFFFFFFFF;
	(pc) =	sbr.abs _section_cstart, $3  }
0xd7: {  	[dreg:$0x1] =	wrdreg $0xFFFFFFFF  }
0xd8: {  	_ =	task.clear_ibuf [dreg:s22], $0x2FFFF;
	_ =	strace $0x9FFFFFFF  }
0xd9: {  	(tm) =	ssettm $0x7FFFFFFF  }
tec
execute0_lowered:
.L_overlay_start_1:
0x0: {  	(tag) =	ssettag $0x1  }
0x1: {  	s0 =	rddreg [dreg:$0x0]  }
0x2: {  	s1 =	rddreg [dreg:$0x1]  }
0x3: {  	s2 =	rddreg [dreg:$0x2]  }
0x4: {  	s4 =	rddreg [dreg:$0x3];
	s3 =	simm.s32 $0x0;
	s11 =	stileid.u32  }
0x5: {  	s5 =	srdreg.scid;
	s28 =	simm.s32 $0x4B0;
	s29 =	simm.s32 $0x3  }
0x6: {  	s30 =	simm.s32 $0x40;
	s31 =	simm.s32 $0x80;
	[smem:$0x7FF] =	sst s3  }
0x7: {  	s12 =	sadd.s32 $0x154200, s0;
	s7 =	sand.u32 $0x1, s5;
	s8 =	smul.u32 $0x12C00, s11  }
0x8: {  	s6 =	sshll.u32 s11, $0x1;
	s16 =	sadd.s32 $0x151C00, s0;
	s11 =	smul.u32 $0x12C0, s11  }
0x9: {  	_ =	strace $0x80000050;
	s9 =	sor.u32 s7, s6;
	s18 =	smul.u32 $0x960, s7  }
0xa: {  	s6 =	sadd.s32 $0x3E00, s0;
	s10 =	ssub.s32 $0x2, s7;
	s7 =	smul.u32 $0x9600, s7  }
0xb: {  	[dreg:$0x5] =	wrdreg s16;
	s14 =	smov.u32 s12;
	s17 =	sshrl.u32 s10, $0x1  }
0xc: {  	s9 =	smul.u32 $0x960, s9;
	s0 =	sadd.s32 s8, s0;
	s8 =	ssub.s32 s10, s17  }
0xd: {  	s21 =	sadd.s32 s18, s11;
	s0 =	sadd.s32 s7, s0;
	s7 =	simm.s32 $0x13240  }
0xe: {  	s11 =	simm.s32 $0x5;
	s9 =	sshrl.u32 s9, $0x3;
	s8 =	smax.u32 s8, $0x1  }
0xf: {  	s22 =	sadd.s32 $0x4B0, s21;
	s10 =	sadd.s32 $0x190, s21;
	s25 =	sshrl.u32 s21, $0x3  }
0x10: {  	s0 =	sadd.s32 $0x1E108, s0;
	s26 =	sadd.s32 $0x320, s21;
	s21 =	simm.s32 $0x1  }
0x11: {  	s13 =	sadd.s32 s12, s9;
	s19 =	sadd.s32 s16, s9;
	[dreg:$0xa] =	wrdreg s8  }
0x12: {  	s9 =	sadd.s32 $0x32, s9;
	s8 =	sshrl.u32 s22, $0x3;
	[dreg:$0xe] =	wrdreg s0  }
0x13: {  	s10 =	sshrl.u32 s10, $0x3;
	[dreg:$0xf] =	wrdreg s26;
	s18 =	sadd.s32 s25, s4  }
0x14: {  	s22 =	simm.s32 $0x190;
	s26 =	simm.s32 $0x19960;
	[dreg:$0x6] =	wrdreg s13  }
0x15: {  	s0 =	simm.s32 $0x2;
	[dreg:$0x7] =	wrdreg s19;
	s20 =	sadd.s32 s12, s9  }
0x16: {  	s9 =	sadd.s32 s16, s9;
	s5 =	sadd.s32 s8, s16;
	s23 =	sadd.s32 s8, s12  }
0x17: {  	s24 =	sadd.s32 s10, s4;
	s15 =	sadd.s32 s10, s2;
	[dreg:$0x8] =	wrdreg s20  }
.Ltmp0:
0x18: {  	s19 =	sadd.s32 s25, s2;
	[dreg:$0x9] =	wrdreg s9;
	(pc) =	sbr.rel .LBB2_1-.Ltmp0, $4  }
0x19: {  	s25 =	simm.s32 $0x19640;
	s2 =	simm.s32 $0x6A40;
	[dreg:$0xb] =	wrdreg s5  }
0x1a: {  	s8 =	simm.s32 $0x197D0;
	s10 =	simm.s32 $0x4;
	[dreg:$0xc] =	wrdreg s23  }
0x1b: {  	s12 =	simm.s32 $0x0;
	[dreg:$0xd] =	wrdreg s24;
	s20 =	simm.s32 $0x320  }
0x1c: {  	s23 =	simm.s32 $0x640;
	s24 =	simm.s32 $0xCE40;
	s9 =	simm.s32 $0x19AF0  }
.LBB2_4:
0x1d: {  	_ =	swait.ge [sflag:s11], $0x6400  }
0x1e: {  	[sflag:s11] =	ssyncset.done $0x0  }
0x1f: {  	[sflag:s11] =	ssyncadd.s32 $0xFFFF9C00  }
0x20: {  	_ =	swait.ge [sflag:s11], $0x6400  }
0x21: {  	[sflag:s11] =	ssyncset.done $0x0  }
0x22: {  	[sflag:s11] =	ssyncadd.s32 $0xFFFF9C00  }
0x23: {  	_ =	swait.ge [sflag:s11], $0x190  }
0x24: {  	[sflag:s11] =	ssyncset.done $0x0  }
0x25: {  	[sflag:s11] =	ssyncadd.s32 $0xFFFFFE70  }
0x26: {  	_ =	swait.ge [sflag:s11], $0x190  }
0x27: {  	[sflag:s11] =	ssyncset.done $0x0  }
0x28: {  	s5 =	simm.s32 $0x6;
	[sflag:s11] =	ssyncadd.s32 $0xFFFFFE70  }
0x29: {  	_ =	swait.ge [sflag:s5], $0x6400  }
0x2a: {  	[sflag:s5] =	ssyncset.done $0x0  }
0x2b: {  	[sflag:s5] =	ssyncadd.s32 $0xFFFF9C00  }
0x2c: {  	_ =	swait.ge [sflag:s5], $0x6400  }
0x2d: {  	[sflag:s5] =	ssyncset.done $0x0  }
0x2e: {  	[sflag:s5] =	ssyncadd.s32 $0xFFFF9C00  }
0x2f: {  	_ =	swait.ge [sflag:s5], $0x190  }
0x30: {  	[sflag:s5] =	ssyncset.done $0x0  }
0x31: {  	[sflag:s5] =	ssyncadd.s32 $0xFFFFFE70  }
0x32: {  	_ =	swait.ge [sflag:s5], $0x190  }
0x33: {  	s12 =	rddreg [dreg:$0x10]  }
0x34: {  	s4 =	rddreg [dreg:$0xa];
	s12 =	sadd.s32 $0x1, s12  }
0x35: {  	p0 =	sne.s32 s12, s4  }
.Ltmp1:
0x36: {  	_ = 	snop;
	(pc) =	sbr.rel @!p0 .LBB2_5-.Ltmp1, $3  }
0x37: {  	_ =	sdelay $0x1  }
0x38: {  	[sflag:s5] =	ssyncset.done $0x0  }
0x39: {  	[sflag:s5] =	ssyncadd.s32 $0xFFFFFE70  }
.LBB2_1:
0x3a: {  	[dreg:$0x10] =	wrdreg s12  }
0x3b: {  	s4 =	rddreg [dreg:$0x6]  }
0x3c: {  	[tilespmem:s3], [sflag:$0x1] =	stream.linear.gather [hbm4b:s4+s3], $0x190, $0x38;
	[tilespmem:$0x19C80] =	vst v63  }
0x3d: {  	s13 =	rddreg [dreg:$0x7]  }
0x3e: {  	[tilespmem:s20], [sflag:$0x1] =	stream.linear.gather [hbm4b:s13+s3], $0x190, $0x38;
	[tilespmem:$0x19C80] =	vst v63  }
0x3f: {  	_ =	swait.ge [sflag:s21], $0x190  }
0x40: {  	[sflag:s21] =	ssyncset.done $0x0  }
0x41: {  	[sflag:s21] =	ssyncadd.s32 $0xFFFFFE70  }
0x42: {  	_ =	swait.ge [sflag:s21], $0x190  }
0x43: {  	[sflag:s21] =	ssyncset.done $0x0  }
0x44: {  	[sflag:s21] =	ssyncadd.s32 $0xFFFFFE70  }
0x45: {  	[tilespmem:s23], [sflag:$0x3] =	stream.indirect.gather [hbm4b:s6+s22], $0x40, s3, s22, $0xb8;
	[tilespmem:$0x19C80] =	vst v63  }
0x46: {  	_ = 	snop  }
0x47: {  	[tilespmem:s24], [sflag:$0x3] =	stream.indirect.gather [hbm4b:s6+s22], $0x40, s20, s22, $0xb8;
	[tilespmem:$0x19C80] =	vst v63  }
0x48: {  	_ = 	snop  }
0x49: {  	[tilespmem:s25], [sflag:$0x3] =	stream.indirect.gather [hbm4b:s1+s22], $0x1, s3, s22, $0xb8;
	[tilespmem:$0x19C80] =	vst v63  }
0x4a: {  	s16 =	rddreg [dreg:$0x8]  }
0x4b: {  	[tilespmem:s26], [sflag:$0x3] =	stream.indirect.gather [hbm4b:s1+s22], $0x1, s20, s22, $0xb8;
	[tilespmem:$0x19C80] =	vst v63  }
0x4c: {  	s17 =	rddreg [dreg:$0x9]  }
0x4d: {  	[tilespmem:s22], [sflag:$0x2] =	stream.linear.gather [hbm4b:s16+s3], $0x190, $0x38;
	[tilespmem:$0x19C80] =	vst v63  }
0x4e: {  	s16 =	rddreg [dreg:$0xf]  }
0x4f: {  	[tilespmem:s28], [sflag:$0x2] =	stream.linear.gather [hbm4b:s17+s3], $0x190, $0x38;
	[tilespmem:$0x19C80] =	vst v63  }
0x50: {  	s4 =	simm.s32 $0x0;
	s17 =	rddreg [dreg:$0xe]  }
.LBB2_2:
0x51: {  	_ =	swait.ge [sflag:s29], $0x6400  }
0x52: {  	[sflag:s29] =	ssyncset.done $0x0  }
0x53: {  	[sflag:s29] =	ssyncadd.s32 $0xFFFF9C00  }
0x54: {  	_ =	swait.ge [sflag:s29], $0x6400  }
0x55: {  	[sflag:s29] =	ssyncset.done $0x0  }
0x56: {  	[sflag:s29] =	ssyncadd.s32 $0xFFFF9C00  }
0x57: {  	_ =	swait.ge [sflag:s29], $0x190  }
0x58: {  	[sflag:s29] =	ssyncset.done $0x0  }
0x59: {  	[sflag:s29] =	ssyncadd.s32 $0xFFFFFE70  }
0x5a: {  	_ =	swait.ge [sflag:s29], $0x190  }
0x5b: {  	[sflag:s29] =	ssyncset.done $0x0  }
0x5c: {  	s5 =	sadd.s32 $0xFFFFE6F8, s17;
	[sflag:s29] =	ssyncadd.s32 $0xFFFFFE70  }
0x5d: {  	[hbm4b:s5+s30] =	stream.strided.scatter [tilespmem:s23], [sflag:$0x5], $0x6400, s31, s30, $0x38;
	[tilespmem:$0x19C80] =	vst v63  }
0x5e: {  	s12 =	sadd.s32 $0xFFFFE700, s17  }
0x5f: {  	[hbm4b:s12+s30] =	stream.strided.scatter [tilespmem:s24], [sflag:$0x5], $0x6400, s31, s30, $0x38;
	[tilespmem:$0x19C80] =	vst v63  }
0x60: {  	s13 =	sadd.s32 s4, s19;
	p0 =	seq.s32 s4, $0xC8  }
0x61: {  	[hbm4b:s13+s3] =	stream.linear.scatter [tilespmem:s25], [sflag:$0x5], $0x190, $0x38;
	[tilespmem:$0x19C80] =	vst v63  }
0x62: {  	s5 =	sshrl.u32 @!p0 s16, $0x3;
	s12 =	sadd.s32 s4, s18  }
0x63: {  	[hbm4b:s12+s3] =	stream.linear.scatter [tilespmem:s26], [sflag:$0x5], $0x190, $0x38;
	[tilespmem:$0x19C80] =	vst v63  }
0x64: {  	s13 =	simm.s32 @!p0 $0x0;
	s12 =	sadd.s32 @!p0 s14, s5  }
0x65: {  	[tilespmem:s13], [sflag:$0x1] =	stream.linear.gather @!p0 [hbm4b:s12+s13], $0x190, $0x38;
	[tilespmem:$0x19C80] =	vst v63  }
0x66: {  	s12 =	rddreg [dreg:$0x5]  }
0x67: {  	s5 =	sadd.s32 @!p0 s12, s5;
	s12 =	simm.s32 @!p0 $0x320  }
0x68: {  	[tilespmem:s12], [sflag:$0x1] =	stream.linear.gather @!p0 [hbm4b:s5+s13], $0x190, $0x38;
	[tilespmem:$0x19C80] =	vst v63  }
0x69: {  	_ =	swait.ge [sflag:s0], $0x190  }
0x6a: {  	[sflag:s0] =	ssyncset.done $0x0  }
0x6b: {  	[sflag:s0] =	ssyncadd.s32 $0xFFFFFE70  }
0x6c: {  	_ =	swait.ge [sflag:s0], $0x190  }
0x6d: {  	p1 =	seq.s32 s4, $0x0;
	[sflag:s0] =	ssyncset.done $0x0  }
0x6e: {  	s5 =	simm.s32 @!p1 $0x6;
	[sflag:s0] =	ssyncadd.s32 $0xFFFFFE70  }
0x6f: {  	_ =	swait.ge @!p1 [sflag:s5], $0x6400  }
0x70: {  	[sflag:s5] =	ssyncset.done @!p1 $0x0  }
0x71: {  	[sflag:s5] =	ssyncadd.s32 @!p1 $0xFFFF9C00  }
0x72: {  	_ =	swait.ge @!p1 [sflag:s5], $0x6400  }
0x73: {  	[sflag:s5] =	ssyncset.done @!p1 $0x0  }
0x74: {  	[sflag:s5] =	ssyncadd.s32 @!p1 $0xFFFF9C00  }
0x75: {  	_ =	swait.ge @!p1 [sflag:s5], $0x190  }
0x76: {  	[sflag:s5] =	ssyncset.done @!p1 $0x0  }
0x77: {  	[sflag:s5] =	ssyncadd.s32 @!p1 $0xFFFFFE70  }
0x78: {  	_ =	swait.ge @!p1 [sflag:s5], $0x190  }
0x79: {  	[sflag:s5] =	ssyncset.done @!p1 $0x0  }
0x7a: {  	[sflag:s5] =	ssyncadd.s32 @!p1 $0xFFFFFE70  }
0x7b: {  	[tilespmem:s2], [sflag:$0x4] =	stream.indirect.gather [hbm4b:s6+s22], $0x40, s22, s22, $0xb8;
	[tilespmem:$0x19C80] =	vst v63  }
0x7c: {  	_ = 	snop  }
0x7d: {  	[tilespmem:s7], [sflag:$0x4] =	stream.indirect.gather [hbm4b:s6+s22], $0x40, s28, s22, $0xb8;
	[tilespmem:$0x19C80] =	vst v63  }
0x7e: {  	_ = 	snop  }
0x7f: {  	[tilespmem:s8], [sflag:$0x4] =	stream.indirect.gather [hbm4b:s1+s22], $0x1, s22, s22, $0xb8;
	[tilespmem:$0x19C80] =	vst v63  }
0x80: {  	_ = 	snop  }
0x81: {  	[tilespmem:s9], [sflag:$0x4] =	stream.indirect.gather [hbm4b:s1+s22], $0x1, s28, s22, $0xb8;
	[tilespmem:$0x19C80] =	vst v63  }
0x82: {  	_ =	swait.ge [sflag:s10], $0x6400  }
0x83: {  	[sflag:s10] =	ssyncset.done $0x0  }
0x84: {  	[sflag:s10] =	ssyncadd.s32 $0xFFFF9C00  }
0x85: {  	_ =	swait.ge [sflag:s10], $0x6400  }
0x86: {  	[sflag:s10] =	ssyncset.done $0x0  }
0x87: {  	[sflag:s10] =	ssyncadd.s32 $0xFFFF9C00  }
0x88: {  	_ =	swait.ge [sflag:s10], $0x190  }
0x89: {  	[sflag:s10] =	ssyncset.done $0x0  }
0x8a: {  	[sflag:s10] =	ssyncadd.s32 $0xFFFFFE70  }
0x8b: {  	_ =	swait.ge [sflag:s10], $0x190  }
0x8c: {  	[sflag:s10] =	ssyncset.done $0x0  }
0x8d: {  	s13 =	sadd.s32 $0xFFFFFFF8, s17;
	[sflag:s10] =	ssyncadd.s32 $0xFFFFFE70  }
0x8e: {  	[hbm4b:s13+s30] =	stream.strided.scatter [tilespmem:s2], [sflag:$0x6], $0x6400, s31, s30, $0x38;
	[tilespmem:$0x19C80] =	vst v63  }
0x8f: {  	_ = 	snop  }
0x90: {  	[hbm4b:s17+s30] =	stream.strided.scatter [tilespmem:s7], [sflag:$0x6], $0x6400, s31, s30, $0x38;
	[tilespmem:$0x19C80] =	vst v63  }
.Ltmp2:
0x91: {  	_ = 	snop;
	(pc) =	sbr.rel @p0 .LBB2_4-.Ltmp2, $4  }
0x92: {  	s12 =	sadd.s32 s4, s15;
	s13 =	rddreg [dreg:$0xd]  }
0x93: {  	[hbm4b:s12+s3] =	stream.linear.scatter [tilespmem:s8], [sflag:$0x6], $0x190, $0x38;
	[tilespmem:$0x19C80] =	vst v63  }
0x94: {  	s5 =	sadd.s32 s4, s13  }
0x95: {  	[hbm4b:s5+s3] =	stream.linear.scatter [tilespmem:s9], [sflag:$0x6], $0x190, $0x38;
	[tilespmem:$0x19C80] =	vst v63  }
0x96: {  	s5 =	rddreg [dreg:$0xc]  }
0x97: {  	s13 =	rddreg [dreg:$0xb];
	s5 =	sadd.s32 s4, s5  }
0x98: {  	[tilespmem:s22], [sflag:$0x2] =	stream.linear.gather [hbm4b:s5+s3], $0x190, $0x38;
	[tilespmem:$0x19C80] =	vst v63  }
0x99: {  	s5 =	sadd.s32 s4, s13  }
0x9a: {  	[tilespmem:s28], [sflag:$0x2] =	stream.linear.gather [hbm4b:s5+s3], $0x190, $0x38;
	[tilespmem:$0x19C80] =	vst v63  }
0x9b: {  	_ =	swait.ge [sflag:s21], $0x190  }
0x9c: {  	[sflag:s21] =	ssyncset.done $0x0  }
0x9d: {  	[sflag:s21] =	ssyncadd.s32 $0xFFFFFE70  }
0x9e: {  	_ =	swait.ge [sflag:s21], $0x190  }
0x9f: {  	[sflag:s21] =	ssyncset.done $0x0  }
0xa0: {  	[sflag:s21] =	ssyncadd.s32 $0xFFFFFE70  }
0xa1: {  	_ =	swait.ge [sflag:s11], $0x6400  }
0xa2: {  	[sflag:s11] =	ssyncset.done $0x0  }
0xa3: {  	[sflag:s11] =	ssyncadd.s32 $0xFFFF9C00  }
0xa4: {  	_ =	swait.ge [sflag:s11], $0x6400  }
0xa5: {  	[sflag:s11] =	ssyncset.done $0x0  }
0xa6: {  	[sflag:s11] =	ssyncadd.s32 $0xFFFF9C00  }
0xa7: {  	_ =	swait.ge [sflag:s11], $0x190  }
0xa8: {  	[sflag:s11] =	ssyncset.done $0x0  }
0xa9: {  	[sflag:s11] =	ssyncadd.s32 $0xFFFFFE70  }
0xaa: {  	_ =	swait.ge [sflag:s11], $0x190  }
0xab: {  	[sflag:s11] =	ssyncset.done $0x0  }
0xac: {  	[sflag:s11] =	ssyncadd.s32 $0xFFFFFE70  }
0xad: {  	[tilespmem:s23], [sflag:$0x3] =	stream.indirect.gather [hbm4b:s6+s22], $0x40, s3, s22, $0xb8;
	[tilespmem:$0x19C80] =	vst v63  }
0xae: {  	_ = 	snop  }
0xaf: {  	[tilespmem:s24], [sflag:$0x3] =	stream.indirect.gather [hbm4b:s6+s22], $0x40, s20, s22, $0xb8;
	[tilespmem:$0x19C80] =	vst v63  }
.Ltmp3:
0xb0: {  	_ = 	snop;
	(pc) =	sbr.rel .LBB2_2-.Ltmp3, $4  }
0xb1: {  	_ = 	snop  }
0xb2: {  	[tilespmem:s25], [sflag:$0x3] =	stream.indirect.gather [hbm4b:s1+s22], $0x1, s3, s22, $0xb8;
	[tilespmem:$0x19C80] =	vst v63  }
0xb3: {  	s17 =	sadd.s32 $0x3200, s17;
	s16 =	sadd.s32 $0x320, s16;
	s4 =	sadd.s32 $0x64, s4  }
0xb4: {  	[tilespmem:s26], [sflag:$0x3] =	stream.indirect.gather [hbm4b:s1+s22], $0x1, s20, s22, $0xb8;
	[tilespmem:$0x19C80] =	vst v63  }
.LBB2_5:
0xb5: {  	_ =	sfence.sel $0x180000  }
0xb6: {  	[bflag:$0x0] =	sbarrier.arrive $0xFFFF  }
0xb7: {  	_ =	strace $0x90000050  }
0xb8: {  	s0 =	stileid.u32;
	[bflag:$0x2] =	sbarrier.arrive $0xFFFF  }
0xb9: {  	p0 =	sne.s32 s0, $0x0;
	s0 =	rddreg [dreg:$0x4]  }
0xba: {  	s0 =	sadd.s32 @!p0 $0x100000, s0  }
0xbb: {  	[sflag:s0] =	ssyncadd.tile.s32 @!p0 $0x1;
	_ =	shalt  }
.Lfunc_end2:
_tile_overlayer_lowered:
.L_overlay_start_2:
0xbc: {  	(tag) =	ssettag $0x2  }
0xbd: {  	s0 =	rddreg [dreg:$0x0];
	s2 =	stileid.u32  }
0xbe: {  	s1 =	rddreg [dreg:$0x1];
	p0 =	sne.s32 s2, $0x0  }
0xbf: {  	s3 =	rddreg [dreg:$0x2];
	[bflag:$0x3] =	sbarrier.arrive $0xFFFF;
	s2 =	simm.s32 @!p0 $0x1C07  }
0xc0: {  	[timem:s3], [sflag:s2] =	dma.local @!p0 [hbm:s0], s1  }
0xc1: {  	s0 =	simm.s32 @!p0 $0x7  }
0xc2: {  	_ =	swait.ge @!p0 [sflag:s0], s1  }
0xc3: {  	s1 =	ssub.s32 @!p0 $0x0, s1;
	[sflag:s0] =	ssyncset.done @!p0 $0x0  }
0xc4: {  	[sflag:s0] =	ssyncadd.s32 @!p0 s1  }
0xc5: {  	[bflag:$0x3] =	sbarrier.arrive $0xFFFF  }
0xc6: {  	_ =	shalt  }

// kernel: kernel.24.cloned.1.call-start
scs
__scs_entry_jumppad:
0x0: {  	(pc) =	sbr.rel $0x88, $3  }
0x1: {  	(tag) =	ssettag $0x0;
	lr =	simm.s32 $0x1  }
0x2: {  	[smem:$0x3F99] =	sst lr;
	_ =	strace $0xD0000000  }
0x3: {  	_ = 	snop  }
0x4: {  	_ = 	snop  }
0x5: {  	_ = 	snop  }
0x6: {  	_ = 	snop  }
0x7: {  	_ = 	snop  }
__scs_overlays_trampoline_lowered:
0x8: {  	[smem:$0x3FA8] =	sst s0  }
0x9: {  	[smem:$0x3FA9] =	sst s1  }
0xa: {  	[smem:$0x3FAA] =	sst s2  }
0xb: {  	[smem:$0x3FAB] =	sst s3  }
0xc: {  	[smem:$0x3FAC] =	sst s4  }
0xd: {  	[smem:$0x3FAD] =	sst s5  }
0xe: {  	[smem:$0x3FAE] =	sst s6  }
0xf: {  	[smem:$0x3FAF] =	sst s7  }
0x10: {  	[smem:$0x3FB0] =	sst s8  }
0x11: {  	[smem:$0x3FB1] =	sst s9;
	s0 =	simm.s32 @!p0 $0x0  }
0x12: {  	s1 =	sld [smem:$0x3F97];
	s0 =	simm.s32 @p0 $0x1  }
0x13: {  	[smem:$0x3FB2] =	sst s0;
	s0 =	simm.s32 @!p1 $0x0  }
0x14: {  	s2 =	sld [smem:$0x3F96];
	s0 =	simm.s32 @p1 $0x1  }
0x15: {  	[smem:$0x3FB3] =	sst s0;
	s0 =	simm.s32 @!p2 $0x0  }
0x16: {  	s3 =	sld [smem:$0x3FDB];
	s0 =	simm.s32 @p2 $0x1  }
0x17: {  	s4 =	simm.s32 $0x1BF5;
	[smem:$0x3FB5] =	sst s0  }
0x18: {  	s0 =	sld [smem:$0x3F98];
	_ =	swait.ge [sflag:s4], $0x0  }
0x19: {  	s7 =	sld [smem:$0x3F99]  }
0x1a: {  	s8 =	sadd.s32 $0xFFFFE003, lr  }
0x1b: {  	s9 =	sadd.s32 $0xFFFFFEF7, lr;
	s5 =	simm.s32 $0xFFFFFFFF;
	p2 =	slt.u32 s8, $0xFFFFF086  }
0x1c: {  	p1 =	slt.u32 s9, $0xF7A;
	s5 =	simm.s32 @!p2 $0x0  }
0x1d: {  	s5 =	simm.s32 @p1 $0x1;
	p0 =	seq.s32 s7, s2  }
0x1e: {  	s7 =	smul.u32 @!p0 $0xF7A, s2;
	p2 =	seq.s32 @!p0 s5, $0x0  }
0x1f: {  	s9 =	smul.u32 $0xF7A, s1;
	s8 =	simm.s32 @!p0 $0x1BF5;
	p2 =	por !p2, p0  }
0x20: {  	[sflag:s8] =	ssyncset.s32 @!p0 $0xFFFFF086;
	s6 =	sadd.s32 @!p0 s3, s7;
	s7 =	simm.s32 @!p0 $0x108  }
0x21: {  	s3 =	sadd.s32 s3, s9;
	s6 =	sadd.s32 @!p0 $0x88, s6;
	s7 =	simm.s32 @p2 $0x1082  }
0x22: {  	[simem:s7], [sflag:s8] =	dma.local @!p0 [hbm:s6], $0xF7A  }
0x23: {  	s9 =	sor.u32 $0xD0000000, s2;
	s6 =	simm.s32 $0x108;
	_ =	swait.ge @!p0 [sflag:s8], $0x0  }
0x24: {  	s3 =	sadd.s32 $0x88, s3;
	s6 =	simm.s32 @!p1 $0x1082;
	[sflag:s4] =	ssyncset.s32 $0xFFFFF086  }
0x25: {  	[simem:s6], [sflag:s4] =	dma.local [hbm:s3], $0xF7A  }
0x26: {  	[smem:$0x3F99] =	sst s1;
	(tag) =	ssettag s2;
	_ =	strace s9  }
0x27: {  	s1 =	sld [smem:$0x3FA9]  }
0x28: {  	s2 =	sld [smem:$0x3FAA]  }
0x29: {  	s4 =	sld [smem:$0x3FAC]  }
0x2a: {  	p0 =	seq.s32 s5, $0x0;
	s5 =	sld [smem:$0x3FAD]  }
0x2b: {  	s6 =	sld [smem:$0x3FAE]  }
0x2c: {  	s7 =	sld [smem:$0x3FAF]  }
0x2d: {  	s3 =	simm.s32 $0x108;
	s8 =	sld [smem:$0x3FB0]  }
0x2e: {  	s3 =	simm.s32 @!p0 $0x1082;
	s9 =	sld [smem:$0x3FB1]  }
0x2f: {  	lr =	sadd.s32 s0, s3;
	s0 =	sld [smem:$0x3FA8]  }
0x30: {  	s3 =	sld [smem:$0x3FAB]  }
0x31: {  	[smem:$0x3FB4] =	sst s10  }
0x32: {  	s10 =	sld [smem:$0x3FB2];
	_ =	sdelay $0x3  }
0x33: {  	p0 =	seq.s32 s10, $0x1;
	s10 =	sld [smem:$0x3FB4];
	_ =	sdelay $0x3  }
0x34: {  	[smem:$0x3FB4] =	sst s10  }
0x35: {  	s10 =	sld [smem:$0x3FB3];
	_ =	sdelay $0x3  }
0x36: {  	p1 =	seq.s32 s10, $0x1;
	s10 =	sld [smem:$0x3FB4];
	_ =	sdelay $0x3  }
0x37: {  	[smem:$0x3FB4] =	sst s10  }
0x38: {  	s10 =	sld [smem:$0x3FB5]  }
0x39: {  	_ = 	snop;
	(pc) =	sbr.ind lr, $3  }
0x3a: {  	_ = 	snop  }
0x3b: {  	_ = 	snop  }
0x3c: {  	p2 =	seq.s32 s10, $0x1;
	s10 =	sld [smem:$0x3FB4]  }
0x3d: {  	_ =	shalt  }
0x3e: {  	_ =	shalt  }
0x3f: {  	_ =	shalt  }
0x40: {  	_ =	shalt  }
0x41: {  	_ =	shalt  }
0x42: {  	_ =	shalt  }
0x43: {  	_ =	shalt  }
0x44: {  	_ =	shalt  }
0x45: {  	_ =	shalt  }
0x46: {  	_ =	shalt  }
0x47: {  	_ =	shalt  }
0x48: {  	_ =	shalt  }
0x49: {  	_ =	shalt  }
0x4a: {  	_ =	shalt  }
0x4b: {  	_ =	shalt  }
0x4c: {  	_ =	shalt  }
0x4d: {  	_ =	shalt  }
0x4e: {  	_ =	shalt  }
0x4f: {  	_ =	shalt  }
0x50: {  	_ =	shalt  }
0x51: {  	_ =	shalt  }
0x52: {  	_ =	shalt  }
0x53: {  	_ =	shalt  }
0x54: {  	_ =	shalt  }
0x55: {  	_ =	shalt  }
0x56: {  	_ =	shalt  }
0x57: {  	_ =	shalt  }
0x58: {  	_ =	shalt  }
0x59: {  	_ =	shalt  }
0x5a: {  	_ =	shalt  }
0x5b: {  	_ =	shalt  }
0x5c: {  	_ =	shalt  }
0x5d: {  	_ =	shalt  }
0x5e: {  	_ =	shalt  }
0x5f: {  	_ =	shalt  }
0x60: {  	_ =	shalt  }
0x61: {  	_ =	shalt  }
0x62: {  	_ =	shalt  }
0x63: {  	_ =	shalt  }
0x64: {  	_ =	shalt  }
0x65: {  	_ =	shalt  }
0x66: {  	_ =	shalt  }
0x67: {  	_ =	shalt  }
0x68: {  	_ =	shalt  }
0x69: {  	_ =	shalt  }
0x6a: {  	_ =	shalt  }
0x6b: {  	_ =	shalt  }
0x6c: {  	_ =	shalt  }
0x6d: {  	_ =	shalt  }
0x6e: {  	_ =	shalt  }
0x6f: {  	_ =	shalt  }
0x70: {  	_ =	shalt  }
0x71: {  	_ =	shalt  }
0x72: {  	_ =	shalt  }
0x73: {  	_ =	shalt  }
0x74: {  	_ =	shalt  }
0x75: {  	_ =	shalt  }
0x76: {  	_ =	shalt  }
0x77: {  	_ =	shalt  }
0x78: {  	_ =	shalt  }
0x79: {  	_ =	shalt  }
0x7a: {  	_ =	shalt  }
0x7b: {  	_ =	shalt  }
0x7c: {  	_ =	shalt  }
0x7d: {  	_ =	shalt  }
0x7e: {  	_ =	shalt  }
0x7f: {  	_ =	shalt  }
0x80: {  	_ =	shalt  }
0x81: {  	_ =	shalt  }
0x82: {  	_ =	shalt  }
0x83: {  	_ =	shalt  }
0x84: {  	_ =	shalt  }
0x85: {  	_ =	shalt  }
0x86: {  	_ =	shalt  }
0x87: {  	_ =	shalt  }
.Lfunc_end0:
.L_simem_size_0:
called_computation.4_lowered:
.L_overlay_start_0:
0x88: {  	s2 =	sld [smem:$0x3FD9]  }
0x89: {  	s3 =	sld [smem:$0x3FFE];
	_ =	sdelay $0x1  }
0x8a: {  	s1 =	srdreg.scid  }
0x8b: {  	s0 =	sand.u32 $0x1, s1  }
0x8c: {  	s17 =	sshll.u32 s0, $0xA;
	s2 =	sadd.s32 s3, s2  }
0x8d: {  	s2 =	sadd.s32 s2, s17  }
0x8e: {  	[smem:$0x3FC0] =	sst s2  }
0x8f: {  	_ = 	snop  }
0x90: {  	s18 =	sld [smem:$0x3FC6];
	(tm) =	ssettm $0x1  }
0x91: {  	s19 =	sld [smem:$0x3FFB];
	_ =	sdelay $0x3  }
0x92: {  	_ =	strace s19  }
0x93: {  	s2 =	sld [smem:$0x3FFC];
	_ =	sdelay $0x3  }
0x94: {  	_ =	strace s2  }
0x95: {  	s2 =	sld [smem:$0x3FFD];
	_ =	sdelay $0x3  }
0x96: {  	_ =	strace s2  }
0x97: {  	_ =	strace $0x8FFFFFFF  }
0x98: {  	s20 =	sld [smem:$0x3FDB];
	_ =	sdelay $0x1  }
0x99: {  	s4 =	simm.s32 $_scs_section_size  }
0x9a: {  	s5 =	simm.s32 $_size__tile_overlayer_lowered;
	s6 =	simm.s32 $_tile_overlayer_lowered  }
0x9b: {  	s7 =	simm.s32 $0x1BFF;
	s21 =	sshll.u32 s6, $0x1;
	s4 =	sadd.s32 s4, s20  }
0x9c: {  	s22 =	simm.s32 $0x0;
	s5 =	sshll.u32 s5, $0x1;
	s6 =	sadd.s32 s21, s4  }
0x9d: {  	[timem:s22], [sflag:s7] =	dma.local [hbm:s6], s5  }
0x9e: {  	_ =	swait.ge [sflag:s7], s5  }
0x9f: {  	s5 =	ssub.s32 $0x0, s5;
	[sflag:s7] =	ssyncset.done $0x0  }
0xa0: {  	[sflag:s7] =	ssyncadd.s32 s5;
	_ =	sdelay $0x1  }
0xa1: {  	s23 =	simm.s32 $0x1B8B  }
0xa2: {  	_ =	swait.ge [sflag:s23], $0x1  }
0xa3: {  	[sflag:s23] =	ssyncset.done $0x0  }
0xa4: {  	[sflag:s23] =	ssyncadd.s32 $0xFFFFFFFF  }
0xa5: {  	s5 =	sld [smem:$0x0]  }
0xa6: {  	s6 =	sand.u32 $0xFFFFFFFE, s1  }
0xa7: {  	p0 =	sne.s32 s1, s6  }
0xa8: {  	s6 =	sshll.u32 @p0 s6, $0xE  }
0xa9: {  	s6 =	sadd.s32 @p0 $0x11B8D, s6;
	s7 =	sshll.u32 @p0 s5, $0x11  }
0xaa: {  	s6 =	sor.u32 @p0 s7, s6  }
0xab: {  	[sflag:s6] =	ssyncadd.remote.s32 @p0 $0x1;
	_ =	sdelay $0x1  }
0xac: {  	s6 =	simm.s32 @p0 $0x1B8D  }
0xad: {  	_ =	swait.eq @p0 [sflag:s6], $0x1  }
0xae: {  	[sflag:s6] =	ssyncadd.s32 @p0 $0xFFFFFFFF  }
0xaf: {  	s7 =	sshll.u32 @!p0 s1, $0xE  }
0xb0: {  	s7 =	sor.u32 @!p0 $0x4000, s7;
	s6 =	simm.s32 @!p0 $0x1B8D  }
0xb1: {  	s5 =	sshll.u32 @!p0 s5, $0x11;
	s7 =	sadd.s32 @!p0 $0x11B8D, s7;
	_ =	swait.eq @!p0 [sflag:s6], $0x1  }
0xb2: {  	s5 =	sor.u32 @!p0 s5, s7;
	[sflag:s6] =	ssyncadd.s32 @!p0 $0xFFFFFFFF  }
0xb3: {  	s25 =	simm.s32 $0x1B8E;
	s24 =	sld [smem:$0x3FFE];
	[sflag:s5] =	ssyncadd.remote.s32 @!p0 $0x1  }
0xb4: {  	s26 =	simm.s32 $execute0_lowered;
	[smem:$0x3FD2] =	sst s25  }
0xb5: {  	s6 =	sshll.u32 s26, $0x1;
	_ =	strace $0x80000052;
	[dreg:$0x1] =	wrdreg $0xFFFFFFFF  }
0xb6: {  	s28 =	simm.s32 $_size_execute0_lowered;
	s4 =	sadd.s32 s4, s6;
	[dreg:$0x0] =	wrdreg $0x0  }
0xb7: {  	s6 =	sshll.u32 s28, $0x1;
	[dreg:$0x2] =	wrdreg s4  }
0xb8: {  	[dreg:$0x3] =	wrdreg s6  }
0xb9: {  	[dreg:$0x4] =	wrdreg $0xC0  }
0xba: {  	_ =	task [dreg:s22], $0x5FFFF  }
0xbb: {  	[dreg:$0x1] =	wrdreg $0xFFFFFFFF  }
0xbc: {  	[dreg:$0x0] =	wrdreg $0x60  }
0xbd: {  	[dreg:$0x2] =	wrdreg s24  }
0xbe: {  	[dreg:$0x3] =	wrdreg s18  }
0xbf: {  	[dreg:$0x4] =	wrdreg $0xA  }
0xc0: {  	_ =	task.clear_ibuf [dreg:s22], $0x5FFFF;
	_ =	strace $0x90000052  }
0xc1: {  	s29 =	simm.s32 $0xA;
	_ =	strace $0x80000054  }
0xc2: {  	_ =	swait.ge [sflag:s29], $0x1  }
0xc3: {  	[sflag:s29] =	ssyncadd.s32 $0xFFFFFFFF  }
0xc4: {  	_ =	strace $0x90000054  }
0xc5: {  	_ =	sfence  }
0xc6: {  	s30 =	sld [smem:$0x0];
	_ =	sdelay $0x2  }
0xc7: {  	s31 =	sshll.u32 s1, $0xD;
	s1 =	sshrl.u32 s1, $0x2  }
0xc8: {  	s4 =	sand.u32 $0x4000, s31;
	s1 =	sadd.s32 s1, s30  }
0xc9: {  	s0 =	sor.u32 s4, s0;
	s1 =	sshll.u32 s1, $0x11  }
0xca: {  	s0 =	sor.u32 s1, s0  }
0xcb: {  	s0 =	sadd.s32 $0x8F2B, s0  }
0xcc: {  	[sflag:s0] =	ssyncadd.remote.s32 $0x1  }
0xcd: {  	_ =	sfence.sel $0xFFFF  }
0xce: {  	[dreg:$0x0] =	wrdreg $0xFFFFFFFF;
	(pc) =	sbr.abs _section_cstart, $3  }
0xcf: {  	[dreg:$0x1] =	wrdreg $0xFFFFFFFF  }
0xd0: {  	_ =	task.clear_ibuf [dreg:s22], $0x2FFFF;
	_ =	strace $0x9FFFFFFF  }
0xd1: {  	(tm) =	ssettm $0x7FFFFFFF  }
tec
execute0_lowered:
.L_overlay_start_1:
0x0: {  	(tag) =	ssettag $0x1  }
0x1: {  	s1 =	srdreg.scid;
	s0 =	stileid.u32  }
0x2: {  	s21 =	sand.u32 $0x1, s1;
	s31 =	sshll.u32 s0, $0x1  }
0x3: {  	s15 =	sor.u32 s21, s31  }
0x4: {  	s14 =	rddreg [dreg:$0x0];
	s4 =	smul.u32 $0x32, s15  }
0x5: {  	s2 =	rddreg [dreg:$0x1];
	s3 =	simm.s32 $0x0  }
0x6: {  	[smem:$0x7FF] =	sst s3;
	s19 =	sadd.s32 s4, s14  }
0x7: {  	s1 =	rddreg [dreg:$0x2];
	_ =	strace $0x80000053;
	s4 =	sadd.s32 $0x149000, s19  }
0x8: {  	[tilespmem:s3], [sflag:$0x1] =	stream.linear.gather [hbm4b:s4+s3], $0x190, $0x38;
	[tilespmem:$0xCE40] =	vst v63  }
0x9: {  	s6 =	simm.s32 $0x190;
	s7 =	simm.s32 $0x1;
	s5 =	sadd.s32 $0x148800, s19  }
0xa: {  	[tilespmem:s6], [sflag:$0x1] =	stream.linear.gather [hbm4b:s5+s3], $0x190, $0x38;
	[tilespmem:$0xCE40] =	vst v63  }
0xb: {  	_ =	swait.ge [sflag:s7], $0x190  }
0xc: {  	[sflag:s7] =	ssyncset.done $0x0  }
0xd: {  	[sflag:s7] =	ssyncadd.s32 $0xFFFFFE70  }
0xe: {  	_ =	swait.ge [sflag:s7], $0x190  }
0xf: {  	[sflag:s7] =	ssyncset.done $0x0  }
0x10: {  	s9 =	simm.s32 $0x320;
	s8 =	sadd.s32 $0x3E00, s14;
	[sflag:s7] =	ssyncadd.s32 $0xFFFFFE70  }
0x11: {  	[tilespmem:s9], [sflag:$0x2] =	stream.indirect.gather [hbm4b:s8+s6], $0x40, s3, s6, $0xb8;
	[tilespmem:$0xCE40] =	vst v63  }
0x12: {  	s10 =	simm.s32 $0x6720  }
0x13: {  	[tilespmem:s10], [sflag:$0x2] =	stream.indirect.gather [hbm4b:s8+s6], $0x40, s6, s6, $0xb8;
	[tilespmem:$0xCE40] =	vst v63  }
0x14: {  	s11 =	simm.s32 $0xCB20  }
0x15: {  	[tilespmem:s11], [sflag:$0x2] =	stream.indirect.gather [hbm4b:s2+s6], $0x1, s3, s6, $0xb8;
	[tilespmem:$0xCE40] =	vst v63  }
0x16: {  	s12 =	simm.s32 $0xCCB0;
	s13 =	simm.s32 $0x2  }
0x17: {  	[tilespmem:s12], [sflag:$0x2] =	stream.indirect.gather [hbm4b:s2+s6], $0x1, s6, s6, $0xb8;
	[tilespmem:$0xCE40] =	vst v63  }
0x18: {  	_ =	swait.ge [sflag:s13], $0x6400  }
0x19: {  	[sflag:s13] =	ssyncset.done $0x0  }
0x1a: {  	[sflag:s13] =	ssyncadd.s32 $0xFFFF9C00  }
0x1b: {  	_ =	swait.ge [sflag:s13], $0x6400  }
0x1c: {  	[sflag:s13] =	ssyncset.done $0x0  }
0x1d: {  	[sflag:s13] =	ssyncadd.s32 $0xFFFF9C00  }
0x1e: {  	_ =	swait.ge [sflag:s13], $0x190  }
0x1f: {  	[sflag:s13] =	ssyncset.done $0x0  }
0x20: {  	s15 =	smul.u32 $0x1900, s15;
	[sflag:s13] =	ssyncadd.s32 $0xFFFFFE70  }
0x21: {  	_ =	swait.ge [sflag:s13], $0x190  }
0x22: {  	s16 =	simm.s32 $0x80;
	s17 =	sadd.s32 s15, s14;
	[sflag:s13] =	ssyncset.done $0x0  }
0x23: {  	s15 =	simm.s32 $0x40;
	s14 =	sadd.s32 $0x156800, s17;
	[sflag:s13] =	ssyncadd.s32 $0xFFFFFE70  }
0x24: {  	[hbm4b:s14+s15] =	stream.strided.scatter [tilespmem:s9], [sflag:$0x3], $0x6400, s16, s15, $0x38;
	[tilespmem:$0xCE40] =	vst v63  }
0x25: {  	s17 =	sadd.s32 $0x156808, s17  }
0x26: {  	[hbm4b:s17+s15] =	stream.strided.scatter [tilespmem:s10], [sflag:$0x3], $0x6400, s16, s15, $0x38;
	[tilespmem:$0xCE40] =	vst v63  }
0x27: {  	s18 =	sadd.s32 $0x17A00, s19  }
0x28: {  	[hbm4b:s18+s3] =	stream.linear.scatter [tilespmem:s11], [sflag:$0x3], $0x190, $0x38;
	[tilespmem:$0xCE40] =	vst v63  }
0x29: {  	s20 =	sadd.s32 $0x18200, s19;
	s19 =	simm.s32 $0x3  }
0x2a: {  	[hbm4b:s20+s3] =	stream.linear.scatter [tilespmem:s12], [sflag:$0x3], $0x190, $0x38;
	[tilespmem:$0xCE40] =	vst v63  }
0x2b: {  	_ =	swait.ge [sflag:s19], $0x6400  }
0x2c: {  	s21 =	ssub.s32 $0x2, s21;
	[sflag:s19] =	ssyncset.done $0x0  }
0x2d: {  	s22 =	sshrl.u32 s21, $0x1;
	[sflag:s19] =	ssyncadd.s32 $0xFFFF9C00  }
0x2e: {  	s21 =	ssub.s32 s21, s22;
	_ =	swait.ge [sflag:s19], $0x6400  }
0x2f: {  	s21 =	smax.u32 s21, $0x1;
	[sflag:s19] =	ssyncset.done $0x0  }
0x30: {  	p0 =	sne.s32 s21, $0x1;
	[sflag:s19] =	ssyncadd.s32 $0xFFFF9C00  }
.Ltmp0:
0x31: {  	_ =	swait.ge [sflag:s19], $0x190;
	(pc) =	sbr.rel @!p0 .LBB2_2-.Ltmp0, $4  }
0x32: {  	[sflag:s19] =	ssyncset.done $0x0  }
0x33: {  	[sflag:s19] =	ssyncadd.s32 $0xFFFFFE70  }
0x34: {  	_ =	swait.ge [sflag:s19], $0x190  }
0x35: {  	s21 =	sadd.s32 $0xFFFFFFFF, s21;
	[sflag:s19] =	ssyncset.done $0x0  }
.LBB2_1:
0x36: {  	p0 =	sne.s32 s21, $0x1;
	s21 =	sadd.s32 $0xFFFFFFFF, s21;
	[sflag:s19] =	ssyncadd.s32 $0xFFFFFE70  }
0x37: {  	[tilespmem:s3], [sflag:$0x1] =	stream.linear.gather [hbm4b:s4+s3], $0x190, $0x38;
	[tilespmem:$0xCE40] =	vst v63  }
0x38: {  	_ = 	snop  }
0x39: {  	[tilespmem:s6], [sflag:$0x1] =	stream.linear.gather [hbm4b:s5+s3], $0x190, $0x38;
	[tilespmem:$0xCE40] =	vst v63  }
0x3a: {  	_ =	swait.ge [sflag:s7], $0x190  }
0x3b: {  	[sflag:s7] =	ssyncset.done $0x0  }
0x3c: {  	[sflag:s7] =	ssyncadd.s32 $0xFFFFFE70  }
0x3d: {  	_ =	swait.ge [sflag:s7], $0x190  }
0x3e: {  	[sflag:s7] =	ssyncset.done $0x0  }
0x3f: {  	[sflag:s7] =	ssyncadd.s32 $0xFFFFFE70  }
0x40: {  	[tilespmem:s9], [sflag:$0x2] =	stream.indirect.gather [hbm4b:s8+s6], $0x40, s3, s6, $0xb8;
	[tilespmem:$0xCE40] =	vst v63  }
0x41: {  	_ = 	snop  }
0x42: {  	[tilespmem:s10], [sflag:$0x2] =	stream.indirect.gather [hbm4b:s8+s6], $0x40, s6, s6, $0xb8;
	[tilespmem:$0xCE40] =	vst v63  }
0x43: {  	_ = 	snop  }
0x44: {  	[tilespmem:s11], [sflag:$0x2] =	stream.indirect.gather [hbm4b:s2+s6], $0x1, s3, s6, $0xb8;
	[tilespmem:$0xCE40] =	vst v63  }
0x45: {  	_ = 	snop  }
0x46: {  	[tilespmem:s12], [sflag:$0x2] =	stream.indirect.gather [hbm4b:s2+s6], $0x1, s6, s6, $0xb8;
	[tilespmem:$0xCE40] =	vst v63  }
0x47: {  	_ =	swait.ge [sflag:s13], $0x6400  }
0x48: {  	[sflag:s13] =	ssyncset.done $0x0  }
0x49: {  	[sflag:s13] =	ssyncadd.s32 $0xFFFF9C00  }
0x4a: {  	_ =	swait.ge [sflag:s13], $0x6400  }
0x4b: {  	[sflag:s13] =	ssyncset.done $0x0  }
0x4c: {  	[sflag:s13] =	ssyncadd.s32 $0xFFFF9C00  }
0x4d: {  	_ =	swait.ge [sflag:s13], $0x190  }
0x4e: {  	[sflag:s13] =	ssyncset.done $0x0  }
0x4f: {  	[sflag:s13] =	ssyncadd.s32 $0xFFFFFE70  }
0x50: {  	_ =	swait.ge [sflag:s13], $0x190  }
0x51: {  	[sflag:s13] =	ssyncset.done $0x0  }
0x52: {  	[sflag:s13] =	ssyncadd.s32 $0xFFFFFE70  }
0x53: {  	[hbm4b:s14+s15] =	stream.strided.scatter [tilespmem:s9], [sflag:$0x3], $0x6400, s16, s15, $0x38;
	[tilespmem:$0xCE40] =	vst v63  }
0x54: {  	_ = 	snop  }
0x55: {  	[hbm4b:s17+s15] =	stream.strided.scatter [tilespmem:s10], [sflag:$0x3], $0x6400, s16, s15, $0x38;
	[tilespmem:$0xCE40] =	vst v63  }
0x56: {  	_ = 	snop  }
0x57: {  	[hbm4b:s18+s3] =	stream.linear.scatter [tilespmem:s11], [sflag:$0x3], $0x190, $0x38;
	[tilespmem:$0xCE40] =	vst v63  }
0x58: {  	_ = 	snop  }
0x59: {  	[hbm4b:s20+s3] =	stream.linear.scatter [tilespmem:s12], [sflag:$0x3], $0x190, $0x38;
	[tilespmem:$0xCE40] =	vst v63  }
0x5a: {  	_ =	swait.ge [sflag:s19], $0x6400  }
0x5b: {  	[sflag:s19] =	ssyncset.done $0x0  }
0x5c: {  	[sflag:s19] =	ssyncadd.s32 $0xFFFF9C00  }
0x5d: {  	_ =	swait.ge [sflag:s19], $0x6400  }
0x5e: {  	[sflag:s19] =	ssyncset.done $0x0  }
0x5f: {  	[sflag:s19] =	ssyncadd.s32 $0xFFFF9C00  }
.Ltmp1:
0x60: {  	_ =	swait.ge [sflag:s19], $0x190;
	(pc) =	sbr.rel @p0 .LBB2_1-.Ltmp1, $4  }
0x61: {  	[sflag:s19] =	ssyncset.done $0x0  }
0x62: {  	[sflag:s19] =	ssyncadd.s32 $0xFFFFFE70  }
0x63: {  	_ =	swait.ge [sflag:s19], $0x190  }
0x64: {  	[sflag:s19] =	ssyncset.done $0x0  }
.LBB2_2:
0x65: {  	[sflag:s19] =	ssyncadd.s32 $0xFFFFFE70  }
0x66: {  	_ =	sfence.sel $0x180000  }
0x67: {  	[bflag:$0x0] =	sbarrier.arrive $0xFFFF  }
0x68: {  	p0 =	sne.s32 s0, $0x0;
	_ =	strace $0x90000053  }
0x69: {  	s0 =	sadd.s32 @!p0 $0x100000, s1;
	[bflag:$0x2] =	sbarrier.arrive $0xFFFF  }
0x6a: {  	[sflag:s0] =	ssyncadd.tile.s32 @!p0 $0x1;
	_ =	shalt  }
.Lfunc_end2:
_tile_overlayer_lowered:
.L_overlay_start_2:
0x6b: {  	(tag) =	ssettag $0x2  }
0x6c: {  	s0 =	rddreg [dreg:$0x0];
	s2 =	stileid.u32  }
0x6d: {  	s1 =	rddreg [dreg:$0x1];
	p0 =	sne.s32 s2, $0x0  }
0x6e: {  	s3 =	rddreg [dreg:$0x2];
	[bflag:$0x3] =	sbarrier.arrive $0xFFFF;
	s2 =	simm.s32 @!p0 $0x1C04  }
0x6f: {  	[timem:s3], [sflag:s2] =	dma.local @!p0 [hbm:s0], s1  }
0x70: {  	s0 =	simm.s32 @!p0 $0x4  }
0x71: {  	_ =	swait.ge @!p0 [sflag:s0], s1  }
0x72: {  	s1 =	ssub.s32 @!p0 $0x0, s1;
	[sflag:s0] =	ssyncset.done @!p0 $0x0  }
0x73: {  	[sflag:s0] =	ssyncadd.s32 @!p0 s1  }
0x74: {  	[bflag:$0x3] =	sbarrier.arrive $0xFFFF  }
0x75: {  	_ =	shalt  }

</sc_bundles>
